<compile_context>
chip_gen: v7x
topology: tpu7x:2x2x1
jax: 0.10.2.dev20260603
libtpu: 0.0.44.dev20260713+nightly
codegen_flags: <defaults>
</compile_context>

<pallas_src>
import functools

import jax
import jax.numpy as jnp
from jax import lax
from jax.experimental import pallas as pl
from jax.experimental.pallas import tpu as pltpu
from jax.experimental.pallas import tpu_sc as plsc

NUM_USERS = 100000
NUM_ITEMS = 100000
EMBED_DIM = 64
BATCH = 16384

NUM_CORES = 2
NUM_SUBCORES = 16
NW = NUM_CORES * NUM_SUBCORES
BPW = BATCH // NW
LANES = 16
HALF = BPW // 2
NGROUP = HALF // LANES


def _dot_body(users_hbm, items_hbm, ut_hbm, it_hbm, out_hbm,
              uidx, iidx, urows, irows, tbuf, outv, sem0, sem1):
    wid = lax.axis_index("s") * NUM_CORES + lax.axis_index("c")
    base = wid * BPW

    pltpu.sync_copy(users_hbm.at[pl.ds(base, BPW)], uidx)
    pltpu.sync_copy(items_hbm.at[pl.ds(base, BPW)], iidx)

    col = lax.iota(jnp.int32, LANES) * LANES

    def issue(h0, g, sem):
        i0 = g * LANES
        uvec = uidx[pl.ds(h0 + i0, LANES)]
        ivec = iidx[pl.ds(h0 + i0, LANES)]
        for j in range(LANES):
            pltpu.async_copy(ut_hbm.at[uvec[j]], urows.at[i0 + j], sem)
            pltpu.async_copy(it_hbm.at[ivec[j]], irows.at[i0 + j], sem)

    def drain_group(sem):
        for j in range(LANES):
            pltpu.make_async_copy(ut_hbm.at[0], urows.at[j], sem).wait()
            pltpu.make_async_copy(it_hbm.at[0], irows.at[j], sem).wait()

    def compute_group(h0, g):
        for b in range(LANES):
            row = g * LANES + b
            p = jnp.zeros((LANES,), jnp.float32)
            for k in range(EMBED_DIM // LANES):
                u = urows[row, pl.ds(k * LANES, LANES)]
                v = irows[row, pl.ds(k * LANES, LANES)]
                p = p + u * v
            plsc.store_scatter(tbuf, [col + b], p)
        acc = jnp.zeros((LANES,), jnp.float32)
        for r in range(LANES):
            acc = acc + tbuf[pl.ds(r * LANES, LANES)]
        outv[pl.ds(h0 + g * LANES, LANES)] = acc

    def half(h, carry):
        h0 = h * HALF
        issue(h0, 0, sem0)

        def step(p, carry):
            issue(h0, 2 * p + 1, sem1)
            drain_group(sem0)
            compute_group(h0, 2 * p)

            @pl.when(2 * p + 2 < NGROUP)
            def _():
                issue(h0, 2 * p + 2, sem0)

            drain_group(sem1)
            compute_group(h0, 2 * p + 1)
            return carry

        lax.fori_loop(0, NGROUP // 2, step, 0)
        return carry

    lax.fori_loop(0, 2, half, 0)

    pltpu.sync_copy(outv, out_hbm.at[pl.ds(base, BPW)])


@jax.jit
def kernel(users, items, user_table, item_table):
    mesh = plsc.VectorSubcoreMesh(core_axis_name="c", subcore_axis_name="s",
                                  num_cores=NUM_CORES, num_subcores=NUM_SUBCORES)
    run = functools.partial(
        pl.kernel,
        out_type=jax.ShapeDtypeStruct((BATCH,), jnp.float32),
        mesh=mesh,
        scratch_types=[
            pltpu.VMEM((BPW,), jnp.int32),
            pltpu.VMEM((BPW,), jnp.int32),
            pltpu.VMEM((HALF, EMBED_DIM), jnp.float32),
            pltpu.VMEM((HALF, EMBED_DIM), jnp.float32),
            pltpu.VMEM((LANES * LANES,), jnp.float32),
            pltpu.VMEM((BPW,), jnp.float32),
            pltpu.SemaphoreType.DMA,
            pltpu.SemaphoreType.DMA,
        ],
        compiler_params=pltpu.CompilerParams(needs_layout_passes=False),
    )(_dot_body)
    return run(users.astype(jnp.int32), items.astype(jnp.int32),
               user_table, item_table)

# --- scband reference (transcript-rebuilt; emitter-appended) ---
"""Pipeline reference for scband-bprmf-42597485642222 (READ-ONLY COPY).

The authoritative reference and input builder live on the scoring server;
editing this copy changes nothing except your own understanding.
"""

import jax, jax.numpy as jnp
import numpy as np

NUM_USERS = 100000
NUM_ITEMS = 100000
EMBED_DIM = 64
BATCH = 16384

def setup_inputs(seed: int = 0) -> dict:
    key = jax.random.key(seed)
    k1, k2, k3, k4 = jax.random.split(key, 4)
    users = jax.random.randint(k1, (BATCH,), 0, NUM_USERS, dtype=jnp.int64 if jax.config.jax_enable_x64 else jnp.int32)
    items = jax.random.randint(k2, (BATCH,), 0, NUM_ITEMS, dtype=jnp.int64 if jax.config.jax_enable_x64 else jnp.int32)
    # nn.Embedding weights init with normal(std=1e-4) per reset_parameters
    user_table = jax.random.normal(k3, (NUM_USERS, EMBED_DIM), dtype=jnp.float32) * 1e-4
    item_table = jax.random.normal(k4, (NUM_ITEMS, EMBED_DIM), dtype=jnp.float32) * 1e-4
    return {"users": users, "items": items, "user_table": user_table, "item_table": item_table}

def reference(users, items, user_table, item_table):
    # BPRMF.predict: elementwise product of user/item embeddings, summed over dim
    userEmbs = jnp.take(user_table, users, axis=0)
    itemEmbs = jnp.take(item_table, items, axis=0)
    return jnp.sum(userEmbs * itemEmbs, axis=-1)

if __name__ == "__main__":
    import jax
    _d = setup_inputs()
    print(jax.jit(kernel)(*tuple(_d.values())))

</pallas_src>

<mosaic_0001>
#map = affine_map<(d0, d1) -> (0)>
#map1 = affine_map<(d0, d1) -> (0, 0)>
module attributes {stable_mosaic.version = 14 : i64} {
  func.func @_dot_body(%arg0: i32, %arg1: i32, %arg2: memref<16384xi32, #tpu.memory_space<hbm>>, %arg3: memref<16384xi32, #tpu.memory_space<hbm>>, %arg4: memref<100000x64xf32, #tpu.memory_space<hbm>>, %arg5: memref<100000x64xf32, #tpu.memory_space<hbm>>, %arg6: memref<16384xf32, #tpu.memory_space<hbm>>, %arg7: memref<512xi32, #tpu.memory_space<vmem>>, %arg8: memref<512xi32, #tpu.memory_space<vmem>>, %arg9: memref<256x64xf32, #tpu.memory_space<vmem>>, %arg10: memref<256x64xf32, #tpu.memory_space<vmem>>, %arg11: memref<256xf32, #tpu.memory_space<vmem>>, %arg12: memref<512xf32, #tpu.memory_space<vmem>>, %arg13: memref<!tpu.dma_semaphore, #tpu.memory_space<semaphore_mem>>, %arg14: memref<!tpu.dma_semaphore, #tpu.memory_space<semaphore_mem>>) attributes {dimension_semantics = [#tpu.dimension_semantics<core_parallel>, #tpu.dimension_semantics<subcore_parallel>], iteration_bounds = array<i64: 2, 16>, scalar_prefetch = 0 : i64, scratch_operands = 8 : i64, tpu.core_type = #tpu.core_type<sc_vector_subcore>, window_params = [{transform_indices = #map}, {transform_indices = #map}, {transform_indices = #map1}, {transform_indices = #map1}, {transform_indices = #map}]} {
    %mul3A = arith.constant 2 : i32
    %mul3A_0 = arith.muli %arg1, %mul3A : i32
    %add3A = arith.addi %mul3A_0, %arg0 : i32
    %mul3A_1 = arith.constant 512 : i32
    %mul3A_2 = arith.muli %add3A, %mul3A_1 : i32
    "tpu.region"() ({
      %run_scoped3A = tpu.sem_alloc : memref<!tpu.dma_semaphore, #tpu.memory_space<semaphore_mem>>
      %dma_start3A = tpu.memref_slice %arg2[%mul3A_2] : memref<16384xi32, #tpu.memory_space<hbm>> -> memref<512xi32, #tpu.memory_space<hbm>>
      %dma_start3A_11 = tpu.memref_slice %arg2[%mul3A_2] : memref<16384xi32, #tpu.memory_space<hbm>> -> memref<512xi32, #tpu.memory_space<hbm>>
      tpu.enqueue_dma source(%dma_start3A_11 : memref<512xi32, #tpu.memory_space<hbm>>) target(%arg7 : memref<512xi32, #tpu.memory_space<vmem>>) target_semaphore(%run_scoped3A : memref<!tpu.dma_semaphore, #tpu.memory_space<semaphore_mem>>)
      %dma_wait3A = tpu.memref_slice %arg2[%mul3A_2] : memref<16384xi32, #tpu.memory_space<hbm>> -> memref<512xi32, #tpu.memory_space<hbm>>
      %dma_wait3A_12 = tpu.memref_slice %arg2[%mul3A_2] : memref<16384xi32, #tpu.memory_space<hbm>> -> memref<512xi32, #tpu.memory_space<hbm>>
      tpu.wait_dma2 semaphore(%run_scoped3A : memref<!tpu.dma_semaphore, #tpu.memory_space<semaphore_mem>>) src(%dma_wait3A_12 : memref<512xi32, #tpu.memory_space<hbm>>) dst(%arg7 : memref<512xi32, #tpu.memory_space<vmem>>)
      tpu.yield
    }) : () -> ()
    "tpu.region"() ({
      %run_scoped3A = tpu.sem_alloc : memref<!tpu.dma_semaphore, #tpu.memory_space<semaphore_mem>>
      %dma_start3A = tpu.memref_slice %arg3[%mul3A_2] : memref<16384xi32, #tpu.memory_space<hbm>> -> memref<512xi32, #tpu.memory_space<hbm>>
      %dma_start3A_11 = tpu.memref_slice %arg3[%mul3A_2] : memref<16384xi32, #tpu.memory_space<hbm>> -> memref<512xi32, #tpu.memory_space<hbm>>
      tpu.enqueue_dma source(%dma_start3A_11 : memref<512xi32, #tpu.memory_space<hbm>>) target(%arg8 : memref<512xi32, #tpu.memory_space<vmem>>) target_semaphore(%run_scoped3A : memref<!tpu.dma_semaphore, #tpu.memory_space<semaphore_mem>>)
      %dma_wait3A = tpu.memref_slice %arg3[%mul3A_2] : memref<16384xi32, #tpu.memory_space<hbm>> -> memref<512xi32, #tpu.memory_space<hbm>>
      %dma_wait3A_12 = tpu.memref_slice %arg3[%mul3A_2] : memref<16384xi32, #tpu.memory_space<hbm>> -> memref<512xi32, #tpu.memory_space<hbm>>
      tpu.wait_dma2 semaphore(%run_scoped3A : memref<!tpu.dma_semaphore, #tpu.memory_space<semaphore_mem>>) src(%dma_wait3A_12 : memref<512xi32, #tpu.memory_space<hbm>>) dst(%arg8 : memref<512xi32, #tpu.memory_space<vmem>>)
      tpu.yield
    }) : () -> ()
    %iota3A = tpu.iota {dimensions = array<i32: 0>} : vector<16xi32>
    %mul3A_3 = arith.constant 16 : i32
    %mul3A_4 = vector.broadcast %mul3A_3 : i32 to vector<16xi32>
    %mul3A_5 = arith.muli %iota3A, %mul3A_4 : vector<16xi32>
    %scan3A = arith.constant 0 : i32
    %scan3A_6 = arith.constant 0 : i32
    %scan3A_7 = arith.constant 2 : i32
    %scan3A_8 = arith.addi %scan3A_6, %scan3A_7 : i32
    %scan3A_9 = arith.constant 1 : i32
    scf.for %scan3A_11 = %scan3A_6 to %scan3A_8 step %scan3A_9  : i32 {
      %mul3A_12 = arith.constant 256 : i32
      %mul3A_13 = arith.muli %scan3A_11, %mul3A_12 : i32
      %add3A_14 = arith.constant 0 : i32
      %add3A_15 = arith.addi %mul3A_13, %add3A_14 : i32
      %get3A = arith.index_cast %add3A_15 : i32 to index
      %get3A_16 = tpu.vector_load %arg7[%get3A] {strides = array<i32>} : memref<512xi32, #tpu.memory_space<vmem>>, vector<16xi32>,
      %add3A_17 = arith.constant 0 : i32
      %add3A_18 = arith.addi %mul3A_13, %add3A_17 : i32
      %get3A_19 = arith.index_cast %add3A_18 : i32 to index
      %get3A_20 = tpu.vector_load %arg8[%get3A_19] {strides = array<i32>} : memref<512xi32, #tpu.memory_space<vmem>>, vector<16xi32>,
      %slice3A = vector.extract_strided_slice %get3A_16 {offsets = [0], sizes = [1], strides = [1]} : vector<16xi32> to vector<1xi32>
      %squeeze3A = vector.extract %slice3A[0] : i32 from vector<1xi32>
      %dma_start3A = arith.constant 0 : i32
      %dma_start3A_21 = arith.constant 0 : i32
      %dma_start3A_22 = tpu.memref_slice %arg9[%dma_start3A, %dma_start3A_21] : memref<256x64xf32, #tpu.memory_space<vmem>> -> memref<1x64xf32, #tpu.memory_space<vmem>>
      %dma_start3A_23 = tpu.memref_squeeze %dma_start3A_22 : memref<1x64xf32, #tpu.memory_space<vmem>> -> memref<64xf32, #tpu.memory_space<vmem>>
      %dma_start3A_24 = arith.constant 0 : i32
      %dma_start3A_25 = tpu.memref_slice %arg4[%squeeze3A, %dma_start3A_24] : memref<100000x64xf32, #tpu.memory_space<hbm>> -> memref<1x64xf32, #tpu.memory_space<hbm>>
      %dma_start3A_26 = tpu.memref_squeeze %dma_start3A_25 : memref<1x64xf32, #tpu.memory_space<hbm>> -> memref<64xf32, #tpu.memory_space<hbm>>
      %dma_start3A_27 = arith.constant 0 : i32
      %dma_start3A_28 = tpu.memref_slice %arg9[%dma_start3A, %dma_start3A_27] : memref<256x64xf32, #tpu.memory_space<vmem>> -> memref<1x64xf32, #tpu.memory_space<vmem>>
      %dma_start3A_29 = tpu.memref_squeeze %dma_start3A_28 : memref<1x64xf32, #tpu.memory_space<vmem>> -> memref<64xf32, #tpu.memory_space<vmem>>
      %dma_start3A_30 = arith.constant 0 : i32
      %dma_start3A_31 = tpu.memref_slice %arg4[%squeeze3A, %dma_start3A_30] : memref<100000x64xf32, #tpu.memory_space<hbm>> -> memref<1x64xf32, #tpu.memory_space<hbm>>
      %dma_start3A_32 = tpu.memref_squeeze %dma_start3A_31 : memref<1x64xf32, #tpu.memory_space<hbm>> -> memref<64xf32, #tpu.memory_space<hbm>>
      tpu.enqueue_dma source(%dma_start3A_32 : memref<64xf32, #tpu.memory_space<hbm>>) target(%dma_start3A_29 : memref<64xf32, #tpu.memory_space<vmem>>) target_semaphore(%arg13 : memref<!tpu.dma_semaphore, #tpu.memory_space<semaphore_mem>>)
      %slice3A_33 = vector.extract_strided_slice %get3A_20 {offsets = [0], sizes = [1], strides = [1]} : vector<16xi32> to vector<1xi32>
      %squeeze3A_34 = vector.extract %slice3A_33[0] : i32 from vector<1xi32>
      %dma_start3A_35 = arith.constant 0 : i32
      %dma_start3A_36 = arith.constant 0 : i32
      %dma_start3A_37 = tpu.memref_slice %arg10[%dma_start3A_35, %dma_start3A_36] : memref<256x64xf32, #tpu.memory_space<vmem>> -> memref<1x64xf32, #tpu.memory_space<vmem>>
      %dma_start3A_38 = tpu.memref_squeeze %dma_start3A_37 : memref<1x64xf32, #tpu.memory_space<vmem>> -> memref<64xf32, #tpu.memory_space<vmem>>
      %dma_start3A_39 = arith.constant 0 : i32
      %dma_start3A_40 = tpu.memref_slice %arg5[%squeeze3A_34, %dma_start3A_39] : memref<100000x64xf32, #tpu.memory_space<hbm>> -> memref<1x64xf32, #tpu.memory_space<hbm>>
      %dma_start3A_41 = tpu.memref_squeeze %dma_start3A_40 : memref<1x64xf32, #tpu.memory_space<hbm>> -> memref<64xf32, #tpu.memory_space<hbm>>
      %dma_start3A_42 = arith.constant 0 : i32
      %dma_start3A_43 = tpu.memref_slice %arg10[%dma_start3A_35, %dma_start3A_42] : memref<256x64xf32, #tpu.memory_space<vmem>> -> memref<1x64xf32, #tpu.memory_space<vmem>>
      %dma_start3A_44 = tpu.memref_squeeze %dma_start3A_43 : memref<1x64xf32, #tpu.memory_space<vmem>> -> memref<64xf32, #tpu.memory_space<vmem>>
      %dma_start3A_45 = arith.constant 0 : i32
      %dma_start3A_46 = tpu.memref_slice %arg5[%squeeze3A_34, %dma_start3A_45] : memref<100000x64xf32, #tpu.memory_space<hbm>> -> memref<1x64xf32, #tpu.memory_space<hbm>>
      %dma_start3A_47 = tpu.memref_squeeze %dma_start3A_46 : memref<1x64xf32, #tpu.memory_space<hbm>> -> memref<64xf32, #tpu.memory_space<hbm>>
      tpu.enqueue_dma source(%dma_start3A_47 : memref<64xf32, #tpu.memory_space<hbm>>) target(%dma_start3A_44 : memref<64xf32, #tpu.memory_space<vmem>>) target_semaphore(%arg13 : memref<!tpu.dma_semaphore, #tpu.memory_space<semaphore_mem>>)
      %slice3A_48 = vector.extract_strided_slice %get3A_16 {offsets = [1], sizes = [1], strides = [1]} : vector<16xi32> to vector<1xi32>
      %squeeze3A_49 = vector.extract %slice3A_48[0] : i32 from vector<1xi32>
      %dma_start3A_50 = arith.constant 1 : i32
      %dma_start3A_51 = arith.constant 0 : i32
      %dma_start3A_52 = tpu.memref_slice %arg9[%dma_start3A_50, %dma_start3A_51] : memref<256x64xf32, #tpu.memory_space<vmem>> -> memref<1x64xf32, #tpu.memory_space<vmem>>
      %dma_start3A_53 = tpu.memref_squeeze %dma_start3A_52 : memref<1x64xf32, #tpu.memory_space<vmem>> -> memref<64xf32, #tpu.memory_space<vmem>>
      %dma_start3A_54 = arith.constant 0 : i32
      %dma_start3A_55 = tpu.memref_slice %arg4[%squeeze3A_49, %dma_start3A_54] : memref<100000x64xf32, #tpu.memory_space<hbm>> -> memref<1x64xf32, #tpu.memory_space<hbm>>
      %dma_start3A_56 = tpu.memref_squeeze %dma_start3A_55 : memref<1x64xf32, #tpu.memory_space<hbm>> -> memref<64xf32, #tpu.memory_space<hbm>>
      %dma_start3A_57 = arith.constant 0 : i32
      %dma_start3A_58 = tpu.memref_slice %arg9[%dma_start3A_50, %dma_start3A_57] : memref<256x64xf32, #tpu.memory_space<vmem>> -> memref<1x64xf32, #tpu.memory_space<vmem>>
      %dma_start3A_59 = tpu.memref_squeeze %dma_start3A_58 : memref<1x64xf32, #tpu.memory_space<vmem>> -> memref<64xf32, #tpu.memory_space<vmem>>
      %dma_start3A_60 = arith.constant 0 : i32
      %dma_start3A_61 = tpu.memref_slice %arg4[%squeeze3A_49, %dma_start3A_60] : memref<100000x64xf32, #tpu.memory_space<hbm>> -> memref<1x64xf32, #tpu.memory_space<hbm>>
      %dma_start3A_62 = tpu.memref_squeeze %dma_start3A_61 : memref<1x64xf32, #tpu.memory_space<hbm>> -> memref<64xf32, #tpu.memory_space<hbm>>
      tpu.enqueue_dma source(%dma_start3A_62 : memref<64xf32, #tpu.memory_space<hbm>>) target(%dma_start3A_59 : memref<64xf32, #tpu.memory_space<vmem>>) target_semaphore(%arg13 : memref<!tpu.dma_semaphore, #tpu.memory_space<semaphore_mem>>)
      %slice3A_63 = vector.extract_strided_slice %get3A_20 {offsets = [1], sizes = [1], strides = [1]} : vector<16xi32> to vector<1xi32>
      %squeeze3A_64 = vector.extract %slice3A_63[0] : i32 from vector<1xi32>
      %dma_start3A_65 = arith.constant 1 : i32
      %dma_start3A_66 = arith.constant 0 : i32
      %dma_start3A_67 = tpu.memref_slice %arg10[%dma_start3A_65, %dma_start3A_66] : memref<256x64xf32, #tpu.memory_space<vmem>> -> memref<1x64xf32, #tpu.memory_space<vmem>>
      %dma_start3A_68 = tpu.memref_squeeze %dma_start3A_67 : memref<1x64xf32, #tpu.memory_space<vmem>> -> memref<64xf32, #tpu.memory_space<vmem>>
      %dma_start3A_69 = arith.constant 0 : i32
      %dma_start3A_70 = tpu.memref_slice %arg5[%squeeze3A_64, %dma_start3A_69] : memref<100000x64xf32, #tpu.memory_space<hbm>> -> memref<1x64xf32, #tpu.memory_space<hbm>>
      %dma_start3A_71 = tpu.memref_squeeze %dma_start3A_70 : memref<1x64xf32, #tpu.memory_space<hbm>> -> memref<64xf32, #tpu.memory_space<hbm>>
      %dma_start3A_72 = arith.constant 0 : i32
      %dma_start3A_73 = tpu.memref_slice %arg10[%dma_start3A_65, %dma_start3A_72] : memref<256x64xf32, #tpu.memory_space<vmem>> -> memref<1x64xf32, #tpu.memory_space<vmem>>
      %dma_start3A_74 = tpu.memref_squeeze %dma_start3A_73 : memref<1x64xf32, #tpu.memory_space<vmem>> -> memref<64xf32, #tpu.memory_space<vmem>>
      %dma_start3A_75 = arith.constant 0 : i32
      %dma_start3A_76 = tpu.memref_slice %arg5[%squeeze3A_64, %dma_start3A_75] : memref<100000x64xf32, #tpu.memory_space<hbm>> -> memref<1x64xf32, #tpu.memory_space<hbm>>
      %dma_start3A_77 = tpu.memref_squeeze %dma_start3A_76 : memref<1x64xf32, #tpu.memory_space<hbm>> -> memref<64xf32, #tpu.memory_space<hbm>>
      tpu.enqueue_dma source(%dma_start3A_77 : memref<64xf32, #tpu.memory_space<hbm>>) target(%dma_start3A_74 : memref<64xf32, #tpu.memory_space<vmem>>) target_semaphore(%arg13 : memref<!tpu.dma_semaphore, #tpu.memory_space<semaphore_mem>>)
      %slice3A_78 = vector.extract_strided_slice %get3A_16 {offsets = [2], sizes = [1], strides = [1]} : vector<16xi32> to vector<1xi32>
      %squeeze3A_79 = vector.extract %slice3A_78[0] : i32 from vector<1xi32>
      %dma_start3A_80 = arith.constant 2 : i32
      %dma_start3A_81 = arith.constant 0 : i32
      %dma_start3A_82 = tpu.memref_slice %arg9[%dma_start3A_80, %dma_start3A_81] : memref<256x64xf32, #tpu.memory_space<vmem>> -> memref<1x64xf32, #tpu.memory_space<vmem>>
      %dma_start3A_83 = tpu.memref_squeeze %dma_start3A_82 : memref<1x64xf32, #tpu.memory_space<vmem>> -> memref<64xf32, #tpu.memory_space<vmem>>
      %dma_start3A_84 = arith.constant 0 : i32
      %dma_start3A_85 = tpu.memref_slice %arg4[%squeeze3A_79, %dma_start3A_84] : memref<100000x64xf32, #tpu.memory_space<hbm>> -> memref<1x64xf32, #tpu.memory_space<hbm>>
      %dma_start3A_86 = tpu.memref_squeeze %dma_start3A_85 : memref<1x64xf32, #tpu.memory_space<hbm>> -> memref<64xf32, #tpu.memory_space<hbm>>
      %dma_start3A_87 = arith.constant 0 : i32
      %dma_start3A_88 = tpu.memref_slice %arg9[%dma_start3A_80, %dma_start3A_87] : memref<256x64xf32, #tpu.memory_space<vmem>> -> memref<1x64xf32, #tpu.memory_space<vmem>>
      %dma_start3A_89 = tpu.memref_squeeze %dma_start3A_88 : memref<1x64xf32, #tpu.memory_space<vmem>> -> memref<64xf32, #tpu.memory_space<vmem>>
      %dma_start3A_90 = arith.constant 0 : i32
      %dma_start3A_91 = tpu.memref_slice %arg4[%squeeze3A_79, %dma_start3A_90] : memref<100000x64xf32, #tpu.memory_space<hbm>> -> memref<1x64xf32, #tpu.memory_space<hbm>>
      %dma_start3A_92 = tpu.memref_squeeze %dma_start3A_91 : memref<1x64xf32, #tpu.memory_space<hbm>> -> memref<64xf32, #tpu.memory_space<hbm>>
      tpu.enqueue_dma source(%dma_start3A_92 : memref<64xf32, #tpu.memory_space<hbm>>) target(%dma_start3A_89 : memref<64xf32, #tpu.memory_space<vmem>>) target_semaphore(%arg13 : memref<!tpu.dma_semaphore, #tpu.memory_space<semaphore_mem>>)
      %slice3A_93 = vector.extract_strided_slice %get3A_20 {offsets = [2], sizes = [1], strides = [1]} : vector<16xi32> to vector<1xi32>
      %squeeze3A_94 = vector.extract %slice3A_93[0] : i32 from vector<1xi32>
      %dma_start3A_95 = arith.constant 2 : i32
      %dma_start3A_96 = arith.constant 0 : i32
      %dma_start3A_97 = tpu.memref_slice %arg10[%dma_start3A_95, %dma_start3A_96] : memref<256x64xf32, #tpu.memory_space<vmem>> -> memref<1x64xf32, #tpu.memory_space<vmem>>
      %dma_start3A_98 = tpu.memref_squeeze %dma_start3A_97 : memref<1x64xf32, #tpu.memory_space<vmem>> -> memref<64xf32, #tpu.memory_space<vmem>>
      %dma_start3A_99 = arith.constant 0 : i32
      %dma_start3A_100 = tpu.memref_slice %arg5[%squeeze3A_94, %dma_start3A_99] : memref<100000x64xf32, #tpu.memory_space<hbm>> -> memref<1x64xf32, #tpu.memory_space<hbm>>
      %dma_start3A_101 = tpu.memref_squeeze %dma_start3A_100 : memref<1x64xf32, #tpu.memory_space<hbm>> -> memref<64xf32, #tpu.memory_space<hbm>>
      %dma_start3A_102 = arith.constant 0 : i32
      %dma_start3A_103 = tpu.memref_slice %arg10[%dma_start3A_95, %dma_start3A_102] : memref<256x64xf32, #tpu.memory_space<vmem>> -> memref<1x64xf32, #tpu.memory_space<vmem>>
      %dma_start3A_104 = tpu.memref_squeeze %dma_start3A_103 : memref<1x64xf32, #tpu.memory_space<vmem>> -> memref<64xf32, #tpu.memory_space<vmem>>
      %dma_start3A_105 = arith.constant 0 : i32
      %dma_start3A_106 = tpu.memref_slice %arg5[%squeeze3A_94, %dma_start3A_105] : memref<100000x64xf32, #tpu.memory_space<hbm>> -> memref<1x64xf32, #tpu.memory_space<hbm>>
      %dma_start3A_107 = tpu.memref_squeeze %dma_start3A_106 : memref<1x64xf32, #tpu.memory_space<hbm>> -> memref<64xf32, #tpu.memory_space<hbm>>
      tpu.enqueue_dma source(%dma_start3A_107 : memref<64xf32, #tpu.memory_space<hbm>>) target(%dma_start3A_104 : memref<64xf32, #tpu.memory_space<vmem>>) target_semaphore(%arg13 : memref<!tpu.dma_semaphore, #tpu.memory_space<semaphore_mem>>)
      %slice3A_108 = vector.extract_strided_slice %get3A_16 {offsets = [3], sizes = [1], strides = [1]} : vector<16xi32> to vector<1xi32>
      %squeeze3A_109 = vector.extract %slice3A_108[0] : i32 from vector<1xi32>
      %dma_start3A_110 = arith.constant 3 : i32
      %dma_start3A_111 = arith.constant 0 : i32
      %dma_start3A_112 = tpu.memref_slice %arg9[%dma_start3A_110, %dma_start3A_111] : memref<256x64xf32, #tpu.memory_space<vmem>> -> memref<1x64xf32, #tpu.memory_space<vmem>>
      %dma_start3A_113 = tpu.memref_squeeze %dma_start3A_112 : memref<1x64xf32, #tpu.memory_space<vmem>> -> memref<64xf32, #tpu.memory_space<vmem>>
      %dma_start3A_114 = arith.constant 0 : i32
      %dma_start3A_115 = tpu.memref_slice %arg4[%squeeze3A_109, %dma_start3A_114] : memref<100000x64xf32, #tpu.memory_space<hbm>> -> memref<1x64xf32, #tpu.memory_space<hbm>>
      %dma_start3A_116 = tpu.memref_squeeze %dma_start3A_115 : memref<1x64xf32, #tpu.memory_space<hbm>> -> memref<64xf32, #tpu.memory_space<hbm>>
      %dma_start3A_117 = arith.constant 0 : i32
      %dma_start3A_118 = tpu.memref_slice %arg9[%dma_start3A_110, %dma_start3A_117] : memref<256x64xf32, #tpu.memory_space<vmem>> -> memref<1x64xf32, #tpu.memory_space<vmem>>
      %dma_start3A_119 = tpu.memref_squeeze %dma_start3A_118 : memref<1x64xf32, #tpu.memory_space<vmem>> -> memref<64xf32, #tpu.memory_space<vmem>>
      %dma_start3A_120 = arith.constant 0 : i32
      %dma_start3A_121 = tpu.memref_slice %arg4[%squeeze3A_109, %dma_start3A_120] : memref<100000x64xf32, #tpu.memory_space<hbm>> -> memref<1x64xf32, #tpu.memory_space<hbm>>
      %dma_start3A_122 = tpu.memref_squeeze %dma_start3A_121 : memref<1x64xf32, #tpu.memory_space<hbm>> -> memref<64xf32, #tpu.memory_space<hbm>>
      tpu.enqueue_dma source(%dma_start3A_122 : memref<64xf32, #tpu.memory_space<hbm>>) target(%dma_start3A_119 : memref<64xf32, #tpu.memory_space<vmem>>) target_semaphore(%arg13 : memref<!tpu.dma_semaphore, #tpu.memory_space<semaphore_mem>>)
      %slice3A_123 = vector.extract_strided_slice %get3A_20 {offsets = [3], sizes = [1], strides = [1]} : vector<16xi32> to vector<1xi32>
      %squeeze3A_124 = vector.extract %slice3A_123[0] : i32 from vector<1xi32>
      %dma_start3A_125 = arith.constant 3 : i32
      %dma_start3A_126 = arith.constant 0 : i32
      %dma_start3A_127 = tpu.memref_slice %arg10[%dma_start3A_125, %dma_start3A_126] : memref<256x64xf32, #tpu.memory_space<vmem>> -> memref<1x64xf32, #tpu.memory_space<vmem>>
      %dma_start3A_128 = tpu.memref_squeeze %dma_start3A_127 : memref<1x64xf32, #tpu.memory_space<vmem>> -> memref<64xf32, #tpu.memory_space<vmem>>
      %dma_start3A_129 = arith.constant 0 : i32
      %dma_start3A_130 = tpu.memref_slice %arg5[%squeeze3A_124, %dma_start3A_129] : memref<100000x64xf32, #tpu.memory_space<hbm>> -> memref<1x64xf32, #tpu.memory_space<hbm>>
      %dma_start3A_131 = tpu.memref_squeeze %dma_start3A_130 : memref<1x64xf32, #tpu.memory_space<hbm>> -> memref<64xf32, #tpu.memory_space<hbm>>
      %dma_start3A_132 = arith.constant 0 : i32
      %dma_start3A_133 = tpu.memref_slice %arg10[%dma_start3A_125, %dma_start3A_132] : memref<256x64xf32, #tpu.memory_space<vmem>> -> memref<1x64xf32, #tpu.memory_space<vmem>>
      %dma_start3A_134 = tpu.memref_squeeze %dma_start3A_133 : memref<1x64xf32, #tpu.memory_space<vmem>> -> memref<64xf32, #tpu.memory_space<vmem>>
      %dma_start3A_135 = arith.constant 0 : i32
      %dma_start3A_136 = tpu.memref_slice %arg5[%squeeze3A_124, %dma_start3A_135] : memref<100000x64xf32, #tpu.memory_space<hbm>> -> memref<1x64xf32, #tpu.memory_space<hbm>>
      %dma_start3A_137 = tpu.memref_squeeze %dma_start3A_136 : memref<1x64xf32, #tpu.memory_space<hbm>> -> memref<64xf32, #tpu.memory_space<hbm>>
      tpu.enqueue_dma source(%dma_start3A_137 : memref<64xf32, #tpu.memory_space<hbm>>) target(%dma_start3A_134 : memref<64xf32, #tpu.memory_space<vmem>>) target_semaphore(%arg13 : memref<!tpu.dma_semaphore, #tpu.memory_space<semaphore_mem>>)
      %slice3A_138 = vector.extract_strided_slice %get3A_16 {offsets = [4], sizes = [1], strides = [1]} : vector<16xi32> to vector<1xi32>
      %squeeze3A_139 = vector.extract %slice3A_138[0] : i32 from vector<1xi32>
      %dma_start3A_140 = arith.constant 4 : i32
      %dma_start3A_141 = arith.constant 0 : i32
      %dma_start3A_142 = tpu.memref_slice %arg9[%dma_start3A_140, %dma_start3A_141] : memref<256x64xf32, #tpu.memory_space<vmem>> -> memref<1x64xf32, #tpu.memory_space<vmem>>
      %dma_start3A_143 = tpu.memref_squeeze %dma_start3A_142 : memref<1x64xf32, #tpu.memory_space<vmem>> -> memref<64xf32, #tpu.memory_space<vmem>>
      %dma_start3A_144 = arith.constant 0 : i32
      %dma_start3A_145 = tpu.memref_slice %arg4[%squeeze3A_139, %dma_start3A_144] : memref<100000x64xf32, #tpu.memory_space<hbm>> -> memref<1x64xf32, #tpu.memory_space<hbm>>
      %dma_start3A_146 = tpu.memref_squeeze %dma_start3A_145 : memref<1x64xf32, #tpu.memory_space<hbm>> -> memref<64xf32, #tpu.memory_space<hbm>>
      %dma_start3A_147 = arith.constant 0 : i32
      %dma_start3A_148 = tpu.memref_slice %arg9[%dma_start3A_140, %dma_start3A_147] : memref<256x64xf32, #tpu.memory_space<vmem>> -> memref<1x64xf32, #tpu.memory_space<vmem>>
      %dma_start3A_149 = tpu.memref_squeeze %dma_start3A_148 : memref<1x64xf32, #tpu.memory_space<vmem>> -> memref<64xf32, #tpu.memory_space<vmem>>
      %dma_start3A_150 = arith.constant 0 : i32
      %dma_start3A_151 = tpu.memref_slice %arg4[%squeeze3A_139, %dma_start3A_150] : memref<100000x64xf32, #tpu.memory_space<hbm>> -> memref<1x64xf32, #tpu.memory_space<hbm>>
      %dma_start3A_152 = tpu.memref_squeeze %dma_start3A_151 : memref<1x64xf32, #tpu.memory_space<hbm>> -> memref<64xf32, #tpu.memory_space<hbm>>
      tpu.enqueue_dma source(%dma_start3A_152 : memref<64xf32, #tpu.memory_space<hbm>>) target(%dma_start3A_149 : memref<64xf32, #tpu.memory_space<vmem>>) target_semaphore(%arg13 : memref<!tpu.dma_semaphore, #tpu.memory_space<semaphore_mem>>)
      %slice3A_153 = vector.extract_strided_slice %get3A_20 {offsets = [4], sizes = [1], strides = [1]} : vector<16xi32> to vector<1xi32>
      %squeeze3A_154 = vector.extract %slice3A_153[0] : i32 from vector<1xi32>
      %dma_start3A_155 = arith.constant 4 : i32
      %dma_start3A_156 = arith.constant 0 : i32
      %dma_start3A_157 = tpu.memref_slice %arg10[%dma_start3A_155, %dma_start3A_156] : memref<256x64xf32, #tpu.memory_space<vmem>> -> memref<1x64xf32, #tpu.memory_space<vmem>>
      %dma_start3A_158 = tpu.memref_squeeze %dma_start3A_157 : memref<1x64xf32, #tpu.memory_space<vmem>> -> memref<64xf32, #tpu.memory_space<vmem>>
      %dma_start3A_159 = arith.constant 0 : i32
      %dma_start3A_160 = tpu.memref_slice %arg5[%squeeze3A_154, %dma_start3A_159] : memref<100000x64xf32, #tpu.memory_space<hbm>> -> memref<1x64xf32, #tpu.memory_space<hbm>>
      %dma_start3A_161 = tpu.memref_squeeze %dma_start3A_160 : memref<1x64xf32, #tpu.memory_space<hbm>> -> memref<64xf32, #tpu.memory_space<hbm>>
      %dma_start3A_162 = arith.constant 0 : i32
      %dma_start3A_163 = tpu.memref_slice %arg10[%dma_start3A_155, %dma_start3A_162] : memref<256x64xf32, #tpu.memory_space<vmem>> -> memref<1x64xf32, #tpu.memory_space<vmem>>
      %dma_start3A_164 = tpu.memref_squeeze %dma_start3A_163 : memref<1x64xf32, #tpu.memory_space<vmem>> -> memref<64xf32, #tpu.memory_space<vmem>>
      %dma_start3A_165 = arith.constant 0 : i32
      %dma_start3A_166 = tpu.memref_slice %arg5[%squeeze3A_154, %dma_start3A_165] : memref<100000x64xf32, #tpu.memory_space<hbm>> -> memref<1x64xf32, #tpu.memory_space<hbm>>
      %dma_start3A_167 = tpu.memref_squeeze %dma_start3A_166 : memref<1x64xf32, #tpu.memory_space<hbm>> -> memref<64xf32, #tpu.memory_space<hbm>>
      tpu.enqueue_dma source(%dma_start3A_167 : memref<64xf32, #tpu.memory_space<hbm>>) target(%dma_start3A_164 : memref<64xf32, #tpu.memory_space<vmem>>) target_semaphore(%arg13 : memref<!tpu.dma_semaphore, #tpu.memory_space<semaphore_mem>>)
      %slice3A_168 = vector.extract_strided_slice %get3A_16 {offsets = [5], sizes = [1], strides = [1]} : vector<16xi32> to vector<1xi32>
      %squeeze3A_169 = vector.extract %slice3A_168[0] : i32 from vector<1xi32>
      %dma_start3A_170 = arith.constant 5 : i32
      %dma_start3A_171 = arith.constant 0 : i32
      %dma_start3A_172 = tpu.memref_slice %arg9[%dma_start3A_170, %dma_start3A_171] : memref<256x64xf32, #tpu.memory_space<vmem>> -> memref<1x64xf32, #tpu.memory_space<vmem>>
      %dma_start3A_173 = tpu.memref_squeeze %dma_start3A_172 : memref<1x64xf32, #tpu.memory_space<vmem>> -> memref<64xf32, #tpu.memory_space<vmem>>
      %dma_start3A_174 = arith.constant 0 : i32
      %dma_start3A_175 = tpu.memref_slice %arg4[%squeeze3A_169, %dma_start3A_174] : memref<100000x64xf32, #tpu.memory_space<hbm>> -> memref<1x64xf32, #tpu.memory_space<hbm>>
      %dma_start3A_176 = tpu.memref_squeeze %dma_start3A_175 : memref<1x64xf32, #tpu.memory_space<hbm>> -> memref<64xf32, #tpu.memory_space<hbm>>
      %dma_start3A_177 = arith.constant 0 : i32
      %dma_start3A_178 = tpu.memref_slice %arg9[%dma_start3A_170, %dma_start3A_177] : memref<256x64xf32, #tpu.memory_space<vmem>> -> memref<1x64xf32, #tpu.memory_space<vmem>>
      %dma_start3A_179 = tpu.memref_squeeze %dma_start3A_178 : memref<1x64xf32, #tpu.memory_space<vmem>> -> memref<64xf32, #tpu.memory_space<vmem>>
      %dma_start3A_180 = arith.constant 0 : i32
      %dma_start3A_181 = tpu.memref_slice %arg4[%squeeze3A_169, %dma_start3A_180] : memref<100000x64xf32, #tpu.memory_space<hbm>> -> memref<1x64xf32, #tpu.memory_space<hbm>>
      %dma_start3A_182 = tpu.memref_squeeze %dma_start3A_181 : memref<1x64xf32, #tpu.memory_space<hbm>> -> memref<64xf32, #tpu.memory_space<hbm>>
      tpu.enqueue_dma source(%dma_start3A_182 : memref<64xf32, #tpu.memory_space<hbm>>) target(%dma_start3A_179 : memref<64xf32, #tpu.memory_space<vmem>>) target_semaphore(%arg13 : memref<!tpu.dma_semaphore, #tpu.memory_space<semaphore_mem>>)
      %slice3A_183 = vector.extract_strided_slice %get3A_20 {offsets = [5], sizes = [1], strides = [1]} : vector<16xi32> to vector<1xi32>
      %squeeze3A_184 = vector.extract %slice3A_183[0] : i32 from vector<1xi32>
      %dma_start3A_185 = arith.constant 5 : i32
      %dma_start3A_186 = arith.constant 0 : i32
      %dma_start3A_187 = tpu.memref_slice %arg10[%dma_start3A_185, %dma_start3A_186] : memref<256x64xf32, #tpu.memory_space<vmem>> -> memref<1x64xf32, #tpu.memory_space<vmem>>
      %dma_start3A_188 = tpu.memref_squeeze %dma_start3A_187 : memref<1x64xf32, #tpu.memory_space<vmem>> -> memref<64xf32, #tpu.memory_space<vmem>>
      %dma_start3A_189 = arith.constant 0 : i32
      %dma_start3A_190 = tpu.memref_slice %arg5[%squeeze3A_184, %dma_start3A_189] : memref<100000x64xf32, #tpu.memory_space<hbm>> -> memref<1x64xf32, #tpu.memory_space<hbm>>
      %dma_start3A_191 = tpu.memref_squeeze %dma_start3A_190 : memref<1x64xf32, #tpu.memory_space<hbm>> -> memref<64xf32, #tpu.memory_space<hbm>>
      %dma_start3A_192 = arith.constant 0 : i32
      %dma_start3A_193 = tpu.memref_slice %arg10[%dma_start3A_185, %dma_start3A_192] : memref<256x64xf32, #tpu.memory_space<vmem>> -> memref<1x64xf32, #tpu.memory_space<vmem>>
      %dma_start3A_194 = tpu.memref_squeeze %dma_start3A_193 : memref<1x64xf32, #tpu.memory_space<vmem>> -> memref<64xf32, #tpu.memory_space<vmem>>
      %dma_start3A_195 = arith.constant 0 : i32
      %dma_start3A_196 = tpu.memref_slice %arg5[%squeeze3A_184, %dma_start3A_195] : memref<100000x64xf32, #tpu.memory_space<hbm>> -> memref<1x64xf32, #tpu.memory_space<hbm>>
      %dma_start3A_197 = tpu.memref_squeeze %dma_start3A_196 : memref<1x64xf32, #tpu.memory_space<hbm>> -> memref<64xf32, #tpu.memory_space<hbm>>
      tpu.enqueue_dma source(%dma_start3A_197 : memref<64xf32, #tpu.memory_space<hbm>>) target(%dma_start3A_194 : memref<64xf32, #tpu.memory_space<vmem>>) target_semaphore(%arg13 : memref<!tpu.dma_semaphore, #tpu.memory_space<semaphore_mem>>)
      %slice3A_198 = vector.extract_strided_slice %get3A_16 {offsets = [6], sizes = [1], strides = [1]} : vector<16xi32> to vector<1xi32>
      %squeeze3A_199 = vector.extract %slice3A_198[0] : i32 from vector<1xi32>
      %dma_start3A_200 = arith.constant 6 : i32
      %dma_start3A_201 = arith.constant 0 : i32
      %dma_start3A_202 = tpu.memref_slice %arg9[%dma_start3A_200, %dma_start3A_201] : memref<256x64xf32, #tpu.memory_space<vmem>> -> memref<1x64xf32, #tpu.memory_space<vmem>>
      %dma_start3A_203 = tpu.memref_squeeze %dma_start3A_202 : memref<1x64xf32, #tpu.memory_space<vmem>> -> memref<64xf32, #tpu.memory_space<vmem>>
      %dma_start3A_204 = arith.constant 0 : i32
      %dma_start3A_205 = tpu.memref_slice %arg4[%squeeze3A_199, %dma_start3A_204] : memref<100000x64xf32, #tpu.memory_space<hbm>> -> memref<1x64xf32, #tpu.memory_space<hbm>>
      %dma_start3A_206 = tpu.memref_squeeze %dma_start3A_205 : memref<1x64xf32, #tpu.memory_space<hbm>> -> memref<64xf32, #tpu.memory_space<hbm>>
      %dma_start3A_207 = arith.constant 0 : i32
      %dma_start3A_208 = tpu.memref_slice %arg9[%dma_start3A_200, %dma_start3A_207] : memref<256x64xf32, #tpu.memory_space<vmem>> -> memref<1x64xf32, #tpu.memory_space<vmem>>
      %dma_start3A_209 = tpu.memref_squeeze %dma_start3A_208 : memref<1x64xf32, #tpu.memory_space<vmem>> -> memref<64xf32, #tpu.memory_space<vmem>>
      %dma_start3A_210 = arith.constant 0 : i32
      %dma_start3A_211 = tpu.memref_slice %arg4[%squeeze3A_199, %dma_start3A_210] : memref<100000x64xf32, #tpu.memory_space<hbm>> -> memref<1x64xf32, #tpu.memory_space<hbm>>
      %dma_start3A_212 = tpu.memref_squeeze %dma_start3A_211 : memref<1x64xf32, #tpu.memory_space<hbm>> -> memref<64xf32, #tpu.memory_space<hbm>>
      tpu.enqueue_dma source(%dma_start3A_212 : memref<64xf32, #tpu.memory_space<hbm>>) target(%dma_start3A_209 : memref<64xf32, #tpu.memory_space<vmem>>) target_semaphore(%arg13 : memref<!tpu.dma_semaphore, #tpu.memory_space<semaphore_mem>>)
      %slice3A_213 = vector.extract_strided_slice %get3A_20 {offsets = [6], sizes = [1], strides = [1]} : vector<16xi32> to vector<1xi32>
      %squeeze3A_214 = vector.extract %slice3A_213[0] : i32 from vector<1xi32>
      %dma_start3A_215 = arith.constant 6 : i32
      %dma_start3A_216 = arith.constant 0 : i32
      %dma_start3A_217 = tpu.memref_slice %arg10[%dma_start3A_215, %dma_start3A_216] : memref<256x64xf32, #tpu.memory_space<vmem>> -> memref<1x64xf32, #tpu.memory_space<vmem>>
      %dma_start3A_218 = tpu.memref_squeeze %dma_start3A_217 : memref<1x64xf32, #tpu.memory_space<vmem>> -> memref<64xf32, #tpu.memory_space<vmem>>
      %dma_start3A_219 = arith.constant 0 : i32
      %dma_start3A_220 = tpu.memref_slice %arg5[%squeeze3A_214, %dma_start3A_219] : memref<100000x64xf32, #tpu.memory_space<hbm>> -> memref<1x64xf32, #tpu.memory_space<hbm>>
      %dma_start3A_221 = tpu.memref_squeeze %dma_start3A_220 : memref<1x64xf32, #tpu.memory_space<hbm>> -> memref<64xf32, #tpu.memory_space<hbm>>
      %dma_start3A_222 = arith.constant 0 : i32
      %dma_start3A_223 = tpu.memref_slice %arg10[%dma_start3A_215, %dma_start3A_222] : memref<256x64xf32, #tpu.memory_space<vmem>> -> memref<1x64xf32, #tpu.memory_space<vmem>>
      %dma_start3A_224 = tpu.memref_squeeze %dma_start3A_223 : memref<1x64xf32, #tpu.memory_space<vmem>> -> memref<64xf32, #tpu.memory_space<vmem>>
      %dma_start3A_225 = arith.constant 0 : i32
      %dma_start3A_226 = tpu.memref_slice %arg5[%squeeze3A_214, %dma_start3A_225] : memref<100000x64xf32, #tpu.memory_space<hbm>> -> memref<1x64xf32, #tpu.memory_space<hbm>>
      %dma_start3A_227 = tpu.memref_squeeze %dma_start3A_226 : memref<1x64xf32, #tpu.memory_space<hbm>> -> memref<64xf32, #tpu.memory_space<hbm>>
      tpu.enqueue_dma source(%dma_start3A_227 : memref<64xf32, #tpu.memory_space<hbm>>) target(%dma_start3A_224 : memref<64xf32, #tpu.memory_space<vmem>>) target_semaphore(%arg13 : memref<!tpu.dma_semaphore, #tpu.memory_space<semaphore_mem>>)
      %slice3A_228 = vector.extract_strided_slice %get3A_16 {offsets = [7], sizes = [1], strides = [1]} : vector<16xi32> to vector<1xi32>
      %squeeze3A_229 = vector.extract %slice3A_228[0] : i32 from vector<1xi32>
      %dma_start3A_230 = arith.constant 7 : i32
      %dma_start3A_231 = arith.constant 0 : i32
      %dma_start3A_232 = tpu.memref_slice %arg9[%dma_start3A_230, %dma_start3A_231] : memref<256x64xf32, #tpu.memory_space<vmem>> -> memref<1x64xf32, #tpu.memory_space<vmem>>
      %dma_start3A_233 = tpu.memref_squeeze %dma_start3A_232 : memref<1x64xf32, #tpu.memory_space<vmem>> -> memref<64xf32, #tpu.memory_space<vmem>>
      %dma_start3A_234 = arith.constant 0 : i32
      %dma_start3A_235 = tpu.memref_slice %arg4[%squeeze3A_229, %dma_start3A_234] : memref<100000x64xf32, #tpu.memory_space<hbm>> -> memref<1x64xf32, #tpu.memory_space<hbm>>
      %dma_start3A_236 = tpu.memref_squeeze %dma_start3A_235 : memref<1x64xf32, #tpu.memory_space<hbm>> -> memref<64xf32, #tpu.memory_space<hbm>>
      %dma_start3A_237 = arith.constant 0 : i32
      %dma_start3A_238 = tpu.memref_slice %arg9[%dma_start3A_230, %dma_start3A_237] : memref<256x64xf32, #tpu.memory_space<vmem>> -> memref<1x64xf32, #tpu.memory_space<vmem>>
      %dma_start3A_239 = tpu.memref_squeeze %dma_start3A_238 : memref<1x64xf32, #tpu.memory_space<vmem>> -> memref<64xf32, #tpu.memory_space<vmem>>
      %dma_start3A_240 = arith.constant 0 : i32
      %dma_start3A_241 = tpu.memref_slice %arg4[%squeeze3A_229, %dma_start3A_240] : memref<100000x64xf32, #tpu.memory_space<hbm>> -> memref<1x64xf32, #tpu.memory_space<hbm>>
      %dma_start3A_242 = tpu.memref_squeeze %dma_start3A_241 : memref<1x64xf32, #tpu.memory_space<hbm>> -> memref<64xf32, #tpu.memory_space<hbm>>
      tpu.enqueue_dma source(%dma_start3A_242 : memref<64xf32, #tpu.memory_space<hbm>>) target(%dma_start3A_239 : memref<64xf32, #tpu.memory_space<vmem>>) target_semaphore(%arg13 : memref<!tpu.dma_semaphore, #tpu.memory_space<semaphore_mem>>)
      %slice3A_243 = vector.extract_strided_slice %get3A_20 {offsets = [7], sizes = [1], strides = [1]} : vector<16xi32> to vector<1xi32>
      %squeeze3A_244 = vector.extract %slice3A_243[0] : i32 from vector<1xi32>
      %dma_start3A_245 = arith.constant 7 : i32
      %dma_start3A_246 = arith.constant 0 : i32
      %dma_start3A_247 = tpu.memref_slice %arg10[%dma_start3A_245, %dma_start3A_246] : memref<256x64xf32, #tpu.memory_space<vmem>> -> memref<1x64xf32, #tpu.memory_space<vmem>>
      %dma_start3A_248 = tpu.memref_squeeze %dma_start3A_247 : memref<1x64xf32, #tpu.memory_space<vmem>> -> memref<64xf32, #tpu.memory_space<vmem>>
      %dma_start3A_249 = arith.constant 0 : i32
      %dma_start3A_250 = tpu.memref_slice %arg5[%squeeze3A_244, %dma_start3A_249] : memref<100000x64xf32, #tpu.memory_space<hbm>> -> memref<1x64xf32, #tpu.memory_space<hbm>>
      %dma_start3A_251 = tpu.memref_squeeze %dma_start3A_250 : memref<1x64xf32, #tpu.memory_space<hbm>> -> memref<64xf32, #tpu.memory_space<hbm>>
      %dma_start3A_252 = arith.constant 0 : i32
      %dma_start3A_253 = tpu.memref_slice %arg10[%dma_start3A_245, %dma_start3A_252] : memref<256x64xf32, #tpu.memory_space<vmem>> -> memref<1x64xf32, #tpu.memory_space<vmem>>
      %dma_start3A_254 = tpu.memref_squeeze %dma_start3A_253 : memref<1x64xf32, #tpu.memory_space<vmem>> -> memref<64xf32, #tpu.memory_space<vmem>>
      %dma_start3A_255 = arith.constant 0 : i32
      %dma_start3A_256 = tpu.memref_slice %arg5[%squeeze3A_244, %dma_start3A_255] : memref<100000x64xf32, #tpu.memory_space<hbm>> -> memref<1x64xf32, #tpu.memory_space<hbm>>
      %dma_start3A_257 = tpu.memref_squeeze %dma_start3A_256 : memref<1x64xf32, #tpu.memory_space<hbm>> -> memref<64xf32, #tpu.memory_space<hbm>>
      tpu.enqueue_dma source(%dma_start3A_257 : memref<64xf32, #tpu.memory_space<hbm>>) target(%dma_start3A_254 : memref<64xf32, #tpu.memory_space<vmem>>) target_semaphore(%arg13 : memref<!tpu.dma_semaphore, #tpu.memory_space<semaphore_mem>>)
      %slice3A_258 = vector.extract_strided_slice %get3A_16 {offsets = [8], sizes = [1], strides = [1]} : vector<16xi32> to vector<1xi32>
      %squeeze3A_259 = vector.extract %slice3A_258[0] : i32 from vector<1xi32>
      %dma_start3A_260 = arith.constant 8 : i32
      %dma_start3A_261 = arith.constant 0 : i32
      %dma_start3A_262 = tpu.memref_slice %arg9[%dma_start3A_260, %dma_start3A_261] : memref<256x64xf32, #tpu.memory_space<vmem>> -> memref<1x64xf32, #tpu.memory_space<vmem>>
      %dma_start3A_263 = tpu.memref_squeeze %dma_start3A_262 : memref<1x64xf32, #tpu.memory_space<vmem>> -> memref<64xf32, #tpu.memory_space<vmem>>
      %dma_start3A_264 = arith.constant 0 : i32
      %dma_start3A_265 = tpu.memref_slice %arg4[%squeeze3A_259, %dma_start3A_264] : memref<100000x64xf32, #tpu.memory_space<hbm>> -> memref<1x64xf32, #tpu.memory_space<hbm>>
      %dma_start3A_266 = tpu.memref_squeeze %dma_start3A_265 : memref<1x64xf32, #tpu.memory_space<hbm>> -> memref<64xf32, #tpu.memory_space<hbm>>
      %dma_start3A_267 = arith.constant 0 : i32
      %dma_start3A_268 = tpu.memref_slice %arg9[%dma_start3A_260, %dma_start3A_267] : memref<256x64xf32, #tpu.memory_space<vmem>> -> memref<1x64xf32, #tpu.memory_space<vmem>>
      %dma_start3A_269 = tpu.memref_squeeze %dma_start3A_268 : memref<1x64xf32, #tpu.memory_space<vmem>> -> memref<64xf32, #tpu.memory_space<vmem>>
      %dma_start3A_270 = arith.constant 0 : i32
      %dma_start3A_271 = tpu.memref_slice %arg4[%squeeze3A_259, %dma_start3A_270] : memref<100000x64xf32, #tpu.memory_space<hbm>> -> memref<1x64xf32, #tpu.memory_space<hbm>>
      %dma_start3A_272 = tpu.memref_squeeze %dma_start3A_271 : memref<1x64xf32, #tpu.memory_space<hbm>> -> memref<64xf32, #tpu.memory_space<hbm>>
      tpu.enqueue_dma source(%dma_start3A_272 : memref<64xf32, #tpu.memory_space<hbm>>) target(%dma_start3A_269 : memref<64xf32, #tpu.memory_space<vmem>>) target_semaphore(%arg13 : memref<!tpu.dma_semaphore, #tpu.memory_space<semaphore_mem>>)
      %slice3A_273 = vector.extract_strided_slice %get3A_20 {offsets = [8], sizes = [1], strides = [1]} : vector<16xi32> to vector<1xi32>
      %squeeze3A_274 = vector.extract %slice3A_273[0] : i32 from vector<1xi32>
      %dma_start3A_275 = arith.constant 8 : i32
      %dma_start3A_276 = arith.constant 0 : i32
      %dma_start3A_277 = tpu.memref_slice %arg10[%dma_start3A_275, %dma_start3A_276] : memref<256x64xf32, #tpu.memory_space<vmem>> -> memref<1x64xf32, #tpu.memory_space<vmem>>
      %dma_start3A_278 = tpu.memref_squeeze %dma_start3A_277 : memref<1x64xf32, #tpu.memory_space<vmem>> -> memref<64xf32, #tpu.memory_space<vmem>>
      %dma_start3A_279 = arith.constant 0 : i32
      %dma_start3A_280 = tpu.memref_slice %arg5[%squeeze3A_274, %dma_start3A_279] : memref<100000x64xf32, #tpu.memory_space<hbm>> -> memref<1x64xf32, #tpu.memory_space<hbm>>
      %dma_start3A_281 = tpu.memref_squeeze %dma_start3A_280 : memref<1x64xf32, #tpu.memory_space<hbm>> -> memref<64xf32, #tpu.memory_space<hbm>>
      %dma_start3A_282 = arith.constant 0 : i32
      %dma_start3A_283 = tpu.memref_slice %arg10[%dma_start3A_275, %dma_start3A_282] : memref<256x64xf32, #tpu.memory_space<vmem>> -> memref<1x64xf32, #tpu.memory_space<vmem>>
      %dma_start3A_284 = tpu.memref_squeeze %dma_start3A_283 : memref<1x64xf32, #tpu.memory_space<vmem>> -> memref<64xf32, #tpu.memory_space<vmem>>
      %dma_start3A_285 = arith.constant 0 : i32
      %dma_start3A_286 = tpu.memref_slice %arg5[%squeeze3A_274, %dma_start3A_285] : memref<100000x64xf32, #tpu.memory_space<hbm>> -> memref<1x64xf32, #tpu.memory_space<hbm>>
      %dma_start3A_287 = tpu.memref_squeeze %dma_start3A_286 : memref<1x64xf32, #tpu.memory_space<hbm>> -> memref<64xf32, #tpu.memory_space<hbm>>
      tpu.enqueue_dma source(%dma_start3A_287 : memref<64xf32, #tpu.memory_space<hbm>>) target(%dma_start3A_284 : memref<64xf32, #tpu.memory_space<vmem>>) target_semaphore(%arg13 : memref<!tpu.dma_semaphore, #tpu.memory_space<semaphore_mem>>)
      %slice3A_288 = vector.extract_strided_slice %get3A_16 {offsets = [9], sizes = [1], strides = [1]} : vector<16xi32> to vector<1xi32>
      %squeeze3A_289 = vector.extract %slice3A_288[0] : i32 from vector<1xi32>
      %dma_start3A_290 = arith.constant 9 : i32
      %dma_start3A_291 = arith.constant 0 : i32
      %dma_start3A_292 = tpu.memref_slice %arg9[%dma_start3A_290, %dma_start3A_291] : memref<256x64xf32, #tpu.memory_space<vmem>> -> memref<1x64xf32, #tpu.memory_space<vmem>>
      %dma_start3A_293 = tpu.memref_squeeze %dma_start3A_292 : memref<1x64xf32, #tpu.memory_space<vmem>> -> memref<64xf32, #tpu.memory_space<vmem>>
      %dma_start3A_294 = arith.constant 0 : i32
      %dma_start3A_295 = tpu.memref_slice %arg4[%squeeze3A_289, %dma_start3A_294] : memref<100000x64xf32, #tpu.memory_space<hbm>> -> memref<1x64xf32, #tpu.memory_space<hbm>>
      %dma_start3A_296 = tpu.memref_squeeze %dma_start3A_295 : memref<1x64xf32, #tpu.memory_space<hbm>> -> memref<64xf32, #tpu.memory_space<hbm>>
      %dma_start3A_297 = arith.constant 0 : i32
      %dma_start3A_298 = tpu.memref_slice %arg9[%dma_start3A_290, %dma_start3A_297] : memref<256x64xf32, #tpu.memory_space<vmem>> -> memref<1x64xf32, #tpu.memory_space<vmem>>
      %dma_start3A_299 = tpu.memref_squeeze %dma_start3A_298 : memref<1x64xf32, #tpu.memory_space<vmem>> -> memref<64xf32, #tpu.memory_space<vmem>>
      %dma_start3A_300 = arith.constant 0 : i32
      %dma_start3A_301 = tpu.memref_slice %arg4[%squeeze3A_289, %dma_start3A_300] : memref<100000x64xf32, #tpu.memory_space<hbm>> -> memref<1x64xf32, #tpu.memory_space<hbm>>
      %dma_start3A_302 = tpu.memref_squeeze %dma_start3A_301 : memref<1x64xf32, #tpu.memory_space<hbm>> -> memref<64xf32, #tpu.memory_space<hbm>>
      tpu.enqueue_dma source(%dma_start3A_302 : memref<64xf32, #tpu.memory_space<hbm>>) target(%dma_start3A_299 : memref<64xf32, #tpu.memory_space<vmem>>) target_semaphore(%arg13 : memref<!tpu.dma_semaphore, #tpu.memory_space<semaphore_mem>>)
      %slice3A_303 = vector.extract_strided_slice %get3A_20 {offsets = [9], sizes = [1], strides = [1]} : vector<16xi32> to vector<1xi32>
      %squeeze3A_304 = vector.extract %slice3A_303[0] : i32 from vector<1xi32>
      %dma_start3A_305 = arith.constant 9 : i32
      %dma_start3A_306 = arith.constant 0 : i32
      %dma_start3A_307 = tpu.memref_slice %arg10[%dma_start3A_305, %dma_start3A_306] : memref<256x64xf32, #tpu.memory_space<vmem>> -> memref<1x64xf32, #tpu.memory_space<vmem>>
      %dma_start3A_308 = tpu.memref_squeeze %dma_start3A_307 : memref<1x64xf32, #tpu.memory_space<vmem>> -> memref<64xf32, #tpu.memory_space<vmem>>
      %dma_start3A_309 = arith.constant 0 : i32
      %dma_start3A_310 = tpu.memref_slice %arg5[%squeeze3A_304, %dma_start3A_309] : memref<100000x64xf32, #tpu.memory_space<hbm>> -> memref<1x64xf32, #tpu.memory_space<hbm>>
      %dma_start3A_311 = tpu.memref_squeeze %dma_start3A_310 : memref<1x64xf32, #tpu.memory_space<hbm>> -> memref<64xf32, #tpu.memory_space<hbm>>
      %dma_start3A_312 = arith.constant 0 : i32
      %dma_start3A_313 = tpu.memref_slice %arg10[%dma_start3A_305, %dma_start3A_312] : memref<256x64xf32, #tpu.memory_space<vmem>> -> memref<1x64xf32, #tpu.memory_space<vmem>>
      %dma_start3A_314 = tpu.memref_squeeze %dma_start3A_313 : memref<1x64xf32, #tpu.memory_space<vmem>> -> memref<64xf32, #tpu.memory_space<vmem>>
      %dma_start3A_315 = arith.constant 0 : i32
      %dma_start3A_316 = tpu.memref_slice %arg5[%squeeze3A_304, %dma_start3A_315] : memref<100000x64xf32, #tpu.memory_space<hbm>> -> memref<1x64xf32, #tpu.memory_space<hbm>>
      %dma_start3A_317 = tpu.memref_squeeze %dma_start3A_316 : memref<1x64xf32, #tpu.memory_space<hbm>> -> memref<64xf32, #tpu.memory_space<hbm>>
      tpu.enqueue_dma source(%dma_start3A_317 : memref<64xf32, #tpu.memory_space<hbm>>) target(%dma_start3A_314 : memref<64xf32, #tpu.memory_space<vmem>>) target_semaphore(%arg13 : memref<!tpu.dma_semaphore, #tpu.memory_space<semaphore_mem>>)
      %slice3A_318 = vector.extract_strided_slice %get3A_16 {offsets = [10], sizes = [1], strides = [1]} : vector<16xi32> to vector<1xi32>
      %squeeze3A_319 = vector.extract %slice3A_318[0] : i32 from vector<1xi32>
      %dma_start3A_320 = arith.constant 10 : i32
      %dma_start3A_321 = arith.constant 0 : i32
      %dma_start3A_322 = tpu.memref_slice %arg9[%dma_start3A_320, %dma_start3A_321] : memref<256x64xf32, #tpu.memory_space<vmem>> -> memref<1x64xf32, #tpu.memory_space<vmem>>
      %dma_start3A_323 = tpu.memref_squeeze %dma_start3A_322 : memref<1x64xf32, #tpu.memory_space<vmem>> -> memref<64xf32, #tpu.memory_space<vmem>>
      %dma_start3A_324 = arith.constant 0 : i32
      %dma_start3A_325 = tpu.memref_slice %arg4[%squeeze3A_319, %dma_start3A_324] : memref<100000x64xf32, #tpu.memory_space<hbm>> -> memref<1x64xf32, #tpu.memory_space<hbm>>
      %dma_start3A_326 = tpu.memref_squeeze %dma_start3A_325 : memref<1x64xf32, #tpu.memory_space<hbm>> -> memref<64xf32, #tpu.memory_space<hbm>>
      %dma_start3A_327 = arith.constant 0 : i32
      %dma_start3A_328 = tpu.memref_slice %arg9[%dma_start3A_320, %dma_start3A_327] : memref<256x64xf32, #tpu.memory_space<vmem>> -> memref<1x64xf32, #tpu.memory_space<vmem>>
      %dma_start3A_329 = tpu.memref_squeeze %dma_start3A_328 : memref<1x64xf32, #tpu.memory_space<vmem>> -> memref<64xf32, #tpu.memory_space<vmem>>
      %dma_start3A_330 = arith.constant 0 : i32
      %dma_start3A_331 = tpu.memref_slice %arg4[%squeeze3A_319, %dma_start3A_330] : memref<100000x64xf32, #tpu.memory_space<hbm>> -> memref<1x64xf32, #tpu.memory_space<hbm>>
      %dma_start3A_332 = tpu.memref_squeeze %dma_start3A_331 : memref<1x64xf32, #tpu.memory_space<hbm>> -> memref<64xf32, #tpu.memory_space<hbm>>
      tpu.enqueue_dma source(%dma_start3A_332 : memref<64xf32, #tpu.memory_space<hbm>>) target(%dma_start3A_329 : memref<64xf32, #tpu.memory_space<vmem>>) target_semaphore(%arg13 : memref<!tpu.dma_semaphore, #tpu.memory_space<semaphore_mem>>)
      %slice3A_333 = vector.extract_strided_slice %get3A_20 {offsets = [10], sizes = [1], strides = [1]} : vector<16xi32> to vector<1xi32>
      %squeeze3A_334 = vector.extract %slice3A_333[0] : i32 from vector<1xi32>
      %dma_start3A_335 = arith.constant 10 : i32
      %dma_start3A_336 = arith.constant 0 : i32
      %dma_start3A_337 = tpu.memref_slice %arg10[%dma_start3A_335, %dma_start3A_336] : memref<256x64xf32, #tpu.memory_space<vmem>> -> memref<1x64xf32, #tpu.memory_space<vmem>>
      %dma_start3A_338 = tpu.memref_squeeze %dma_start3A_337 : memref<1x64xf32, #tpu.memory_space<vmem>> -> memref<64xf32, #tpu.memory_space<vmem>>
      %dma_start3A_339 = arith.constant 0 : i32
      %dma_start3A_340 = tpu.memref_slice %arg5[%squeeze3A_334, %dma_start3A_339] : memref<100000x64xf32, #tpu.memory_space<hbm>> -> memref<1x64xf32, #tpu.memory_space<hbm>>
      %dma_start3A_341 = tpu.memref_squeeze %dma_start3A_340 : memref<1x64xf32, #tpu.memory_space<hbm>> -> memref<64xf32, #tpu.memory_space<hbm>>
      %dma_start3A_342 = arith.constant 0 : i32
      %dma_start3A_343 = tpu.memref_slice %arg10[%dma_start3A_335, %dma_start3A_342] : memref<256x64xf32, #tpu.memory_space<vmem>> -> memref<1x64xf32, #tpu.memory_space<vmem>>
      %dma_start3A_344 = tpu.memref_squeeze %dma_start3A_343 : memref<1x64xf32, #tpu.memory_space<vmem>> -> memref<64xf32, #tpu.memory_space<vmem>>
      %dma_start3A_345 = arith.constant 0 : i32
      %dma_start3A_346 = tpu.memref_slice %arg5[%squeeze3A_334, %dma_start3A_345] : memref<100000x64xf32, #tpu.memory_space<hbm>> -> memref<1x64xf32, #tpu.memory_space<hbm>>
      %dma_start3A_347 = tpu.memref_squeeze %dma_start3A_346 : memref<1x64xf32, #tpu.memory_space<hbm>> -> memref<64xf32, #tpu.memory_space<hbm>>
      tpu.enqueue_dma source(%dma_start3A_347 : memref<64xf32, #tpu.memory_space<hbm>>) target(%dma_start3A_344 : memref<64xf32, #tpu.memory_space<vmem>>) target_semaphore(%arg13 : memref<!tpu.dma_semaphore, #tpu.memory_space<semaphore_mem>>)
      %slice3A_348 = vector.extract_strided_slice %get3A_16 {offsets = [11], sizes = [1], strides = [1]} : vector<16xi32> to vector<1xi32>
      %squeeze3A_349 = vector.extract %slice3A_348[0] : i32 from vector<1xi32>
      %dma_start3A_350 = arith.constant 11 : i32
      %dma_start3A_351 = arith.constant 0 : i32
      %dma_start3A_352 = tpu.memref_slice %arg9[%dma_start3A_350, %dma_start3A_351] : memref<256x64xf32, #tpu.memory_space<vmem>> -> memref<1x64xf32, #tpu.memory_space<vmem>>
      %dma_start3A_353 = tpu.memref_squeeze %dma_start3A_352 : memref<1x64xf32, #tpu.memory_space<vmem>> -> memref<64xf32, #tpu.memory_space<vmem>>
      %dma_start3A_354 = arith.constant 0 : i32
      %dma_start3A_355 = tpu.memref_slice %arg4[%squeeze3A_349, %dma_start3A_354] : memref<100000x64xf32, #tpu.memory_space<hbm>> -> memref<1x64xf32, #tpu.memory_space<hbm>>
      %dma_start3A_356 = tpu.memref_squeeze %dma_start3A_355 : memref<1x64xf32, #tpu.memory_space<hbm>> -> memref<64xf32, #tpu.memory_space<hbm>>
      %dma_start3A_357 = arith.constant 0 : i32
      %dma_start3A_358 = tpu.memref_slice %arg9[%dma_start3A_350, %dma_start3A_357] : memref<256x64xf32, #tpu.memory_space<vmem>> -> memref<1x64xf32, #tpu.memory_space<vmem>>
      %dma_start3A_359 = tpu.memref_squeeze %dma_start3A_358 : memref<1x64xf32, #tpu.memory_space<vmem>> -> memref<64xf32, #tpu.memory_space<vmem>>
      %dma_start3A_360 = arith.constant 0 : i32
      %dma_start3A_361 = tpu.memref_slice %arg4[%squeeze3A_349, %dma_start3A_360] : memref<100000x64xf32, #tpu.memory_space<hbm>> -> memref<1x64xf32, #tpu.memory_space<hbm>>
      %dma_start3A_362 = tpu.memref_squeeze %dma_start3A_361 : memref<1x64xf32, #tpu.memory_space<hbm>> -> memref<64xf32, #tpu.memory_space<hbm>>
      tpu.enqueue_dma source(%dma_start3A_362 : memref<64xf32, #tpu.memory_space<hbm>>) target(%dma_start3A_359 : memref<64xf32, #tpu.memory_space<vmem>>) target_semaphore(%arg13 : memref<!tpu.dma_semaphore, #tpu.memory_space<semaphore_mem>>)
      %slice3A_363 = vector.extract_strided_slice %get3A_20 {offsets = [11], sizes = [1], strides = [1]} : vector<16xi32> to vector<1xi32>
      %squeeze3A_364 = vector.extract %slice3A_363[0] : i32 from vector<1xi32>
      %dma_start3A_365 = arith.constant 11 : i32
      %dma_start3A_366 = arith.constant 0 : i32
      %dma_start3A_367 = tpu.memref_slice %arg10[%dma_start3A_365, %dma_start3A_366] : memref<256x64xf32, #tpu.memory_space<vmem>> -> memref<1x64xf32, #tpu.memory_space<vmem>>
      %dma_start3A_368 = tpu.memref_squeeze %dma_start3A_367 : memref<1x64xf32, #tpu.memory_space<vmem>> -> memref<64xf32, #tpu.memory_space<vmem>>
      %dma_start3A_369 = arith.constant 0 : i32
      %dma_start3A_370 = tpu.memref_slice %arg5[%squeeze3A_364, %dma_start3A_369] : memref<100000x64xf32, #tpu.memory_space<hbm>> -> memref<1x64xf32, #tpu.memory_space<hbm>>
      %dma_start3A_371 = tpu.memref_squeeze %dma_start3A_370 : memref<1x64xf32, #tpu.memory_space<hbm>> -> memref<64xf32, #tpu.memory_space<hbm>>
      %dma_start3A_372 = arith.constant 0 : i32
      %dma_start3A_373 = tpu.memref_slice %arg10[%dma_start3A_365, %dma_start3A_372] : memref<256x64xf32, #tpu.memory_space<vmem>> -> memref<1x64xf32, #tpu.memory_space<vmem>>
      %dma_start3A_374 = tpu.memref_squeeze %dma_start3A_373 : memref<1x64xf32, #tpu.memory_space<vmem>> -> memref<64xf32, #tpu.memory_space<vmem>>
      %dma_start3A_375 = arith.constant 0 : i32
      %dma_start3A_376 = tpu.memref_slice %arg5[%squeeze3A_364, %dma_start3A_375] : memref<100000x64xf32, #tpu.memory_space<hbm>> -> memref<1x64xf32, #tpu.memory_space<hbm>>
      %dma_start3A_377 = tpu.memref_squeeze %dma_start3A_376 : memref<1x64xf32, #tpu.memory_space<hbm>> -> memref<64xf32, #tpu.memory_space<hbm>>
      tpu.enqueue_dma source(%dma_start3A_377 : memref<64xf32, #tpu.memory_space<hbm>>) target(%dma_start3A_374 : memref<64xf32, #tpu.memory_space<vmem>>) target_semaphore(%arg13 : memref<!tpu.dma_semaphore, #tpu.memory_space<semaphore_mem>>)
      %slice3A_378 = vector.extract_strided_slice %get3A_16 {offsets = [12], sizes = [1], strides = [1]} : vector<16xi32> to vector<1xi32>
      %squeeze3A_379 = vector.extract %slice3A_378[0] : i32 from vector<1xi32>
      %dma_start3A_380 = arith.constant 12 : i32
      %dma_start3A_381 = arith.constant 0 : i32
      %dma_start3A_382 = tpu.memref_slice %arg9[%dma_start3A_380, %dma_start3A_381] : memref<256x64xf32, #tpu.memory_space<vmem>> -> memref<1x64xf32, #tpu.memory_space<vmem>>
      %dma_start3A_383 = tpu.memref_squeeze %dma_start3A_382 : memref<1x64xf32, #tpu.memory_space<vmem>> -> memref<64xf32, #tpu.memory_space<vmem>>
      %dma_start3A_384 = arith.constant 0 : i32
      %dma_start3A_385 = tpu.memref_slice %arg4[%squeeze3A_379, %dma_start3A_384] : memref<100000x64xf32, #tpu.memory_space<hbm>> -> memref<1x64xf32, #tpu.memory_space<hbm>>
      %dma_start3A_386 = tpu.memref_squeeze %dma_start3A_385 : memref<1x64xf32, #tpu.memory_space<hbm>> -> memref<64xf32, #tpu.memory_space<hbm>>
      %dma_start3A_387 = arith.constant 0 : i32
      %dma_start3A_388 = tpu.memref_slice %arg9[%dma_start3A_380, %dma_start3A_387] : memref<256x64xf32, #tpu.memory_space<vmem>> -> memref<1x64xf32, #tpu.memory_space<vmem>>
      %dma_start3A_389 = tpu.memref_squeeze %dma_start3A_388 : memref<1x64xf32, #tpu.memory_space<vmem>> -> memref<64xf32, #tpu.memory_space<vmem>>
      %dma_start3A_390 = arith.constant 0 : i32
      %dma_start3A_391 = tpu.memref_slice %arg4[%squeeze3A_379, %dma_start3A_390] : memref<100000x64xf32, #tpu.memory_space<hbm>> -> memref<1x64xf32, #tpu.memory_space<hbm>>
      %dma_start3A_392 = tpu.memref_squeeze %dma_start3A_391 : memref<1x64xf32, #tpu.memory_space<hbm>> -> memref<64xf32, #tpu.memory_space<hbm>>
      tpu.enqueue_dma source(%dma_start3A_392 : memref<64xf32, #tpu.memory_space<hbm>>) target(%dma_start3A_389 : memref<64xf32, #tpu.memory_space<vmem>>) target_semaphore(%arg13 : memref<!tpu.dma_semaphore, #tpu.memory_space<semaphore_mem>>)
      %slice3A_393 = vector.extract_strided_slice %get3A_20 {offsets = [12], sizes = [1], strides = [1]} : vector<16xi32> to vector<1xi32>
      %squeeze3A_394 = vector.extract %slice3A_393[0] : i32 from vector<1xi32>
      %dma_start3A_395 = arith.constant 12 : i32
      %dma_start3A_396 = arith.constant 0 : i32
      %dma_start3A_397 = tpu.memref_slice %arg10[%dma_start3A_395, %dma_start3A_396] : memref<256x64xf32, #tpu.memory_space<vmem>> -> memref<1x64xf32, #tpu.memory_space<vmem>>
      %dma_start3A_398 = tpu.memref_squeeze %dma_start3A_397 : memref<1x64xf32, #tpu.memory_space<vmem>> -> memref<64xf32, #tpu.memory_space<vmem>>
      %dma_start3A_399 = arith.constant 0 : i32
      %dma_start3A_400 = tpu.memref_slice %arg5[%squeeze3A_394, %dma_start3A_399] : memref<100000x64xf32, #tpu.memory_space<hbm>> -> memref<1x64xf32, #tpu.memory_space<hbm>>
      %dma_start3A_401 = tpu.memref_squeeze %dma_start3A_400 : memref<1x64xf32, #tpu.memory_space<hbm>> -> memref<64xf32, #tpu.memory_space<hbm>>
      %dma_start3A_402 = arith.constant 0 : i32
      %dma_start3A_403 = tpu.memref_slice %arg10[%dma_start3A_395, %dma_start3A_402] : memref<256x64xf32, #tpu.memory_space<vmem>> -> memref<1x64xf32, #tpu.memory_space<vmem>>
      %dma_start3A_404 = tpu.memref_squeeze %dma_start3A_403 : memref<1x64xf32, #tpu.memory_space<vmem>> -> memref<64xf32, #tpu.memory_space<vmem>>
      %dma_start3A_405 = arith.constant 0 : i32
      %dma_start3A_406 = tpu.memref_slice %arg5[%squeeze3A_394, %dma_start3A_405] : memref<100000x64xf32, #tpu.memory_space<hbm>> -> memref<1x64xf32, #tpu.memory_space<hbm>>
      %dma_start3A_407 = tpu.memref_squeeze %dma_start3A_406 : memref<1x64xf32, #tpu.memory_space<hbm>> -> memref<64xf32, #tpu.memory_space<hbm>>
      tpu.enqueue_dma source(%dma_start3A_407 : memref<64xf32, #tpu.memory_space<hbm>>) target(%dma_start3A_404 : memref<64xf32, #tpu.memory_space<vmem>>) target_semaphore(%arg13 : memref<!tpu.dma_semaphore, #tpu.memory_space<semaphore_mem>>)
      %slice3A_408 = vector.extract_strided_slice %get3A_16 {offsets = [13], sizes = [1], strides = [1]} : vector<16xi32> to vector<1xi32>
      %squeeze3A_409 = vector.extract %slice3A_408[0] : i32 from vector<1xi32>
      %dma_start3A_410 = arith.constant 13 : i32
      %dma_start3A_411 = arith.constant 0 : i32
      %dma_start3A_412 = tpu.memref_slice %arg9[%dma_start3A_410, %dma_start3A_411] : memref<256x64xf32, #tpu.memory_space<vmem>> -> memref<1x64xf32, #tpu.memory_space<vmem>>
      %dma_start3A_413 = tpu.memref_squeeze %dma_start3A_412 : memref<1x64xf32, #tpu.memory_space<vmem>> -> memref<64xf32, #tpu.memory_space<vmem>>
      %dma_start3A_414 = arith.constant 0 : i32
      %dma_start3A_415 = tpu.memref_slice %arg4[%squeeze3A_409, %dma_start3A_414] : memref<100000x64xf32, #tpu.memory_space<hbm>> -> memref<1x64xf32, #tpu.memory_space<hbm>>
      %dma_start3A_416 = tpu.memref_squeeze %dma_start3A_415 : memref<1x64xf32, #tpu.memory_space<hbm>> -> memref<64xf32, #tpu.memory_space<hbm>>
      %dma_start3A_417 = arith.constant 0 : i32
      %dma_start3A_418 = tpu.memref_slice %arg9[%dma_start3A_410, %dma_start3A_417] : memref<256x64xf32, #tpu.memory_space<vmem>> -> memref<1x64xf32, #tpu.memory_space<vmem>>
      %dma_start3A_419 = tpu.memref_squeeze %dma_start3A_418 : memref<1x64xf32, #tpu.memory_space<vmem>> -> memref<64xf32, #tpu.memory_space<vmem>>
      %dma_start3A_420 = arith.constant 0 : i32
      %dma_start3A_421 = tpu.memref_slice %arg4[%squeeze3A_409, %dma_start3A_420] : memref<100000x64xf32, #tpu.memory_space<hbm>> -> memref<1x64xf32, #tpu.memory_space<hbm>>
      %dma_start3A_422 = tpu.memref_squeeze %dma_start3A_421 : memref<1x64xf32, #tpu.memory_space<hbm>> -> memref<64xf32, #tpu.memory_space<hbm>>
      tpu.enqueue_dma source(%dma_start3A_422 : memref<64xf32, #tpu.memory_space<hbm>>) target(%dma_start3A_419 : memref<64xf32, #tpu.memory_space<vmem>>) target_semaphore(%arg13 : memref<!tpu.dma_semaphore, #tpu.memory_space<semaphore_mem>>)
      %slice3A_423 = vector.extract_strided_slice %get3A_20 {offsets = [13], sizes = [1], strides = [1]} : vector<16xi32> to vector<1xi32>
      %squeeze3A_424 = vector.extract %slice3A_423[0] : i32 from vector<1xi32>
      %dma_start3A_425 = arith.constant 13 : i32
      %dma_start3A_426 = arith.constant 0 : i32
      %dma_start3A_427 = tpu.memref_slice %arg10[%dma_start3A_425, %dma_start3A_426] : memref<256x64xf32, #tpu.memory_space<vmem>> -> memref<1x64xf32, #tpu.memory_space<vmem>>
      %dma_start3A_428 = tpu.memref_squeeze %dma_start3A_427 : memref<1x64xf32, #tpu.memory_space<vmem>> -> memref<64xf32, #tpu.memory_space<vmem>>
      %dma_start3A_429 = arith.constant 0 : i32
      %dma_start3A_430 = tpu.memref_slice %arg5[%squeeze3A_424, %dma_start3A_429] : memref<100000x64xf32, #tpu.memory_space<hbm>> -> memref<1x64xf32, #tpu.memory_space<hbm>>
      %dma_start3A_431 = tpu.memref_squeeze %dma_start3A_430 : memref<1x64xf32, #tpu.memory_space<hbm>> -> memref<64xf32, #tpu.memory_space<hbm>>
      %dma_start3A_432 = arith.constant 0 : i32
      %dma_start3A_433 = tpu.memref_slice %arg10[%dma_start3A_425, %dma_start3A_432] : memref<256x64xf32, #tpu.memory_space<vmem>> -> memref<1x64xf32, #tpu.memory_space<vmem>>
      %dma_start3A_434 = tpu.memref_squeeze %dma_start3A_433 : memref<1x64xf32, #tpu.memory_space<vmem>> -> memref<64xf32, #tpu.memory_space<vmem>>
      %dma_start3A_435 = arith.constant 0 : i32
      %dma_start3A_436 = tpu.memref_slice %arg5[%squeeze3A_424, %dma_start3A_435] : memref<100000x64xf32, #tpu.memory_space<hbm>> -> memref<1x64xf32, #tpu.memory_space<hbm>>
      %dma_start3A_437 = tpu.memref_squeeze %dma_start3A_436 : memref<1x64xf32, #tpu.memory_space<hbm>> -> memref<64xf32, #tpu.memory_space<hbm>>
      tpu.enqueue_dma source(%dma_start3A_437 : memref<64xf32, #tpu.memory_space<hbm>>) target(%dma_start3A_434 : memref<64xf32, #tpu.memory_space<vmem>>) target_semaphore(%arg13 : memref<!tpu.dma_semaphore, #tpu.memory_space<semaphore_mem>>)
      %slice3A_438 = vector.extract_strided_slice %get3A_16 {offsets = [14], sizes = [1], strides = [1]} : vector<16xi32> to vector<1xi32>
      %squeeze3A_439 = vector.extract %slice3A_438[0] : i32 from vector<1xi32>
      %dma_start3A_440 = arith.constant 14 : i32
      %dma_start3A_441 = arith.constant 0 : i32
      %dma_start3A_442 = tpu.memref_slice %arg9[%dma_start3A_440, %dma_start3A_441] : memref<256x64xf32, #tpu.memory_space<vmem>> -> memref<1x64xf32, #tpu.memory_space<vmem>>
      %dma_start3A_443 = tpu.memref_squeeze %dma_start3A_442 : memref<1x64xf32, #tpu.memory_space<vmem>> -> memref<64xf32, #tpu.memory_space<vmem>>
      %dma_start3A_444 = arith.constant 0 : i32
      %dma_start3A_445 = tpu.memref_slice %arg4[%squeeze3A_439, %dma_start3A_444] : memref<100000x64xf32, #tpu.memory_space<hbm>> -> memref<1x64xf32, #tpu.memory_space<hbm>>
      %dma_start3A_446 = tpu.memref_squeeze %dma_start3A_445 : memref<1x64xf32, #tpu.memory_space<hbm>> -> memref<64xf32, #tpu.memory_space<hbm>>
      %dma_start3A_447 = arith.constant 0 : i32
      %dma_start3A_448 = tpu.memref_slice %arg9[%dma_start3A_440, %dma_start3A_447] : memref<256x64xf32, #tpu.memory_space<vmem>> -> memref<1x64xf32, #tpu.memory_space<vmem>>
      %dma_start3A_449 = tpu.memref_squeeze %dma_start3A_448 : memref<1x64xf32, #tpu.memory_space<vmem>> -> memref<64xf32, #tpu.memory_space<vmem>>
      %dma_start3A_450 = arith.constant 0 : i32
      %dma_start3A_451 = tpu.memref_slice %arg4[%squeeze3A_439, %dma_start3A_450] : memref<100000x64xf32, #tpu.memory_space<hbm>> -> memref<1x64xf32, #tpu.memory_space<hbm>>
      %dma_start3A_452 = tpu.memref_squeeze %dma_start3A_451 : memref<1x64xf32, #tpu.memory_space<hbm>> -> memref<64xf32, #tpu.memory_space<hbm>>
      tpu.enqueue_dma source(%dma_start3A_452 : memref<64xf32, #tpu.memory_space<hbm>>) target(%dma_start3A_449 : memref<64xf32, #tpu.memory_space<vmem>>) target_semaphore(%arg13 : memref<!tpu.dma_semaphore, #tpu.memory_space<semaphore_mem>>)
      %slice3A_453 = vector.extract_strided_slice %get3A_20 {offsets = [14], sizes = [1], strides = [1]} : vector<16xi32> to vector<1xi32>
      %squeeze3A_454 = vector.extract %slice3A_453[0] : i32 from vector<1xi32>
      %dma_start3A_455 = arith.constant 14 : i32
      %dma_start3A_456 = arith.constant 0 : i32
      %dma_start3A_457 = tpu.memref_slice %arg10[%dma_start3A_455, %dma_start3A_456] : memref<256x64xf32, #tpu.memory_space<vmem>> -> memref<1x64xf32, #tpu.memory_space<vmem>>
      %dma_start3A_458 = tpu.memref_squeeze %dma_start3A_457 : memref<1x64xf32, #tpu.memory_space<vmem>> -> memref<64xf32, #tpu.memory_space<vmem>>
      %dma_start3A_459 = arith.constant 0 : i32
      %dma_start3A_460 = tpu.memref_slice %arg5[%squeeze3A_454, %dma_start3A_459] : memref<100000x64xf32, #tpu.memory_space<hbm>> -> memref<1x64xf32, #tpu.memory_space<hbm>>
      %dma_start3A_461 = tpu.memref_squeeze %dma_start3A_460 : memref<1x64xf32, #tpu.memory_space<hbm>> -> memref<64xf32, #tpu.memory_space<hbm>>
      %dma_start3A_462 = arith.constant 0 : i32
      %dma_start3A_463 = tpu.memref_slice %arg10[%dma_start3A_455, %dma_start3A_462] : memref<256x64xf32, #tpu.memory_space<vmem>> -> memref<1x64xf32, #tpu.memory_space<vmem>>
      %dma_start3A_464 = tpu.memref_squeeze %dma_start3A_463 : memref<1x64xf32, #tpu.memory_space<vmem>> -> memref<64xf32, #tpu.memory_space<vmem>>
      %dma_start3A_465 = arith.constant 0 : i32
      %dma_start3A_466 = tpu.memref_slice %arg5[%squeeze3A_454, %dma_start3A_465] : memref<100000x64xf32, #tpu.memory_space<hbm>> -> memref<1x64xf32, #tpu.memory_space<hbm>>
      %dma_start3A_467 = tpu.memref_squeeze %dma_start3A_466 : memref<1x64xf32, #tpu.memory_space<hbm>> -> memref<64xf32, #tpu.memory_space<hbm>>
      tpu.enqueue_dma source(%dma_start3A_467 : memref<64xf32, #tpu.memory_space<hbm>>) target(%dma_start3A_464 : memref<64xf32, #tpu.memory_space<vmem>>) target_semaphore(%arg13 : memref<!tpu.dma_semaphore, #tpu.memory_space<semaphore_mem>>)
      %slice3A_468 = vector.extract_strided_slice %get3A_16 {offsets = [15], sizes = [1], strides = [1]} : vector<16xi32> to vector<1xi32>
      %squeeze3A_469 = vector.extract %slice3A_468[0] : i32 from vector<1xi32>
      %dma_start3A_470 = arith.constant 15 : i32
      %dma_start3A_471 = arith.constant 0 : i32
      %dma_start3A_472 = tpu.memref_slice %arg9[%dma_start3A_470, %dma_start3A_471] : memref<256x64xf32, #tpu.memory_space<vmem>> -> memref<1x64xf32, #tpu.memory_space<vmem>>
      %dma_start3A_473 = tpu.memref_squeeze %dma_start3A_472 : memref<1x64xf32, #tpu.memory_space<vmem>> -> memref<64xf32, #tpu.memory_space<vmem>>
      %dma_start3A_474 = arith.constant 0 : i32
      %dma_start3A_475 = tpu.memref_slice %arg4[%squeeze3A_469, %dma_start3A_474] : memref<100000x64xf32, #tpu.memory_space<hbm>> -> memref<1x64xf32, #tpu.memory_space<hbm>>
      %dma_start3A_476 = tpu.memref_squeeze %dma_start3A_475 : memref<1x64xf32, #tpu.memory_space<hbm>> -> memref<64xf32, #tpu.memory_space<hbm>>
      %dma_start3A_477 = arith.constant 0 : i32
      %dma_start3A_478 = tpu.memref_slice %arg9[%dma_start3A_470, %dma_start3A_477] : memref<256x64xf32, #tpu.memory_space<vmem>> -> memref<1x64xf32, #tpu.memory_space<vmem>>
      %dma_start3A_479 = tpu.memref_squeeze %dma_start3A_478 : memref<1x64xf32, #tpu.memory_space<vmem>> -> memref<64xf32, #tpu.memory_space<vmem>>
      %dma_start3A_480 = arith.constant 0 : i32
      %dma_start3A_481 = tpu.memref_slice %arg4[%squeeze3A_469, %dma_start3A_480] : memref<100000x64xf32, #tpu.memory_space<hbm>> -> memref<1x64xf32, #tpu.memory_space<hbm>>
      %dma_start3A_482 = tpu.memref_squeeze %dma_start3A_481 : memref<1x64xf32, #tpu.memory_space<hbm>> -> memref<64xf32, #tpu.memory_space<hbm>>
      tpu.enqueue_dma source(%dma_start3A_482 : memref<64xf32, #tpu.memory_space<hbm>>) target(%dma_start3A_479 : memref<64xf32, #tpu.memory_space<vmem>>) target_semaphore(%arg13 : memref<!tpu.dma_semaphore, #tpu.memory_space<semaphore_mem>>)
      %slice3A_483 = vector.extract_strided_slice %get3A_20 {offsets = [15], sizes = [1], strides = [1]} : vector<16xi32> to vector<1xi32>
      %squeeze3A_484 = vector.extract %slice3A_483[0] : i32 from vector<1xi32>
      %dma_start3A_485 = arith.constant 15 : i32
      %dma_start3A_486 = arith.constant 0 : i32
      %dma_start3A_487 = tpu.memref_slice %arg10[%dma_start3A_485, %dma_start3A_486] : memref<256x64xf32, #tpu.memory_space<vmem>> -> memref<1x64xf32, #tpu.memory_space<vmem>>
      %dma_start3A_488 = tpu.memref_squeeze %dma_start3A_487 : memref<1x64xf32, #tpu.memory_space<vmem>> -> memref<64xf32, #tpu.memory_space<vmem>>
      %dma_start3A_489 = arith.constant 0 : i32
      %dma_start3A_490 = tpu.memref_slice %arg5[%squeeze3A_484, %dma_start3A_489] : memref<100000x64xf32, #tpu.memory_space<hbm>> -> memref<1x64xf32, #tpu.memory_space<hbm>>
      %dma_start3A_491 = tpu.memref_squeeze %dma_start3A_490 : memref<1x64xf32, #tpu.memory_space<hbm>> -> memref<64xf32, #tpu.memory_space<hbm>>
      %dma_start3A_492 = arith.constant 0 : i32
      %dma_start3A_493 = tpu.memref_slice %arg10[%dma_start3A_485, %dma_start3A_492] : memref<256x64xf32, #tpu.memory_space<vmem>> -> memref<1x64xf32, #tpu.memory_space<vmem>>
      %dma_start3A_494 = tpu.memref_squeeze %dma_start3A_493 : memref<1x64xf32, #tpu.memory_space<vmem>> -> memref<64xf32, #tpu.memory_space<vmem>>
      %dma_start3A_495 = arith.constant 0 : i32
      %dma_start3A_496 = tpu.memref_slice %arg5[%squeeze3A_484, %dma_start3A_495] : memref<100000x64xf32, #tpu.memory_space<hbm>> -> memref<1x64xf32, #tpu.memory_space<hbm>>
      %dma_start3A_497 = tpu.memref_squeeze %dma_start3A_496 : memref<1x64xf32, #tpu.memory_space<hbm>> -> memref<64xf32, #tpu.memory_space<hbm>>
      tpu.enqueue_dma source(%dma_start3A_497 : memref<64xf32, #tpu.memory_space<hbm>>) target(%dma_start3A_494 : memref<64xf32, #tpu.memory_space<vmem>>) target_semaphore(%arg13 : memref<!tpu.dma_semaphore, #tpu.memory_space<semaphore_mem>>)
      %scan3A_498 = arith.constant 0 : i32
      %scan3A_499 = arith.constant 0 : i32
      %scan3A_500 = arith.constant 8 : i32
      %scan3A_501 = arith.addi %scan3A_499, %scan3A_500 : i32
      %scan3A_502 = arith.constant 1 : i32
      scf.for %scan3A_504 = %scan3A_499 to %scan3A_501 step %scan3A_502  : i32 {
        %mul3A_505 = arith.constant 2 : i32
        %mul3A_506 = arith.muli %mul3A_505, %scan3A_504 : i32
        %add3A_507 = arith.constant 1 : i32
        %add3A_508 = arith.addi %mul3A_506, %add3A_507 : i32
        %mul3A_509 = arith.constant 16 : i32
        %mul3A_510 = arith.muli %add3A_508, %mul3A_509 : i32
        %add3A_511 = arith.addi %mul3A_13, %mul3A_510 : i32
        %get3A_512 = arith.index_cast %add3A_511 : i32 to index
        %get3A_513 = tpu.vector_load %arg7[%get3A_512] {strides = array<i32>} : memref<512xi32, #tpu.memory_space<vmem>>, vector<16xi32>,
        %add3A_514 = arith.addi %mul3A_13, %mul3A_510 : i32
        %get3A_515 = arith.index_cast %add3A_514 : i32 to index
        %get3A_516 = tpu.vector_load %arg8[%get3A_515] {strides = array<i32>} : memref<512xi32, #tpu.memory_space<vmem>>, vector<16xi32>,
        %slice3A_517 = vector.extract_strided_slice %get3A_513 {offsets = [0], sizes = [1], strides = [1]} : vector<16xi32> to vector<1xi32>
        %squeeze3A_518 = vector.extract %slice3A_517[0] : i32 from vector<1xi32>
        %add3A_519 = arith.constant 0 : i32
        %add3A_520 = arith.addi %mul3A_510, %add3A_519 : i32
        %dma_start3A_521 = arith.constant 0 : i32
        %dma_start3A_522 = tpu.memref_slice %arg9[%add3A_520, %dma_start3A_521] : memref<256x64xf32, #tpu.memory_space<vmem>> -> memref<1x64xf32, #tpu.memory_space<vmem>>
        %dma_start3A_523 = tpu.memref_squeeze %dma_start3A_522 : memref<1x64xf32, #tpu.memory_space<vmem>> -> memref<64xf32, #tpu.memory_space<vmem>>
        %dma_start3A_524 = arith.constant 0 : i32
        %dma_start3A_525 = tpu.memref_slice %arg4[%squeeze3A_518, %dma_start3A_524] : memref<100000x64xf32, #tpu.memory_space<hbm>> -> memref<1x64xf32, #tpu.memory_space<hbm>>
        %dma_start3A_526 = tpu.memref_squeeze %dma_start3A_525 : memref<1x64xf32, #tpu.memory_space<hbm>> -> memref<64xf32, #tpu.memory_space<hbm>>
        %dma_start3A_527 = arith.constant 0 : i32
        %dma_start3A_528 = tpu.memref_slice %arg9[%add3A_520, %dma_start3A_527] : memref<256x64xf32, #tpu.memory_space<vmem>> -> memref<1x64xf32, #tpu.memory_space<vmem>>
        %dma_start3A_529 = tpu.memref_squeeze %dma_start3A_528 : memref<1x64xf32, #tpu.memory_space<vmem>> -> memref<64xf32, #tpu.memory_space<vmem>>
        %dma_start3A_530 = arith.constant 0 : i32
        %dma_start3A_531 = tpu.memref_slice %arg4[%squeeze3A_518, %dma_start3A_530] : memref<100000x64xf32, #tpu.memory_space<hbm>> -> memref<1x64xf32, #tpu.memory_space<hbm>>
        %dma_start3A_532 = tpu.memref_squeeze %dma_start3A_531 : memref<1x64xf32, #tpu.memory_space<hbm>> -> memref<64xf32, #tpu.memory_space<hbm>>
        tpu.enqueue_dma source(%dma_start3A_532 : memref<64xf32, #tpu.memory_space<hbm>>) target(%dma_start3A_529 : memref<64xf32, #tpu.memory_space<vmem>>) target_semaphore(%arg14 : memref<!tpu.dma_semaphore, #tpu.memory_space<semaphore_mem>>)
        %slice3A_533 = vector.extract_strided_slice %get3A_516 {offsets = [0], sizes = [1], strides = [1]} : vector<16xi32> to vector<1xi32>
        %squeeze3A_534 = vector.extract %slice3A_533[0] : i32 from vector<1xi32>
        %add3A_535 = arith.constant 0 : i32
        %add3A_536 = arith.addi %mul3A_510, %add3A_535 : i32
        %dma_start3A_537 = arith.constant 0 : i32
        %dma_start3A_538 = tpu.memref_slice %arg10[%add3A_536, %dma_start3A_537] : memref<256x64xf32, #tpu.memory_space<vmem>> -> memref<1x64xf32, #tpu.memory_space<vmem>>
        %dma_start3A_539 = tpu.memref_squeeze %dma_start3A_538 : memref<1x64xf32, #tpu.memory_space<vmem>> -> memref<64xf32, #tpu.memory_space<vmem>>
        %dma_start3A_540 = arith.constant 0 : i32
        %dma_start3A_541 = tpu.memref_slice %arg5[%squeeze3A_534, %dma_start3A_540] : memref<100000x64xf32, #tpu.memory_space<hbm>> -> memref<1x64xf32, #tpu.memory_space<hbm>>
        %dma_start3A_542 = tpu.memref_squeeze %dma_start3A_541 : memref<1x64xf32, #tpu.memory_space<hbm>> -> memref<64xf32, #tpu.memory_space<hbm>>
        %dma_start3A_543 = arith.constant 0 : i32
        %dma_start3A_544 = tpu.memref_slice %arg10[%add3A_536, %dma_start3A_543] : memref<256x64xf32, #tpu.memory_space<vmem>> -> memref<1x64xf32, #tpu.memory_space<vmem>>
        %dma_start3A_545 = tpu.memref_squeeze %dma_start3A_544 : memref<1x64xf32, #tpu.memory_space<vmem>> -> memref<64xf32, #tpu.memory_space<vmem>>
        %dma_start3A_546 = arith.constant 0 : i32
        %dma_start3A_547 = tpu.memref_slice %arg5[%squeeze3A_534, %dma_start3A_546] : memref<100000x64xf32, #tpu.memory_space<hbm>> -> memref<1x64xf32, #tpu.memory_space<hbm>>
        %dma_start3A_548 = tpu.memref_squeeze %dma_start3A_547 : memref<1x64xf32, #tpu.memory_space<hbm>> -> memref<64xf32, #tpu.memory_space<hbm>>
        tpu.enqueue_dma source(%dma_start3A_548 : memref<64xf32, #tpu.memory_space<hbm>>) target(%dma_start3A_545 : memref<64xf32, #tpu.memory_space<vmem>>) target_semaphore(%arg14 : memref<!tpu.dma_semaphore, #tpu.memory_space<semaphore_mem>>)
        %slice3A_549 = vector.extract_strided_slice %get3A_513 {offsets = [1], sizes = [1], strides = [1]} : vector<16xi32> to vector<1xi32>
        %squeeze3A_550 = vector.extract %slice3A_549[0] : i32 from vector<1xi32>
        %add3A_551 = arith.constant 1 : i32
        %add3A_552 = arith.addi %mul3A_510, %add3A_551 : i32
        %dma_start3A_553 = arith.constant 0 : i32
        %dma_start3A_554 = tpu.memref_slice %arg9[%add3A_552, %dma_start3A_553] : memref<256x64xf32, #tpu.memory_space<vmem>> -> memref<1x64xf32, #tpu.memory_space<vmem>>
        %dma_start3A_555 = tpu.memref_squeeze %dma_start3A_554 : memref<1x64xf32, #tpu.memory_space<vmem>> -> memref<64xf32, #tpu.memory_space<vmem>>
        %dma_start3A_556 = arith.constant 0 : i32
        %dma_start3A_557 = tpu.memref_slice %arg4[%squeeze3A_550, %dma_start3A_556] : memref<100000x64xf32, #tpu.memory_space<hbm>> -> memref<1x64xf32, #tpu.memory_space<hbm>>
        %dma_start3A_558 = tpu.memref_squeeze %dma_start3A_557 : memref<1x64xf32, #tpu.memory_space<hbm>> -> memref<64xf32, #tpu.memory_space<hbm>>
        %dma_start3A_559 = arith.constant 0 : i32
        %dma_start3A_560 = tpu.memref_slice %arg9[%add3A_552, %dma_start3A_559] : memref<256x64xf32, #tpu.memory_space<vmem>> -> memref<1x64xf32, #tpu.memory_space<vmem>>
        %dma_start3A_561 = tpu.memref_squeeze %dma_start3A_560 : memref<1x64xf32, #tpu.memory_space<vmem>> -> memref<64xf32, #tpu.memory_space<vmem>>
        %dma_start3A_562 = arith.constant 0 : i32
        %dma_start3A_563 = tpu.memref_slice %arg4[%squeeze3A_550, %dma_start3A_562] : memref<100000x64xf32, #tpu.memory_space<hbm>> -> memref<1x64xf32, #tpu.memory_space<hbm>>
        %dma_start3A_564 = tpu.memref_squeeze %dma_start3A_563 : memref<1x64xf32, #tpu.memory_space<hbm>> -> memref<64xf32, #tpu.memory_space<hbm>>
        tpu.enqueue_dma source(%dma_start3A_564 : memref<64xf32, #tpu.memory_space<hbm>>) target(%dma_start3A_561 : memref<64xf32, #tpu.memory_space<vmem>>) target_semaphore(%arg14 : memref<!tpu.dma_semaphore, #tpu.memory_space<semaphore_mem>>)
        %slice3A_565 = vector.extract_strided_slice %get3A_516 {offsets = [1], sizes = [1], strides = [1]} : vector<16xi32> to vector<1xi32>
        %squeeze3A_566 = vector.extract %slice3A_565[0] : i32 from vector<1xi32>
        %add3A_567 = arith.constant 1 : i32
        %add3A_568 = arith.addi %mul3A_510, %add3A_567 : i32
        %dma_start3A_569 = arith.constant 0 : i32
        %dma_start3A_570 = tpu.memref_slice %arg10[%add3A_568, %dma_start3A_569] : memref<256x64xf32, #tpu.memory_space<vmem>> -> memref<1x64xf32, #tpu.memory_space<vmem>>
        %dma_start3A_571 = tpu.memref_squeeze %dma_start3A_570 : memref<1x64xf32, #tpu.memory_space<vmem>> -> memref<64xf32, #tpu.memory_space<vmem>>
        %dma_start3A_572 = arith.constant 0 : i32
        %dma_start3A_573 = tpu.memref_slice %arg5[%squeeze3A_566, %dma_start3A_572] : memref<100000x64xf32, #tpu.memory_space<hbm>> -> memref<1x64xf32, #tpu.memory_space<hbm>>
        %dma_start3A_574 = tpu.memref_squeeze %dma_start3A_573 : memref<1x64xf32, #tpu.memory_space<hbm>> -> memref<64xf32, #tpu.memory_space<hbm>>
        %dma_start3A_575 = arith.constant 0 : i32
        %dma_start3A_576 = tpu.memref_slice %arg10[%add3A_568, %dma_start3A_575] : memref<256x64xf32, #tpu.memory_space<vmem>> -> memref<1x64xf32, #tpu.memory_space<vmem>>
        %dma_start3A_577 = tpu.memref_squeeze %dma_start3A_576 : memref<1x64xf32, #tpu.memory_space<vmem>> -> memref<64xf32, #tpu.memory_space<vmem>>
        %dma_start3A_578 = arith.constant 0 : i32
        %dma_start3A_579 = tpu.memref_slice %arg5[%squeeze3A_566, %dma_start3A_578] : memref<100000x64xf32, #tpu.memory_space<hbm>> -> memref<1x64xf32, #tpu.memory_space<hbm>>
        %dma_start3A_580 = tpu.memref_squeeze %dma_start3A_579 : memref<1x64xf32, #tpu.memory_space<hbm>> -> memref<64xf32, #tpu.memory_space<hbm>>
        tpu.enqueue_dma source(%dma_start3A_580 : memref<64xf32, #tpu.memory_space<hbm>>) target(%dma_start3A_577 : memref<64xf32, #tpu.memory_space<vmem>>) target_semaphore(%arg14 : memref<!tpu.dma_semaphore, #tpu.memory_space<semaphore_mem>>)
        %slice3A_581 = vector.extract_strided_slice %get3A_513 {offsets = [2], sizes = [1], strides = [1]} : vector<16xi32> to vector<1xi32>
        %squeeze3A_582 = vector.extract %slice3A_581[0] : i32 from vector<1xi32>
        %add3A_583 = arith.constant 2 : i32
        %add3A_584 = arith.addi %mul3A_510, %add3A_583 : i32
        %dma_start3A_585 = arith.constant 0 : i32
        %dma_start3A_586 = tpu.memref_slice %arg9[%add3A_584, %dma_start3A_585] : memref<256x64xf32, #tpu.memory_space<vmem>> -> memref<1x64xf32, #tpu.memory_space<vmem>>
        %dma_start3A_587 = tpu.memref_squeeze %dma_start3A_586 : memref<1x64xf32, #tpu.memory_space<vmem>> -> memref<64xf32, #tpu.memory_space<vmem>>
        %dma_start3A_588 = arith.constant 0 : i32
        %dma_start3A_589 = tpu.memref_slice %arg4[%squeeze3A_582, %dma_start3A_588] : memref<100000x64xf32, #tpu.memory_space<hbm>> -> memref<1x64xf32, #tpu.memory_space<hbm>>
        %dma_start3A_590 = tpu.memref_squeeze %dma_start3A_589 : memref<1x64xf32, #tpu.memory_space<hbm>> -> memref<64xf32, #tpu.memory_space<hbm>>
        %dma_start3A_591 = arith.constant 0 : i32
        %dma_start3A_592 = tpu.memref_slice %arg9[%add3A_584, %dma_start3A_591] : memref<256x64xf32, #tpu.memory_space<vmem>> -> memref<1x64xf32, #tpu.memory_space<vmem>>
        %dma_start3A_593 = tpu.memref_squeeze %dma_start3A_592 : memref<1x64xf32, #tpu.memory_space<vmem>> -> memref<64xf32, #tpu.memory_space<vmem>>
        %dma_start3A_594 = arith.constant 0 : i32
        %dma_start3A_595 = tpu.memref_slice %arg4[%squeeze3A_582, %dma_start3A_594] : memref<100000x64xf32, #tpu.memory_space<hbm>> -> memref<1x64xf32, #tpu.memory_space<hbm>>
        %dma_start3A_596 = tpu.memref_squeeze %dma_start3A_595 : memref<1x64xf32, #tpu.memory_space<hbm>> -> memref<64xf32, #tpu.memory_space<hbm>>
        tpu.enqueue_dma source(%dma_start3A_596 : memref<64xf32, #tpu.memory_space<hbm>>) target(%dma_start3A_593 : memref<64xf32, #tpu.memory_space<vmem>>) target_semaphore(%arg14 : memref<!tpu.dma_semaphore, #tpu.memory_space<semaphore_mem>>)
        %slice3A_597 = vector.extract_strided_slice %get3A_516 {offsets = [2], sizes = [1], strides = [1]} : vector<16xi32> to vector<1xi32>
        %squeeze3A_598 = vector.extract %slice3A_597[0] : i32 from vector<1xi32>
        %add3A_599 = arith.constant 2 : i32
        %add3A_600 = arith.addi %mul3A_510, %add3A_599 : i32
        %dma_start3A_601 = arith.constant 0 : i32
        %dma_start3A_602 = tpu.memref_slice %arg10[%add3A_600, %dma_start3A_601] : memref<256x64xf32, #tpu.memory_space<vmem>> -> memref<1x64xf32, #tpu.memory_space<vmem>>
        %dma_start3A_603 = tpu.memref_squeeze %dma_start3A_602 : memref<1x64xf32, #tpu.memory_space<vmem>> -> memref<64xf32, #tpu.memory_space<vmem>>
        %dma_start3A_604 = arith.constant 0 : i32
        %dma_start3A_605 = tpu.memref_slice %arg5[%squeeze3A_598, %dma_start3A_604] : memref<100000x64xf32, #tpu.memory_space<hbm>> -> memref<1x64xf32, #tpu.memory_space<hbm>>
        %dma_start3A_606 = tpu.memref_squeeze %dma_start3A_605 : memref<1x64xf32, #tpu.memory_space<hbm>> -> memref<64xf32, #tpu.memory_space<hbm>>
        %dma_start3A_607 = arith.constant 0 : i32
        %dma_start3A_608 = tpu.memref_slice %arg10[%add3A_600, %dma_start3A_607] : memref<256x64xf32, #tpu.memory_space<vmem>> -> memref<1x64xf32, #tpu.memory_space<vmem>>
        %dma_start3A_609 = tpu.memref_squeeze %dma_start3A_608 : memref<1x64xf32, #tpu.memory_space<vmem>> -> memref<64xf32, #tpu.memory_space<vmem>>
        %dma_start3A_610 = arith.constant 0 : i32
        %dma_start3A_611 = tpu.memref_slice %arg5[%squeeze3A_598, %dma_start3A_610] : memref<100000x64xf32, #tpu.memory_space<hbm>> -> memref<1x64xf32, #tpu.memory_space<hbm>>
        %dma_start3A_612 = tpu.memref_squeeze %dma_start3A_611 : memref<1x64xf32, #tpu.memory_space<hbm>> -> memref<64xf32, #tpu.memory_space<hbm>>
        tpu.enqueue_dma source(%dma_start3A_612 : memref<64xf32, #tpu.memory_space<hbm>>) target(%dma_start3A_609 : memref<64xf32, #tpu.memory_space<vmem>>) target_semaphore(%arg14 : memref<!tpu.dma_semaphore, #tpu.memory_space<semaphore_mem>>)
        %slice3A_613 = vector.extract_strided_slice %get3A_513 {offsets = [3], sizes = [1], strides = [1]} : vector<16xi32> to vector<1xi32>
        %squeeze3A_614 = vector.extract %slice3A_613[0] : i32 from vector<1xi32>
        %add3A_615 = arith.constant 3 : i32
        %add3A_616 = arith.addi %mul3A_510, %add3A_615 : i32
        %dma_start3A_617 = arith.constant 0 : i32
        %dma_start3A_618 = tpu.memref_slice %arg9[%add3A_616, %dma_start3A_617] : memref<256x64xf32, #tpu.memory_space<vmem>> -> memref<1x64xf32, #tpu.memory_space<vmem>>
        %dma_start3A_619 = tpu.memref_squeeze %dma_start3A_618 : memref<1x64xf32, #tpu.memory_space<vmem>> -> memref<64xf32, #tpu.memory_space<vmem>>
        %dma_start3A_620 = arith.constant 0 : i32
        %dma_start3A_621 = tpu.memref_slice %arg4[%squeeze3A_614, %dma_start3A_620] : memref<100000x64xf32, #tpu.memory_space<hbm>> -> memref<1x64xf32, #tpu.memory_space<hbm>>
        %dma_start3A_622 = tpu.memref_squeeze %dma_start3A_621 : memref<1x64xf32, #tpu.memory_space<hbm>> -> memref<64xf32, #tpu.memory_space<hbm>>
        %dma_start3A_623 = arith.constant 0 : i32
        %dma_start3A_624 = tpu.memref_slice %arg9[%add3A_616, %dma_start3A_623] : memref<256x64xf32, #tpu.memory_space<vmem>> -> memref<1x64xf32, #tpu.memory_space<vmem>>
        %dma_start3A_625 = tpu.memref_squeeze %dma_start3A_624 : memref<1x64xf32, #tpu.memory_space<vmem>> -> memref<64xf32, #tpu.memory_space<vmem>>
        %dma_start3A_626 = arith.constant 0 : i32
        %dma_start3A_627 = tpu.memref_slice %arg4[%squeeze3A_614, %dma_start3A_626] : memref<100000x64xf32, #tpu.memory_space<hbm>> -> memref<1x64xf32, #tpu.memory_space<hbm>>
        %dma_start3A_628 = tpu.memref_squeeze %dma_start3A_627 : memref<1x64xf32, #tpu.memory_space<hbm>> -> memref<64xf32, #tpu.memory_space<hbm>>
        tpu.enqueue_dma source(%dma_start3A_628 : memref<64xf32, #tpu.memory_space<hbm>>) target(%dma_start3A_625 : memref<64xf32, #tpu.memory_space<vmem>>) target_semaphore(%arg14 : memref<!tpu.dma_semaphore, #tpu.memory_space<semaphore_mem>>)
        %slice3A_629 = vector.extract_strided_slice %get3A_516 {offsets = [3], sizes = [1], strides = [1]} : vector<16xi32> to vector<1xi32>
        %squeeze3A_630 = vector.extract %slice3A_629[0] : i32 from vector<1xi32>
        %add3A_631 = arith.constant 3 : i32
        %add3A_632 = arith.addi %mul3A_510, %add3A_631 : i32
        %dma_start3A_633 = arith.constant 0 : i32
        %dma_start3A_634 = tpu.memref_slice %arg10[%add3A_632, %dma_start3A_633] : memref<256x64xf32, #tpu.memory_space<vmem>> -> memref<1x64xf32, #tpu.memory_space<vmem>>
        %dma_start3A_635 = tpu.memref_squeeze %dma_start3A_634 : memref<1x64xf32, #tpu.memory_space<vmem>> -> memref<64xf32, #tpu.memory_space<vmem>>
        %dma_start3A_636 = arith.constant 0 : i32
        %dma_start3A_637 = tpu.memref_slice %arg5[%squeeze3A_630, %dma_start3A_636] : memref<100000x64xf32, #tpu.memory_space<hbm>> -> memref<1x64xf32, #tpu.memory_space<hbm>>
        %dma_start3A_638 = tpu.memref_squeeze %dma_start3A_637 : memref<1x64xf32, #tpu.memory_space<hbm>> -> memref<64xf32, #tpu.memory_space<hbm>>
        %dma_start3A_639 = arith.constant 0 : i32
        %dma_start3A_640 = tpu.memref_slice %arg10[%add3A_632, %dma_start3A_639] : memref<256x64xf32, #tpu.memory_space<vmem>> -> memref<1x64xf32, #tpu.memory_space<vmem>>
        %dma_start3A_641 = tpu.memref_squeeze %dma_start3A_640 : memref<1x64xf32, #tpu.memory_space<vmem>> -> memref<64xf32, #tpu.memory_space<vmem>>
        %dma_start3A_642 = arith.constant 0 : i32
        %dma_start3A_643 = tpu.memref_slice %arg5[%squeeze3A_630, %dma_start3A_642] : memref<100000x64xf32, #tpu.memory_space<hbm>> -> memref<1x64xf32, #tpu.memory_space<hbm>>
        %dma_start3A_644 = tpu.memref_squeeze %dma_start3A_643 : memref<1x64xf32, #tpu.memory_space<hbm>> -> memref<64xf32, #tpu.memory_space<hbm>>
        tpu.enqueue_dma source(%dma_start3A_644 : memref<64xf32, #tpu.memory_space<hbm>>) target(%dma_start3A_641 : memref<64xf32, #tpu.memory_space<vmem>>) target_semaphore(%arg14 : memref<!tpu.dma_semaphore, #tpu.memory_space<semaphore_mem>>)
        %slice3A_645 = vector.extract_strided_slice %get3A_513 {offsets = [4], sizes = [1], strides = [1]} : vector<16xi32> to vector<1xi32>
        %squeeze3A_646 = vector.extract %slice3A_645[0] : i32 from vector<1xi32>
        %add3A_647 = arith.constant 4 : i32
        %add3A_648 = arith.addi %mul3A_510, %add3A_647 : i32
        %dma_start3A_649 = arith.constant 0 : i32
        %dma_start3A_650 = tpu.memref_slice %arg9[%add3A_648, %dma_start3A_649] : memref<256x64xf32, #tpu.memory_space<vmem>> -> memref<1x64xf32, #tpu.memory_space<vmem>>
        %dma_start3A_651 = tpu.memref_squeeze %dma_start3A_650 : memref<1x64xf32, #tpu.memory_space<vmem>> -> memref<64xf32, #tpu.memory_space<vmem>>
        %dma_start3A_652 = arith.constant 0 : i32
        %dma_start3A_653 = tpu.memref_slice %arg4[%squeeze3A_646, %dma_start3A_652] : memref<100000x64xf32, #tpu.memory_space<hbm>> -> memref<1x64xf32, #tpu.memory_space<hbm>>
        %dma_start3A_654 = tpu.memref_squeeze %dma_start3A_653 : memref<1x64xf32, #tpu.memory_space<hbm>> -> memref<64xf32, #tpu.memory_space<hbm>>
        %dma_start3A_655 = arith.constant 0 : i32
        %dma_start3A_656 = tpu.memref_slice %arg9[%add3A_648, %dma_start3A_655] : memref<256x64xf32, #tpu.memory_space<vmem>> -> memref<1x64xf32, #tpu.memory_space<vmem>>
        %dma_start3A_657 = tpu.memref_squeeze %dma_start3A_656 : memref<1x64xf32, #tpu.memory_space<vmem>> -> memref<64xf32, #tpu.memory_space<vmem>>
        %dma_start3A_658 = arith.constant 0 : i32
        %dma_start3A_659 = tpu.memref_slice %arg4[%squeeze3A_646, %dma_start3A_658] : memref<100000x64xf32, #tpu.memory_space<hbm>> -> memref<1x64xf32, #tpu.memory_space<hbm>>
        %dma_start3A_660 = tpu.memref_squeeze %dma_start3A_659 : memref<1x64xf32, #tpu.memory_space<hbm>> -> memref<64xf32, #tpu.memory_space<hbm>>
        tpu.enqueue_dma source(%dma_start3A_660 : memref<64xf32, #tpu.memory_space<hbm>>) target(%dma_start3A_657 : memref<64xf32, #tpu.memory_space<vmem>>) target_semaphore(%arg14 : memref<!tpu.dma_semaphore, #tpu.memory_space<semaphore_mem>>)
        %slice3A_661 = vector.extract_strided_slice %get3A_516 {offsets = [4], sizes = [1], strides = [1]} : vector<16xi32> to vector<1xi32>
        %squeeze3A_662 = vector.extract %slice3A_661[0] : i32 from vector<1xi32>
        %add3A_663 = arith.constant 4 : i32
        %add3A_664 = arith.addi %mul3A_510, %add3A_663 : i32
        %dma_start3A_665 = arith.constant 0 : i32
        %dma_start3A_666 = tpu.memref_slice %arg10[%add3A_664, %dma_start3A_665] : memref<256x64xf32, #tpu.memory_space<vmem>> -> memref<1x64xf32, #tpu.memory_space<vmem>>
        %dma_start3A_667 = tpu.memref_squeeze %dma_start3A_666 : memref<1x64xf32, #tpu.memory_space<vmem>> -> memref<64xf32, #tpu.memory_space<vmem>>
        %dma_start3A_668 = arith.constant 0 : i32
        %dma_start3A_669 = tpu.memref_slice %arg5[%squeeze3A_662, %dma_start3A_668] : memref<100000x64xf32, #tpu.memory_space<hbm>> -> memref<1x64xf32, #tpu.memory_space<hbm>>
        %dma_start3A_670 = tpu.memref_squeeze %dma_start3A_669 : memref<1x64xf32, #tpu.memory_space<hbm>> -> memref<64xf32, #tpu.memory_space<hbm>>
        %dma_start3A_671 = arith.constant 0 : i32
        %dma_start3A_672 = tpu.memref_slice %arg10[%add3A_664, %dma_start3A_671] : memref<256x64xf32, #tpu.memory_space<vmem>> -> memref<1x64xf32, #tpu.memory_space<vmem>>
        %dma_start3A_673 = tpu.memref_squeeze %dma_start3A_672 : memref<1x64xf32, #tpu.memory_space<vmem>> -> memref<64xf32, #tpu.memory_space<vmem>>
        %dma_start3A_674 = arith.constant 0 : i32
        %dma_start3A_675 = tpu.memref_slice %arg5[%squeeze3A_662, %dma_start3A_674] : memref<100000x64xf32, #tpu.memory_space<hbm>> -> memref<1x64xf32, #tpu.memory_space<hbm>>
        %dma_start3A_676 = tpu.memref_squeeze %dma_start3A_675 : memref<1x64xf32, #tpu.memory_space<hbm>> -> memref<64xf32, #tpu.memory_space<hbm>>
        tpu.enqueue_dma source(%dma_start3A_676 : memref<64xf32, #tpu.memory_space<hbm>>) target(%dma_start3A_673 : memref<64xf32, #tpu.memory_space<vmem>>) target_semaphore(%arg14 : memref<!tpu.dma_semaphore, #tpu.memory_space<semaphore_mem>>)
        %slice3A_677 = vector.extract_strided_slice %get3A_513 {offsets = [5], sizes = [1], strides = [1]} : vector<16xi32> to vector<1xi32>
        %squeeze3A_678 = vector.extract %slice3A_677[0] : i32 from vector<1xi32>
        %add3A_679 = arith.constant 5 : i32
        %add3A_680 = arith.addi %mul3A_510, %add3A_679 : i32
        %dma_start3A_681 = arith.constant 0 : i32
        %dma_start3A_682 = tpu.memref_slice %arg9[%add3A_680, %dma_start3A_681] : memref<256x64xf32, #tpu.memory_space<vmem>> -> memref<1x64xf32, #tpu.memory_space<vmem>>
        %dma_start3A_683 = tpu.memref_squeeze %dma_start3A_682 : memref<1x64xf32, #tpu.memory_space<vmem>> -> memref<64xf32, #tpu.memory_space<vmem>>
        %dma_start3A_684 = arith.constant 0 : i32
        %dma_start3A_685 = tpu.memref_slice %arg4[%squeeze3A_678, %dma_start3A_684] : memref<100000x64xf32, #tpu.memory_space<hbm>> -> memref<1x64xf32, #tpu.memory_space<hbm>>
        %dma_start3A_686 = tpu.memref_squeeze %dma_start3A_685 : memref<1x64xf32, #tpu.memory_space<hbm>> -> memref<64xf32, #tpu.memory_space<hbm>>
        %dma_start3A_687 = arith.constant 0 : i32
        %dma_start3A_688 = tpu.memref_slice %arg9[%add3A_680, %dma_start3A_687] : memref<256x64xf32, #tpu.memory_space<vmem>> -> memref<1x64xf32, #tpu.memory_space<vmem>>
        %dma_start3A_689 = tpu.memref_squeeze %dma_start3A_688 : memref<1x64xf32, #tpu.memory_space<vmem>> -> memref<64xf32, #tpu.memory_space<vmem>>
        %dma_start3A_690 = arith.constant 0 : i32
        %dma_start3A_691 = tpu.memref_slice %arg4[%squeeze3A_678, %dma_start3A_690] : memref<100000x64xf32, #tpu.memory_space<hbm>> -> memref<1x64xf32, #tpu.memory_space<hbm>>
        %dma_start3A_692 = tpu.memref_squeeze %dma_start3A_691 : memref<1x64xf32, #tpu.memory_space<hbm>> -> memref<64xf32, #tpu.memory_space<hbm>>
        tpu.enqueue_dma source(%dma_start3A_692 : memref<64xf32, #tpu.memory_space<hbm>>) target(%dma_start3A_689 : memref<64xf32, #tpu.memory_space<vmem>>) target_semaphore(%arg14 : memref<!tpu.dma_semaphore, #tpu.memory_space<semaphore_mem>>)
        %slice3A_693 = vector.extract_strided_slice %get3A_516 {offsets = [5], sizes = [1], strides = [1]} : vector<16xi32> to vector<1xi32>
        %squeeze3A_694 = vector.extract %slice3A_693[0] : i32 from vector<1xi32>
        %add3A_695 = arith.constant 5 : i32
        %add3A_696 = arith.addi %mul3A_510, %add3A_695 : i32
        %dma_start3A_697 = arith.constant 0 : i32
        %dma_start3A_698 = tpu.memref_slice %arg10[%add3A_696, %dma_start3A_697] : memref<256x64xf32, #tpu.memory_space<vmem>> -> memref<1x64xf32, #tpu.memory_space<vmem>>
        %dma_start3A_699 = tpu.memref_squeeze %dma_start3A_698 : memref<1x64xf32, #tpu.memory_space<vmem>> -> memref<64xf32, #tpu.memory_space<vmem>>
        %dma_start3A_700 = arith.constant 0 : i32
        %dma_start3A_701 = tpu.memref_slice %arg5[%squeeze3A_694, %dma_start3A_700] : memref<100000x64xf32, #tpu.memory_space<hbm>> -> memref<1x64xf32, #tpu.memory_space<hbm>>
        %dma_start3A_702 = tpu.memref_squeeze %dma_start3A_701 : memref<1x64xf32, #tpu.memory_space<hbm>> -> memref<64xf32, #tpu.memory_space<hbm>>
        %dma_start3A_703 = arith.constant 0 : i32
        %dma_start3A_704 = tpu.memref_slice %arg10[%add3A_696, %dma_start3A_703] : memref<256x64xf32, #tpu.memory_space<vmem>> -> memref<1x64xf32, #tpu.memory_space<vmem>>
        %dma_start3A_705 = tpu.memref_squeeze %dma_start3A_704 : memref<1x64xf32, #tpu.memory_space<vmem>> -> memref<64xf32, #tpu.memory_space<vmem>>
        %dma_start3A_706 = arith.constant 0 : i32
        %dma_start3A_707 = tpu.memref_slice %arg5[%squeeze3A_694, %dma_start3A_706] : memref<100000x64xf32, #tpu.memory_space<hbm>> -> memref<1x64xf32, #tpu.memory_space<hbm>>
        %dma_start3A_708 = tpu.memref_squeeze %dma_start3A_707 : memref<1x64xf32, #tpu.memory_space<hbm>> -> memref<64xf32, #tpu.memory_space<hbm>>
        tpu.enqueue_dma source(%dma_start3A_708 : memref<64xf32, #tpu.memory_space<hbm>>) target(%dma_start3A_705 : memref<64xf32, #tpu.memory_space<vmem>>) target_semaphore(%arg14 : memref<!tpu.dma_semaphore, #tpu.memory_space<semaphore_mem>>)
        %slice3A_709 = vector.extract_strided_slice %get3A_513 {offsets = [6], sizes = [1], strides = [1]} : vector<16xi32> to vector<1xi32>
        %squeeze3A_710 = vector.extract %slice3A_709[0] : i32 from vector<1xi32>
        %add3A_711 = arith.constant 6 : i32
        %add3A_712 = arith.addi %mul3A_510, %add3A_711 : i32
        %dma_start3A_713 = arith.constant 0 : i32
        %dma_start3A_714 = tpu.memref_slice %arg9[%add3A_712, %dma_start3A_713] : memref<256x64xf32, #tpu.memory_space<vmem>> -> memref<1x64xf32, #tpu.memory_space<vmem>>
        %dma_start3A_715 = tpu.memref_squeeze %dma_start3A_714 : memref<1x64xf32, #tpu.memory_space<vmem>> -> memref<64xf32, #tpu.memory_space<vmem>>
        %dma_start3A_716 = arith.constant 0 : i32
        %dma_start3A_717 = tpu.memref_slice %arg4[%squeeze3A_710, %dma_start3A_716] : memref<100000x64xf32, #tpu.memory_space<hbm>> -> memref<1x64xf32, #tpu.memory_space<hbm>>
        %dma_start3A_718 = tpu.memref_squeeze %dma_start3A_717 : memref<1x64xf32, #tpu.memory_space<hbm>> -> memref<64xf32, #tpu.memory_space<hbm>>
        %dma_start3A_719 = arith.constant 0 : i32
        %dma_start3A_720 = tpu.memref_slice %arg9[%add3A_712, %dma_start3A_719] : memref<256x64xf32, #tpu.memory_space<vmem>> -> memref<1x64xf32, #tpu.memory_space<vmem>>
        %dma_start3A_721 = tpu.memref_squeeze %dma_start3A_720 : memref<1x64xf32, #tpu.memory_space<vmem>> -> memref<64xf32, #tpu.memory_space<vmem>>
        %dma_start3A_722 = arith.constant 0 : i32
        %dma_start3A_723 = tpu.memref_slice %arg4[%squeeze3A_710, %dma_start3A_722] : memref<100000x64xf32, #tpu.memory_space<hbm>> -> memref<1x64xf32, #tpu.memory_space<hbm>>
        %dma_start3A_724 = tpu.memref_squeeze %dma_start3A_723 : memref<1x64xf32, #tpu.memory_space<hbm>> -> memref<64xf32, #tpu.memory_space<hbm>>
        tpu.enqueue_dma source(%dma_start3A_724 : memref<64xf32, #tpu.memory_space<hbm>>) target(%dma_start3A_721 : memref<64xf32, #tpu.memory_space<vmem>>) target_semaphore(%arg14 : memref<!tpu.dma_semaphore, #tpu.memory_space<semaphore_mem>>)
        %slice3A_725 = vector.extract_strided_slice %get3A_516 {offsets = [6], sizes = [1], strides = [1]} : vector<16xi32> to vector<1xi32>
        %squeeze3A_726 = vector.extract %slice3A_725[0] : i32 from vector<1xi32>
        %add3A_727 = arith.constant 6 : i32
        %add3A_728 = arith.addi %mul3A_510, %add3A_727 : i32
        %dma_start3A_729 = arith.constant 0 : i32
        %dma_start3A_730 = tpu.memref_slice %arg10[%add3A_728, %dma_start3A_729] : memref<256x64xf32, #tpu.memory_space<vmem>> -> memref<1x64xf32, #tpu.memory_space<vmem>>
        %dma_start3A_731 = tpu.memref_squeeze %dma_start3A_730 : memref<1x64xf32, #tpu.memory_space<vmem>> -> memref<64xf32, #tpu.memory_space<vmem>>
        %dma_start3A_732 = arith.constant 0 : i32
        %dma_start3A_733 = tpu.memref_slice %arg5[%squeeze3A_726, %dma_start3A_732] : memref<100000x64xf32, #tpu.memory_space<hbm>> -> memref<1x64xf32, #tpu.memory_space<hbm>>
        %dma_start3A_734 = tpu.memref_squeeze %dma_start3A_733 : memref<1x64xf32, #tpu.memory_space<hbm>> -> memref<64xf32, #tpu.memory_space<hbm>>
        %dma_start3A_735 = arith.constant 0 : i32
        %dma_start3A_736 = tpu.memref_slice %arg10[%add3A_728, %dma_start3A_735] : memref<256x64xf32, #tpu.memory_space<vmem>> -> memref<1x64xf32, #tpu.memory_space<vmem>>
        %dma_start3A_737 = tpu.memref_squeeze %dma_start3A_736 : memref<1x64xf32, #tpu.memory_space<vmem>> -> memref<64xf32, #tpu.memory_space<vmem>>
        %dma_start3A_738 = arith.constant 0 : i32
        %dma_start3A_739 = tpu.memref_slice %arg5[%squeeze3A_726, %dma_start3A_738] : memref<100000x64xf32, #tpu.memory_space<hbm>> -> memref<1x64xf32, #tpu.memory_space<hbm>>
        %dma_start3A_740 = tpu.memref_squeeze %dma_start3A_739 : memref<1x64xf32, #tpu.memory_space<hbm>> -> memref<64xf32, #tpu.memory_space<hbm>>
        tpu.enqueue_dma source(%dma_start3A_740 : memref<64xf32, #tpu.memory_space<hbm>>) target(%dma_start3A_737 : memref<64xf32, #tpu.memory_space<vmem>>) target_semaphore(%arg14 : memref<!tpu.dma_semaphore, #tpu.memory_space<semaphore_mem>>)
        %slice3A_741 = vector.extract_strided_slice %get3A_513 {offsets = [7], sizes = [1], strides = [1]} : vector<16xi32> to vector<1xi32>
        %squeeze3A_742 = vector.extract %slice3A_741[0] : i32 from vector<1xi32>
        %add3A_743 = arith.constant 7 : i32
        %add3A_744 = arith.addi %mul3A_510, %add3A_743 : i32
        %dma_start3A_745 = arith.constant 0 : i32
        %dma_start3A_746 = tpu.memref_slice %arg9[%add3A_744, %dma_start3A_745] : memref<256x64xf32, #tpu.memory_space<vmem>> -> memref<1x64xf32, #tpu.memory_space<vmem>>
        %dma_start3A_747 = tpu.memref_squeeze %dma_start3A_746 : memref<1x64xf32, #tpu.memory_space<vmem>> -> memref<64xf32, #tpu.memory_space<vmem>>
        %dma_start3A_748 = arith.constant 0 : i32
        %dma_start3A_749 = tpu.memref_slice %arg4[%squeeze3A_742, %dma_start3A_748] : memref<100000x64xf32, #tpu.memory_space<hbm>> -> memref<1x64xf32, #tpu.memory_space<hbm>>
        %dma_start3A_750 = tpu.memref_squeeze %dma_start3A_749 : memref<1x64xf32, #tpu.memory_space<hbm>> -> memref<64xf32, #tpu.memory_space<hbm>>
        %dma_start3A_751 = arith.constant 0 : i32
        %dma_start3A_752 = tpu.memref_slice %arg9[%add3A_744, %dma_start3A_751] : memref<256x64xf32, #tpu.memory_space<vmem>> -> memref<1x64xf32, #tpu.memory_space<vmem>>
        %dma_start3A_753 = tpu.memref_squeeze %dma_start3A_752 : memref<1x64xf32, #tpu.memory_space<vmem>> -> memref<64xf32, #tpu.memory_space<vmem>>
        %dma_start3A_754 = arith.constant 0 : i32
        %dma_start3A_755 = tpu.memref_slice %arg4[%squeeze3A_742, %dma_start3A_754] : memref<100000x64xf32, #tpu.memory_space<hbm>> -> memref<1x64xf32, #tpu.memory_space<hbm>>
        %dma_start3A_756 = tpu.memref_squeeze %dma_start3A_755 : memref<1x64xf32, #tpu.memory_space<hbm>> -> memref<64xf32, #tpu.memory_space<hbm>>
        tpu.enqueue_dma source(%dma_start3A_756 : memref<64xf32, #tpu.memory_space<hbm>>) target(%dma_start3A_753 : memref<64xf32, #tpu.memory_space<vmem>>) target_semaphore(%arg14 : memref<!tpu.dma_semaphore, #tpu.memory_space<semaphore_mem>>)
        %slice3A_757 = vector.extract_strided_slice %get3A_516 {offsets = [7], sizes = [1], strides = [1]} : vector<16xi32> to vector<1xi32>
        %squeeze3A_758 = vector.extract %slice3A_757[0] : i32 from vector<1xi32>
        %add3A_759 = arith.constant 7 : i32
        %add3A_760 = arith.addi %mul3A_510, %add3A_759 : i32
        %dma_start3A_761 = arith.constant 0 : i32
        %dma_start3A_762 = tpu.memref_slice %arg10[%add3A_760, %dma_start3A_761] : memref<256x64xf32, #tpu.memory_space<vmem>> -> memref<1x64xf32, #tpu.memory_space<vmem>>
        %dma_start3A_763 = tpu.memref_squeeze %dma_start3A_762 : memref<1x64xf32, #tpu.memory_space<vmem>> -> memref<64xf32, #tpu.memory_space<vmem>>
        %dma_start3A_764 = arith.constant 0 : i32
        %dma_start3A_765 = tpu.memref_slice %arg5[%squeeze3A_758, %dma_start3A_764] : memref<100000x64xf32, #tpu.memory_space<hbm>> -> memref<1x64xf32, #tpu.memory_space<hbm>>
        %dma_start3A_766 = tpu.memref_squeeze %dma_start3A_765 : memref<1x64xf32, #tpu.memory_space<hbm>> -> memref<64xf32, #tpu.memory_space<hbm>>
        %dma_start3A_767 = arith.constant 0 : i32
        %dma_start3A_768 = tpu.memref_slice %arg10[%add3A_760, %dma_start3A_767] : memref<256x64xf32, #tpu.memory_space<vmem>> -> memref<1x64xf32, #tpu.memory_space<vmem>>
        %dma_start3A_769 = tpu.memref_squeeze %dma_start3A_768 : memref<1x64xf32, #tpu.memory_space<vmem>> -> memref<64xf32, #tpu.memory_space<vmem>>
        %dma_start3A_770 = arith.constant 0 : i32
        %dma_start3A_771 = tpu.memref_slice %arg5[%squeeze3A_758, %dma_start3A_770] : memref<100000x64xf32, #tpu.memory_space<hbm>> -> memref<1x64xf32, #tpu.memory_space<hbm>>
        %dma_start3A_772 = tpu.memref_squeeze %dma_start3A_771 : memref<1x64xf32, #tpu.memory_space<hbm>> -> memref<64xf32, #tpu.memory_space<hbm>>
        tpu.enqueue_dma source(%dma_start3A_772 : memref<64xf32, #tpu.memory_space<hbm>>) target(%dma_start3A_769 : memref<64xf32, #tpu.memory_space<vmem>>) target_semaphore(%arg14 : memref<!tpu.dma_semaphore, #tpu.memory_space<semaphore_mem>>)
        %slice3A_773 = vector.extract_strided_slice %get3A_513 {offsets = [8], sizes = [1], strides = [1]} : vector<16xi32> to vector<1xi32>
        %squeeze3A_774 = vector.extract %slice3A_773[0] : i32 from vector<1xi32>
        %add3A_775 = arith.constant 8 : i32
        %add3A_776 = arith.addi %mul3A_510, %add3A_775 : i32
        %dma_start3A_777 = arith.constant 0 : i32
        %dma_start3A_778 = tpu.memref_slice %arg9[%add3A_776, %dma_start3A_777] : memref<256x64xf32, #tpu.memory_space<vmem>> -> memref<1x64xf32, #tpu.memory_space<vmem>>
        %dma_start3A_779 = tpu.memref_squeeze %dma_start3A_778 : memref<1x64xf32, #tpu.memory_space<vmem>> -> memref<64xf32, #tpu.memory_space<vmem>>
        %dma_start3A_780 = arith.constant 0 : i32
        %dma_start3A_781 = tpu.memref_slice %arg4[%squeeze3A_774, %dma_start3A_780] : memref<100000x64xf32, #tpu.memory_space<hbm>> -> memref<1x64xf32, #tpu.memory_space<hbm>>
        %dma_start3A_782 = tpu.memref_squeeze %dma_start3A_781 : memref<1x64xf32, #tpu.memory_space<hbm>> -> memref<64xf32, #tpu.memory_space<hbm>>
        %dma_start3A_783 = arith.constant 0 : i32
        %dma_start3A_784 = tpu.memref_slice %arg9[%add3A_776, %dma_start3A_783] : memref<256x64xf32, #tpu.memory_space<vmem>> -> memref<1x64xf32, #tpu.memory_space<vmem>>
        %dma_start3A_785 = tpu.memref_squeeze %dma_start3A_784 : memref<1x64xf32, #tpu.memory_space<vmem>> -> memref<64xf32, #tpu.memory_space<vmem>>
        %dma_start3A_786 = arith.constant 0 : i32
        %dma_start3A_787 = tpu.memref_slice %arg4[%squeeze3A_774, %dma_start3A_786] : memref<100000x64xf32, #tpu.memory_space<hbm>> -> memref<1x64xf32, #tpu.memory_space<hbm>>
        %dma_start3A_788 = tpu.memref_squeeze %dma_start3A_787 : memref<1x64xf32, #tpu.memory_space<hbm>> -> memref<64xf32, #tpu.memory_space<hbm>>
        tpu.enqueue_dma source(%dma_start3A_788 : memref<64xf32, #tpu.memory_space<hbm>>) target(%dma_start3A_785 : memref<64xf32, #tpu.memory_space<vmem>>) target_semaphore(%arg14 : memref<!tpu.dma_semaphore, #tpu.memory_space<semaphore_mem>>)
        %slice3A_789 = vector.extract_strided_slice %get3A_516 {offsets = [8], sizes = [1], strides = [1]} : vector<16xi32> to vector<1xi32>
        %squeeze3A_790 = vector.extract %slice3A_789[0] : i32 from vector<1xi32>
        %add3A_791 = arith.constant 8 : i32
        %add3A_792 = arith.addi %mul3A_510, %add3A_791 : i32
        %dma_start3A_793 = arith.constant 0 : i32
        %dma_start3A_794 = tpu.memref_slice %arg10[%add3A_792, %dma_start3A_793] : memref<256x64xf32, #tpu.memory_space<vmem>> -> memref<1x64xf32, #tpu.memory_space<vmem>>
        %dma_start3A_795 = tpu.memref_squeeze %dma_start3A_794 : memref<1x64xf32, #tpu.memory_space<vmem>> -> memref<64xf32, #tpu.memory_space<vmem>>
        %dma_start3A_796 = arith.constant 0 : i32
        %dma_start3A_797 = tpu.memref_slice %arg5[%squeeze3A_790, %dma_start3A_796] : memref<100000x64xf32, #tpu.memory_space<hbm>> -> memref<1x64xf32, #tpu.memory_space<hbm>>
        %dma_start3A_798 = tpu.memref_squeeze %dma_start3A_797 : memref<1x64xf32, #tpu.memory_space<hbm>> -> memref<64xf32, #tpu.memory_space<hbm>>
        %dma_start3A_799 = arith.constant 0 : i32
        %dma_start3A_800 = tpu.memref_slice %arg10[%add3A_792, %dma_start3A_799] : memref<256x64xf32, #tpu.memory_space<vmem>> -> memref<1x64xf32, #tpu.memory_space<vmem>>
        %dma_start3A_801 = tpu.memref_squeeze %dma_start3A_800 : memref<1x64xf32, #tpu.memory_space<vmem>> -> memref<64xf32, #tpu.memory_space<vmem>>
        %dma_start3A_802 = arith.constant 0 : i32
        %dma_start3A_803 = tpu.memref_slice %arg5[%squeeze3A_790, %dma_start3A_802] : memref<100000x64xf32, #tpu.memory_space<hbm>> -> memref<1x64xf32, #tpu.memory_space<hbm>>
        %dma_start3A_804 = tpu.memref_squeeze %dma_start3A_803 : memref<1x64xf32, #tpu.memory_space<hbm>> -> memref<64xf32, #tpu.memory_space<hbm>>
        tpu.enqueue_dma source(%dma_start3A_804 : memref<64xf32, #tpu.memory_space<hbm>>) target(%dma_start3A_801 : memref<64xf32, #tpu.memory_space<vmem>>) target_semaphore(%arg14 : memref<!tpu.dma_semaphore, #tpu.memory_space<semaphore_mem>>)
        %slice3A_805 = vector.extract_strided_slice %get3A_513 {offsets = [9], sizes = [1], strides = [1]} : vector<16xi32> to vector<1xi32>
        %squeeze3A_806 = vector.extract %slice3A_805[0] : i32 from vector<1xi32>
        %add3A_807 = arith.constant 9 : i32
        %add3A_808 = arith.addi %mul3A_510, %add3A_807 : i32
        %dma_start3A_809 = arith.constant 0 : i32
        %dma_start3A_810 = tpu.memref_slice %arg9[%add3A_808, %dma_start3A_809] : memref<256x64xf32, #tpu.memory_space<vmem>> -> memref<1x64xf32, #tpu.memory_space<vmem>>
        %dma_start3A_811 = tpu.memref_squeeze %dma_start3A_810 : memref<1x64xf32, #tpu.memory_space<vmem>> -> memref<64xf32, #tpu.memory_space<vmem>>
        %dma_start3A_812 = arith.constant 0 : i32
        %dma_start3A_813 = tpu.memref_slice %arg4[%squeeze3A_806, %dma_start3A_812] : memref<100000x64xf32, #tpu.memory_space<hbm>> -> memref<1x64xf32, #tpu.memory_space<hbm>>
        %dma_start3A_814 = tpu.memref_squeeze %dma_start3A_813 : memref<1x64xf32, #tpu.memory_space<hbm>> -> memref<64xf32, #tpu.memory_space<hbm>>
        %dma_start3A_815 = arith.constant 0 : i32
        %dma_start3A_816 = tpu.memref_slice %arg9[%add3A_808, %dma_start3A_815] : memref<256x64xf32, #tpu.memory_space<vmem>> -> memref<1x64xf32, #tpu.memory_space<vmem>>
        %dma_start3A_817 = tpu.memref_squeeze %dma_start3A_816 : memref<1x64xf32, #tpu.memory_space<vmem>> -> memref<64xf32, #tpu.memory_space<vmem>>
        %dma_start3A_818 = arith.constant 0 : i32
        %dma_start3A_819 = tpu.memref_slice %arg4[%squeeze3A_806, %dma_start3A_818] : memref<100000x64xf32, #tpu.memory_space<hbm>> -> memref<1x64xf32, #tpu.memory_space<hbm>>
        %dma_start3A_820 = tpu.memref_squeeze %dma_start3A_819 : memref<1x64xf32, #tpu.memory_space<hbm>> -> memref<64xf32, #tpu.memory_space<hbm>>
        tpu.enqueue_dma source(%dma_start3A_820 : memref<64xf32, #tpu.memory_space<hbm>>) target(%dma_start3A_817 : memref<64xf32, #tpu.memory_space<vmem>>) target_semaphore(%arg14 : memref<!tpu.dma_semaphore, #tpu.memory_space<semaphore_mem>>)
        %slice3A_821 = vector.extract_strided_slice %get3A_516 {offsets = [9], sizes = [1], strides = [1]} : vector<16xi32> to vector<1xi32>
        %squeeze3A_822 = vector.extract %slice3A_821[0] : i32 from vector<1xi32>
        %add3A_823 = arith.constant 9 : i32
        %add3A_824 = arith.addi %mul3A_510, %add3A_823 : i32
        %dma_start3A_825 = arith.constant 0 : i32
        %dma_start3A_826 = tpu.memref_slice %arg10[%add3A_824, %dma_start3A_825] : memref<256x64xf32, #tpu.memory_space<vmem>> -> memref<1x64xf32, #tpu.memory_space<vmem>>
        %dma_start3A_827 = tpu.memref_squeeze %dma_start3A_826 : memref<1x64xf32, #tpu.memory_space<vmem>> -> memref<64xf32, #tpu.memory_space<vmem>>
        %dma_start3A_828 = arith.constant 0 : i32
        %dma_start3A_829 = tpu.memref_slice %arg5[%squeeze3A_822, %dma_start3A_828] : memref<100000x64xf32, #tpu.memory_space<hbm>> -> memref<1x64xf32, #tpu.memory_space<hbm>>
        %dma_start3A_830 = tpu.memref_squeeze %dma_start3A_829 : memref<1x64xf32, #tpu.memory_space<hbm>> -> memref<64xf32, #tpu.memory_space<hbm>>
        %dma_start3A_831 = arith.constant 0 : i32
        %dma_start3A_832 = tpu.memref_slice %arg10[%add3A_824, %dma_start3A_831] : memref<256x64xf32, #tpu.memory_space<vmem>> -> memref<1x64xf32, #tpu.memory_space<vmem>>
        %dma_start3A_833 = tpu.memref_squeeze %dma_start3A_832 : memref<1x64xf32, #tpu.memory_space<vmem>> -> memref<64xf32, #tpu.memory_space<vmem>>
        %dma_start3A_834 = arith.constant 0 : i32
        %dma_start3A_835 = tpu.memref_slice %arg5[%squeeze3A_822, %dma_start3A_834] : memref<100000x64xf32, #tpu.memory_space<hbm>> -> memref<1x64xf32, #tpu.memory_space<hbm>>
        %dma_start3A_836 = tpu.memref_squeeze %dma_start3A_835 : memref<1x64xf32, #tpu.memory_space<hbm>> -> memref<64xf32, #tpu.memory_space<hbm>>
        tpu.enqueue_dma source(%dma_start3A_836 : memref<64xf32, #tpu.memory_space<hbm>>) target(%dma_start3A_833 : memref<64xf32, #tpu.memory_space<vmem>>) target_semaphore(%arg14 : memref<!tpu.dma_semaphore, #tpu.memory_space<semaphore_mem>>)
        %slice3A_837 = vector.extract_strided_slice %get3A_513 {offsets = [10], sizes = [1], strides = [1]} : vector<16xi32> to vector<1xi32>
        %squeeze3A_838 = vector.extract %slice3A_837[0] : i32 from vector<1xi32>
        %add3A_839 = arith.constant 10 : i32
        %add3A_840 = arith.addi %mul3A_510, %add3A_839 : i32
        %dma_start3A_841 = arith.constant 0 : i32
        %dma_start3A_842 = tpu.memref_slice %arg9[%add3A_840, %dma_start3A_841] : memref<256x64xf32, #tpu.memory_space<vmem>> -> memref<1x64xf32, #tpu.memory_space<vmem>>
        %dma_start3A_843 = tpu.memref_squeeze %dma_start3A_842 : memref<1x64xf32, #tpu.memory_space<vmem>> -> memref<64xf32, #tpu.memory_space<vmem>>
        %dma_start3A_844 = arith.constant 0 : i32
        %dma_start3A_845 = tpu.memref_slice %arg4[%squeeze3A_838, %dma_start3A_844] : memref<100000x64xf32, #tpu.memory_space<hbm>> -> memref<1x64xf32, #tpu.memory_space<hbm>>
        %dma_start3A_846 = tpu.memref_squeeze %dma_start3A_845 : memref<1x64xf32, #tpu.memory_space<hbm>> -> memref<64xf32, #tpu.memory_space<hbm>>
        %dma_start3A_847 = arith.constant 0 : i32
        %dma_start3A_848 = tpu.memref_slice %arg9[%add3A_840, %dma_start3A_847] : memref<256x64xf32, #tpu.memory_space<vmem>> -> memref<1x64xf32, #tpu.memory_space<vmem>>
        %dma_start3A_849 = tpu.memref_squeeze %dma_start3A_848 : memref<1x64xf32, #tpu.memory_space<vmem>> -> memref<64xf32, #tpu.memory_space<vmem>>
        %dma_start3A_850 = arith.constant 0 : i32
        %dma_start3A_851 = tpu.memref_slice %arg4[%squeeze3A_838, %dma_start3A_850] : memref<100000x64xf32, #tpu.memory_space<hbm>> -> memref<1x64xf32, #tpu.memory_space<hbm>>
        %dma_start3A_852 = tpu.memref_squeeze %dma_start3A_851 : memref<1x64xf32, #tpu.memory_space<hbm>> -> memref<64xf32, #tpu.memory_space<hbm>>
        tpu.enqueue_dma source(%dma_start3A_852 : memref<64xf32, #tpu.memory_space<hbm>>) target(%dma_start3A_849 : memref<64xf32, #tpu.memory_space<vmem>>) target_semaphore(%arg14 : memref<!tpu.dma_semaphore, #tpu.memory_space<semaphore_mem>>)
        %slice3A_853 = vector.extract_strided_slice %get3A_516 {offsets = [10], sizes = [1], strides = [1]} : vector<16xi32> to vector<1xi32>
        %squeeze3A_854 = vector.extract %slice3A_853[0] : i32 from vector<1xi32>
        %add3A_855 = arith.constant 10 : i32
        %add3A_856 = arith.addi %mul3A_510, %add3A_855 : i32
        %dma_start3A_857 = arith.constant 0 : i32
        %dma_start3A_858 = tpu.memref_slice %arg10[%add3A_856, %dma_start3A_857] : memref<256x64xf32, #tpu.memory_space<vmem>> -> memref<1x64xf32, #tpu.memory_space<vmem>>
        %dma_start3A_859 = tpu.memref_squeeze %dma_start3A_858 : memref<1x64xf32, #tpu.memory_space<vmem>> -> memref<64xf32, #tpu.memory_space<vmem>>
        %dma_start3A_860 = arith.constant 0 : i32
        %dma_start3A_861 = tpu.memref_slice %arg5[%squeeze3A_854, %dma_start3A_860] : memref<100000x64xf32, #tpu.memory_space<hbm>> -> memref<1x64xf32, #tpu.memory_space<hbm>>
        %dma_start3A_862 = tpu.memref_squeeze %dma_start3A_861 : memref<1x64xf32, #tpu.memory_space<hbm>> -> memref<64xf32, #tpu.memory_space<hbm>>
        %dma_start3A_863 = arith.constant 0 : i32
        %dma_start3A_864 = tpu.memref_slice %arg10[%add3A_856, %dma_start3A_863] : memref<256x64xf32, #tpu.memory_space<vmem>> -> memref<1x64xf32, #tpu.memory_space<vmem>>
        %dma_start3A_865 = tpu.memref_squeeze %dma_start3A_864 : memref<1x64xf32, #tpu.memory_space<vmem>> -> memref<64xf32, #tpu.memory_space<vmem>>
        %dma_start3A_866 = arith.constant 0 : i32
        %dma_start3A_867 = tpu.memref_slice %arg5[%squeeze3A_854, %dma_start3A_866] : memref<100000x64xf32, #tpu.memory_space<hbm>> -> memref<1x64xf32, #tpu.memory_space<hbm>>
        %dma_start3A_868 = tpu.memref_squeeze %dma_start3A_867 : memref<1x64xf32, #tpu.memory_space<hbm>> -> memref<64xf32, #tpu.memory_space<hbm>>
        tpu.enqueue_dma source(%dma_start3A_868 : memref<64xf32, #tpu.memory_space<hbm>>) target(%dma_start3A_865 : memref<64xf32, #tpu.memory_space<vmem>>) target_semaphore(%arg14 : memref<!tpu.dma_semaphore, #tpu.memory_space<semaphore_mem>>)
        %slice3A_869 = vector.extract_strided_slice %get3A_513 {offsets = [11], sizes = [1], strides = [1]} : vector<16xi32> to vector<1xi32>
        %squeeze3A_870 = vector.extract %slice3A_869[0] : i32 from vector<1xi32>
        %add3A_871 = arith.constant 11 : i32
        %add3A_872 = arith.addi %mul3A_510, %add3A_871 : i32
        %dma_start3A_873 = arith.constant 0 : i32
        %dma_start3A_874 = tpu.memref_slice %arg9[%add3A_872, %dma_start3A_873] : memref<256x64xf32, #tpu.memory_space<vmem>> -> memref<1x64xf32, #tpu.memory_space<vmem>>
        %dma_start3A_875 = tpu.memref_squeeze %dma_start3A_874 : memref<1x64xf32, #tpu.memory_space<vmem>> -> memref<64xf32, #tpu.memory_space<vmem>>
        %dma_start3A_876 = arith.constant 0 : i32
        %dma_start3A_877 = tpu.memref_slice %arg4[%squeeze3A_870, %dma_start3A_876] : memref<100000x64xf32, #tpu.memory_space<hbm>> -> memref<1x64xf32, #tpu.memory_space<hbm>>
        %dma_start3A_878 = tpu.memref_squeeze %dma_start3A_877 : memref<1x64xf32, #tpu.memory_space<hbm>> -> memref<64xf32, #tpu.memory_space<hbm>>
        %dma_start3A_879 = arith.constant 0 : i32
        %dma_start3A_880 = tpu.memref_slice %arg9[%add3A_872, %dma_start3A_879] : memref<256x64xf32, #tpu.memory_space<vmem>> -> memref<1x64xf32, #tpu.memory_space<vmem>>
        %dma_start3A_881 = tpu.memref_squeeze %dma_start3A_880 : memref<1x64xf32, #tpu.memory_space<vmem>> -> memref<64xf32, #tpu.memory_space<vmem>>
        %dma_start3A_882 = arith.constant 0 : i32
        %dma_start3A_883 = tpu.memref_slice %arg4[%squeeze3A_870, %dma_start3A_882] : memref<100000x64xf32, #tpu.memory_space<hbm>> -> memref<1x64xf32, #tpu.memory_space<hbm>>
        %dma_start3A_884 = tpu.memref_squeeze %dma_start3A_883 : memref<1x64xf32, #tpu.memory_space<hbm>> -> memref<64xf32, #tpu.memory_space<hbm>>
        tpu.enqueue_dma source(%dma_start3A_884 : memref<64xf32, #tpu.memory_space<hbm>>) target(%dma_start3A_881 : memref<64xf32, #tpu.memory_space<vmem>>) target_semaphore(%arg14 : memref<!tpu.dma_semaphore, #tpu.memory_space<semaphore_mem>>)
        %slice3A_885 = vector.extract_strided_slice %get3A_516 {offsets = [11], sizes = [1], strides = [1]} : vector<16xi32> to vector<1xi32>
        %squeeze3A_886 = vector.extract %slice3A_885[0] : i32 from vector<1xi32>
        %add3A_887 = arith.constant 11 : i32
        %add3A_888 = arith.addi %mul3A_510, %add3A_887 : i32
        %dma_start3A_889 = arith.constant 0 : i32
        %dma_start3A_890 = tpu.memref_slice %arg10[%add3A_888, %dma_start3A_889] : memref<256x64xf32, #tpu.memory_space<vmem>> -> memref<1x64xf32, #tpu.memory_space<vmem>>
        %dma_start3A_891 = tpu.memref_squeeze %dma_start3A_890 : memref<1x64xf32, #tpu.memory_space<vmem>> -> memref<64xf32, #tpu.memory_space<vmem>>
        %dma_start3A_892 = arith.constant 0 : i32
        %dma_start3A_893 = tpu.memref_slice %arg5[%squeeze3A_886, %dma_start3A_892] : memref<100000x64xf32, #tpu.memory_space<hbm>> -> memref<1x64xf32, #tpu.memory_space<hbm>>
        %dma_start3A_894 = tpu.memref_squeeze %dma_start3A_893 : memref<1x64xf32, #tpu.memory_space<hbm>> -> memref<64xf32, #tpu.memory_space<hbm>>
        %dma_start3A_895 = arith.constant 0 : i32
        %dma_start3A_896 = tpu.memref_slice %arg10[%add3A_888, %dma_start3A_895] : memref<256x64xf32, #tpu.memory_space<vmem>> -> memref<1x64xf32, #tpu.memory_space<vmem>>
        %dma_start3A_897 = tpu.memref_squeeze %dma_start3A_896 : memref<1x64xf32, #tpu.memory_space<vmem>> -> memref<64xf32, #tpu.memory_space<vmem>>
        %dma_start3A_898 = arith.constant 0 : i32
        %dma_start3A_899 = tpu.memref_slice %arg5[%squeeze3A_886, %dma_start3A_898] : memref<100000x64xf32, #tpu.memory_space<hbm>> -> memref<1x64xf32, #tpu.memory_space<hbm>>
        %dma_start3A_900 = tpu.memref_squeeze %dma_start3A_899 : memref<1x64xf32, #tpu.memory_space<hbm>> -> memref<64xf32, #tpu.memory_space<hbm>>
        tpu.enqueue_dma source(%dma_start3A_900 : memref<64xf32, #tpu.memory_space<hbm>>) target(%dma_start3A_897 : memref<64xf32, #tpu.memory_space<vmem>>) target_semaphore(%arg14 : memref<!tpu.dma_semaphore, #tpu.memory_space<semaphore_mem>>)
        %slice3A_901 = vector.extract_strided_slice %get3A_513 {offsets = [12], sizes = [1], strides = [1]} : vector<16xi32> to vector<1xi32>
        %squeeze3A_902 = vector.extract %slice3A_901[0] : i32 from vector<1xi32>
        %add3A_903 = arith.constant 12 : i32
        %add3A_904 = arith.addi %mul3A_510, %add3A_903 : i32
        %dma_start3A_905 = arith.constant 0 : i32
        %dma_start3A_906 = tpu.memref_slice %arg9[%add3A_904, %dma_start3A_905] : memref<256x64xf32, #tpu.memory_space<vmem>> -> memref<1x64xf32, #tpu.memory_space<vmem>>
        %dma_start3A_907 = tpu.memref_squeeze %dma_start3A_906 : memref<1x64xf32, #tpu.memory_space<vmem>> -> memref<64xf32, #tpu.memory_space<vmem>>
        %dma_start3A_908 = arith.constant 0 : i32
        %dma_start3A_909 = tpu.memref_slice %arg4[%squeeze3A_902, %dma_start3A_908] : memref<100000x64xf32, #tpu.memory_space<hbm>> -> memref<1x64xf32, #tpu.memory_space<hbm>>
        %dma_start3A_910 = tpu.memref_squeeze %dma_start3A_909 : memref<1x64xf32, #tpu.memory_space<hbm>> -> memref<64xf32, #tpu.memory_space<hbm>>
        %dma_start3A_911 = arith.constant 0 : i32
        %dma_start3A_912 = tpu.memref_slice %arg9[%add3A_904, %dma_start3A_911] : memref<256x64xf32, #tpu.memory_space<vmem>> -> memref<1x64xf32, #tpu.memory_space<vmem>>
        %dma_start3A_913 = tpu.memref_squeeze %dma_start3A_912 : memref<1x64xf32, #tpu.memory_space<vmem>> -> memref<64xf32, #tpu.memory_space<vmem>>
        %dma_start3A_914 = arith.constant 0 : i32
        %dma_start3A_915 = tpu.memref_slice %arg4[%squeeze3A_902, %dma_start3A_914] : memref<100000x64xf32, #tpu.memory_space<hbm>> -> memref<1x64xf32, #tpu.memory_space<hbm>>
        %dma_start3A_916 = tpu.memref_squeeze %dma_start3A_915 : memref<1x64xf32, #tpu.memory_space<hbm>> -> memref<64xf32, #tpu.memory_space<hbm>>
        tpu.enqueue_dma source(%dma_start3A_916 : memref<64xf32, #tpu.memory_space<hbm>>) target(%dma_start3A_913 : memref<64xf32, #tpu.memory_space<vmem>>) target_semaphore(%arg14 : memref<!tpu.dma_semaphore, #tpu.memory_space<semaphore_mem>>)
        %slice3A_917 = vector.extract_strided_slice %get3A_516 {offsets = [12], sizes = [1], strides = [1]} : vector<16xi32> to vector<1xi32>
        %squeeze3A_918 = vector.extract %slice3A_917[0] : i32 from vector<1xi32>
        %add3A_919 = arith.constant 12 : i32
        %add3A_920 = arith.addi %mul3A_510, %add3A_919 : i32
        %dma_start3A_921 = arith.constant 0 : i32
        %dma_start3A_922 = tpu.memref_slice %arg10[%add3A_920, %dma_start3A_921] : memref<256x64xf32, #tpu.memory_space<vmem>> -> memref<1x64xf32, #tpu.memory_space<vmem>>
        %dma_start3A_923 = tpu.memref_squeeze %dma_start3A_922 : memref<1x64xf32, #tpu.memory_space<vmem>> -> memref<64xf32, #tpu.memory_space<vmem>>
        %dma_start3A_924 = arith.constant 0 : i32
        %dma_start3A_925 = tpu.memref_slice %arg5[%squeeze3A_918, %dma_start3A_924] : memref<100000x64xf32, #tpu.memory_space<hbm>> -> memref<1x64xf32, #tpu.memory_space<hbm>>
        %dma_start3A_926 = tpu.memref_squeeze %dma_start3A_925 : memref<1x64xf32, #tpu.memory_space<hbm>> -> memref<64xf32, #tpu.memory_space<hbm>>
        %dma_start3A_927 = arith.constant 0 : i32
        %dma_start3A_928 = tpu.memref_slice %arg10[%add3A_920, %dma_start3A_927] : memref<256x64xf32, #tpu.memory_space<vmem>> -> memref<1x64xf32, #tpu.memory_space<vmem>>
        %dma_start3A_929 = tpu.memref_squeeze %dma_start3A_928 : memref<1x64xf32, #tpu.memory_space<vmem>> -> memref<64xf32, #tpu.memory_space<vmem>>
        %dma_start3A_930 = arith.constant 0 : i32
        %dma_start3A_931 = tpu.memref_slice %arg5[%squeeze3A_918, %dma_start3A_930] : memref<100000x64xf32, #tpu.memory_space<hbm>> -> memref<1x64xf32, #tpu.memory_space<hbm>>
        %dma_start3A_932 = tpu.memref_squeeze %dma_start3A_931 : memref<1x64xf32, #tpu.memory_space<hbm>> -> memref<64xf32, #tpu.memory_space<hbm>>
        tpu.enqueue_dma source(%dma_start3A_932 : memref<64xf32, #tpu.memory_space<hbm>>) target(%dma_start3A_929 : memref<64xf32, #tpu.memory_space<vmem>>) target_semaphore(%arg14 : memref<!tpu.dma_semaphore, #tpu.memory_space<semaphore_mem>>)
        %slice3A_933 = vector.extract_strided_slice %get3A_513 {offsets = [13], sizes = [1], strides = [1]} : vector<16xi32> to vector<1xi32>
        %squeeze3A_934 = vector.extract %slice3A_933[0] : i32 from vector<1xi32>
        %add3A_935 = arith.constant 13 : i32
        %add3A_936 = arith.addi %mul3A_510, %add3A_935 : i32
        %dma_start3A_937 = arith.constant 0 : i32
        %dma_start3A_938 = tpu.memref_slice %arg9[%add3A_936, %dma_start3A_937] : memref<256x64xf32, #tpu.memory_space<vmem>> -> memref<1x64xf32, #tpu.memory_space<vmem>>
        %dma_start3A_939 = tpu.memref_squeeze %dma_start3A_938 : memref<1x64xf32, #tpu.memory_space<vmem>> -> memref<64xf32, #tpu.memory_space<vmem>>
        %dma_start3A_940 = arith.constant 0 : i32
        %dma_start3A_941 = tpu.memref_slice %arg4[%squeeze3A_934, %dma_start3A_940] : memref<100000x64xf32, #tpu.memory_space<hbm>> -> memref<1x64xf32, #tpu.memory_space<hbm>>
        %dma_start3A_942 = tpu.memref_squeeze %dma_start3A_941 : memref<1x64xf32, #tpu.memory_space<hbm>> -> memref<64xf32, #tpu.memory_space<hbm>>
        %dma_start3A_943 = arith.constant 0 : i32
        %dma_start3A_944 = tpu.memref_slice %arg9[%add3A_936, %dma_start3A_943] : memref<256x64xf32, #tpu.memory_space<vmem>> -> memref<1x64xf32, #tpu.memory_space<vmem>>
        %dma_start3A_945 = tpu.memref_squeeze %dma_start3A_944 : memref<1x64xf32, #tpu.memory_space<vmem>> -> memref<64xf32, #tpu.memory_space<vmem>>
        %dma_start3A_946 = arith.constant 0 : i32
        %dma_start3A_947 = tpu.memref_slice %arg4[%squeeze3A_934, %dma_start3A_946] : memref<100000x64xf32, #tpu.memory_space<hbm>> -> memref<1x64xf32, #tpu.memory_space<hbm>>
        %dma_start3A_948 = tpu.memref_squeeze %dma_start3A_947 : memref<1x64xf32, #tpu.memory_space<hbm>> -> memref<64xf32, #tpu.memory_space<hbm>>
        tpu.enqueue_dma source(%dma_start3A_948 : memref<64xf32, #tpu.memory_space<hbm>>) target(%dma_start3A_945 : memref<64xf32, #tpu.memory_space<vmem>>) target_semaphore(%arg14 : memref<!tpu.dma_semaphore, #tpu.memory_space<semaphore_mem>>)
        %slice3A_949 = vector.extract_strided_slice %get3A_516 {offsets = [13], sizes = [1], strides = [1]} : vector<16xi32> to vector<1xi32>
        %squeeze3A_950 = vector.extract %slice3A_949[0] : i32 from vector<1xi32>
        %add3A_951 = arith.constant 13 : i32
        %add3A_952 = arith.addi %mul3A_510, %add3A_951 : i32
        %dma_start3A_953 = arith.constant 0 : i32
        %dma_start3A_954 = tpu.memref_slice %arg10[%add3A_952, %dma_start3A_953] : memref<256x64xf32, #tpu.memory_space<vmem>> -> memref<1x64xf32, #tpu.memory_space<vmem>>
        %dma_start3A_955 = tpu.memref_squeeze %dma_start3A_954 : memref<1x64xf32, #tpu.memory_space<vmem>> -> memref<64xf32, #tpu.memory_space<vmem>>
        %dma_start3A_956 = arith.constant 0 : i32
        %dma_start3A_957 = tpu.memref_slice %arg5[%squeeze3A_950, %dma_start3A_956] : memref<100000x64xf32, #tpu.memory_space<hbm>> -> memref<1x64xf32, #tpu.memory_space<hbm>>
        %dma_start3A_958 = tpu.memref_squeeze %dma_start3A_957 : memref<1x64xf32, #tpu.memory_space<hbm>> -> memref<64xf32, #tpu.memory_space<hbm>>
        %dma_start3A_959 = arith.constant 0 : i32
        %dma_start3A_960 = tpu.memref_slice %arg10[%add3A_952, %dma_start3A_959] : memref<256x64xf32, #tpu.memory_space<vmem>> -> memref<1x64xf32, #tpu.memory_space<vmem>>
        %dma_start3A_961 = tpu.memref_squeeze %dma_start3A_960 : memref<1x64xf32, #tpu.memory_space<vmem>> -> memref<64xf32, #tpu.memory_space<vmem>>
        %dma_start3A_962 = arith.constant 0 : i32
        %dma_start3A_963 = tpu.memref_slice %arg5[%squeeze3A_950, %dma_start3A_962] : memref<100000x64xf32, #tpu.memory_space<hbm>> -> memref<1x64xf32, #tpu.memory_space<hbm>>
        %dma_start3A_964 = tpu.memref_squeeze %dma_start3A_963 : memref<1x64xf32, #tpu.memory_space<hbm>> -> memref<64xf32, #tpu.memory_space<hbm>>
        tpu.enqueue_dma source(%dma_start3A_964 : memref<64xf32, #tpu.memory_space<hbm>>) target(%dma_start3A_961 : memref<64xf32, #tpu.memory_space<vmem>>) target_semaphore(%arg14 : memref<!tpu.dma_semaphore, #tpu.memory_space<semaphore_mem>>)
        %slice3A_965 = vector.extract_strided_slice %get3A_513 {offsets = [14], sizes = [1], strides = [1]} : vector<16xi32> to vector<1xi32>
        %squeeze3A_966 = vector.extract %slice3A_965[0] : i32 from vector<1xi32>
        %add3A_967 = arith.constant 14 : i32
        %add3A_968 = arith.addi %mul3A_510, %add3A_967 : i32
        %dma_start3A_969 = arith.constant 0 : i32
        %dma_start3A_970 = tpu.memref_slice %arg9[%add3A_968, %dma_start3A_969] : memref<256x64xf32, #tpu.memory_space<vmem>> -> memref<1x64xf32, #tpu.memory_space<vmem>>
        %dma_start3A_971 = tpu.memref_squeeze %dma_start3A_970 : memref<1x64xf32, #tpu.memory_space<vmem>> -> memref<64xf32, #tpu.memory_space<vmem>>
        %dma_start3A_972 = arith.constant 0 : i32
        %dma_start3A_973 = tpu.memref_slice %arg4[%squeeze3A_966, %dma_start3A_972] : memref<100000x64xf32, #tpu.memory_space<hbm>> -> memref<1x64xf32, #tpu.memory_space<hbm>>
        %dma_start3A_974 = tpu.memref_squeeze %dma_start3A_973 : memref<1x64xf32, #tpu.memory_space<hbm>> -> memref<64xf32, #tpu.memory_space<hbm>>
        %dma_start3A_975 = arith.constant 0 : i32
        %dma_start3A_976 = tpu.memref_slice %arg9[%add3A_968, %dma_start3A_975] : memref<256x64xf32, #tpu.memory_space<vmem>> -> memref<1x64xf32, #tpu.memory_space<vmem>>
        %dma_start3A_977 = tpu.memref_squeeze %dma_start3A_976 : memref<1x64xf32, #tpu.memory_space<vmem>> -> memref<64xf32, #tpu.memory_space<vmem>>
        %dma_start3A_978 = arith.constant 0 : i32
        %dma_start3A_979 = tpu.memref_slice %arg4[%squeeze3A_966, %dma_start3A_978] : memref<100000x64xf32, #tpu.memory_space<hbm>> -> memref<1x64xf32, #tpu.memory_space<hbm>>
        %dma_start3A_980 = tpu.memref_squeeze %dma_start3A_979 : memref<1x64xf32, #tpu.memory_space<hbm>> -> memref<64xf32, #tpu.memory_space<hbm>>
        tpu.enqueue_dma source(%dma_start3A_980 : memref<64xf32, #tpu.memory_space<hbm>>) target(%dma_start3A_977 : memref<64xf32, #tpu.memory_space<vmem>>) target_semaphore(%arg14 : memref<!tpu.dma_semaphore, #tpu.memory_space<semaphore_mem>>)
        %slice3A_981 = vector.extract_strided_slice %get3A_516 {offsets = [14], sizes = [1], strides = [1]} : vector<16xi32> to vector<1xi32>
        %squeeze3A_982 = vector.extract %slice3A_981[0] : i32 from vector<1xi32>
        %add3A_983 = arith.constant 14 : i32
        %add3A_984 = arith.addi %mul3A_510, %add3A_983 : i32
        %dma_start3A_985 = arith.constant 0 : i32
        %dma_start3A_986 = tpu.memref_slice %arg10[%add3A_984, %dma_start3A_985] : memref<256x64xf32, #tpu.memory_space<vmem>> -> memref<1x64xf32, #tpu.memory_space<vmem>>
        %dma_start3A_987 = tpu.memref_squeeze %dma_start3A_986 : memref<1x64xf32, #tpu.memory_space<vmem>> -> memref<64xf32, #tpu.memory_space<vmem>>
        %dma_start3A_988 = arith.constant 0 : i32
        %dma_start3A_989 = tpu.memref_slice %arg5[%squeeze3A_982, %dma_start3A_988] : memref<100000x64xf32, #tpu.memory_space<hbm>> -> memref<1x64xf32, #tpu.memory_space<hbm>>
        %dma_start3A_990 = tpu.memref_squeeze %dma_start3A_989 : memref<1x64xf32, #tpu.memory_space<hbm>> -> memref<64xf32, #tpu.memory_space<hbm>>
        %dma_start3A_991 = arith.constant 0 : i32
        %dma_start3A_992 = tpu.memref_slice %arg10[%add3A_984, %dma_start3A_991] : memref<256x64xf32, #tpu.memory_space<vmem>> -> memref<1x64xf32, #tpu.memory_space<vmem>>
        %dma_start3A_993 = tpu.memref_squeeze %dma_start3A_992 : memref<1x64xf32, #tpu.memory_space<vmem>> -> memref<64xf32, #tpu.memory_space<vmem>>
        %dma_start3A_994 = arith.constant 0 : i32
        %dma_start3A_995 = tpu.memref_slice %arg5[%squeeze3A_982, %dma_start3A_994] : memref<100000x64xf32, #tpu.memory_space<hbm>> -> memref<1x64xf32, #tpu.memory_space<hbm>>
        %dma_start3A_996 = tpu.memref_squeeze %dma_start3A_995 : memref<1x64xf32, #tpu.memory_space<hbm>> -> memref<64xf32, #tpu.memory_space<hbm>>
        tpu.enqueue_dma source(%dma_start3A_996 : memref<64xf32, #tpu.memory_space<hbm>>) target(%dma_start3A_993 : memref<64xf32, #tpu.memory_space<vmem>>) target_semaphore(%arg14 : memref<!tpu.dma_semaphore, #tpu.memory_space<semaphore_mem>>)
        %slice3A_997 = vector.extract_strided_slice %get3A_513 {offsets = [15], sizes = [1], strides = [1]} : vector<16xi32> to vector<1xi32>
        %squeeze3A_998 = vector.extract %slice3A_997[0] : i32 from vector<1xi32>
        %add3A_999 = arith.constant 15 : i32
        %add3A_1000 = arith.addi %mul3A_510, %add3A_999 : i32
        %dma_start3A_1001 = arith.constant 0 : i32
        %dma_start3A_1002 = tpu.memref_slice %arg9[%add3A_1000, %dma_start3A_1001] : memref<256x64xf32, #tpu.memory_space<vmem>> -> memref<1x64xf32, #tpu.memory_space<vmem>>
        %dma_start3A_1003 = tpu.memref_squeeze %dma_start3A_1002 : memref<1x64xf32, #tpu.memory_space<vmem>> -> memref<64xf32, #tpu.memory_space<vmem>>
        %dma_start3A_1004 = arith.constant 0 : i32
        %dma_start3A_1005 = tpu.memref_slice %arg4[%squeeze3A_998, %dma_start3A_1004] : memref<100000x64xf32, #tpu.memory_space<hbm>> -> memref<1x64xf32, #tpu.memory_space<hbm>>
        %dma_start3A_1006 = tpu.memref_squeeze %dma_start3A_1005 : memref<1x64xf32, #tpu.memory_space<hbm>> -> memref<64xf32, #tpu.memory_space<hbm>>
        %dma_start3A_1007 = arith.constant 0 : i32
        %dma_start3A_1008 = tpu.memref_slice %arg9[%add3A_1000, %dma_start3A_1007] : memref<256x64xf32, #tpu.memory_space<vmem>> -> memref<1x64xf32, #tpu.memory_space<vmem>>
        %dma_start3A_1009 = tpu.memref_squeeze %dma_start3A_1008 : memref<1x64xf32, #tpu.memory_space<vmem>> -> memref<64xf32, #tpu.memory_space<vmem>>
        %dma_start3A_1010 = arith.constant 0 : i32
        %dma_start3A_1011 = tpu.memref_slice %arg4[%squeeze3A_998, %dma_start3A_1010] : memref<100000x64xf32, #tpu.memory_space<hbm>> -> memref<1x64xf32, #tpu.memory_space<hbm>>
        %dma_start3A_1012 = tpu.memref_squeeze %dma_start3A_1011 : memref<1x64xf32, #tpu.memory_space<hbm>> -> memref<64xf32, #tpu.memory_space<hbm>>
        tpu.enqueue_dma source(%dma_start3A_1012 : memref<64xf32, #tpu.memory_space<hbm>>) target(%dma_start3A_1009 : memref<64xf32, #tpu.memory_space<vmem>>) target_semaphore(%arg14 : memref<!tpu.dma_semaphore, #tpu.memory_space<semaphore_mem>>)
        %slice3A_1013 = vector.extract_strided_slice %get3A_516 {offsets = [15], sizes = [1], strides = [1]} : vector<16xi32> to vector<1xi32>
        %squeeze3A_1014 = vector.extract %slice3A_1013[0] : i32 from vector<1xi32>
        %add3A_1015 = arith.constant 15 : i32
        %add3A_1016 = arith.addi %mul3A_510, %add3A_1015 : i32
        %dma_start3A_1017 = arith.constant 0 : i32
        %dma_start3A_1018 = tpu.memref_slice %arg10[%add3A_1016, %dma_start3A_1017] : memref<256x64xf32, #tpu.memory_space<vmem>> -> memref<1x64xf32, #tpu.memory_space<vmem>>
        %dma_start3A_1019 = tpu.memref_squeeze %dma_start3A_1018 : memref<1x64xf32, #tpu.memory_space<vmem>> -> memref<64xf32, #tpu.memory_space<vmem>>
        %dma_start3A_1020 = arith.constant 0 : i32
        %dma_start3A_1021 = tpu.memref_slice %arg5[%squeeze3A_1014, %dma_start3A_1020] : memref<100000x64xf32, #tpu.memory_space<hbm>> -> memref<1x64xf32, #tpu.memory_space<hbm>>
        %dma_start3A_1022 = tpu.memref_squeeze %dma_start3A_1021 : memref<1x64xf32, #tpu.memory_space<hbm>> -> memref<64xf32, #tpu.memory_space<hbm>>
        %dma_start3A_1023 = arith.constant 0 : i32
        %dma_start3A_1024 = tpu.memref_slice %arg10[%add3A_1016, %dma_start3A_1023] : memref<256x64xf32, #tpu.memory_space<vmem>> -> memref<1x64xf32, #tpu.memory_space<vmem>>
        %dma_start3A_1025 = tpu.memref_squeeze %dma_start3A_1024 : memref<1x64xf32, #tpu.memory_space<vmem>> -> memref<64xf32, #tpu.memory_space<vmem>>
        %dma_start3A_1026 = arith.constant 0 : i32
        %dma_start3A_1027 = tpu.memref_slice %arg5[%squeeze3A_1014, %dma_start3A_1026] : memref<100000x64xf32, #tpu.memory_space<hbm>> -> memref<1x64xf32, #tpu.memory_space<hbm>>
        %dma_start3A_1028 = tpu.memref_squeeze %dma_start3A_1027 : memref<1x64xf32, #tpu.memory_space<hbm>> -> memref<64xf32, #tpu.memory_space<hbm>>
        tpu.enqueue_dma source(%dma_start3A_1028 : memref<64xf32, #tpu.memory_space<hbm>>) target(%dma_start3A_1025 : memref<64xf32, #tpu.memory_space<vmem>>) target_semaphore(%arg14 : memref<!tpu.dma_semaphore, #tpu.memory_space<semaphore_mem>>)
        %dma_wait3A = arith.constant 0 : i32
        %dma_wait3A_1029 = arith.constant 0 : i32
        %dma_wait3A_1030 = arith.constant 0 : i32
        %dma_wait3A_1031 = tpu.memref_slice %arg9[%dma_wait3A_1029, %dma_wait3A_1030] : memref<256x64xf32, #tpu.memory_space<vmem>> -> memref<1x64xf32, #tpu.memory_space<vmem>>
        %dma_wait3A_1032 = tpu.memref_squeeze %dma_wait3A_1031 : memref<1x64xf32, #tpu.memory_space<vmem>> -> memref<64xf32, #tpu.memory_space<vmem>>
        %dma_wait3A_1033 = arith.constant 0 : i32
        %dma_wait3A_1034 = tpu.memref_slice %arg4[%dma_wait3A, %dma_wait3A_1033] : memref<100000x64xf32, #tpu.memory_space<hbm>> -> memref<1x64xf32, #tpu.memory_space<hbm>>
        %dma_wait3A_1035 = tpu.memref_squeeze %dma_wait3A_1034 : memref<1x64xf32, #tpu.memory_space<hbm>> -> memref<64xf32, #tpu.memory_space<hbm>>
        %dma_wait3A_1036 = arith.constant 0 : i32
        %dma_wait3A_1037 = tpu.memref_slice %arg9[%dma_wait3A_1029, %dma_wait3A_1036] : memref<256x64xf32, #tpu.memory_space<vmem>> -> memref<1x64xf32, #tpu.memory_space<vmem>>
        %dma_wait3A_1038 = tpu.memref_squeeze %dma_wait3A_1037 : memref<1x64xf32, #tpu.memory_space<vmem>> -> memref<64xf32, #tpu.memory_space<vmem>>
        %dma_wait3A_1039 = arith.constant 0 : i32
        %dma_wait3A_1040 = tpu.memref_slice %arg4[%dma_wait3A, %dma_wait3A_1039] : memref<100000x64xf32, #tpu.memory_space<hbm>> -> memref<1x64xf32, #tpu.memory_space<hbm>>
        %dma_wait3A_1041 = tpu.memref_squeeze %dma_wait3A_1040 : memref<1x64xf32, #tpu.memory_space<hbm>> -> memref<64xf32, #tpu.memory_space<hbm>>
        tpu.wait_dma2 semaphore(%arg13 : memref<!tpu.dma_semaphore, #tpu.memory_space<semaphore_mem>>) src(%dma_wait3A_1041 : memref<64xf32, #tpu.memory_space<hbm>>) dst(%dma_wait3A_1038 : memref<64xf32, #tpu.memory_space<vmem>>)
        %dma_wait3A_1042 = arith.constant 0 : i32
        %dma_wait3A_1043 = arith.constant 0 : i32
        %dma_wait3A_1044 = arith.constant 0 : i32
        %dma_wait3A_1045 = tpu.memref_slice %arg10[%dma_wait3A_1043, %dma_wait3A_1044] : memref<256x64xf32, #tpu.memory_space<vmem>> -> memref<1x64xf32, #tpu.memory_space<vmem>>
        %dma_wait3A_1046 = tpu.memref_squeeze %dma_wait3A_1045 : memref<1x64xf32, #tpu.memory_space<vmem>> -> memref<64xf32, #tpu.memory_space<vmem>>
        %dma_wait3A_1047 = arith.constant 0 : i32
        %dma_wait3A_1048 = tpu.memref_slice %arg5[%dma_wait3A_1042, %dma_wait3A_1047] : memref<100000x64xf32, #tpu.memory_space<hbm>> -> memref<1x64xf32, #tpu.memory_space<hbm>>
        %dma_wait3A_1049 = tpu.memref_squeeze %dma_wait3A_1048 : memref<1x64xf32, #tpu.memory_space<hbm>> -> memref<64xf32, #tpu.memory_space<hbm>>
        %dma_wait3A_1050 = arith.constant 0 : i32
        %dma_wait3A_1051 = tpu.memref_slice %arg10[%dma_wait3A_1043, %dma_wait3A_1050] : memref<256x64xf32, #tpu.memory_space<vmem>> -> memref<1x64xf32, #tpu.memory_space<vmem>>
        %dma_wait3A_1052 = tpu.memref_squeeze %dma_wait3A_1051 : memref<1x64xf32, #tpu.memory_space<vmem>> -> memref<64xf32, #tpu.memory_space<vmem>>
        %dma_wait3A_1053 = arith.constant 0 : i32
        %dma_wait3A_1054 = tpu.memref_slice %arg5[%dma_wait3A_1042, %dma_wait3A_1053] : memref<100000x64xf32, #tpu.memory_space<hbm>> -> memref<1x64xf32, #tpu.memory_space<hbm>>
        %dma_wait3A_1055 = tpu.memref_squeeze %dma_wait3A_1054 : memref<1x64xf32, #tpu.memory_space<hbm>> -> memref<64xf32, #tpu.memory_space<hbm>>
        tpu.wait_dma2 semaphore(%arg13 : memref<!tpu.dma_semaphore, #tpu.memory_space<semaphore_mem>>) src(%dma_wait3A_1055 : memref<64xf32, #tpu.memory_space<hbm>>) dst(%dma_wait3A_1052 : memref<64xf32, #tpu.memory_space<vmem>>)
        %dma_wait3A_1056 = arith.constant 0 : i32
        %dma_wait3A_1057 = arith.constant 1 : i32
        %dma_wait3A_1058 = arith.constant 0 : i32
        %dma_wait3A_1059 = tpu.memref_slice %arg9[%dma_wait3A_1057, %dma_wait3A_1058] : memref<256x64xf32, #tpu.memory_space<vmem>> -> memref<1x64xf32, #tpu.memory_space<vmem>>
        %dma_wait3A_1060 = tpu.memref_squeeze %dma_wait3A_1059 : memref<1x64xf32, #tpu.memory_space<vmem>> -> memref<64xf32, #tpu.memory_space<vmem>>
        %dma_wait3A_1061 = arith.constant 0 : i32
        %dma_wait3A_1062 = tpu.memref_slice %arg4[%dma_wait3A_1056, %dma_wait3A_1061] : memref<100000x64xf32, #tpu.memory_space<hbm>> -> memref<1x64xf32, #tpu.memory_space<hbm>>
        %dma_wait3A_1063 = tpu.memref_squeeze %dma_wait3A_1062 : memref<1x64xf32, #tpu.memory_space<hbm>> -> memref<64xf32, #tpu.memory_space<hbm>>
        %dma_wait3A_1064 = arith.constant 0 : i32
        %dma_wait3A_1065 = tpu.memref_slice %arg9[%dma_wait3A_1057, %dma_wait3A_1064] : memref<256x64xf32, #tpu.memory_space<vmem>> -> memref<1x64xf32, #tpu.memory_space<vmem>>
        %dma_wait3A_1066 = tpu.memref_squeeze %dma_wait3A_1065 : memref<1x64xf32, #tpu.memory_space<vmem>> -> memref<64xf32, #tpu.memory_space<vmem>>
        %dma_wait3A_1067 = arith.constant 0 : i32
        %dma_wait3A_1068 = tpu.memref_slice %arg4[%dma_wait3A_1056, %dma_wait3A_1067] : memref<100000x64xf32, #tpu.memory_space<hbm>> -> memref<1x64xf32, #tpu.memory_space<hbm>>
        %dma_wait3A_1069 = tpu.memref_squeeze %dma_wait3A_1068 : memref<1x64xf32, #tpu.memory_space<hbm>> -> memref<64xf32, #tpu.memory_space<hbm>>
        tpu.wait_dma2 semaphore(%arg13 : memref<!tpu.dma_semaphore, #tpu.memory_space<semaphore_mem>>) src(%dma_wait3A_1069 : memref<64xf32, #tpu.memory_space<hbm>>) dst(%dma_wait3A_1066 : memref<64xf32, #tpu.memory_space<vmem>>)
        %dma_wait3A_1070 = arith.constant 0 : i32
        %dma_wait3A_1071 = arith.constant 1 : i32
        %dma_wait3A_1072 = arith.constant 0 : i32
        %dma_wait3A_1073 = tpu.memref_slice %arg10[%dma_wait3A_1071, %dma_wait3A_1072] : memref<256x64xf32, #tpu.memory_space<vmem>> -> memref<1x64xf32, #tpu.memory_space<vmem>>
        %dma_wait3A_1074 = tpu.memref_squeeze %dma_wait3A_1073 : memref<1x64xf32, #tpu.memory_space<vmem>> -> memref<64xf32, #tpu.memory_space<vmem>>
        %dma_wait3A_1075 = arith.constant 0 : i32
        %dma_wait3A_1076 = tpu.memref_slice %arg5[%dma_wait3A_1070, %dma_wait3A_1075] : memref<100000x64xf32, #tpu.memory_space<hbm>> -> memref<1x64xf32, #tpu.memory_space<hbm>>
        %dma_wait3A_1077 = tpu.memref_squeeze %dma_wait3A_1076 : memref<1x64xf32, #tpu.memory_space<hbm>> -> memref<64xf32, #tpu.memory_space<hbm>>
        %dma_wait3A_1078 = arith.constant 0 : i32
        %dma_wait3A_1079 = tpu.memref_slice %arg10[%dma_wait3A_1071, %dma_wait3A_1078] : memref<256x64xf32, #tpu.memory_space<vmem>> -> memref<1x64xf32, #tpu.memory_space<vmem>>
        %dma_wait3A_1080 = tpu.memref_squeeze %dma_wait3A_1079 : memref<1x64xf32, #tpu.memory_space<vmem>> -> memref<64xf32, #tpu.memory_space<vmem>>
        %dma_wait3A_1081 = arith.constant 0 : i32
        %dma_wait3A_1082 = tpu.memref_slice %arg5[%dma_wait3A_1070, %dma_wait3A_1081] : memref<100000x64xf32, #tpu.memory_space<hbm>> -> memref<1x64xf32, #tpu.memory_space<hbm>>
        %dma_wait3A_1083 = tpu.memref_squeeze %dma_wait3A_1082 : memref<1x64xf32, #tpu.memory_space<hbm>> -> memref<64xf32, #tpu.memory_space<hbm>>
        tpu.wait_dma2 semaphore(%arg13 : memref<!tpu.dma_semaphore, #tpu.memory_space<semaphore_mem>>) src(%dma_wait3A_1083 : memref<64xf32, #tpu.memory_space<hbm>>) dst(%dma_wait3A_1080 : memref<64xf32, #tpu.memory_space<vmem>>)
        %dma_wait3A_1084 = arith.constant 0 : i32
        %dma_wait3A_1085 = arith.constant 2 : i32
        %dma_wait3A_1086 = arith.constant 0 : i32
        %dma_wait3A_1087 = tpu.memref_slice %arg9[%dma_wait3A_1085, %dma_wait3A_1086] : memref<256x64xf32, #tpu.memory_space<vmem>> -> memref<1x64xf32, #tpu.memory_space<vmem>>
        %dma_wait3A_1088 = tpu.memref_squeeze %dma_wait3A_1087 : memref<1x64xf32, #tpu.memory_space<vmem>> -> memref<64xf32, #tpu.memory_space<vmem>>
        %dma_wait3A_1089 = arith.constant 0 : i32
        %dma_wait3A_1090 = tpu.memref_slice %arg4[%dma_wait3A_1084, %dma_wait3A_1089] : memref<100000x64xf32, #tpu.memory_space<hbm>> -> memref<1x64xf32, #tpu.memory_space<hbm>>
        %dma_wait3A_1091 = tpu.memref_squeeze %dma_wait3A_1090 : memref<1x64xf32, #tpu.memory_space<hbm>> -> memref<64xf32, #tpu.memory_space<hbm>>
        %dma_wait3A_1092 = arith.constant 0 : i32
        %dma_wait3A_1093 = tpu.memref_slice %arg9[%dma_wait3A_1085, %dma_wait3A_1092] : memref<256x64xf32, #tpu.memory_space<vmem>> -> memref<1x64xf32, #tpu.memory_space<vmem>>
        %dma_wait3A_1094 = tpu.memref_squeeze %dma_wait3A_1093 : memref<1x64xf32, #tpu.memory_space<vmem>> -> memref<64xf32, #tpu.memory_space<vmem>>
        %dma_wait3A_1095 = arith.constant 0 : i32
        %dma_wait3A_1096 = tpu.memref_slice %arg4[%dma_wait3A_1084, %dma_wait3A_1095] : memref<100000x64xf32, #tpu.memory_space<hbm>> -> memref<1x64xf32, #tpu.memory_space<hbm>>
        %dma_wait3A_1097 = tpu.memref_squeeze %dma_wait3A_1096 : memref<1x64xf32, #tpu.memory_space<hbm>> -> memref<64xf32, #tpu.memory_space<hbm>>
        tpu.wait_dma2 semaphore(%arg13 : memref<!tpu.dma_semaphore, #tpu.memory_space<semaphore_mem>>) src(%dma_wait3A_1097 : memref<64xf32, #tpu.memory_space<hbm>>) dst(%dma_wait3A_1094 : memref<64xf32, #tpu.memory_space<vmem>>)
        %dma_wait3A_1098 = arith.constant 0 : i32
        %dma_wait3A_1099 = arith.constant 2 : i32
        %dma_wait3A_1100 = arith.constant 0 : i32
        %dma_wait3A_1101 = tpu.memref_slice %arg10[%dma_wait3A_1099, %dma_wait3A_1100] : memref<256x64xf32, #tpu.memory_space<vmem>> -> memref<1x64xf32, #tpu.memory_space<vmem>>
        %dma_wait3A_1102 = tpu.memref_squeeze %dma_wait3A_1101 : memref<1x64xf32, #tpu.memory_space<vmem>> -> memref<64xf32, #tpu.memory_space<vmem>>
        %dma_wait3A_1103 = arith.constant 0 : i32
        %dma_wait3A_1104 = tpu.memref_slice %arg5[%dma_wait3A_1098, %dma_wait3A_1103] : memref<100000x64xf32, #tpu.memory_space<hbm>> -> memref<1x64xf32, #tpu.memory_space<hbm>>
        %dma_wait3A_1105 = tpu.memref_squeeze %dma_wait3A_1104 : memref<1x64xf32, #tpu.memory_space<hbm>> -> memref<64xf32, #tpu.memory_space<hbm>>
        %dma_wait3A_1106 = arith.constant 0 : i32
        %dma_wait3A_1107 = tpu.memref_slice %arg10[%dma_wait3A_1099, %dma_wait3A_1106] : memref<256x64xf32, #tpu.memory_space<vmem>> -> memref<1x64xf32, #tpu.memory_space<vmem>>
        %dma_wait3A_1108 = tpu.memref_squeeze %dma_wait3A_1107 : memref<1x64xf32, #tpu.memory_space<vmem>> -> memref<64xf32, #tpu.memory_space<vmem>>
        %dma_wait3A_1109 = arith.constant 0 : i32
        %dma_wait3A_1110 = tpu.memref_slice %arg5[%dma_wait3A_1098, %dma_wait3A_1109] : memref<100000x64xf32, #tpu.memory_space<hbm>> -> memref<1x64xf32, #tpu.memory_space<hbm>>
        %dma_wait3A_1111 = tpu.memref_squeeze %dma_wait3A_1110 : memref<1x64xf32, #tpu.memory_space<hbm>> -> memref<64xf32, #tpu.memory_space<hbm>>
        tpu.wait_dma2 semaphore(%arg13 : memref<!tpu.dma_semaphore, #tpu.memory_space<semaphore_mem>>) src(%dma_wait3A_1111 : memref<64xf32, #tpu.memory_space<hbm>>) dst(%dma_wait3A_1108 : memref<64xf32, #tpu.memory_space<vmem>>)
        %dma_wait3A_1112 = arith.constant 0 : i32
        %dma_wait3A_1113 = arith.constant 3 : i32
        %dma_wait3A_1114 = arith.constant 0 : i32
        %dma_wait3A_1115 = tpu.memref_slice %arg9[%dma_wait3A_1113, %dma_wait3A_1114] : memref<256x64xf32, #tpu.memory_space<vmem>> -> memref<1x64xf32, #tpu.memory_space<vmem>>
        %dma_wait3A_1116 = tpu.memref_squeeze %dma_wait3A_1115 : memref<1x64xf32, #tpu.memory_space<vmem>> -> memref<64xf32, #tpu.memory_space<vmem>>
        %dma_wait3A_1117 = arith.constant 0 : i32
        %dma_wait3A_1118 = tpu.memref_slice %arg4[%dma_wait3A_1112, %dma_wait3A_1117] : memref<100000x64xf32, #tpu.memory_space<hbm>> -> memref<1x64xf32, #tpu.memory_space<hbm>>
        %dma_wait3A_1119 = tpu.memref_squeeze %dma_wait3A_1118 : memref<1x64xf32, #tpu.memory_space<hbm>> -> memref<64xf32, #tpu.memory_space<hbm>>
        %dma_wait3A_1120 = arith.constant 0 : i32
        %dma_wait3A_1121 = tpu.memref_slice %arg9[%dma_wait3A_1113, %dma_wait3A_1120] : memref<256x64xf32, #tpu.memory_space<vmem>> -> memref<1x64xf32, #tpu.memory_space<vmem>>
        %dma_wait3A_1122 = tpu.memref_squeeze %dma_wait3A_1121 : memref<1x64xf32, #tpu.memory_space<vmem>> -> memref<64xf32, #tpu.memory_space<vmem>>
        %dma_wait3A_1123 = arith.constant 0 : i32
        %dma_wait3A_1124 = tpu.memref_slice %arg4[%dma_wait3A_1112, %dma_wait3A_1123] : memref<100000x64xf32, #tpu.memory_space<hbm>> -> memref<1x64xf32, #tpu.memory_space<hbm>>
        %dma_wait3A_1125 = tpu.memref_squeeze %dma_wait3A_1124 : memref<1x64xf32, #tpu.memory_space<hbm>> -> memref<64xf32, #tpu.memory_space<hbm>>
        tpu.wait_dma2 semaphore(%arg13 : memref<!tpu.dma_semaphore, #tpu.memory_space<semaphore_mem>>) src(%dma_wait3A_1125 : memref<64xf32, #tpu.memory_space<hbm>>) dst(%dma_wait3A_1122 : memref<64xf32, #tpu.memory_space<vmem>>)
        %dma_wait3A_1126 = arith.constant 0 : i32
        %dma_wait3A_1127 = arith.constant 3 : i32
        %dma_wait3A_1128 = arith.constant 0 : i32
        %dma_wait3A_1129 = tpu.memref_slice %arg10[%dma_wait3A_1127, %dma_wait3A_1128] : memref<256x64xf32, #tpu.memory_space<vmem>> -> memref<1x64xf32, #tpu.memory_space<vmem>>
        %dma_wait3A_1130 = tpu.memref_squeeze %dma_wait3A_1129 : memref<1x64xf32, #tpu.memory_space<vmem>> -> memref<64xf32, #tpu.memory_space<vmem>>
        %dma_wait3A_1131 = arith.constant 0 : i32
        %dma_wait3A_1132 = tpu.memref_slice %arg5[%dma_wait3A_1126, %dma_wait3A_1131] : memref<100000x64xf32, #tpu.memory_space<hbm>> -> memref<1x64xf32, #tpu.memory_space<hbm>>
        %dma_wait3A_1133 = tpu.memref_squeeze %dma_wait3A_1132 : memref<1x64xf32, #tpu.memory_space<hbm>> -> memref<64xf32, #tpu.memory_space<hbm>>
        %dma_wait3A_1134 = arith.constant 0 : i32
        %dma_wait3A_1135 = tpu.memref_slice %arg10[%dma_wait3A_1127, %dma_wait3A_1134] : memref<256x64xf32, #tpu.memory_space<vmem>> -> memref<1x64xf32, #tpu.memory_space<vmem>>
        %dma_wait3A_1136 = tpu.memref_squeeze %dma_wait3A_1135 : memref<1x64xf32, #tpu.memory_space<vmem>> -> memref<64xf32, #tpu.memory_space<vmem>>
        %dma_wait3A_1137 = arith.constant 0 : i32
        %dma_wait3A_1138 = tpu.memref_slice %arg5[%dma_wait3A_1126, %dma_wait3A_1137] : memref<100000x64xf32, #tpu.memory_space<hbm>> -> memref<1x64xf32, #tpu.memory_space<hbm>>
        %dma_wait3A_1139 = tpu.memref_squeeze %dma_wait3A_1138 : memref<1x64xf32, #tpu.memory_space<hbm>> -> memref<64xf32, #tpu.memory_space<hbm>>
        tpu.wait_dma2 semaphore(%arg13 : memref<!tpu.dma_semaphore, #tpu.memory_space<semaphore_mem>>) src(%dma_wait3A_1139 : memref<64xf32, #tpu.memory_space<hbm>>) dst(%dma_wait3A_1136 : memref<64xf32, #tpu.memory_space<vmem>>)
        %dma_wait3A_1140 = arith.constant 0 : i32
        %dma_wait3A_1141 = arith.constant 4 : i32
        %dma_wait3A_1142 = arith.constant 0 : i32
        %dma_wait3A_1143 = tpu.memref_slice %arg9[%dma_wait3A_1141, %dma_wait3A_1142] : memref<256x64xf32, #tpu.memory_space<vmem>> -> memref<1x64xf32, #tpu.memory_space<vmem>>
        %dma_wait3A_1144 = tpu.memref_squeeze %dma_wait3A_1143 : memref<1x64xf32, #tpu.memory_space<vmem>> -> memref<64xf32, #tpu.memory_space<vmem>>
        %dma_wait3A_1145 = arith.constant 0 : i32
        %dma_wait3A_1146 = tpu.memref_slice %arg4[%dma_wait3A_1140, %dma_wait3A_1145] : memref<100000x64xf32, #tpu.memory_space<hbm>> -> memref<1x64xf32, #tpu.memory_space<hbm>>
        %dma_wait3A_1147 = tpu.memref_squeeze %dma_wait3A_1146 : memref<1x64xf32, #tpu.memory_space<hbm>> -> memref<64xf32, #tpu.memory_space<hbm>>
        %dma_wait3A_1148 = arith.constant 0 : i32
        %dma_wait3A_1149 = tpu.memref_slice %arg9[%dma_wait3A_1141, %dma_wait3A_1148] : memref<256x64xf32, #tpu.memory_space<vmem>> -> memref<1x64xf32, #tpu.memory_space<vmem>>
        %dma_wait3A_1150 = tpu.memref_squeeze %dma_wait3A_1149 : memref<1x64xf32, #tpu.memory_space<vmem>> -> memref<64xf32, #tpu.memory_space<vmem>>
        %dma_wait3A_1151 = arith.constant 0 : i32
        %dma_wait3A_1152 = tpu.memref_slice %arg4[%dma_wait3A_1140, %dma_wait3A_1151] : memref<100000x64xf32, #tpu.memory_space<hbm>> -> memref<1x64xf32, #tpu.memory_space<hbm>>
        %dma_wait3A_1153 = tpu.memref_squeeze %dma_wait3A_1152 : memref<1x64xf32, #tpu.memory_space<hbm>> -> memref<64xf32, #tpu.memory_space<hbm>>
        tpu.wait_dma2 semaphore(%arg13 : memref<!tpu.dma_semaphore, #tpu.memory_space<semaphore_mem>>) src(%dma_wait3A_1153 : memref<64xf32, #tpu.memory_space<hbm>>) dst(%dma_wait3A_1150 : memref<64xf32, #tpu.memory_space<vmem>>)
        %dma_wait3A_1154 = arith.constant 0 : i32
        %dma_wait3A_1155 = arith.constant 4 : i32
        %dma_wait3A_1156 = arith.constant 0 : i32
        %dma_wait3A_1157 = tpu.memref_slice %arg10[%dma_wait3A_1155, %dma_wait3A_1156] : memref<256x64xf32, #tpu.memory_space<vmem>> -> memref<1x64xf32, #tpu.memory_space<vmem>>
        %dma_wait3A_1158 = tpu.memref_squeeze %dma_wait3A_1157 : memref<1x64xf32, #tpu.memory_space<vmem>> -> memref<64xf32, #tpu.memory_space<vmem>>
        %dma_wait3A_1159 = arith.constant 0 : i32
        %dma_wait3A_1160 = tpu.memref_slice %arg5[%dma_wait3A_1154, %dma_wait3A_1159] : memref<100000x64xf32, #tpu.memory_space<hbm>> -> memref<1x64xf32, #tpu.memory_space<hbm>>
        %dma_wait3A_1161 = tpu.memref_squeeze %dma_wait3A_1160 : memref<1x64xf32, #tpu.memory_space<hbm>> -> memref<64xf32, #tpu.memory_space<hbm>>
        %dma_wait3A_1162 = arith.constant 0 : i32
        %dma_wait3A_1163 = tpu.memref_slice %arg10[%dma_wait3A_1155, %dma_wait3A_1162] : memref<256x64xf32, #tpu.memory_space<vmem>> -> memref<1x64xf32, #tpu.memory_space<vmem>>
        %dma_wait3A_1164 = tpu.memref_squeeze %dma_wait3A_1163 : memref<1x64xf32, #tpu.memory_space<vmem>> -> memref<64xf32, #tpu.memory_space<vmem>>
        %dma_wait3A_1165 = arith.constant 0 : i32
        %dma_wait3A_1166 = tpu.memref_slice %arg5[%dma_wait3A_1154, %dma_wait3A_1165] : memref<100000x64xf32, #tpu.memory_space<hbm>> -> memref<1x64xf32, #tpu.memory_space<hbm>>
        %dma_wait3A_1167 = tpu.memref_squeeze %dma_wait3A_1166 : memref<1x64xf32, #tpu.memory_space<hbm>> -> memref<64xf32, #tpu.memory_space<hbm>>
        tpu.wait_dma2 semaphore(%arg13 : memref<!tpu.dma_semaphore, #tpu.memory_space<semaphore_mem>>) src(%dma_wait3A_1167 : memref<64xf32, #tpu.memory_space<hbm>>) dst(%dma_wait3A_1164 : memref<64xf32, #tpu.memory_space<vmem>>)
        %dma_wait3A_1168 = arith.constant 0 : i32
        %dma_wait3A_1169 = arith.constant 5 : i32
        %dma_wait3A_1170 = arith.constant 0 : i32
        %dma_wait3A_1171 = tpu.memref_slice %arg9[%dma_wait3A_1169, %dma_wait3A_1170] : memref<256x64xf32, #tpu.memory_space<vmem>> -> memref<1x64xf32, #tpu.memory_space<vmem>>
        %dma_wait3A_1172 = tpu.memref_squeeze %dma_wait3A_1171 : memref<1x64xf32, #tpu.memory_space<vmem>> -> memref<64xf32, #tpu.memory_space<vmem>>
        %dma_wait3A_1173 = arith.constant 0 : i32
        %dma_wait3A_1174 = tpu.memref_slice %arg4[%dma_wait3A_1168, %dma_wait3A_1173] : memref<100000x64xf32, #tpu.memory_space<hbm>> -> memref<1x64xf32, #tpu.memory_space<hbm>>
        %dma_wait3A_1175 = tpu.memref_squeeze %dma_wait3A_1174 : memref<1x64xf32, #tpu.memory_space<hbm>> -> memref<64xf32, #tpu.memory_space<hbm>>
        %dma_wait3A_1176 = arith.constant 0 : i32
        %dma_wait3A_1177 = tpu.memref_slice %arg9[%dma_wait3A_1169, %dma_wait3A_1176] : memref<256x64xf32, #tpu.memory_space<vmem>> -> memref<1x64xf32, #tpu.memory_space<vmem>>
        %dma_wait3A_1178 = tpu.memref_squeeze %dma_wait3A_1177 : memref<1x64xf32, #tpu.memory_space<vmem>> -> memref<64xf32, #tpu.memory_space<vmem>>
        %dma_wait3A_1179 = arith.constant 0 : i32
        %dma_wait3A_1180 = tpu.memref_slice %arg4[%dma_wait3A_1168, %dma_wait3A_1179] : memref<100000x64xf32, #tpu.memory_space<hbm>> -> memref<1x64xf32, #tpu.memory_space<hbm>>
        %dma_wait3A_1181 = tpu.memref_squeeze %dma_wait3A_1180 : memref<1x64xf32, #tpu.memory_space<hbm>> -> memref<64xf32, #tpu.memory_space<hbm>>
        tpu.wait_dma2 semaphore(%arg13 : memref<!tpu.dma_semaphore, #tpu.memory_space<semaphore_mem>>) src(%dma_wait3A_1181 : memref<64xf32, #tpu.memory_space<hbm>>) dst(%dma_wait3A_1178 : memref<64xf32, #tpu.memory_space<vmem>>)
        %dma_wait3A_1182 = arith.constant 0 : i32
        %dma_wait3A_1183 = arith.constant 5 : i32
        %dma_wait3A_1184 = arith.constant 0 : i32
        %dma_wait3A_1185 = tpu.memref_slice %arg10[%dma_wait3A_1183, %dma_wait3A_1184] : memref<256x64xf32, #tpu.memory_space<vmem>> -> memref<1x64xf32, #tpu.memory_space<vmem>>
        %dma_wait3A_1186 = tpu.memref_squeeze %dma_wait3A_1185 : memref<1x64xf32, #tpu.memory_space<vmem>> -> memref<64xf32, #tpu.memory_space<vmem>>
        %dma_wait3A_1187 = arith.constant 0 : i32
        %dma_wait3A_1188 = tpu.memref_slice %arg5[%dma_wait3A_1182, %dma_wait3A_1187] : memref<100000x64xf32, #tpu.memory_space<hbm>> -> memref<1x64xf32, #tpu.memory_space<hbm>>
        %dma_wait3A_1189 = tpu.memref_squeeze %dma_wait3A_1188 : memref<1x64xf32, #tpu.memory_space<hbm>> -> memref<64xf32, #tpu.memory_space<hbm>>
        %dma_wait3A_1190 = arith.constant 0 : i32
        %dma_wait3A_1191 = tpu.memref_slice %arg10[%dma_wait3A_1183, %dma_wait3A_1190] : memref<256x64xf32, #tpu.memory_space<vmem>> -> memref<1x64xf32, #tpu.memory_space<vmem>>
        %dma_wait3A_1192 = tpu.memref_squeeze %dma_wait3A_1191 : memref<1x64xf32, #tpu.memory_space<vmem>> -> memref<64xf32, #tpu.memory_space<vmem>>
        %dma_wait3A_1193 = arith.constant 0 : i32
        %dma_wait3A_1194 = tpu.memref_slice %arg5[%dma_wait3A_1182, %dma_wait3A_1193] : memref<100000x64xf32, #tpu.memory_space<hbm>> -> memref<1x64xf32, #tpu.memory_space<hbm>>
        %dma_wait3A_1195 = tpu.memref_squeeze %dma_wait3A_1194 : memref<1x64xf32, #tpu.memory_space<hbm>> -> memref<64xf32, #tpu.memory_space<hbm>>
        tpu.wait_dma2 semaphore(%arg13 : memref<!tpu.dma_semaphore, #tpu.memory_space<semaphore_mem>>) src(%dma_wait3A_1195 : memref<64xf32, #tpu.memory_space<hbm>>) dst(%dma_wait3A_1192 : memref<64xf32, #tpu.memory_space<vmem>>)
        %dma_wait3A_1196 = arith.constant 0 : i32
        %dma_wait3A_1197 = arith.constant 6 : i32
        %dma_wait3A_1198 = arith.constant 0 : i32
        %dma_wait3A_1199 = tpu.memref_slice %arg9[%dma_wait3A_1197, %dma_wait3A_1198] : memref<256x64xf32, #tpu.memory_space<vmem>> -> memref<1x64xf32, #tpu.memory_space<vmem>>
        %dma_wait3A_1200 = tpu.memref_squeeze %dma_wait3A_1199 : memref<1x64xf32, #tpu.memory_space<vmem>> -> memref<64xf32, #tpu.memory_space<vmem>>
        %dma_wait3A_1201 = arith.constant 0 : i32
        %dma_wait3A_1202 = tpu.memref_slice %arg4[%dma_wait3A_1196, %dma_wait3A_1201] : memref<100000x64xf32, #tpu.memory_space<hbm>> -> memref<1x64xf32, #tpu.memory_space<hbm>>
        %dma_wait3A_1203 = tpu.memref_squeeze %dma_wait3A_1202 : memref<1x64xf32, #tpu.memory_space<hbm>> -> memref<64xf32, #tpu.memory_space<hbm>>
        %dma_wait3A_1204 = arith.constant 0 : i32
        %dma_wait3A_1205 = tpu.memref_slice %arg9[%dma_wait3A_1197, %dma_wait3A_1204] : memref<256x64xf32, #tpu.memory_space<vmem>> -> memref<1x64xf32, #tpu.memory_space<vmem>>
        %dma_wait3A_1206 = tpu.memref_squeeze %dma_wait3A_1205 : memref<1x64xf32, #tpu.memory_space<vmem>> -> memref<64xf32, #tpu.memory_space<vmem>>
        %dma_wait3A_1207 = arith.constant 0 : i32
        %dma_wait3A_1208 = tpu.memref_slice %arg4[%dma_wait3A_1196, %dma_wait3A_1207] : memref<100000x64xf32, #tpu.memory_space<hbm>> -> memref<1x64xf32, #tpu.memory_space<hbm>>
        %dma_wait3A_1209 = tpu.memref_squeeze %dma_wait3A_1208 : memref<1x64xf32, #tpu.memory_space<hbm>> -> memref<64xf32, #tpu.memory_space<hbm>>
        tpu.wait_dma2 semaphore(%arg13 : memref<!tpu.dma_semaphore, #tpu.memory_space<semaphore_mem>>) src(%dma_wait3A_1209 : memref<64xf32, #tpu.memory_space<hbm>>) dst(%dma_wait3A_1206 : memref<64xf32, #tpu.memory_space<vmem>>)
        %dma_wait3A_1210 = arith.constant 0 : i32
        %dma_wait3A_1211 = arith.constant 6 : i32
        %dma_wait3A_1212 = arith.constant 0 : i32
        %dma_wait3A_1213 = tpu.memref_slice %arg10[%dma_wait3A_1211, %dma_wait3A_1212] : memref<256x64xf32, #tpu.memory_space<vmem>> -> memref<1x64xf32, #tpu.memory_space<vmem>>
        %dma_wait3A_1214 = tpu.memref_squeeze %dma_wait3A_1213 : memref<1x64xf32, #tpu.memory_space<vmem>> -> memref<64xf32, #tpu.memory_space<vmem>>
        %dma_wait3A_1215 = arith.constant 0 : i32
        %dma_wait3A_1216 = tpu.memref_slice %arg5[%dma_wait3A_1210, %dma_wait3A_1215] : memref<100000x64xf32, #tpu.memory_space<hbm>> -> memref<1x64xf32, #tpu.memory_space<hbm>>
        %dma_wait3A_1217 = tpu.memref_squeeze %dma_wait3A_1216 : memref<1x64xf32, #tpu.memory_space<hbm>> -> memref<64xf32, #tpu.memory_space<hbm>>
        %dma_wait3A_1218 = arith.constant 0 : i32
        %dma_wait3A_1219 = tpu.memref_slice %arg10[%dma_wait3A_1211, %dma_wait3A_1218] : memref<256x64xf32, #tpu.memory_space<vmem>> -> memref<1x64xf32, #tpu.memory_space<vmem>>
        %dma_wait3A_1220 = tpu.memref_squeeze %dma_wait3A_1219 : memref<1x64xf32, #tpu.memory_space<vmem>> -> memref<64xf32, #tpu.memory_space<vmem>>
        %dma_wait3A_1221 = arith.constant 0 : i32
        %dma_wait3A_1222 = tpu.memref_slice %arg5[%dma_wait3A_1210, %dma_wait3A_1221] : memref<100000x64xf32, #tpu.memory_space<hbm>> -> memref<1x64xf32, #tpu.memory_space<hbm>>
        %dma_wait3A_1223 = tpu.memref_squeeze %dma_wait3A_1222 : memref<1x64xf32, #tpu.memory_space<hbm>> -> memref<64xf32, #tpu.memory_space<hbm>>
        tpu.wait_dma2 semaphore(%arg13 : memref<!tpu.dma_semaphore, #tpu.memory_space<semaphore_mem>>) src(%dma_wait3A_1223 : memref<64xf32, #tpu.memory_space<hbm>>) dst(%dma_wait3A_1220 : memref<64xf32, #tpu.memory_space<vmem>>)
        %dma_wait3A_1224 = arith.constant 0 : i32
        %dma_wait3A_1225 = arith.constant 7 : i32
        %dma_wait3A_1226 = arith.constant 0 : i32
        %dma_wait3A_1227 = tpu.memref_slice %arg9[%dma_wait3A_1225, %dma_wait3A_1226] : memref<256x64xf32, #tpu.memory_space<vmem>> -> memref<1x64xf32, #tpu.memory_space<vmem>>
        %dma_wait3A_1228 = tpu.memref_squeeze %dma_wait3A_1227 : memref<1x64xf32, #tpu.memory_space<vmem>> -> memref<64xf32, #tpu.memory_space<vmem>>
        %dma_wait3A_1229 = arith.constant 0 : i32
        %dma_wait3A_1230 = tpu.memref_slice %arg4[%dma_wait3A_1224, %dma_wait3A_1229] : memref<100000x64xf32, #tpu.memory_space<hbm>> -> memref<1x64xf32, #tpu.memory_space<hbm>>
        %dma_wait3A_1231 = tpu.memref_squeeze %dma_wait3A_1230 : memref<1x64xf32, #tpu.memory_space<hbm>> -> memref<64xf32, #tpu.memory_space<hbm>>
        %dma_wait3A_1232 = arith.constant 0 : i32
        %dma_wait3A_1233 = tpu.memref_slice %arg9[%dma_wait3A_1225, %dma_wait3A_1232] : memref<256x64xf32, #tpu.memory_space<vmem>> -> memref<1x64xf32, #tpu.memory_space<vmem>>
        %dma_wait3A_1234 = tpu.memref_squeeze %dma_wait3A_1233 : memref<1x64xf32, #tpu.memory_space<vmem>> -> memref<64xf32, #tpu.memory_space<vmem>>
        %dma_wait3A_1235 = arith.constant 0 : i32
        %dma_wait3A_1236 = tpu.memref_slice %arg4[%dma_wait3A_1224, %dma_wait3A_1235] : memref<100000x64xf32, #tpu.memory_space<hbm>> -> memref<1x64xf32, #tpu.memory_space<hbm>>
        %dma_wait3A_1237 = tpu.memref_squeeze %dma_wait3A_1236 : memref<1x64xf32, #tpu.memory_space<hbm>> -> memref<64xf32, #tpu.memory_space<hbm>>
        tpu.wait_dma2 semaphore(%arg13 : memref<!tpu.dma_semaphore, #tpu.memory_space<semaphore_mem>>) src(%dma_wait3A_1237 : memref<64xf32, #tpu.memory_space<hbm>>) dst(%dma_wait3A_1234 : memref<64xf32, #tpu.memory_space<vmem>>)
        %dma_wait3A_1238 = arith.constant 0 : i32
        %dma_wait3A_1239 = arith.constant 7 : i32
        %dma_wait3A_1240 = arith.constant 0 : i32
        %dma_wait3A_1241 = tpu.memref_slice %arg10[%dma_wait3A_1239, %dma_wait3A_1240] : memref<256x64xf32, #tpu.memory_space<vmem>> -> memref<1x64xf32, #tpu.memory_space<vmem>>
        %dma_wait3A_1242 = tpu.memref_squeeze %dma_wait3A_1241 : memref<1x64xf32, #tpu.memory_space<vmem>> -> memref<64xf32, #tpu.memory_space<vmem>>
        %dma_wait3A_1243 = arith.constant 0 : i32
        %dma_wait3A_1244 = tpu.memref_slice %arg5[%dma_wait3A_1238, %dma_wait3A_1243] : memref<100000x64xf32, #tpu.memory_space<hbm>> -> memref<1x64xf32, #tpu.memory_space<hbm>>
        %dma_wait3A_1245 = tpu.memref_squeeze %dma_wait3A_1244 : memref<1x64xf32, #tpu.memory_space<hbm>> -> memref<64xf32, #tpu.memory_space<hbm>>
        %dma_wait3A_1246 = arith.constant 0 : i32
        %dma_wait3A_1247 = tpu.memref_slice %arg10[%dma_wait3A_1239, %dma_wait3A_1246] : memref<256x64xf32, #tpu.memory_space<vmem>> -> memref<1x64xf32, #tpu.memory_space<vmem>>
        %dma_wait3A_1248 = tpu.memref_squeeze %dma_wait3A_1247 : memref<1x64xf32, #tpu.memory_space<vmem>> -> memref<64xf32, #tpu.memory_space<vmem>>
        %dma_wait3A_1249 = arith.constant 0 : i32
        %dma_wait3A_1250 = tpu.memref_slice %arg5[%dma_wait3A_1238, %dma_wait3A_1249] : memref<100000x64xf32, #tpu.memory_space<hbm>> -> memref<1x64xf32, #tpu.memory_space<hbm>>
        %dma_wait3A_1251 = tpu.memref_squeeze %dma_wait3A_1250 : memref<1x64xf32, #tpu.memory_space<hbm>> -> memref<64xf32, #tpu.memory_space<hbm>>
        tpu.wait_dma2 semaphore(%arg13 : memref<!tpu.dma_semaphore, #tpu.memory_space<semaphore_mem>>) src(%dma_wait3A_1251 : memref<64xf32, #tpu.memory_space<hbm>>) dst(%dma_wait3A_1248 : memref<64xf32, #tpu.memory_space<vmem>>)
        %dma_wait3A_1252 = arith.constant 0 : i32
        %dma_wait3A_1253 = arith.constant 8 : i32
        %dma_wait3A_1254 = arith.constant 0 : i32
        %dma_wait3A_1255 = tpu.memref_slice %arg9[%dma_wait3A_1253, %dma_wait3A_1254] : memref<256x64xf32, #tpu.memory_space<vmem>> -> memref<1x64xf32, #tpu.memory_space<vmem>>
        %dma_wait3A_1256 = tpu.memref_squeeze %dma_wait3A_1255 : memref<1x64xf32, #tpu.memory_space<vmem>> -> memref<64xf32, #tpu.memory_space<vmem>>
        %dma_wait3A_1257 = arith.constant 0 : i32
        %dma_wait3A_1258 = tpu.memref_slice %arg4[%dma_wait3A_1252, %dma_wait3A_1257] : memref<100000x64xf32, #tpu.memory_space<hbm>> -> memref<1x64xf32, #tpu.memory_space<hbm>>
        %dma_wait3A_1259 = tpu.memref_squeeze %dma_wait3A_1258 : memref<1x64xf32, #tpu.memory_space<hbm>> -> memref<64xf32, #tpu.memory_space<hbm>>
        %dma_wait3A_1260 = arith.constant 0 : i32
        %dma_wait3A_1261 = tpu.memref_slice %arg9[%dma_wait3A_1253, %dma_wait3A_1260] : memref<256x64xf32, #tpu.memory_space<vmem>> -> memref<1x64xf32, #tpu.memory_space<vmem>>
        %dma_wait3A_1262 = tpu.memref_squeeze %dma_wait3A_1261 : memref<1x64xf32, #tpu.memory_space<vmem>> -> memref<64xf32, #tpu.memory_space<vmem>>
        %dma_wait3A_1263 = arith.constant 0 : i32
        %dma_wait3A_1264 = tpu.memref_slice %arg4[%dma_wait3A_1252, %dma_wait3A_1263] : memref<100000x64xf32, #tpu.memory_space<hbm>> -> memref<1x64xf32, #tpu.memory_space<hbm>>
        %dma_wait3A_1265 = tpu.memref_squeeze %dma_wait3A_1264 : memref<1x64xf32, #tpu.memory_space<hbm>> -> memref<64xf32, #tpu.memory_space<hbm>>
        tpu.wait_dma2 semaphore(%arg13 : memref<!tpu.dma_semaphore, #tpu.memory_space<semaphore_mem>>) src(%dma_wait3A_1265 : memref<64xf32, #tpu.memory_space<hbm>>) dst(%dma_wait3A_1262 : memref<64xf32, #tpu.memory_space<vmem>>)
        %dma_wait3A_1266 = arith.constant 0 : i32
        %dma_wait3A_1267 = arith.constant 8 : i32
        %dma_wait3A_1268 = arith.constant 0 : i32
        %dma_wait3A_1269 = tpu.memref_slice %arg10[%dma_wait3A_1267, %dma_wait3A_1268] : memref<256x64xf32, #tpu.memory_space<vmem>> -> memref<1x64xf32, #tpu.memory_space<vmem>>
        %dma_wait3A_1270 = tpu.memref_squeeze %dma_wait3A_1269 : memref<1x64xf32, #tpu.memory_space<vmem>> -> memref<64xf32, #tpu.memory_space<vmem>>
        %dma_wait3A_1271 = arith.constant 0 : i32
        %dma_wait3A_1272 = tpu.memref_slice %arg5[%dma_wait3A_1266, %dma_wait3A_1271] : memref<100000x64xf32, #tpu.memory_space<hbm>> -> memref<1x64xf32, #tpu.memory_space<hbm>>
        %dma_wait3A_1273 = tpu.memref_squeeze %dma_wait3A_1272 : memref<1x64xf32, #tpu.memory_space<hbm>> -> memref<64xf32, #tpu.memory_space<hbm>>
        %dma_wait3A_1274 = arith.constant 0 : i32
        %dma_wait3A_1275 = tpu.memref_slice %arg10[%dma_wait3A_1267, %dma_wait3A_1274] : memref<256x64xf32, #tpu.memory_space<vmem>> -> memref<1x64xf32, #tpu.memory_space<vmem>>
        %dma_wait3A_1276 = tpu.memref_squeeze %dma_wait3A_1275 : memref<1x64xf32, #tpu.memory_space<vmem>> -> memref<64xf32, #tpu.memory_space<vmem>>
        %dma_wait3A_1277 = arith.constant 0 : i32
        %dma_wait3A_1278 = tpu.memref_slice %arg5[%dma_wait3A_1266, %dma_wait3A_1277] : memref<100000x64xf32, #tpu.memory_space<hbm>> -> memref<1x64xf32, #tpu.memory_space<hbm>>
        %dma_wait3A_1279 = tpu.memref_squeeze %dma_wait3A_1278 : memref<1x64xf32, #tpu.memory_space<hbm>> -> memref<64xf32, #tpu.memory_space<hbm>>
        tpu.wait_dma2 semaphore(%arg13 : memref<!tpu.dma_semaphore, #tpu.memory_space<semaphore_mem>>) src(%dma_wait3A_1279 : memref<64xf32, #tpu.memory_space<hbm>>) dst(%dma_wait3A_1276 : memref<64xf32, #tpu.memory_space<vmem>>)
        %dma_wait3A_1280 = arith.constant 0 : i32
        %dma_wait3A_1281 = arith.constant 9 : i32
        %dma_wait3A_1282 = arith.constant 0 : i32
        %dma_wait3A_1283 = tpu.memref_slice %arg9[%dma_wait3A_1281, %dma_wait3A_1282] : memref<256x64xf32, #tpu.memory_space<vmem>> -> memref<1x64xf32, #tpu.memory_space<vmem>>
        %dma_wait3A_1284 = tpu.memref_squeeze %dma_wait3A_1283 : memref<1x64xf32, #tpu.memory_space<vmem>> -> memref<64xf32, #tpu.memory_space<vmem>>
        %dma_wait3A_1285 = arith.constant 0 : i32
        %dma_wait3A_1286 = tpu.memref_slice %arg4[%dma_wait3A_1280, %dma_wait3A_1285] : memref<100000x64xf32, #tpu.memory_space<hbm>> -> memref<1x64xf32, #tpu.memory_space<hbm>>
        %dma_wait3A_1287 = tpu.memref_squeeze %dma_wait3A_1286 : memref<1x64xf32, #tpu.memory_space<hbm>> -> memref<64xf32, #tpu.memory_space<hbm>>
        %dma_wait3A_1288 = arith.constant 0 : i32
        %dma_wait3A_1289 = tpu.memref_slice %arg9[%dma_wait3A_1281, %dma_wait3A_1288] : memref<256x64xf32, #tpu.memory_space<vmem>> -> memref<1x64xf32, #tpu.memory_space<vmem>>
        %dma_wait3A_1290 = tpu.memref_squeeze %dma_wait3A_1289 : memref<1x64xf32, #tpu.memory_space<vmem>> -> memref<64xf32, #tpu.memory_space<vmem>>
        %dma_wait3A_1291 = arith.constant 0 : i32
        %dma_wait3A_1292 = tpu.memref_slice %arg4[%dma_wait3A_1280, %dma_wait3A_1291] : memref<100000x64xf32, #tpu.memory_space<hbm>> -> memref<1x64xf32, #tpu.memory_space<hbm>>
        %dma_wait3A_1293 = tpu.memref_squeeze %dma_wait3A_1292 : memref<1x64xf32, #tpu.memory_space<hbm>> -> memref<64xf32, #tpu.memory_space<hbm>>
        tpu.wait_dma2 semaphore(%arg13 : memref<!tpu.dma_semaphore, #tpu.memory_space<semaphore_mem>>) src(%dma_wait3A_1293 : memref<64xf32, #tpu.memory_space<hbm>>) dst(%dma_wait3A_1290 : memref<64xf32, #tpu.memory_space<vmem>>)
        %dma_wait3A_1294 = arith.constant 0 : i32
        %dma_wait3A_1295 = arith.constant 9 : i32
        %dma_wait3A_1296 = arith.constant 0 : i32
        %dma_wait3A_1297 = tpu.memref_slice %arg10[%dma_wait3A_1295, %dma_wait3A_1296] : memref<256x64xf32, #tpu.memory_space<vmem>> -> memref<1x64xf32, #tpu.memory_space<vmem>>
        %dma_wait3A_1298 = tpu.memref_squeeze %dma_wait3A_1297 : memref<1x64xf32, #tpu.memory_space<vmem>> -> memref<64xf32, #tpu.memory_space<vmem>>
        %dma_wait3A_1299 = arith.constant 0 : i32
        %dma_wait3A_1300 = tpu.memref_slice %arg5[%dma_wait3A_1294, %dma_wait3A_1299] : memref<100000x64xf32, #tpu.memory_space<hbm>> -> memref<1x64xf32, #tpu.memory_space<hbm>>
        %dma_wait3A_1301 = tpu.memref_squeeze %dma_wait3A_1300 : memref<1x64xf32, #tpu.memory_space<hbm>> -> memref<64xf32, #tpu.memory_space<hbm>>
        %dma_wait3A_1302 = arith.constant 0 : i32
        %dma_wait3A_1303 = tpu.memref_slice %arg10[%dma_wait3A_1295, %dma_wait3A_1302] : memref<256x64xf32, #tpu.memory_space<vmem>> -> memref<1x64xf32, #tpu.memory_space<vmem>>
        %dma_wait3A_1304 = tpu.memref_squeeze %dma_wait3A_1303 : memref<1x64xf32, #tpu.memory_space<vmem>> -> memref<64xf32, #tpu.memory_space<vmem>>
        %dma_wait3A_1305 = arith.constant 0 : i32
        %dma_wait3A_1306 = tpu.memref_slice %arg5[%dma_wait3A_1294, %dma_wait3A_1305] : memref<100000x64xf32, #tpu.memory_space<hbm>> -> memref<1x64xf32, #tpu.memory_space<hbm>>
        %dma_wait3A_1307 = tpu.memref_squeeze %dma_wait3A_1306 : memref<1x64xf32, #tpu.memory_space<hbm>> -> memref<64xf32, #tpu.memory_space<hbm>>
        tpu.wait_dma2 semaphore(%arg13 : memref<!tpu.dma_semaphore, #tpu.memory_space<semaphore_mem>>) src(%dma_wait3A_1307 : memref<64xf32, #tpu.memory_space<hbm>>) dst(%dma_wait3A_1304 : memref<64xf32, #tpu.memory_space<vmem>>)
        %dma_wait3A_1308 = arith.constant 0 : i32
        %dma_wait3A_1309 = arith.constant 10 : i32
        %dma_wait3A_1310 = arith.constant 0 : i32
        %dma_wait3A_1311 = tpu.memref_slice %arg9[%dma_wait3A_1309, %dma_wait3A_1310] : memref<256x64xf32, #tpu.memory_space<vmem>> -> memref<1x64xf32, #tpu.memory_space<vmem>>
        %dma_wait3A_1312 = tpu.memref_squeeze %dma_wait3A_1311 : memref<1x64xf32, #tpu.memory_space<vmem>> -> memref<64xf32, #tpu.memory_space<vmem>>
        %dma_wait3A_1313 = arith.constant 0 : i32
        %dma_wait3A_1314 = tpu.memref_slice %arg4[%dma_wait3A_1308, %dma_wait3A_1313] : memref<100000x64xf32, #tpu.memory_space<hbm>> -> memref<1x64xf32, #tpu.memory_space<hbm>>
        %dma_wait3A_1315 = tpu.memref_squeeze %dma_wait3A_1314 : memref<1x64xf32, #tpu.memory_space<hbm>> -> memref<64xf32, #tpu.memory_space<hbm>>
        %dma_wait3A_1316 = arith.constant 0 : i32
        %dma_wait3A_1317 = tpu.memref_slice %arg9[%dma_wait3A_1309, %dma_wait3A_1316] : memref<256x64xf32, #tpu.memory_space<vmem>> -> memref<1x64xf32, #tpu.memory_space<vmem>>
        %dma_wait3A_1318 = tpu.memref_squeeze %dma_wait3A_1317 : memref<1x64xf32, #tpu.memory_space<vmem>> -> memref<64xf32, #tpu.memory_space<vmem>>
        %dma_wait3A_1319 = arith.constant 0 : i32
        %dma_wait3A_1320 = tpu.memref_slice %arg4[%dma_wait3A_1308, %dma_wait3A_1319] : memref<100000x64xf32, #tpu.memory_space<hbm>> -> memref<1x64xf32, #tpu.memory_space<hbm>>
        %dma_wait3A_1321 = tpu.memref_squeeze %dma_wait3A_1320 : memref<1x64xf32, #tpu.memory_space<hbm>> -> memref<64xf32, #tpu.memory_space<hbm>>
        tpu.wait_dma2 semaphore(%arg13 : memref<!tpu.dma_semaphore, #tpu.memory_space<semaphore_mem>>) src(%dma_wait3A_1321 : memref<64xf32, #tpu.memory_space<hbm>>) dst(%dma_wait3A_1318 : memref<64xf32, #tpu.memory_space<vmem>>)
        %dma_wait3A_1322 = arith.constant 0 : i32
        %dma_wait3A_1323 = arith.constant 10 : i32
        %dma_wait3A_1324 = arith.constant 0 : i32
        %dma_wait3A_1325 = tpu.memref_slice %arg10[%dma_wait3A_1323, %dma_wait3A_1324] : memref<256x64xf32, #tpu.memory_space<vmem>> -> memref<1x64xf32, #tpu.memory_space<vmem>>
        %dma_wait3A_1326 = tpu.memref_squeeze %dma_wait3A_1325 : memref<1x64xf32, #tpu.memory_space<vmem>> -> memref<64xf32, #tpu.memory_space<vmem>>
        %dma_wait3A_1327 = arith.constant 0 : i32
        %dma_wait3A_1328 = tpu.memref_slice %arg5[%dma_wait3A_1322, %dma_wait3A_1327] : memref<100000x64xf32, #tpu.memory_space<hbm>> -> memref<1x64xf32, #tpu.memory_space<hbm>>
        %dma_wait3A_1329 = tpu.memref_squeeze %dma_wait3A_1328 : memref<1x64xf32, #tpu.memory_space<hbm>> -> memref<64xf32, #tpu.memory_space<hbm>>
        %dma_wait3A_1330 = arith.constant 0 : i32
        %dma_wait3A_1331 = tpu.memref_slice %arg10[%dma_wait3A_1323, %dma_wait3A_1330] : memref<256x64xf32, #tpu.memory_space<vmem>> -> memref<1x64xf32, #tpu.memory_space<vmem>>
        %dma_wait3A_1332 = tpu.memref_squeeze %dma_wait3A_1331 : memref<1x64xf32, #tpu.memory_space<vmem>> -> memref<64xf32, #tpu.memory_space<vmem>>
        %dma_wait3A_1333 = arith.constant 0 : i32
        %dma_wait3A_1334 = tpu.memref_slice %arg5[%dma_wait3A_1322, %dma_wait3A_1333] : memref<100000x64xf32, #tpu.memory_space<hbm>> -> memref<1x64xf32, #tpu.memory_space<hbm>>
        %dma_wait3A_1335 = tpu.memref_squeeze %dma_wait3A_1334 : memref<1x64xf32, #tpu.memory_space<hbm>> -> memref<64xf32, #tpu.memory_space<hbm>>
        tpu.wait_dma2 semaphore(%arg13 : memref<!tpu.dma_semaphore, #tpu.memory_space<semaphore_mem>>) src(%dma_wait3A_1335 : memref<64xf32, #tpu.memory_space<hbm>>) dst(%dma_wait3A_1332 : memref<64xf32, #tpu.memory_space<vmem>>)
        %dma_wait3A_1336 = arith.constant 0 : i32
        %dma_wait3A_1337 = arith.constant 11 : i32
        %dma_wait3A_1338 = arith.constant 0 : i32
        %dma_wait3A_1339 = tpu.memref_slice %arg9[%dma_wait3A_1337, %dma_wait3A_1338] : memref<256x64xf32, #tpu.memory_space<vmem>> -> memref<1x64xf32, #tpu.memory_space<vmem>>
        %dma_wait3A_1340 = tpu.memref_squeeze %dma_wait3A_1339 : memref<1x64xf32, #tpu.memory_space<vmem>> -> memref<64xf32, #tpu.memory_space<vmem>>
        %dma_wait3A_1341 = arith.constant 0 : i32
        %dma_wait3A_1342 = tpu.memref_slice %arg4[%dma_wait3A_1336, %dma_wait3A_1341] : memref<100000x64xf32, #tpu.memory_space<hbm>> -> memref<1x64xf32, #tpu.memory_space<hbm>>
        %dma_wait3A_1343 = tpu.memref_squeeze %dma_wait3A_1342 : memref<1x64xf32, #tpu.memory_space<hbm>> -> memref<64xf32, #tpu.memory_space<hbm>>
        %dma_wait3A_1344 = arith.constant 0 : i32
        %dma_wait3A_1345 = tpu.memref_slice %arg9[%dma_wait3A_1337, %dma_wait3A_1344] : memref<256x64xf32, #tpu.memory_space<vmem>> -> memref<1x64xf32, #tpu.memory_space<vmem>>
        %dma_wait3A_1346 = tpu.memref_squeeze %dma_wait3A_1345 : memref<1x64xf32, #tpu.memory_space<vmem>> -> memref<64xf32, #tpu.memory_space<vmem>>
        %dma_wait3A_1347 = arith.constant 0 : i32
        %dma_wait3A_1348 = tpu.memref_slice %arg4[%dma_wait3A_1336, %dma_wait3A_1347] : memref<100000x64xf32, #tpu.memory_space<hbm>> -> memref<1x64xf32, #tpu.memory_space<hbm>>
        %dma_wait3A_1349 = tpu.memref_squeeze %dma_wait3A_1348 : memref<1x64xf32, #tpu.memory_space<hbm>> -> memref<64xf32, #tpu.memory_space<hbm>>
        tpu.wait_dma2 semaphore(%arg13 : memref<!tpu.dma_semaphore, #tpu.memory_space<semaphore_mem>>) src(%dma_wait3A_1349 : memref<64xf32, #tpu.memory_space<hbm>>) dst(%dma_wait3A_1346 : memref<64xf32, #tpu.memory_space<vmem>>)
        %dma_wait3A_1350 = arith.constant 0 : i32
        %dma_wait3A_1351 = arith.constant 11 : i32
        %dma_wait3A_1352 = arith.constant 0 : i32
        %dma_wait3A_1353 = tpu.memref_slice %arg10[%dma_wait3A_1351, %dma_wait3A_1352] : memref<256x64xf32, #tpu.memory_space<vmem>> -> memref<1x64xf32, #tpu.memory_space<vmem>>
        %dma_wait3A_1354 = tpu.memref_squeeze %dma_wait3A_1353 : memref<1x64xf32, #tpu.memory_space<vmem>> -> memref<64xf32, #tpu.memory_space<vmem>>
        %dma_wait3A_1355 = arith.constant 0 : i32
        %dma_wait3A_1356 = tpu.memref_slice %arg5[%dma_wait3A_1350, %dma_wait3A_1355] : memref<100000x64xf32, #tpu.memory_space<hbm>> -> memref<1x64xf32, #tpu.memory_space<hbm>>
        %dma_wait3A_1357 = tpu.memref_squeeze %dma_wait3A_1356 : memref<1x64xf32, #tpu.memory_space<hbm>> -> memref<64xf32, #tpu.memory_space<hbm>>
        %dma_wait3A_1358 = arith.constant 0 : i32
        %dma_wait3A_1359 = tpu.memref_slice %arg10[%dma_wait3A_1351, %dma_wait3A_1358] : memref<256x64xf32, #tpu.memory_space<vmem>> -> memref<1x64xf32, #tpu.memory_space<vmem>>
        %dma_wait3A_1360 = tpu.memref_squeeze %dma_wait3A_1359 : memref<1x64xf32, #tpu.memory_space<vmem>> -> memref<64xf32, #tpu.memory_space<vmem>>
        %dma_wait3A_1361 = arith.constant 0 : i32
        %dma_wait3A_1362 = tpu.memref_slice %arg5[%dma_wait3A_1350, %dma_wait3A_1361] : memref<100000x64xf32, #tpu.memory_space<hbm>> -> memref<1x64xf32, #tpu.memory_space<hbm>>
        %dma_wait3A_1363 = tpu.memref_squeeze %dma_wait3A_1362 : memref<1x64xf32, #tpu.memory_space<hbm>> -> memref<64xf32, #tpu.memory_space<hbm>>
        tpu.wait_dma2 semaphore(%arg13 : memref<!tpu.dma_semaphore, #tpu.memory_space<semaphore_mem>>) src(%dma_wait3A_1363 : memref<64xf32, #tpu.memory_space<hbm>>) dst(%dma_wait3A_1360 : memref<64xf32, #tpu.memory_space<vmem>>)
        %dma_wait3A_1364 = arith.constant 0 : i32
        %dma_wait3A_1365 = arith.constant 12 : i32
        %dma_wait3A_1366 = arith.constant 0 : i32
        %dma_wait3A_1367 = tpu.memref_slice %arg9[%dma_wait3A_1365, %dma_wait3A_1366] : memref<256x64xf32, #tpu.memory_space<vmem>> -> memref<1x64xf32, #tpu.memory_space<vmem>>
        %dma_wait3A_1368 = tpu.memref_squeeze %dma_wait3A_1367 : memref<1x64xf32, #tpu.memory_space<vmem>> -> memref<64xf32, #tpu.memory_space<vmem>>
        %dma_wait3A_1369 = arith.constant 0 : i32
        %dma_wait3A_1370 = tpu.memref_slice %arg4[%dma_wait3A_1364, %dma_wait3A_1369] : memref<100000x64xf32, #tpu.memory_space<hbm>> -> memref<1x64xf32, #tpu.memory_space<hbm>>
        %dma_wait3A_1371 = tpu.memref_squeeze %dma_wait3A_1370 : memref<1x64xf32, #tpu.memory_space<hbm>> -> memref<64xf32, #tpu.memory_space<hbm>>
        %dma_wait3A_1372 = arith.constant 0 : i32
        %dma_wait3A_1373 = tpu.memref_slice %arg9[%dma_wait3A_1365, %dma_wait3A_1372] : memref<256x64xf32, #tpu.memory_space<vmem>> -> memref<1x64xf32, #tpu.memory_space<vmem>>
        %dma_wait3A_1374 = tpu.memref_squeeze %dma_wait3A_1373 : memref<1x64xf32, #tpu.memory_space<vmem>> -> memref<64xf32, #tpu.memory_space<vmem>>
        %dma_wait3A_1375 = arith.constant 0 : i32
        %dma_wait3A_1376 = tpu.memref_slice %arg4[%dma_wait3A_1364, %dma_wait3A_1375] : memref<100000x64xf32, #tpu.memory_space<hbm>> -> memref<1x64xf32, #tpu.memory_space<hbm>>
        %dma_wait3A_1377 = tpu.memref_squeeze %dma_wait3A_1376 : memref<1x64xf32, #tpu.memory_space<hbm>> -> memref<64xf32, #tpu.memory_space<hbm>>
        tpu.wait_dma2 semaphore(%arg13 : memref<!tpu.dma_semaphore, #tpu.memory_space<semaphore_mem>>) src(%dma_wait3A_1377 : memref<64xf32, #tpu.memory_space<hbm>>) dst(%dma_wait3A_1374 : memref<64xf32, #tpu.memory_space<vmem>>)
        %dma_wait3A_1378 = arith.constant 0 : i32
        %dma_wait3A_1379 = arith.constant 12 : i32
        %dma_wait3A_1380 = arith.constant 0 : i32
        %dma_wait3A_1381 = tpu.memref_slice %arg10[%dma_wait3A_1379, %dma_wait3A_1380] : memref<256x64xf32, #tpu.memory_space<vmem>> -> memref<1x64xf32, #tpu.memory_space<vmem>>
        %dma_wait3A_1382 = tpu.memref_squeeze %dma_wait3A_1381 : memref<1x64xf32, #tpu.memory_space<vmem>> -> memref<64xf32, #tpu.memory_space<vmem>>
        %dma_wait3A_1383 = arith.constant 0 : i32
        %dma_wait3A_1384 = tpu.memref_slice %arg5[%dma_wait3A_1378, %dma_wait3A_1383] : memref<100000x64xf32, #tpu.memory_space<hbm>> -> memref<1x64xf32, #tpu.memory_space<hbm>>
        %dma_wait3A_1385 = tpu.memref_squeeze %dma_wait3A_1384 : memref<1x64xf32, #tpu.memory_space<hbm>> -> memref<64xf32, #tpu.memory_space<hbm>>
        %dma_wait3A_1386 = arith.constant 0 : i32
        %dma_wait3A_1387 = tpu.memref_slice %arg10[%dma_wait3A_1379, %dma_wait3A_1386] : memref<256x64xf32, #tpu.memory_space<vmem>> -> memref<1x64xf32, #tpu.memory_space<vmem>>
        %dma_wait3A_1388 = tpu.memref_squeeze %dma_wait3A_1387 : memref<1x64xf32, #tpu.memory_space<vmem>> -> memref<64xf32, #tpu.memory_space<vmem>>
        %dma_wait3A_1389 = arith.constant 0 : i32
        %dma_wait3A_1390 = tpu.memref_slice %arg5[%dma_wait3A_1378, %dma_wait3A_1389] : memref<100000x64xf32, #tpu.memory_space<hbm>> -> memref<1x64xf32, #tpu.memory_space<hbm>>
        %dma_wait3A_1391 = tpu.memref_squeeze %dma_wait3A_1390 : memref<1x64xf32, #tpu.memory_space<hbm>> -> memref<64xf32, #tpu.memory_space<hbm>>
        tpu.wait_dma2 semaphore(%arg13 : memref<!tpu.dma_semaphore, #tpu.memory_space<semaphore_mem>>) src(%dma_wait3A_1391 : memref<64xf32, #tpu.memory_space<hbm>>) dst(%dma_wait3A_1388 : memref<64xf32, #tpu.memory_space<vmem>>)
        %dma_wait3A_1392 = arith.constant 0 : i32
        %dma_wait3A_1393 = arith.constant 13 : i32
        %dma_wait3A_1394 = arith.constant 0 : i32
        %dma_wait3A_1395 = tpu.memref_slice %arg9[%dma_wait3A_1393, %dma_wait3A_1394] : memref<256x64xf32, #tpu.memory_space<vmem>> -> memref<1x64xf32, #tpu.memory_space<vmem>>
        %dma_wait3A_1396 = tpu.memref_squeeze %dma_wait3A_1395 : memref<1x64xf32, #tpu.memory_space<vmem>> -> memref<64xf32, #tpu.memory_space<vmem>>
        %dma_wait3A_1397 = arith.constant 0 : i32
        %dma_wait3A_1398 = tpu.memref_slice %arg4[%dma_wait3A_1392, %dma_wait3A_1397] : memref<100000x64xf32, #tpu.memory_space<hbm>> -> memref<1x64xf32, #tpu.memory_space<hbm>>
        %dma_wait3A_1399 = tpu.memref_squeeze %dma_wait3A_1398 : memref<1x64xf32, #tpu.memory_space<hbm>> -> memref<64xf32, #tpu.memory_space<hbm>>
        %dma_wait3A_1400 = arith.constant 0 : i32
        %dma_wait3A_1401 = tpu.memref_slice %arg9[%dma_wait3A_1393, %dma_wait3A_1400] : memref<256x64xf32, #tpu.memory_space<vmem>> -> memref<1x64xf32, #tpu.memory_space<vmem>>
        %dma_wait3A_1402 = tpu.memref_squeeze %dma_wait3A_1401 : memref<1x64xf32, #tpu.memory_space<vmem>> -> memref<64xf32, #tpu.memory_space<vmem>>
        %dma_wait3A_1403 = arith.constant 0 : i32
        %dma_wait3A_1404 = tpu.memref_slice %arg4[%dma_wait3A_1392, %dma_wait3A_1403] : memref<100000x64xf32, #tpu.memory_space<hbm>> -> memref<1x64xf32, #tpu.memory_space<hbm>>
        %dma_wait3A_1405 = tpu.memref_squeeze %dma_wait3A_1404 : memref<1x64xf32, #tpu.memory_space<hbm>> -> memref<64xf32, #tpu.memory_space<hbm>>
        tpu.wait_dma2 semaphore(%arg13 : memref<!tpu.dma_semaphore, #tpu.memory_space<semaphore_mem>>) src(%dma_wait3A_1405 : memref<64xf32, #tpu.memory_space<hbm>>) dst(%dma_wait3A_1402 : memref<64xf32, #tpu.memory_space<vmem>>)
        %dma_wait3A_1406 = arith.constant 0 : i32
        %dma_wait3A_1407 = arith.constant 13 : i32
        %dma_wait3A_1408 = arith.constant 0 : i32
        %dma_wait3A_1409 = tpu.memref_slice %arg10[%dma_wait3A_1407, %dma_wait3A_1408] : memref<256x64xf32, #tpu.memory_space<vmem>> -> memref<1x64xf32, #tpu.memory_space<vmem>>
        %dma_wait3A_1410 = tpu.memref_squeeze %dma_wait3A_1409 : memref<1x64xf32, #tpu.memory_space<vmem>> -> memref<64xf32, #tpu.memory_space<vmem>>
        %dma_wait3A_1411 = arith.constant 0 : i32
        %dma_wait3A_1412 = tpu.memref_slice %arg5[%dma_wait3A_1406, %dma_wait3A_1411] : memref<100000x64xf32, #tpu.memory_space<hbm>> -> memref<1x64xf32, #tpu.memory_space<hbm>>
        %dma_wait3A_1413 = tpu.memref_squeeze %dma_wait3A_1412 : memref<1x64xf32, #tpu.memory_space<hbm>> -> memref<64xf32, #tpu.memory_space<hbm>>
        %dma_wait3A_1414 = arith.constant 0 : i32
        %dma_wait3A_1415 = tpu.memref_slice %arg10[%dma_wait3A_1407, %dma_wait3A_1414] : memref<256x64xf32, #tpu.memory_space<vmem>> -> memref<1x64xf32, #tpu.memory_space<vmem>>
        %dma_wait3A_1416 = tpu.memref_squeeze %dma_wait3A_1415 : memref<1x64xf32, #tpu.memory_space<vmem>> -> memref<64xf32, #tpu.memory_space<vmem>>
        %dma_wait3A_1417 = arith.constant 0 : i32
        %dma_wait3A_1418 = tpu.memref_slice %arg5[%dma_wait3A_1406, %dma_wait3A_1417] : memref<100000x64xf32, #tpu.memory_space<hbm>> -> memref<1x64xf32, #tpu.memory_space<hbm>>
        %dma_wait3A_1419 = tpu.memref_squeeze %dma_wait3A_1418 : memref<1x64xf32, #tpu.memory_space<hbm>> -> memref<64xf32, #tpu.memory_space<hbm>>
        tpu.wait_dma2 semaphore(%arg13 : memref<!tpu.dma_semaphore, #tpu.memory_space<semaphore_mem>>) src(%dma_wait3A_1419 : memref<64xf32, #tpu.memory_space<hbm>>) dst(%dma_wait3A_1416 : memref<64xf32, #tpu.memory_space<vmem>>)
        %dma_wait3A_1420 = arith.constant 0 : i32
        %dma_wait3A_1421 = arith.constant 14 : i32
        %dma_wait3A_1422 = arith.constant 0 : i32
        %dma_wait3A_1423 = tpu.memref_slice %arg9[%dma_wait3A_1421, %dma_wait3A_1422] : memref<256x64xf32, #tpu.memory_space<vmem>> -> memref<1x64xf32, #tpu.memory_space<vmem>>
        %dma_wait3A_1424 = tpu.memref_squeeze %dma_wait3A_1423 : memref<1x64xf32, #tpu.memory_space<vmem>> -> memref<64xf32, #tpu.memory_space<vmem>>
        %dma_wait3A_1425 = arith.constant 0 : i32
        %dma_wait3A_1426 = tpu.memref_slice %arg4[%dma_wait3A_1420, %dma_wait3A_1425] : memref<100000x64xf32, #tpu.memory_space<hbm>> -> memref<1x64xf32, #tpu.memory_space<hbm>>
        %dma_wait3A_1427 = tpu.memref_squeeze %dma_wait3A_1426 : memref<1x64xf32, #tpu.memory_space<hbm>> -> memref<64xf32, #tpu.memory_space<hbm>>
        %dma_wait3A_1428 = arith.constant 0 : i32
        %dma_wait3A_1429 = tpu.memref_slice %arg9[%dma_wait3A_1421, %dma_wait3A_1428] : memref<256x64xf32, #tpu.memory_space<vmem>> -> memref<1x64xf32, #tpu.memory_space<vmem>>
        %dma_wait3A_1430 = tpu.memref_squeeze %dma_wait3A_1429 : memref<1x64xf32, #tpu.memory_space<vmem>> -> memref<64xf32, #tpu.memory_space<vmem>>
        %dma_wait3A_1431 = arith.constant 0 : i32
        %dma_wait3A_1432 = tpu.memref_slice %arg4[%dma_wait3A_1420, %dma_wait3A_1431] : memref<100000x64xf32, #tpu.memory_space<hbm>> -> memref<1x64xf32, #tpu.memory_space<hbm>>
        %dma_wait3A_1433 = tpu.memref_squeeze %dma_wait3A_1432 : memref<1x64xf32, #tpu.memory_space<hbm>> -> memref<64xf32, #tpu.memory_space<hbm>>
        tpu.wait_dma2 semaphore(%arg13 : memref<!tpu.dma_semaphore, #tpu.memory_space<semaphore_mem>>) src(%dma_wait3A_1433 : memref<64xf32, #tpu.memory_space<hbm>>) dst(%dma_wait3A_1430 : memref<64xf32, #tpu.memory_space<vmem>>)
        %dma_wait3A_1434 = arith.constant 0 : i32
        %dma_wait3A_1435 = arith.constant 14 : i32
        %dma_wait3A_1436 = arith.constant 0 : i32
        %dma_wait3A_1437 = tpu.memref_slice %arg10[%dma_wait3A_1435, %dma_wait3A_1436] : memref<256x64xf32, #tpu.memory_space<vmem>> -> memref<1x64xf32, #tpu.memory_space<vmem>>
        %dma_wait3A_1438 = tpu.memref_squeeze %dma_wait3A_1437 : memref<1x64xf32, #tpu.memory_space<vmem>> -> memref<64xf32, #tpu.memory_space<vmem>>
        %dma_wait3A_1439 = arith.constant 0 : i32
        %dma_wait3A_1440 = tpu.memref_slice %arg5[%dma_wait3A_1434, %dma_wait3A_1439] : memref<100000x64xf32, #tpu.memory_space<hbm>> -> memref<1x64xf32, #tpu.memory_space<hbm>>
        %dma_wait3A_1441 = tpu.memref_squeeze %dma_wait3A_1440 : memref<1x64xf32, #tpu.memory_space<hbm>> -> memref<64xf32, #tpu.memory_space<hbm>>
        %dma_wait3A_1442 = arith.constant 0 : i32
        %dma_wait3A_1443 = tpu.memref_slice %arg10[%dma_wait3A_1435, %dma_wait3A_1442] : memref<256x64xf32, #tpu.memory_space<vmem>> -> memref<1x64xf32, #tpu.memory_space<vmem>>
        %dma_wait3A_1444 = tpu.memref_squeeze %dma_wait3A_1443 : memref<1x64xf32, #tpu.memory_space<vmem>> -> memref<64xf32, #tpu.memory_space<vmem>>
        %dma_wait3A_1445 = arith.constant 0 : i32
        %dma_wait3A_1446 = tpu.memref_slice %arg5[%dma_wait3A_1434, %dma_wait3A_1445] : memref<100000x64xf32, #tpu.memory_space<hbm>> -> memref<1x64xf32, #tpu.memory_space<hbm>>
        %dma_wait3A_1447 = tpu.memref_squeeze %dma_wait3A_1446 : memref<1x64xf32, #tpu.memory_space<hbm>> -> memref<64xf32, #tpu.memory_space<hbm>>
        tpu.wait_dma2 semaphore(%arg13 : memref<!tpu.dma_semaphore, #tpu.memory_space<semaphore_mem>>) src(%dma_wait3A_1447 : memref<64xf32, #tpu.memory_space<hbm>>) dst(%dma_wait3A_1444 : memref<64xf32, #tpu.memory_space<vmem>>)
        %dma_wait3A_1448 = arith.constant 0 : i32
        %dma_wait3A_1449 = arith.constant 15 : i32
        %dma_wait3A_1450 = arith.constant 0 : i32
        %dma_wait3A_1451 = tpu.memref_slice %arg9[%dma_wait3A_1449, %dma_wait3A_1450] : memref<256x64xf32, #tpu.memory_space<vmem>> -> memref<1x64xf32, #tpu.memory_space<vmem>>
        %dma_wait3A_1452 = tpu.memref_squeeze %dma_wait3A_1451 : memref<1x64xf32, #tpu.memory_space<vmem>> -> memref<64xf32, #tpu.memory_space<vmem>>
        %dma_wait3A_1453 = arith.constant 0 : i32
        %dma_wait3A_1454 = tpu.memref_slice %arg4[%dma_wait3A_1448, %dma_wait3A_1453] : memref<100000x64xf32, #tpu.memory_space<hbm>> -> memref<1x64xf32, #tpu.memory_space<hbm>>
        %dma_wait3A_1455 = tpu.memref_squeeze %dma_wait3A_1454 : memref<1x64xf32, #tpu.memory_space<hbm>> -> memref<64xf32, #tpu.memory_space<hbm>>
        %dma_wait3A_1456 = arith.constant 0 : i32
        %dma_wait3A_1457 = tpu.memref_slice %arg9[%dma_wait3A_1449, %dma_wait3A_1456] : memref<256x64xf32, #tpu.memory_space<vmem>> -> memref<1x64xf32, #tpu.memory_space<vmem>>
        %dma_wait3A_1458 = tpu.memref_squeeze %dma_wait3A_1457 : memref<1x64xf32, #tpu.memory_space<vmem>> -> memref<64xf32, #tpu.memory_space<vmem>>
        %dma_wait3A_1459 = arith.constant 0 : i32
        %dma_wait3A_1460 = tpu.memref_slice %arg4[%dma_wait3A_1448, %dma_wait3A_1459] : memref<100000x64xf32, #tpu.memory_space<hbm>> -> memref<1x64xf32, #tpu.memory_space<hbm>>
        %dma_wait3A_1461 = tpu.memref_squeeze %dma_wait3A_1460 : memref<1x64xf32, #tpu.memory_space<hbm>> -> memref<64xf32, #tpu.memory_space<hbm>>
        tpu.wait_dma2 semaphore(%arg13 : memref<!tpu.dma_semaphore, #tpu.memory_space<semaphore_mem>>) src(%dma_wait3A_1461 : memref<64xf32, #tpu.memory_space<hbm>>) dst(%dma_wait3A_1458 : memref<64xf32, #tpu.memory_space<vmem>>)
        %dma_wait3A_1462 = arith.constant 0 : i32
        %dma_wait3A_1463 = arith.constant 15 : i32
        %dma_wait3A_1464 = arith.constant 0 : i32
        %dma_wait3A_1465 = tpu.memref_slice %arg10[%dma_wait3A_1463, %dma_wait3A_1464] : memref<256x64xf32, #tpu.memory_space<vmem>> -> memref<1x64xf32, #tpu.memory_space<vmem>>
        %dma_wait3A_1466 = tpu.memref_squeeze %dma_wait3A_1465 : memref<1x64xf32, #tpu.memory_space<vmem>> -> memref<64xf32, #tpu.memory_space<vmem>>
        %dma_wait3A_1467 = arith.constant 0 : i32
        %dma_wait3A_1468 = tpu.memref_slice %arg5[%dma_wait3A_1462, %dma_wait3A_1467] : memref<100000x64xf32, #tpu.memory_space<hbm>> -> memref<1x64xf32, #tpu.memory_space<hbm>>
        %dma_wait3A_1469 = tpu.memref_squeeze %dma_wait3A_1468 : memref<1x64xf32, #tpu.memory_space<hbm>> -> memref<64xf32, #tpu.memory_space<hbm>>
        %dma_wait3A_1470 = arith.constant 0 : i32
        %dma_wait3A_1471 = tpu.memref_slice %arg10[%dma_wait3A_1463, %dma_wait3A_1470] : memref<256x64xf32, #tpu.memory_space<vmem>> -> memref<1x64xf32, #tpu.memory_space<vmem>>
        %dma_wait3A_1472 = tpu.memref_squeeze %dma_wait3A_1471 : memref<1x64xf32, #tpu.memory_space<vmem>> -> memref<64xf32, #tpu.memory_space<vmem>>
        %dma_wait3A_1473 = arith.constant 0 : i32
        %dma_wait3A_1474 = tpu.memref_slice %arg5[%dma_wait3A_1462, %dma_wait3A_1473] : memref<100000x64xf32, #tpu.memory_space<hbm>> -> memref<1x64xf32, #tpu.memory_space<hbm>>
        %dma_wait3A_1475 = tpu.memref_squeeze %dma_wait3A_1474 : memref<1x64xf32, #tpu.memory_space<hbm>> -> memref<64xf32, #tpu.memory_space<hbm>>
        tpu.wait_dma2 semaphore(%arg13 : memref<!tpu.dma_semaphore, #tpu.memory_space<semaphore_mem>>) src(%dma_wait3A_1475 : memref<64xf32, #tpu.memory_space<hbm>>) dst(%dma_wait3A_1472 : memref<64xf32, #tpu.memory_space<vmem>>)
        %mul3A_1476 = arith.constant 2 : i32
        %mul3A_1477 = arith.muli %mul3A_1476, %scan3A_504 : i32
        %mul3A_1478 = arith.constant 16 : i32
        %mul3A_1479 = arith.muli %mul3A_1477, %mul3A_1478 : i32
        %add3A_1480 = arith.constant 0 : i32
        %add3A_1481 = arith.addi %mul3A_1479, %add3A_1480 : i32
        %broadcast_in_dim3A = arith.constant 0.000000e+00 : f32
        %broadcast_in_dim3A_1482 = vector.broadcast %broadcast_in_dim3A : f32 to vector<16xf32>
        %get3A_1483 = arith.index_cast %add3A_1481 : i32 to index
        %get3A_1484 = arith.constant 0 : index
        %get3A_1485 = tpu.vector_load %arg9[%get3A_1483, %get3A_1484] {strides = array<i32>} : memref<256x64xf32, #tpu.memory_space<vmem>>, vector<16xf32>,
        %get3A_1486 = arith.index_cast %add3A_1481 : i32 to index
        %get3A_1487 = arith.constant 0 : index
        %get3A_1488 = tpu.vector_load %arg10[%get3A_1486, %get3A_1487] {strides = array<i32>} : memref<256x64xf32, #tpu.memory_space<vmem>>, vector<16xf32>,
        %mul3A_1489 = arith.mulf %get3A_1485, %get3A_1488 : vector<16xf32>
        %add3A_1490 = arith.addf %broadcast_in_dim3A_1482, %mul3A_1489 : vector<16xf32>
        %get3A_1491 = arith.index_cast %add3A_1481 : i32 to index
        %get3A_1492 = arith.constant 16 : index
        %get3A_1493 = tpu.vector_load %arg9[%get3A_1491, %get3A_1492] {strides = array<i32>} : memref<256x64xf32, #tpu.memory_space<vmem>>, vector<16xf32>,
        %get3A_1494 = arith.index_cast %add3A_1481 : i32 to index
        %get3A_1495 = arith.constant 16 : index
        %get3A_1496 = tpu.vector_load %arg10[%get3A_1494, %get3A_1495] {strides = array<i32>} : memref<256x64xf32, #tpu.memory_space<vmem>>, vector<16xf32>,
        %mul3A_1497 = arith.mulf %get3A_1493, %get3A_1496 : vector<16xf32>
        %add3A_1498 = arith.addf %add3A_1490, %mul3A_1497 : vector<16xf32>
        %get3A_1499 = arith.index_cast %add3A_1481 : i32 to index
        %get3A_1500 = arith.constant 32 : index
        %get3A_1501 = tpu.vector_load %arg9[%get3A_1499, %get3A_1500] {strides = array<i32>} : memref<256x64xf32, #tpu.memory_space<vmem>>, vector<16xf32>,
        %get3A_1502 = arith.index_cast %add3A_1481 : i32 to index
        %get3A_1503 = arith.constant 32 : index
        %get3A_1504 = tpu.vector_load %arg10[%get3A_1502, %get3A_1503] {strides = array<i32>} : memref<256x64xf32, #tpu.memory_space<vmem>>, vector<16xf32>,
        %mul3A_1505 = arith.mulf %get3A_1501, %get3A_1504 : vector<16xf32>
        %add3A_1506 = arith.addf %add3A_1498, %mul3A_1505 : vector<16xf32>
        %get3A_1507 = arith.index_cast %add3A_1481 : i32 to index
        %get3A_1508 = arith.constant 48 : index
        %get3A_1509 = tpu.vector_load %arg9[%get3A_1507, %get3A_1508] {strides = array<i32>} : memref<256x64xf32, #tpu.memory_space<vmem>>, vector<16xf32>,
        %get3A_1510 = arith.index_cast %add3A_1481 : i32 to index
        %get3A_1511 = arith.constant 48 : index
        %get3A_1512 = tpu.vector_load %arg10[%get3A_1510, %get3A_1511] {strides = array<i32>} : memref<256x64xf32, #tpu.memory_space<vmem>>, vector<16xf32>,
        %mul3A_1513 = arith.mulf %get3A_1509, %get3A_1512 : vector<16xf32>
        %add3A_1514 = arith.addf %add3A_1506, %mul3A_1513 : vector<16xf32>
        %add3A_1515 = arith.constant 0 : i32
        %add3A_1516 = vector.broadcast %add3A_1515 : i32 to vector<16xi32>
        %add3A_1517 = arith.addi %mul3A_5, %add3A_1516 : vector<16xi32>
        tpu.vector_store_idx %arg11[%add3A_1517], %add3A_1514 : memref<256xf32, #tpu.memory_space<vmem>>[vector<16xi32>], vector<16xf32>,
        %mul3A_1518 = arith.constant 16 : i32
        %mul3A_1519 = arith.muli %mul3A_1477, %mul3A_1518 : i32
        %add3A_1520 = arith.constant 1 : i32
        %add3A_1521 = arith.addi %mul3A_1519, %add3A_1520 : i32
        %broadcast_in_dim3A_1522 = arith.constant 0.000000e+00 : f32
        %broadcast_in_dim3A_1523 = vector.broadcast %broadcast_in_dim3A_1522 : f32 to vector<16xf32>
        %get3A_1524 = arith.index_cast %add3A_1521 : i32 to index
        %get3A_1525 = arith.constant 0 : index
        %get3A_1526 = tpu.vector_load %arg9[%get3A_1524, %get3A_1525] {strides = array<i32>} : memref<256x64xf32, #tpu.memory_space<vmem>>, vector<16xf32>,
        %get3A_1527 = arith.index_cast %add3A_1521 : i32 to index
        %get3A_1528 = arith.constant 0 : index
        %get3A_1529 = tpu.vector_load %arg10[%get3A_1527, %get3A_1528] {strides = array<i32>} : memref<256x64xf32, #tpu.memory_space<vmem>>, vector<16xf32>,
        %mul3A_1530 = arith.mulf %get3A_1526, %get3A_1529 : vector<16xf32>
        %add3A_1531 = arith.addf %broadcast_in_dim3A_1523, %mul3A_1530 : vector<16xf32>
        %get3A_1532 = arith.index_cast %add3A_1521 : i32 to index
        %get3A_1533 = arith.constant 16 : index
        %get3A_1534 = tpu.vector_load %arg9[%get3A_1532, %get3A_1533] {strides = array<i32>} : memref<256x64xf32, #tpu.memory_space<vmem>>, vector<16xf32>,
        %get3A_1535 = arith.index_cast %add3A_1521 : i32 to index
        %get3A_1536 = arith.constant 16 : index
        %get3A_1537 = tpu.vector_load %arg10[%get3A_1535, %get3A_1536] {strides = array<i32>} : memref<256x64xf32, #tpu.memory_space<vmem>>, vector<16xf32>,
        %mul3A_1538 = arith.mulf %get3A_1534, %get3A_1537 : vector<16xf32>
        %add3A_1539 = arith.addf %add3A_1531, %mul3A_1538 : vector<16xf32>
        %get3A_1540 = arith.index_cast %add3A_1521 : i32 to index
        %get3A_1541 = arith.constant 32 : index
        %get3A_1542 = tpu.vector_load %arg9[%get3A_1540, %get3A_1541] {strides = array<i32>} : memref<256x64xf32, #tpu.memory_space<vmem>>, vector<16xf32>,
        %get3A_1543 = arith.index_cast %add3A_1521 : i32 to index
        %get3A_1544 = arith.constant 32 : index
        %get3A_1545 = tpu.vector_load %arg10[%get3A_1543, %get3A_1544] {strides = array<i32>} : memref<256x64xf32, #tpu.memory_space<vmem>>, vector<16xf32>,
        %mul3A_1546 = arith.mulf %get3A_1542, %get3A_1545 : vector<16xf32>
        %add3A_1547 = arith.addf %add3A_1539, %mul3A_1546 : vector<16xf32>
        %get3A_1548 = arith.index_cast %add3A_1521 : i32 to index
        %get3A_1549 = arith.constant 48 : index
        %get3A_1550 = tpu.vector_load %arg9[%get3A_1548, %get3A_1549] {strides = array<i32>} : memref<256x64xf32, #tpu.memory_space<vmem>>, vector<16xf32>,
        %get3A_1551 = arith.index_cast %add3A_1521 : i32 to index
        %get3A_1552 = arith.constant 48 : index
        %get3A_1553 = tpu.vector_load %arg10[%get3A_1551, %get3A_1552] {strides = array<i32>} : memref<256x64xf32, #tpu.memory_space<vmem>>, vector<16xf32>,
        %mul3A_1554 = arith.mulf %get3A_1550, %get3A_1553 : vector<16xf32>
        %add3A_1555 = arith.addf %add3A_1547, %mul3A_1554 : vector<16xf32>
        %add3A_1556 = arith.constant 1 : i32
        %add3A_1557 = vector.broadcast %add3A_1556 : i32 to vector<16xi32>
        %add3A_1558 = arith.addi %mul3A_5, %add3A_1557 : vector<16xi32>
        tpu.vector_store_idx %arg11[%add3A_1558], %add3A_1555 : memref<256xf32, #tpu.memory_space<vmem>>[vector<16xi32>], vector<16xf32>,
        %mul3A_1559 = arith.constant 16 : i32
        %mul3A_1560 = arith.muli %mul3A_1477, %mul3A_1559 : i32
        %add3A_1561 = arith.constant 2 : i32
        %add3A_1562 = arith.addi %mul3A_1560, %add3A_1561 : i32
        %broadcast_in_dim3A_1563 = arith.constant 0.000000e+00 : f32
        %broadcast_in_dim3A_1564 = vector.broadcast %broadcast_in_dim3A_1563 : f32 to vector<16xf32>
        %get3A_1565 = arith.index_cast %add3A_1562 : i32 to index
        %get3A_1566 = arith.constant 0 : index
        %get3A_1567 = tpu.vector_load %arg9[%get3A_1565, %get3A_1566] {strides = array<i32>} : memref<256x64xf32, #tpu.memory_space<vmem>>, vector<16xf32>,
        %get3A_1568 = arith.index_cast %add3A_1562 : i32 to index
        %get3A_1569 = arith.constant 0 : index
        %get3A_1570 = tpu.vector_load %arg10[%get3A_1568, %get3A_1569] {strides = array<i32>} : memref<256x64xf32, #tpu.memory_space<vmem>>, vector<16xf32>,
        %mul3A_1571 = arith.mulf %get3A_1567, %get3A_1570 : vector<16xf32>
        %add3A_1572 = arith.addf %broadcast_in_dim3A_1564, %mul3A_1571 : vector<16xf32>
        %get3A_1573 = arith.index_cast %add3A_1562 : i32 to index
        %get3A_1574 = arith.constant 16 : index
        %get3A_1575 = tpu.vector_load %arg9[%get3A_1573, %get3A_1574] {strides = array<i32>} : memref<256x64xf32, #tpu.memory_space<vmem>>, vector<16xf32>,
        %get3A_1576 = arith.index_cast %add3A_1562 : i32 to index
        %get3A_1577 = arith.constant 16 : index
        %get3A_1578 = tpu.vector_load %arg10[%get3A_1576, %get3A_1577] {strides = array<i32>} : memref<256x64xf32, #tpu.memory_space<vmem>>, vector<16xf32>,
        %mul3A_1579 = arith.mulf %get3A_1575, %get3A_1578 : vector<16xf32>
        %add3A_1580 = arith.addf %add3A_1572, %mul3A_1579 : vector<16xf32>
        %get3A_1581 = arith.index_cast %add3A_1562 : i32 to index
        %get3A_1582 = arith.constant 32 : index
        %get3A_1583 = tpu.vector_load %arg9[%get3A_1581, %get3A_1582] {strides = array<i32>} : memref<256x64xf32, #tpu.memory_space<vmem>>, vector<16xf32>,
        %get3A_1584 = arith.index_cast %add3A_1562 : i32 to index
        %get3A_1585 = arith.constant 32 : index
        %get3A_1586 = tpu.vector_load %arg10[%get3A_1584, %get3A_1585] {strides = array<i32>} : memref<256x64xf32, #tpu.memory_space<vmem>>, vector<16xf32>,
        %mul3A_1587 = arith.mulf %get3A_1583, %get3A_1586 : vector<16xf32>
        %add3A_1588 = arith.addf %add3A_1580, %mul3A_1587 : vector<16xf32>
        %get3A_1589 = arith.index_cast %add3A_1562 : i32 to index
        %get3A_1590 = arith.constant 48 : index
        %get3A_1591 = tpu.vector_load %arg9[%get3A_1589, %get3A_1590] {strides = array<i32>} : memref<256x64xf32, #tpu.memory_space<vmem>>, vector<16xf32>,
        %get3A_1592 = arith.index_cast %add3A_1562 : i32 to index
        %get3A_1593 = arith.constant 48 : index
        %get3A_1594 = tpu.vector_load %arg10[%get3A_1592, %get3A_1593] {strides = array<i32>} : memref<256x64xf32, #tpu.memory_space<vmem>>, vector<16xf32>,
        %mul3A_1595 = arith.mulf %get3A_1591, %get3A_1594 : vector<16xf32>
        %add3A_1596 = arith.addf %add3A_1588, %mul3A_1595 : vector<16xf32>
        %add3A_1597 = arith.constant 2 : i32
        %add3A_1598 = vector.broadcast %add3A_1597 : i32 to vector<16xi32>
        %add3A_1599 = arith.addi %mul3A_5, %add3A_1598 : vector<16xi32>
        tpu.vector_store_idx %arg11[%add3A_1599], %add3A_1596 : memref<256xf32, #tpu.memory_space<vmem>>[vector<16xi32>], vector<16xf32>,
        %mul3A_1600 = arith.constant 16 : i32
        %mul3A_1601 = arith.muli %mul3A_1477, %mul3A_1600 : i32
        %add3A_1602 = arith.constant 3 : i32
        %add3A_1603 = arith.addi %mul3A_1601, %add3A_1602 : i32
        %broadcast_in_dim3A_1604 = arith.constant 0.000000e+00 : f32
        %broadcast_in_dim3A_1605 = vector.broadcast %broadcast_in_dim3A_1604 : f32 to vector<16xf32>
        %get3A_1606 = arith.index_cast %add3A_1603 : i32 to index
        %get3A_1607 = arith.constant 0 : index
        %get3A_1608 = tpu.vector_load %arg9[%get3A_1606, %get3A_1607] {strides = array<i32>} : memref<256x64xf32, #tpu.memory_space<vmem>>, vector<16xf32>,
        %get3A_1609 = arith.index_cast %add3A_1603 : i32 to index
        %get3A_1610 = arith.constant 0 : index
        %get3A_1611 = tpu.vector_load %arg10[%get3A_1609, %get3A_1610] {strides = array<i32>} : memref<256x64xf32, #tpu.memory_space<vmem>>, vector<16xf32>,
        %mul3A_1612 = arith.mulf %get3A_1608, %get3A_1611 : vector<16xf32>
        %add3A_1613 = arith.addf %broadcast_in_dim3A_1605, %mul3A_1612 : vector<16xf32>
        %get3A_1614 = arith.index_cast %add3A_1603 : i32 to index
        %get3A_1615 = arith.constant 16 : index
        %get3A_1616 = tpu.vector_load %arg9[%get3A_1614, %get3A_1615] {strides = array<i32>} : memref<256x64xf32, #tpu.memory_space<vmem>>, vector<16xf32>,
        %get3A_1617 = arith.index_cast %add3A_1603 : i32 to index
        %get3A_1618 = arith.constant 16 : index
        %get3A_1619 = tpu.vector_load %arg10[%get3A_1617, %get3A_1618] {strides = array<i32>} : memref<256x64xf32, #tpu.memory_space<vmem>>, vector<16xf32>,
        %mul3A_1620 = arith.mulf %get3A_1616, %get3A_1619 : vector<16xf32>
        %add3A_1621 = arith.addf %add3A_1613, %mul3A_1620 : vector<16xf32>
        %get3A_1622 = arith.index_cast %add3A_1603 : i32 to index
        %get3A_1623 = arith.constant 32 : index
        %get3A_1624 = tpu.vector_load %arg9[%get3A_1622, %get3A_1623] {strides = array<i32>} : memref<256x64xf32, #tpu.memory_space<vmem>>, vector<16xf32>,
        %get3A_1625 = arith.index_cast %add3A_1603 : i32 to index
        %get3A_1626 = arith.constant 32 : index
        %get3A_1627 = tpu.vector_load %arg10[%get3A_1625, %get3A_1626] {strides = array<i32>} : memref<256x64xf32, #tpu.memory_space<vmem>>, vector<16xf32>,
        %mul3A_1628 = arith.mulf %get3A_1624, %get3A_1627 : vector<16xf32>
        %add3A_1629 = arith.addf %add3A_1621, %mul3A_1628 : vector<16xf32>
        %get3A_1630 = arith.index_cast %add3A_1603 : i32 to index
        %get3A_1631 = arith.constant 48 : index
        %get3A_1632 = tpu.vector_load %arg9[%get3A_1630, %get3A_1631] {strides = array<i32>} : memref<256x64xf32, #tpu.memory_space<vmem>>, vector<16xf32>,
        %get3A_1633 = arith.index_cast %add3A_1603 : i32 to index
        %get3A_1634 = arith.constant 48 : index
        %get3A_1635 = tpu.vector_load %arg10[%get3A_1633, %get3A_1634] {strides = array<i32>} : memref<256x64xf32, #tpu.memory_space<vmem>>, vector<16xf32>,
        %mul3A_1636 = arith.mulf %get3A_1632, %get3A_1635 : vector<16xf32>
        %add3A_1637 = arith.addf %add3A_1629, %mul3A_1636 : vector<16xf32>
        %add3A_1638 = arith.constant 3 : i32
        %add3A_1639 = vector.broadcast %add3A_1638 : i32 to vector<16xi32>
        %add3A_1640 = arith.addi %mul3A_5, %add3A_1639 : vector<16xi32>
        tpu.vector_store_idx %arg11[%add3A_1640], %add3A_1637 : memref<256xf32, #tpu.memory_space<vmem>>[vector<16xi32>], vector<16xf32>,
        %mul3A_1641 = arith.constant 16 : i32
        %mul3A_1642 = arith.muli %mul3A_1477, %mul3A_1641 : i32
        %add3A_1643 = arith.constant 4 : i32
        %add3A_1644 = arith.addi %mul3A_1642, %add3A_1643 : i32
        %broadcast_in_dim3A_1645 = arith.constant 0.000000e+00 : f32
        %broadcast_in_dim3A_1646 = vector.broadcast %broadcast_in_dim3A_1645 : f32 to vector<16xf32>
        %get3A_1647 = arith.index_cast %add3A_1644 : i32 to index
        %get3A_1648 = arith.constant 0 : index
        %get3A_1649 = tpu.vector_load %arg9[%get3A_1647, %get3A_1648] {strides = array<i32>} : memref<256x64xf32, #tpu.memory_space<vmem>>, vector<16xf32>,
        %get3A_1650 = arith.index_cast %add3A_1644 : i32 to index
        %get3A_1651 = arith.constant 0 : index
        %get3A_1652 = tpu.vector_load %arg10[%get3A_1650, %get3A_1651] {strides = array<i32>} : memref<256x64xf32, #tpu.memory_space<vmem>>, vector<16xf32>,
        %mul3A_1653 = arith.mulf %get3A_1649, %get3A_1652 : vector<16xf32>
        %add3A_1654 = arith.addf %broadcast_in_dim3A_1646, %mul3A_1653 : vector<16xf32>
        %get3A_1655 = arith.index_cast %add3A_1644 : i32 to index
        %get3A_1656 = arith.constant 16 : index
        %get3A_1657 = tpu.vector_load %arg9[%get3A_1655, %get3A_1656] {strides = array<i32>} : memref<256x64xf32, #tpu.memory_space<vmem>>, vector<16xf32>,
        %get3A_1658 = arith.index_cast %add3A_1644 : i32 to index
        %get3A_1659 = arith.constant 16 : index
        %get3A_1660 = tpu.vector_load %arg10[%get3A_1658, %get3A_1659] {strides = array<i32>} : memref<256x64xf32, #tpu.memory_space<vmem>>, vector<16xf32>,
        %mul3A_1661 = arith.mulf %get3A_1657, %get3A_1660 : vector<16xf32>
        %add3A_1662 = arith.addf %add3A_1654, %mul3A_1661 : vector<16xf32>
        %get3A_1663 = arith.index_cast %add3A_1644 : i32 to index
        %get3A_1664 = arith.constant 32 : index
        %get3A_1665 = tpu.vector_load %arg9[%get3A_1663, %get3A_1664] {strides = array<i32>} : memref<256x64xf32, #tpu.memory_space<vmem>>, vector<16xf32>,
        %get3A_1666 = arith.index_cast %add3A_1644 : i32 to index
        %get3A_1667 = arith.constant 32 : index
        %get3A_1668 = tpu.vector_load %arg10[%get3A_1666, %get3A_1667] {strides = array<i32>} : memref<256x64xf32, #tpu.memory_space<vmem>>, vector<16xf32>,
        %mul3A_1669 = arith.mulf %get3A_1665, %get3A_1668 : vector<16xf32>
        %add3A_1670 = arith.addf %add3A_1662, %mul3A_1669 : vector<16xf32>
        %get3A_1671 = arith.index_cast %add3A_1644 : i32 to index
        %get3A_1672 = arith.constant 48 : index
        %get3A_1673 = tpu.vector_load %arg9[%get3A_1671, %get3A_1672] {strides = array<i32>} : memref<256x64xf32, #tpu.memory_space<vmem>>, vector<16xf32>,
        %get3A_1674 = arith.index_cast %add3A_1644 : i32 to index
        %get3A_1675 = arith.constant 48 : index
        %get3A_1676 = tpu.vector_load %arg10[%get3A_1674, %get3A_1675] {strides = array<i32>} : memref<256x64xf32, #tpu.memory_space<vmem>>, vector<16xf32>,
        %mul3A_1677 = arith.mulf %get3A_1673, %get3A_1676 : vector<16xf32>
        %add3A_1678 = arith.addf %add3A_1670, %mul3A_1677 : vector<16xf32>
        %add3A_1679 = arith.constant 4 : i32
        %add3A_1680 = vector.broadcast %add3A_1679 : i32 to vector<16xi32>
        %add3A_1681 = arith.addi %mul3A_5, %add3A_1680 : vector<16xi32>
        tpu.vector_store_idx %arg11[%add3A_1681], %add3A_1678 : memref<256xf32, #tpu.memory_space<vmem>>[vector<16xi32>], vector<16xf32>,
        %mul3A_1682 = arith.constant 16 : i32
        %mul3A_1683 = arith.muli %mul3A_1477, %mul3A_1682 : i32
        %add3A_1684 = arith.constant 5 : i32
        %add3A_1685 = arith.addi %mul3A_1683, %add3A_1684 : i32
        %broadcast_in_dim3A_1686 = arith.constant 0.000000e+00 : f32
        %broadcast_in_dim3A_1687 = vector.broadcast %broadcast_in_dim3A_1686 : f32 to vector<16xf32>
        %get3A_1688 = arith.index_cast %add3A_1685 : i32 to index
        %get3A_1689 = arith.constant 0 : index
        %get3A_1690 = tpu.vector_load %arg9[%get3A_1688, %get3A_1689] {strides = array<i32>} : memref<256x64xf32, #tpu.memory_space<vmem>>, vector<16xf32>,
        %get3A_1691 = arith.index_cast %add3A_1685 : i32 to index
        %get3A_1692 = arith.constant 0 : index
        %get3A_1693 = tpu.vector_load %arg10[%get3A_1691, %get3A_1692] {strides = array<i32>} : memref<256x64xf32, #tpu.memory_space<vmem>>, vector<16xf32>,
        %mul3A_1694 = arith.mulf %get3A_1690, %get3A_1693 : vector<16xf32>
        %add3A_1695 = arith.addf %broadcast_in_dim3A_1687, %mul3A_1694 : vector<16xf32>
        %get3A_1696 = arith.index_cast %add3A_1685 : i32 to index
        %get3A_1697 = arith.constant 16 : index
        %get3A_1698 = tpu.vector_load %arg9[%get3A_1696, %get3A_1697] {strides = array<i32>} : memref<256x64xf32, #tpu.memory_space<vmem>>, vector<16xf32>,
        %get3A_1699 = arith.index_cast %add3A_1685 : i32 to index
        %get3A_1700 = arith.constant 16 : index
        %get3A_1701 = tpu.vector_load %arg10[%get3A_1699, %get3A_1700] {strides = array<i32>} : memref<256x64xf32, #tpu.memory_space<vmem>>, vector<16xf32>,
        %mul3A_1702 = arith.mulf %get3A_1698, %get3A_1701 : vector<16xf32>
        %add3A_1703 = arith.addf %add3A_1695, %mul3A_1702 : vector<16xf32>
        %get3A_1704 = arith.index_cast %add3A_1685 : i32 to index
        %get3A_1705 = arith.constant 32 : index
        %get3A_1706 = tpu.vector_load %arg9[%get3A_1704, %get3A_1705] {strides = array<i32>} : memref<256x64xf32, #tpu.memory_space<vmem>>, vector<16xf32>,
        %get3A_1707 = arith.index_cast %add3A_1685 : i32 to index
        %get3A_1708 = arith.constant 32 : index
        %get3A_1709 = tpu.vector_load %arg10[%get3A_1707, %get3A_1708] {strides = array<i32>} : memref<256x64xf32, #tpu.memory_space<vmem>>, vector<16xf32>,
        %mul3A_1710 = arith.mulf %get3A_1706, %get3A_1709 : vector<16xf32>
        %add3A_1711 = arith.addf %add3A_1703, %mul3A_1710 : vector<16xf32>
        %get3A_1712 = arith.index_cast %add3A_1685 : i32 to index
        %get3A_1713 = arith.constant 48 : index
        %get3A_1714 = tpu.vector_load %arg9[%get3A_1712, %get3A_1713] {strides = array<i32>} : memref<256x64xf32, #tpu.memory_space<vmem>>, vector<16xf32>,
        %get3A_1715 = arith.index_cast %add3A_1685 : i32 to index
        %get3A_1716 = arith.constant 48 : index
        %get3A_1717 = tpu.vector_load %arg10[%get3A_1715, %get3A_1716] {strides = array<i32>} : memref<256x64xf32, #tpu.memory_space<vmem>>, vector<16xf32>,
        %mul3A_1718 = arith.mulf %get3A_1714, %get3A_1717 : vector<16xf32>
        %add3A_1719 = arith.addf %add3A_1711, %mul3A_1718 : vector<16xf32>
        %add3A_1720 = arith.constant 5 : i32
        %add3A_1721 = vector.broadcast %add3A_1720 : i32 to vector<16xi32>
        %add3A_1722 = arith.addi %mul3A_5, %add3A_1721 : vector<16xi32>
        tpu.vector_store_idx %arg11[%add3A_1722], %add3A_1719 : memref<256xf32, #tpu.memory_space<vmem>>[vector<16xi32>], vector<16xf32>,
        %mul3A_1723 = arith.constant 16 : i32
        %mul3A_1724 = arith.muli %mul3A_1477, %mul3A_1723 : i32
        %add3A_1725 = arith.constant 6 : i32
        %add3A_1726 = arith.addi %mul3A_1724, %add3A_1725 : i32
        %broadcast_in_dim3A_1727 = arith.constant 0.000000e+00 : f32
        %broadcast_in_dim3A_1728 = vector.broadcast %broadcast_in_dim3A_1727 : f32 to vector<16xf32>
        %get3A_1729 = arith.index_cast %add3A_1726 : i32 to index
        %get3A_1730 = arith.constant 0 : index
        %get3A_1731 = tpu.vector_load %arg9[%get3A_1729, %get3A_1730] {strides = array<i32>} : memref<256x64xf32, #tpu.memory_space<vmem>>, vector<16xf32>,
        %get3A_1732 = arith.index_cast %add3A_1726 : i32 to index
        %get3A_1733 = arith.constant 0 : index
        %get3A_1734 = tpu.vector_load %arg10[%get3A_1732, %get3A_1733] {strides = array<i32>} : memref<256x64xf32, #tpu.memory_space<vmem>>, vector<16xf32>,
        %mul3A_1735 = arith.mulf %get3A_1731, %get3A_1734 : vector<16xf32>
        %add3A_1736 = arith.addf %broadcast_in_dim3A_1728, %mul3A_1735 : vector<16xf32>
        %get3A_1737 = arith.index_cast %add3A_1726 : i32 to index
        %get3A_1738 = arith.constant 16 : index
        %get3A_1739 = tpu.vector_load %arg9[%get3A_1737, %get3A_1738] {strides = array<i32>} : memref<256x64xf32, #tpu.memory_space<vmem>>, vector<16xf32>,
        %get3A_1740 = arith.index_cast %add3A_1726 : i32 to index
        %get3A_1741 = arith.constant 16 : index
        %get3A_1742 = tpu.vector_load %arg10[%get3A_1740, %get3A_1741] {strides = array<i32>} : memref<256x64xf32, #tpu.memory_space<vmem>>, vector<16xf32>,
        %mul3A_1743 = arith.mulf %get3A_1739, %get3A_1742 : vector<16xf32>
        %add3A_1744 = arith.addf %add3A_1736, %mul3A_1743 : vector<16xf32>
        %get3A_1745 = arith.index_cast %add3A_1726 : i32 to index
        %get3A_1746 = arith.constant 32 : index
        %get3A_1747 = tpu.vector_load %arg9[%get3A_1745, %get3A_1746] {strides = array<i32>} : memref<256x64xf32, #tpu.memory_space<vmem>>, vector<16xf32>,
        %get3A_1748 = arith.index_cast %add3A_1726 : i32 to index
        %get3A_1749 = arith.constant 32 : index
        %get3A_1750 = tpu.vector_load %arg10[%get3A_1748, %get3A_1749] {strides = array<i32>} : memref<256x64xf32, #tpu.memory_space<vmem>>, vector<16xf32>,
        %mul3A_1751 = arith.mulf %get3A_1747, %get3A_1750 : vector<16xf32>
        %add3A_1752 = arith.addf %add3A_1744, %mul3A_1751 : vector<16xf32>
        %get3A_1753 = arith.index_cast %add3A_1726 : i32 to index
        %get3A_1754 = arith.constant 48 : index
        %get3A_1755 = tpu.vector_load %arg9[%get3A_1753, %get3A_1754] {strides = array<i32>} : memref<256x64xf32, #tpu.memory_space<vmem>>, vector<16xf32>,
        %get3A_1756 = arith.index_cast %add3A_1726 : i32 to index
        %get3A_1757 = arith.constant 48 : index
        %get3A_1758 = tpu.vector_load %arg10[%get3A_1756, %get3A_1757] {strides = array<i32>} : memref<256x64xf32, #tpu.memory_space<vmem>>, vector<16xf32>,
        %mul3A_1759 = arith.mulf %get3A_1755, %get3A_1758 : vector<16xf32>
        %add3A_1760 = arith.addf %add3A_1752, %mul3A_1759 : vector<16xf32>
        %add3A_1761 = arith.constant 6 : i32
        %add3A_1762 = vector.broadcast %add3A_1761 : i32 to vector<16xi32>
        %add3A_1763 = arith.addi %mul3A_5, %add3A_1762 : vector<16xi32>
        tpu.vector_store_idx %arg11[%add3A_1763], %add3A_1760 : memref<256xf32, #tpu.memory_space<vmem>>[vector<16xi32>], vector<16xf32>,
        %mul3A_1764 = arith.constant 16 : i32
        %mul3A_1765 = arith.muli %mul3A_1477, %mul3A_1764 : i32
        %add3A_1766 = arith.constant 7 : i32
        %add3A_1767 = arith.addi %mul3A_1765, %add3A_1766 : i32
        %broadcast_in_dim3A_1768 = arith.constant 0.000000e+00 : f32
        %broadcast_in_dim3A_1769 = vector.broadcast %broadcast_in_dim3A_1768 : f32 to vector<16xf32>
        %get3A_1770 = arith.index_cast %add3A_1767 : i32 to index
        %get3A_1771 = arith.constant 0 : index
        %get3A_1772 = tpu.vector_load %arg9[%get3A_1770, %get3A_1771] {strides = array<i32>} : memref<256x64xf32, #tpu.memory_space<vmem>>, vector<16xf32>,
        %get3A_1773 = arith.index_cast %add3A_1767 : i32 to index
        %get3A_1774 = arith.constant 0 : index
        %get3A_1775 = tpu.vector_load %arg10[%get3A_1773, %get3A_1774] {strides = array<i32>} : memref<256x64xf32, #tpu.memory_space<vmem>>, vector<16xf32>,
        %mul3A_1776 = arith.mulf %get3A_1772, %get3A_1775 : vector<16xf32>
        %add3A_1777 = arith.addf %broadcast_in_dim3A_1769, %mul3A_1776 : vector<16xf32>
        %get3A_1778 = arith.index_cast %add3A_1767 : i32 to index
        %get3A_1779 = arith.constant 16 : index
        %get3A_1780 = tpu.vector_load %arg9[%get3A_1778, %get3A_1779] {strides = array<i32>} : memref<256x64xf32, #tpu.memory_space<vmem>>, vector<16xf32>,
        %get3A_1781 = arith.index_cast %add3A_1767 : i32 to index
        %get3A_1782 = arith.constant 16 : index
        %get3A_1783 = tpu.vector_load %arg10[%get3A_1781, %get3A_1782] {strides = array<i32>} : memref<256x64xf32, #tpu.memory_space<vmem>>, vector<16xf32>,
        %mul3A_1784 = arith.mulf %get3A_1780, %get3A_1783 : vector<16xf32>
        %add3A_1785 = arith.addf %add3A_1777, %mul3A_1784 : vector<16xf32>
        %get3A_1786 = arith.index_cast %add3A_1767 : i32 to index
        %get3A_1787 = arith.constant 32 : index
        %get3A_1788 = tpu.vector_load %arg9[%get3A_1786, %get3A_1787] {strides = array<i32>} : memref<256x64xf32, #tpu.memory_space<vmem>>, vector<16xf32>,
        %get3A_1789 = arith.index_cast %add3A_1767 : i32 to index
        %get3A_1790 = arith.constant 32 : index
        %get3A_1791 = tpu.vector_load %arg10[%get3A_1789, %get3A_1790] {strides = array<i32>} : memref<256x64xf32, #tpu.memory_space<vmem>>, vector<16xf32>,
        %mul3A_1792 = arith.mulf %get3A_1788, %get3A_1791 : vector<16xf32>
        %add3A_1793 = arith.addf %add3A_1785, %mul3A_1792 : vector<16xf32>
        %get3A_1794 = arith.index_cast %add3A_1767 : i32 to index
        %get3A_1795 = arith.constant 48 : index
        %get3A_1796 = tpu.vector_load %arg9[%get3A_1794, %get3A_1795] {strides = array<i32>} : memref<256x64xf32, #tpu.memory_space<vmem>>, vector<16xf32>,
        %get3A_1797 = arith.index_cast %add3A_1767 : i32 to index
        %get3A_1798 = arith.constant 48 : index
        %get3A_1799 = tpu.vector_load %arg10[%get3A_1797, %get3A_1798] {strides = array<i32>} : memref<256x64xf32, #tpu.memory_space<vmem>>, vector<16xf32>,
        %mul3A_1800 = arith.mulf %get3A_1796, %get3A_1799 : vector<16xf32>
        %add3A_1801 = arith.addf %add3A_1793, %mul3A_1800 : vector<16xf32>
        %add3A_1802 = arith.constant 7 : i32
        %add3A_1803 = vector.broadcast %add3A_1802 : i32 to vector<16xi32>
        %add3A_1804 = arith.addi %mul3A_5, %add3A_1803 : vector<16xi32>
        tpu.vector_store_idx %arg11[%add3A_1804], %add3A_1801 : memref<256xf32, #tpu.memory_space<vmem>>[vector<16xi32>], vector<16xf32>,
        %mul3A_1805 = arith.constant 16 : i32
        %mul3A_1806 = arith.muli %mul3A_1477, %mul3A_1805 : i32
        %add3A_1807 = arith.constant 8 : i32
        %add3A_1808 = arith.addi %mul3A_1806, %add3A_1807 : i32
        %broadcast_in_dim3A_1809 = arith.constant 0.000000e+00 : f32
        %broadcast_in_dim3A_1810 = vector.broadcast %broadcast_in_dim3A_1809 : f32 to vector<16xf32>
        %get3A_1811 = arith.index_cast %add3A_1808 : i32 to index
        %get3A_1812 = arith.constant 0 : index
        %get3A_1813 = tpu.vector_load %arg9[%get3A_1811, %get3A_1812] {strides = array<i32>} : memref<256x64xf32, #tpu.memory_space<vmem>>, vector<16xf32>,
        %get3A_1814 = arith.index_cast %add3A_1808 : i32 to index
        %get3A_1815 = arith.constant 0 : index
        %get3A_1816 = tpu.vector_load %arg10[%get3A_1814, %get3A_1815] {strides = array<i32>} : memref<256x64xf32, #tpu.memory_space<vmem>>, vector<16xf32>,
        %mul3A_1817 = arith.mulf %get3A_1813, %get3A_1816 : vector<16xf32>
        %add3A_1818 = arith.addf %broadcast_in_dim3A_1810, %mul3A_1817 : vector<16xf32>
        %get3A_1819 = arith.index_cast %add3A_1808 : i32 to index
        %get3A_1820 = arith.constant 16 : index
        %get3A_1821 = tpu.vector_load %arg9[%get3A_1819, %get3A_1820] {strides = array<i32>} : memref<256x64xf32, #tpu.memory_space<vmem>>, vector<16xf32>,
        %get3A_1822 = arith.index_cast %add3A_1808 : i32 to index
        %get3A_1823 = arith.constant 16 : index
        %get3A_1824 = tpu.vector_load %arg10[%get3A_1822, %get3A_1823] {strides = array<i32>} : memref<256x64xf32, #tpu.memory_space<vmem>>, vector<16xf32>,
        %mul3A_1825 = arith.mulf %get3A_1821, %get3A_1824 : vector<16xf32>
        %add3A_1826 = arith.addf %add3A_1818, %mul3A_1825 : vector<16xf32>
        %get3A_1827 = arith.index_cast %add3A_1808 : i32 to index
        %get3A_1828 = arith.constant 32 : index
        %get3A_1829 = tpu.vector_load %arg9[%get3A_1827, %get3A_1828] {strides = array<i32>} : memref<256x64xf32, #tpu.memory_space<vmem>>, vector<16xf32>,
        %get3A_1830 = arith.index_cast %add3A_1808 : i32 to index
        %get3A_1831 = arith.constant 32 : index
        %get3A_1832 = tpu.vector_load %arg10[%get3A_1830, %get3A_1831] {strides = array<i32>} : memref<256x64xf32, #tpu.memory_space<vmem>>, vector<16xf32>,
        %mul3A_1833 = arith.mulf %get3A_1829, %get3A_1832 : vector<16xf32>
        %add3A_1834 = arith.addf %add3A_1826, %mul3A_1833 : vector<16xf32>
        %get3A_1835 = arith.index_cast %add3A_1808 : i32 to index
        %get3A_1836 = arith.constant 48 : index
        %get3A_1837 = tpu.vector_load %arg9[%get3A_1835, %get3A_1836] {strides = array<i32>} : memref<256x64xf32, #tpu.memory_space<vmem>>, vector<16xf32>,
        %get3A_1838 = arith.index_cast %add3A_1808 : i32 to index
        %get3A_1839 = arith.constant 48 : index
        %get3A_1840 = tpu.vector_load %arg10[%get3A_1838, %get3A_1839] {strides = array<i32>} : memref<256x64xf32, #tpu.memory_space<vmem>>, vector<16xf32>,
        %mul3A_1841 = arith.mulf %get3A_1837, %get3A_1840 : vector<16xf32>
        %add3A_1842 = arith.addf %add3A_1834, %mul3A_1841 : vector<16xf32>
        %add3A_1843 = arith.constant 8 : i32
        %add3A_1844 = vector.broadcast %add3A_1843 : i32 to vector<16xi32>
        %add3A_1845 = arith.addi %mul3A_5, %add3A_1844 : vector<16xi32>
        tpu.vector_store_idx %arg11[%add3A_1845], %add3A_1842 : memref<256xf32, #tpu.memory_space<vmem>>[vector<16xi32>], vector<16xf32>,
        %mul3A_1846 = arith.constant 16 : i32
        %mul3A_1847 = arith.muli %mul3A_1477, %mul3A_1846 : i32
        %add3A_1848 = arith.constant 9 : i32
        %add3A_1849 = arith.addi %mul3A_1847, %add3A_1848 : i32
        %broadcast_in_dim3A_1850 = arith.constant 0.000000e+00 : f32
        %broadcast_in_dim3A_1851 = vector.broadcast %broadcast_in_dim3A_1850 : f32 to vector<16xf32>
        %get3A_1852 = arith.index_cast %add3A_1849 : i32 to index
        %get3A_1853 = arith.constant 0 : index
        %get3A_1854 = tpu.vector_load %arg9[%get3A_1852, %get3A_1853] {strides = array<i32>} : memref<256x64xf32, #tpu.memory_space<vmem>>, vector<16xf32>,
        %get3A_1855 = arith.index_cast %add3A_1849 : i32 to index
        %get3A_1856 = arith.constant 0 : index
        %get3A_1857 = tpu.vector_load %arg10[%get3A_1855, %get3A_1856] {strides = array<i32>} : memref<256x64xf32, #tpu.memory_space<vmem>>, vector<16xf32>,
        %mul3A_1858 = arith.mulf %get3A_1854, %get3A_1857 : vector<16xf32>
        %add3A_1859 = arith.addf %broadcast_in_dim3A_1851, %mul3A_1858 : vector<16xf32>
        %get3A_1860 = arith.index_cast %add3A_1849 : i32 to index
        %get3A_1861 = arith.constant 16 : index
        %get3A_1862 = tpu.vector_load %arg9[%get3A_1860, %get3A_1861] {strides = array<i32>} : memref<256x64xf32, #tpu.memory_space<vmem>>, vector<16xf32>,
        %get3A_1863 = arith.index_cast %add3A_1849 : i32 to index
        %get3A_1864 = arith.constant 16 : index
        %get3A_1865 = tpu.vector_load %arg10[%get3A_1863, %get3A_1864] {strides = array<i32>} : memref<256x64xf32, #tpu.memory_space<vmem>>, vector<16xf32>,
        %mul3A_1866 = arith.mulf %get3A_1862, %get3A_1865 : vector<16xf32>
        %add3A_1867 = arith.addf %add3A_1859, %mul3A_1866 : vector<16xf32>
        %get3A_1868 = arith.index_cast %add3A_1849 : i32 to index
        %get3A_1869 = arith.constant 32 : index
        %get3A_1870 = tpu.vector_load %arg9[%get3A_1868, %get3A_1869] {strides = array<i32>} : memref<256x64xf32, #tpu.memory_space<vmem>>, vector<16xf32>,
        %get3A_1871 = arith.index_cast %add3A_1849 : i32 to index
        %get3A_1872 = arith.constant 32 : index
        %get3A_1873 = tpu.vector_load %arg10[%get3A_1871, %get3A_1872] {strides = array<i32>} : memref<256x64xf32, #tpu.memory_space<vmem>>, vector<16xf32>,
        %mul3A_1874 = arith.mulf %get3A_1870, %get3A_1873 : vector<16xf32>
        %add3A_1875 = arith.addf %add3A_1867, %mul3A_1874 : vector<16xf32>
        %get3A_1876 = arith.index_cast %add3A_1849 : i32 to index
        %get3A_1877 = arith.constant 48 : index
        %get3A_1878 = tpu.vector_load %arg9[%get3A_1876, %get3A_1877] {strides = array<i32>} : memref<256x64xf32, #tpu.memory_space<vmem>>, vector<16xf32>,
        %get3A_1879 = arith.index_cast %add3A_1849 : i32 to index
        %get3A_1880 = arith.constant 48 : index
        %get3A_1881 = tpu.vector_load %arg10[%get3A_1879, %get3A_1880] {strides = array<i32>} : memref<256x64xf32, #tpu.memory_space<vmem>>, vector<16xf32>,
        %mul3A_1882 = arith.mulf %get3A_1878, %get3A_1881 : vector<16xf32>
        %add3A_1883 = arith.addf %add3A_1875, %mul3A_1882 : vector<16xf32>
        %add3A_1884 = arith.constant 9 : i32
        %add3A_1885 = vector.broadcast %add3A_1884 : i32 to vector<16xi32>
        %add3A_1886 = arith.addi %mul3A_5, %add3A_1885 : vector<16xi32>
        tpu.vector_store_idx %arg11[%add3A_1886], %add3A_1883 : memref<256xf32, #tpu.memory_space<vmem>>[vector<16xi32>], vector<16xf32>,
        %mul3A_1887 = arith.constant 16 : i32
        %mul3A_1888 = arith.muli %mul3A_1477, %mul3A_1887 : i32
        %add3A_1889 = arith.constant 10 : i32
        %add3A_1890 = arith.addi %mul3A_1888, %add3A_1889 : i32
        %broadcast_in_dim3A_1891 = arith.constant 0.000000e+00 : f32
        %broadcast_in_dim3A_1892 = vector.broadcast %broadcast_in_dim3A_1891 : f32 to vector<16xf32>
        %get3A_1893 = arith.index_cast %add3A_1890 : i32 to index
        %get3A_1894 = arith.constant 0 : index
        %get3A_1895 = tpu.vector_load %arg9[%get3A_1893, %get3A_1894] {strides = array<i32>} : memref<256x64xf32, #tpu.memory_space<vmem>>, vector<16xf32>,
        %get3A_1896 = arith.index_cast %add3A_1890 : i32 to index
        %get3A_1897 = arith.constant 0 : index
        %get3A_1898 = tpu.vector_load %arg10[%get3A_1896, %get3A_1897] {strides = array<i32>} : memref<256x64xf32, #tpu.memory_space<vmem>>, vector<16xf32>,
        %mul3A_1899 = arith.mulf %get3A_1895, %get3A_1898 : vector<16xf32>
        %add3A_1900 = arith.addf %broadcast_in_dim3A_1892, %mul3A_1899 : vector<16xf32>
        %get3A_1901 = arith.index_cast %add3A_1890 : i32 to index
        %get3A_1902 = arith.constant 16 : index
        %get3A_1903 = tpu.vector_load %arg9[%get3A_1901, %get3A_1902] {strides = array<i32>} : memref<256x64xf32, #tpu.memory_space<vmem>>, vector<16xf32>,
        %get3A_1904 = arith.index_cast %add3A_1890 : i32 to index
        %get3A_1905 = arith.constant 16 : index
        %get3A_1906 = tpu.vector_load %arg10[%get3A_1904, %get3A_1905] {strides = array<i32>} : memref<256x64xf32, #tpu.memory_space<vmem>>, vector<16xf32>,
        %mul3A_1907 = arith.mulf %get3A_1903, %get3A_1906 : vector<16xf32>
        %add3A_1908 = arith.addf %add3A_1900, %mul3A_1907 : vector<16xf32>
        %get3A_1909 = arith.index_cast %add3A_1890 : i32 to index
        %get3A_1910 = arith.constant 32 : index
        %get3A_1911 = tpu.vector_load %arg9[%get3A_1909, %get3A_1910] {strides = array<i32>} : memref<256x64xf32, #tpu.memory_space<vmem>>, vector<16xf32>,
        %get3A_1912 = arith.index_cast %add3A_1890 : i32 to index
        %get3A_1913 = arith.constant 32 : index
        %get3A_1914 = tpu.vector_load %arg10[%get3A_1912, %get3A_1913] {strides = array<i32>} : memref<256x64xf32, #tpu.memory_space<vmem>>, vector<16xf32>,
        %mul3A_1915 = arith.mulf %get3A_1911, %get3A_1914 : vector<16xf32>
        %add3A_1916 = arith.addf %add3A_1908, %mul3A_1915 : vector<16xf32>
        %get3A_1917 = arith.index_cast %add3A_1890 : i32 to index
        %get3A_1918 = arith.constant 48 : index
        %get3A_1919 = tpu.vector_load %arg9[%get3A_1917, %get3A_1918] {strides = array<i32>} : memref<256x64xf32, #tpu.memory_space<vmem>>, vector<16xf32>,
        %get3A_1920 = arith.index_cast %add3A_1890 : i32 to index
        %get3A_1921 = arith.constant 48 : index
        %get3A_1922 = tpu.vector_load %arg10[%get3A_1920, %get3A_1921] {strides = array<i32>} : memref<256x64xf32, #tpu.memory_space<vmem>>, vector<16xf32>,
        %mul3A_1923 = arith.mulf %get3A_1919, %get3A_1922 : vector<16xf32>
        %add3A_1924 = arith.addf %add3A_1916, %mul3A_1923 : vector<16xf32>
        %add3A_1925 = arith.constant 10 : i32
        %add3A_1926 = vector.broadcast %add3A_1925 : i32 to vector<16xi32>
        %add3A_1927 = arith.addi %mul3A_5, %add3A_1926 : vector<16xi32>
        tpu.vector_store_idx %arg11[%add3A_1927], %add3A_1924 : memref<256xf32, #tpu.memory_space<vmem>>[vector<16xi32>], vector<16xf32>,
        %mul3A_1928 = arith.constant 16 : i32
        %mul3A_1929 = arith.muli %mul3A_1477, %mul3A_1928 : i32
        %add3A_1930 = arith.constant 11 : i32
        %add3A_1931 = arith.addi %mul3A_1929, %add3A_1930 : i32
        %broadcast_in_dim3A_1932 = arith.constant 0.000000e+00 : f32
        %broadcast_in_dim3A_1933 = vector.broadcast %broadcast_in_dim3A_1932 : f32 to vector<16xf32>
        %get3A_1934 = arith.index_cast %add3A_1931 : i32 to index
        %get3A_1935 = arith.constant 0 : index
        %get3A_1936 = tpu.vector_load %arg9[%get3A_1934, %get3A_1935] {strides = array<i32>} : memref<256x64xf32, #tpu.memory_space<vmem>>, vector<16xf32>,
        %get3A_1937 = arith.index_cast %add3A_1931 : i32 to index
        %get3A_1938 = arith.constant 0 : index
        %get3A_1939 = tpu.vector_load %arg10[%get3A_1937, %get3A_1938] {strides = array<i32>} : memref<256x64xf32, #tpu.memory_space<vmem>>, vector<16xf32>,
        %mul3A_1940 = arith.mulf %get3A_1936, %get3A_1939 : vector<16xf32>
        %add3A_1941 = arith.addf %broadcast_in_dim3A_1933, %mul3A_1940 : vector<16xf32>
        %get3A_1942 = arith.index_cast %add3A_1931 : i32 to index
        %get3A_1943 = arith.constant 16 : index
        %get3A_1944 = tpu.vector_load %arg9[%get3A_1942, %get3A_1943] {strides = array<i32>} : memref<256x64xf32, #tpu.memory_space<vmem>>, vector<16xf32>,
        %get3A_1945 = arith.index_cast %add3A_1931 : i32 to index
        %get3A_1946 = arith.constant 16 : index
        %get3A_1947 = tpu.vector_load %arg10[%get3A_1945, %get3A_1946] {strides = array<i32>} : memref<256x64xf32, #tpu.memory_space<vmem>>, vector<16xf32>,
        %mul3A_1948 = arith.mulf %get3A_1944, %get3A_1947 : vector<16xf32>
        %add3A_1949 = arith.addf %add3A_1941, %mul3A_1948 : vector<16xf32>
        %get3A_1950 = arith.index_cast %add3A_1931 : i32 to index
        %get3A_1951 = arith.constant 32 : index
        %get3A_1952 = tpu.vector_load %arg9[%get3A_1950, %get3A_1951] {strides = array<i32>} : memref<256x64xf32, #tpu.memory_space<vmem>>, vector<16xf32>,
        %get3A_1953 = arith.index_cast %add3A_1931 : i32 to index
        %get3A_1954 = arith.constant 32 : index
        %get3A_1955 = tpu.vector_load %arg10[%get3A_1953, %get3A_1954] {strides = array<i32>} : memref<256x64xf32, #tpu.memory_space<vmem>>, vector<16xf32>,
        %mul3A_1956 = arith.mulf %get3A_1952, %get3A_1955 : vector<16xf32>
        %add3A_1957 = arith.addf %add3A_1949, %mul3A_1956 : vector<16xf32>
        %get3A_1958 = arith.index_cast %add3A_1931 : i32 to index
        %get3A_1959 = arith.constant 48 : index
        %get3A_1960 = tpu.vector_load %arg9[%get3A_1958, %get3A_1959] {strides = array<i32>} : memref<256x64xf32, #tpu.memory_space<vmem>>, vector<16xf32>,
        %get3A_1961 = arith.index_cast %add3A_1931 : i32 to index
        %get3A_1962 = arith.constant 48 : index
        %get3A_1963 = tpu.vector_load %arg10[%get3A_1961, %get3A_1962] {strides = array<i32>} : memref<256x64xf32, #tpu.memory_space<vmem>>, vector<16xf32>,
        %mul3A_1964 = arith.mulf %get3A_1960, %get3A_1963 : vector<16xf32>
        %add3A_1965 = arith.addf %add3A_1957, %mul3A_1964 : vector<16xf32>
        %add3A_1966 = arith.constant 11 : i32
        %add3A_1967 = vector.broadcast %add3A_1966 : i32 to vector<16xi32>
        %add3A_1968 = arith.addi %mul3A_5, %add3A_1967 : vector<16xi32>
        tpu.vector_store_idx %arg11[%add3A_1968], %add3A_1965 : memref<256xf32, #tpu.memory_space<vmem>>[vector<16xi32>], vector<16xf32>,
        %mul3A_1969 = arith.constant 16 : i32
        %mul3A_1970 = arith.muli %mul3A_1477, %mul3A_1969 : i32
        %add3A_1971 = arith.constant 12 : i32
        %add3A_1972 = arith.addi %mul3A_1970, %add3A_1971 : i32
        %broadcast_in_dim3A_1973 = arith.constant 0.000000e+00 : f32
        %broadcast_in_dim3A_1974 = vector.broadcast %broadcast_in_dim3A_1973 : f32 to vector<16xf32>
        %get3A_1975 = arith.index_cast %add3A_1972 : i32 to index
        %get3A_1976 = arith.constant 0 : index
        %get3A_1977 = tpu.vector_load %arg9[%get3A_1975, %get3A_1976] {strides = array<i32>} : memref<256x64xf32, #tpu.memory_space<vmem>>, vector<16xf32>,
        %get3A_1978 = arith.index_cast %add3A_1972 : i32 to index
        %get3A_1979 = arith.constant 0 : index
        %get3A_1980 = tpu.vector_load %arg10[%get3A_1978, %get3A_1979] {strides = array<i32>} : memref<256x64xf32, #tpu.memory_space<vmem>>, vector<16xf32>,
        %mul3A_1981 = arith.mulf %get3A_1977, %get3A_1980 : vector<16xf32>
        %add3A_1982 = arith.addf %broadcast_in_dim3A_1974, %mul3A_1981 : vector<16xf32>
        %get3A_1983 = arith.index_cast %add3A_1972 : i32 to index
        %get3A_1984 = arith.constant 16 : index
        %get3A_1985 = tpu.vector_load %arg9[%get3A_1983, %get3A_1984] {strides = array<i32>} : memref<256x64xf32, #tpu.memory_space<vmem>>, vector<16xf32>,
        %get3A_1986 = arith.index_cast %add3A_1972 : i32 to index
        %get3A_1987 = arith.constant 16 : index
        %get3A_1988 = tpu.vector_load %arg10[%get3A_1986, %get3A_1987] {strides = array<i32>} : memref<256x64xf32, #tpu.memory_space<vmem>>, vector<16xf32>,
        %mul3A_1989 = arith.mulf %get3A_1985, %get3A_1988 : vector<16xf32>
        %add3A_1990 = arith.addf %add3A_1982, %mul3A_1989 : vector<16xf32>
        %get3A_1991 = arith.index_cast %add3A_1972 : i32 to index
        %get3A_1992 = arith.constant 32 : index
        %get3A_1993 = tpu.vector_load %arg9[%get3A_1991, %get3A_1992] {strides = array<i32>} : memref<256x64xf32, #tpu.memory_space<vmem>>, vector<16xf32>,
        %get3A_1994 = arith.index_cast %add3A_1972 : i32 to index
        %get3A_1995 = arith.constant 32 : index
        %get3A_1996 = tpu.vector_load %arg10[%get3A_1994, %get3A_1995] {strides = array<i32>} : memref<256x64xf32, #tpu.memory_space<vmem>>, vector<16xf32>,
        %mul3A_1997 = arith.mulf %get3A_1993, %get3A_1996 : vector<16xf32>
        %add3A_1998 = arith.addf %add3A_1990, %mul3A_1997 : vector<16xf32>
        %get3A_1999 = arith.index_cast %add3A_1972 : i32 to index
        %get3A_2000 = arith.constant 48 : index
        %get3A_2001 = tpu.vector_load %arg9[%get3A_1999, %get3A_2000] {strides = array<i32>} : memref<256x64xf32, #tpu.memory_space<vmem>>, vector<16xf32>,
        %get3A_2002 = arith.index_cast %add3A_1972 : i32 to index
        %get3A_2003 = arith.constant 48 : index
        %get3A_2004 = tpu.vector_load %arg10[%get3A_2002, %get3A_2003] {strides = array<i32>} : memref<256x64xf32, #tpu.memory_space<vmem>>, vector<16xf32>,
        %mul3A_2005 = arith.mulf %get3A_2001, %get3A_2004 : vector<16xf32>
        %add3A_2006 = arith.addf %add3A_1998, %mul3A_2005 : vector<16xf32>
        %add3A_2007 = arith.constant 12 : i32
        %add3A_2008 = vector.broadcast %add3A_2007 : i32 to vector<16xi32>
        %add3A_2009 = arith.addi %mul3A_5, %add3A_2008 : vector<16xi32>
        tpu.vector_store_idx %arg11[%add3A_2009], %add3A_2006 : memref<256xf32, #tpu.memory_space<vmem>>[vector<16xi32>], vector<16xf32>,
        %mul3A_2010 = arith.constant 16 : i32
        %mul3A_2011 = arith.muli %mul3A_1477, %mul3A_2010 : i32
        %add3A_2012 = arith.constant 13 : i32
        %add3A_2013 = arith.addi %mul3A_2011, %add3A_2012 : i32
        %broadcast_in_dim3A_2014 = arith.constant 0.000000e+00 : f32
        %broadcast_in_dim3A_2015 = vector.broadcast %broadcast_in_dim3A_2014 : f32 to vector<16xf32>
        %get3A_2016 = arith.index_cast %add3A_2013 : i32 to index
        %get3A_2017 = arith.constant 0 : index
        %get3A_2018 = tpu.vector_load %arg9[%get3A_2016, %get3A_2017] {strides = array<i32>} : memref<256x64xf32, #tpu.memory_space<vmem>>, vector<16xf32>,
        %get3A_2019 = arith.index_cast %add3A_2013 : i32 to index
        %get3A_2020 = arith.constant 0 : index
        %get3A_2021 = tpu.vector_load %arg10[%get3A_2019, %get3A_2020] {strides = array<i32>} : memref<256x64xf32, #tpu.memory_space<vmem>>, vector<16xf32>,
        %mul3A_2022 = arith.mulf %get3A_2018, %get3A_2021 : vector<16xf32>
        %add3A_2023 = arith.addf %broadcast_in_dim3A_2015, %mul3A_2022 : vector<16xf32>
        %get3A_2024 = arith.index_cast %add3A_2013 : i32 to index
        %get3A_2025 = arith.constant 16 : index
        %get3A_2026 = tpu.vector_load %arg9[%get3A_2024, %get3A_2025] {strides = array<i32>} : memref<256x64xf32, #tpu.memory_space<vmem>>, vector<16xf32>,
        %get3A_2027 = arith.index_cast %add3A_2013 : i32 to index
        %get3A_2028 = arith.constant 16 : index
        %get3A_2029 = tpu.vector_load %arg10[%get3A_2027, %get3A_2028] {strides = array<i32>} : memref<256x64xf32, #tpu.memory_space<vmem>>, vector<16xf32>,
        %mul3A_2030 = arith.mulf %get3A_2026, %get3A_2029 : vector<16xf32>
        %add3A_2031 = arith.addf %add3A_2023, %mul3A_2030 : vector<16xf32>
        %get3A_2032 = arith.index_cast %add3A_2013 : i32 to index
        %get3A_2033 = arith.constant 32 : index
        %get3A_2034 = tpu.vector_load %arg9[%get3A_2032, %get3A_2033] {strides = array<i32>} : memref<256x64xf32, #tpu.memory_space<vmem>>, vector<16xf32>,
        %get3A_2035 = arith.index_cast %add3A_2013 : i32 to index
        %get3A_2036 = arith.constant 32 : index
        %get3A_2037 = tpu.vector_load %arg10[%get3A_2035, %get3A_2036] {strides = array<i32>} : memref<256x64xf32, #tpu.memory_space<vmem>>, vector<16xf32>,
        %mul3A_2038 = arith.mulf %get3A_2034, %get3A_2037 : vector<16xf32>
        %add3A_2039 = arith.addf %add3A_2031, %mul3A_2038 : vector<16xf32>
        %get3A_2040 = arith.index_cast %add3A_2013 : i32 to index
        %get3A_2041 = arith.constant 48 : index
        %get3A_2042 = tpu.vector_load %arg9[%get3A_2040, %get3A_2041] {strides = array<i32>} : memref<256x64xf32, #tpu.memory_space<vmem>>, vector<16xf32>,
        %get3A_2043 = arith.index_cast %add3A_2013 : i32 to index
        %get3A_2044 = arith.constant 48 : index
        %get3A_2045 = tpu.vector_load %arg10[%get3A_2043, %get3A_2044] {strides = array<i32>} : memref<256x64xf32, #tpu.memory_space<vmem>>, vector<16xf32>,
        %mul3A_2046 = arith.mulf %get3A_2042, %get3A_2045 : vector<16xf32>
        %add3A_2047 = arith.addf %add3A_2039, %mul3A_2046 : vector<16xf32>
        %add3A_2048 = arith.constant 13 : i32
        %add3A_2049 = vector.broadcast %add3A_2048 : i32 to vector<16xi32>
        %add3A_2050 = arith.addi %mul3A_5, %add3A_2049 : vector<16xi32>
        tpu.vector_store_idx %arg11[%add3A_2050], %add3A_2047 : memref<256xf32, #tpu.memory_space<vmem>>[vector<16xi32>], vector<16xf32>,
        %mul3A_2051 = arith.constant 16 : i32
        %mul3A_2052 = arith.muli %mul3A_1477, %mul3A_2051 : i32
        %add3A_2053 = arith.constant 14 : i32
        %add3A_2054 = arith.addi %mul3A_2052, %add3A_2053 : i32
        %broadcast_in_dim3A_2055 = arith.constant 0.000000e+00 : f32
        %broadcast_in_dim3A_2056 = vector.broadcast %broadcast_in_dim3A_2055 : f32 to vector<16xf32>
        %get3A_2057 = arith.index_cast %add3A_2054 : i32 to index
        %get3A_2058 = arith.constant 0 : index
        %get3A_2059 = tpu.vector_load %arg9[%get3A_2057, %get3A_2058] {strides = array<i32>} : memref<256x64xf32, #tpu.memory_space<vmem>>, vector<16xf32>,
        %get3A_2060 = arith.index_cast %add3A_2054 : i32 to index
        %get3A_2061 = arith.constant 0 : index
        %get3A_2062 = tpu.vector_load %arg10[%get3A_2060, %get3A_2061] {strides = array<i32>} : memref<256x64xf32, #tpu.memory_space<vmem>>, vector<16xf32>,
        %mul3A_2063 = arith.mulf %get3A_2059, %get3A_2062 : vector<16xf32>
        %add3A_2064 = arith.addf %broadcast_in_dim3A_2056, %mul3A_2063 : vector<16xf32>
        %get3A_2065 = arith.index_cast %add3A_2054 : i32 to index
        %get3A_2066 = arith.constant 16 : index
        %get3A_2067 = tpu.vector_load %arg9[%get3A_2065, %get3A_2066] {strides = array<i32>} : memref<256x64xf32, #tpu.memory_space<vmem>>, vector<16xf32>,
        %get3A_2068 = arith.index_cast %add3A_2054 : i32 to index
        %get3A_2069 = arith.constant 16 : index
        %get3A_2070 = tpu.vector_load %arg10[%get3A_2068, %get3A_2069] {strides = array<i32>} : memref<256x64xf32, #tpu.memory_space<vmem>>, vector<16xf32>,
        %mul3A_2071 = arith.mulf %get3A_2067, %get3A_2070 : vector<16xf32>
        %add3A_2072 = arith.addf %add3A_2064, %mul3A_2071 : vector<16xf32>
        %get3A_2073 = arith.index_cast %add3A_2054 : i32 to index
        %get3A_2074 = arith.constant 32 : index
        %get3A_2075 = tpu.vector_load %arg9[%get3A_2073, %get3A_2074] {strides = array<i32>} : memref<256x64xf32, #tpu.memory_space<vmem>>, vector<16xf32>,
        %get3A_2076 = arith.index_cast %add3A_2054 : i32 to index
        %get3A_2077 = arith.constant 32 : index
        %get3A_2078 = tpu.vector_load %arg10[%get3A_2076, %get3A_2077] {strides = array<i32>} : memref<256x64xf32, #tpu.memory_space<vmem>>, vector<16xf32>,
        %mul3A_2079 = arith.mulf %get3A_2075, %get3A_2078 : vector<16xf32>
        %add3A_2080 = arith.addf %add3A_2072, %mul3A_2079 : vector<16xf32>
        %get3A_2081 = arith.index_cast %add3A_2054 : i32 to index
        %get3A_2082 = arith.constant 48 : index
        %get3A_2083 = tpu.vector_load %arg9[%get3A_2081, %get3A_2082] {strides = array<i32>} : memref<256x64xf32, #tpu.memory_space<vmem>>, vector<16xf32>,
        %get3A_2084 = arith.index_cast %add3A_2054 : i32 to index
        %get3A_2085 = arith.constant 48 : index
        %get3A_2086 = tpu.vector_load %arg10[%get3A_2084, %get3A_2085] {strides = array<i32>} : memref<256x64xf32, #tpu.memory_space<vmem>>, vector<16xf32>,
        %mul3A_2087 = arith.mulf %get3A_2083, %get3A_2086 : vector<16xf32>
        %add3A_2088 = arith.addf %add3A_2080, %mul3A_2087 : vector<16xf32>
        %add3A_2089 = arith.constant 14 : i32
        %add3A_2090 = vector.broadcast %add3A_2089 : i32 to vector<16xi32>
        %add3A_2091 = arith.addi %mul3A_5, %add3A_2090 : vector<16xi32>
        tpu.vector_store_idx %arg11[%add3A_2091], %add3A_2088 : memref<256xf32, #tpu.memory_space<vmem>>[vector<16xi32>], vector<16xf32>,
        %mul3A_2092 = arith.constant 16 : i32
        %mul3A_2093 = arith.muli %mul3A_1477, %mul3A_2092 : i32
        %add3A_2094 = arith.constant 15 : i32
        %add3A_2095 = arith.addi %mul3A_2093, %add3A_2094 : i32
        %broadcast_in_dim3A_2096 = arith.constant 0.000000e+00 : f32
        %broadcast_in_dim3A_2097 = vector.broadcast %broadcast_in_dim3A_2096 : f32 to vector<16xf32>
        %get3A_2098 = arith.index_cast %add3A_2095 : i32 to index
        %get3A_2099 = arith.constant 0 : index
        %get3A_2100 = tpu.vector_load %arg9[%get3A_2098, %get3A_2099] {strides = array<i32>} : memref<256x64xf32, #tpu.memory_space<vmem>>, vector<16xf32>,
        %get3A_2101 = arith.index_cast %add3A_2095 : i32 to index
        %get3A_2102 = arith.constant 0 : index
        %get3A_2103 = tpu.vector_load %arg10[%get3A_2101, %get3A_2102] {strides = array<i32>} : memref<256x64xf32, #tpu.memory_space<vmem>>, vector<16xf32>,
        %mul3A_2104 = arith.mulf %get3A_2100, %get3A_2103 : vector<16xf32>
        %add3A_2105 = arith.addf %broadcast_in_dim3A_2097, %mul3A_2104 : vector<16xf32>
        %get3A_2106 = arith.index_cast %add3A_2095 : i32 to index
        %get3A_2107 = arith.constant 16 : index
        %get3A_2108 = tpu.vector_load %arg9[%get3A_2106, %get3A_2107] {strides = array<i32>} : memref<256x64xf32, #tpu.memory_space<vmem>>, vector<16xf32>,
        %get3A_2109 = arith.index_cast %add3A_2095 : i32 to index
        %get3A_2110 = arith.constant 16 : index
        %get3A_2111 = tpu.vector_load %arg10[%get3A_2109, %get3A_2110] {strides = array<i32>} : memref<256x64xf32, #tpu.memory_space<vmem>>, vector<16xf32>,
        %mul3A_2112 = arith.mulf %get3A_2108, %get3A_2111 : vector<16xf32>
        %add3A_2113 = arith.addf %add3A_2105, %mul3A_2112 : vector<16xf32>
        %get3A_2114 = arith.index_cast %add3A_2095 : i32 to index
        %get3A_2115 = arith.constant 32 : index
        %get3A_2116 = tpu.vector_load %arg9[%get3A_2114, %get3A_2115] {strides = array<i32>} : memref<256x64xf32, #tpu.memory_space<vmem>>, vector<16xf32>,
        %get3A_2117 = arith.index_cast %add3A_2095 : i32 to index
        %get3A_2118 = arith.constant 32 : index
        %get3A_2119 = tpu.vector_load %arg10[%get3A_2117, %get3A_2118] {strides = array<i32>} : memref<256x64xf32, #tpu.memory_space<vmem>>, vector<16xf32>,
        %mul3A_2120 = arith.mulf %get3A_2116, %get3A_2119 : vector<16xf32>
        %add3A_2121 = arith.addf %add3A_2113, %mul3A_2120 : vector<16xf32>
        %get3A_2122 = arith.index_cast %add3A_2095 : i32 to index
        %get3A_2123 = arith.constant 48 : index
        %get3A_2124 = tpu.vector_load %arg9[%get3A_2122, %get3A_2123] {strides = array<i32>} : memref<256x64xf32, #tpu.memory_space<vmem>>, vector<16xf32>,
        %get3A_2125 = arith.index_cast %add3A_2095 : i32 to index
        %get3A_2126 = arith.constant 48 : index
        %get3A_2127 = tpu.vector_load %arg10[%get3A_2125, %get3A_2126] {strides = array<i32>} : memref<256x64xf32, #tpu.memory_space<vmem>>, vector<16xf32>,
        %mul3A_2128 = arith.mulf %get3A_2124, %get3A_2127 : vector<16xf32>
        %add3A_2129 = arith.addf %add3A_2121, %mul3A_2128 : vector<16xf32>
        %add3A_2130 = arith.constant 15 : i32
        %add3A_2131 = vector.broadcast %add3A_2130 : i32 to vector<16xi32>
        %add3A_2132 = arith.addi %mul3A_5, %add3A_2131 : vector<16xi32>
        tpu.vector_store_idx %arg11[%add3A_2132], %add3A_2129 : memref<256xf32, #tpu.memory_space<vmem>>[vector<16xi32>], vector<16xf32>,
        %broadcast_in_dim3A_2133 = arith.constant 0.000000e+00 : f32
        %broadcast_in_dim3A_2134 = vector.broadcast %broadcast_in_dim3A_2133 : f32 to vector<16xf32>
        %get3A_2135 = arith.constant 0 : index
        %get3A_2136 = tpu.vector_load %arg11[%get3A_2135] {strides = array<i32>} : memref<256xf32, #tpu.memory_space<vmem>>, vector<16xf32>,
        %add3A_2137 = arith.addf %broadcast_in_dim3A_2134, %get3A_2136 : vector<16xf32>
        %get3A_2138 = arith.constant 16 : index
        %get3A_2139 = tpu.vector_load %arg11[%get3A_2138] {strides = array<i32>} : memref<256xf32, #tpu.memory_space<vmem>>, vector<16xf32>,
        %add3A_2140 = arith.addf %add3A_2137, %get3A_2139 : vector<16xf32>
        %get3A_2141 = arith.constant 32 : index
        %get3A_2142 = tpu.vector_load %arg11[%get3A_2141] {strides = array<i32>} : memref<256xf32, #tpu.memory_space<vmem>>, vector<16xf32>,
        %add3A_2143 = arith.addf %add3A_2140, %get3A_2142 : vector<16xf32>
        %get3A_2144 = arith.constant 48 : index
        %get3A_2145 = tpu.vector_load %arg11[%get3A_2144] {strides = array<i32>} : memref<256xf32, #tpu.memory_space<vmem>>, vector<16xf32>,
        %add3A_2146 = arith.addf %add3A_2143, %get3A_2145 : vector<16xf32>
        %get3A_2147 = arith.constant 64 : index
        %get3A_2148 = tpu.vector_load %arg11[%get3A_2147] {strides = array<i32>} : memref<256xf32, #tpu.memory_space<vmem>>, vector<16xf32>,
        %add3A_2149 = arith.addf %add3A_2146, %get3A_2148 : vector<16xf32>
        %get3A_2150 = arith.constant 80 : index
        %get3A_2151 = tpu.vector_load %arg11[%get3A_2150] {strides = array<i32>} : memref<256xf32, #tpu.memory_space<vmem>>, vector<16xf32>,
        %add3A_2152 = arith.addf %add3A_2149, %get3A_2151 : vector<16xf32>
        %get3A_2153 = arith.constant 96 : index
        %get3A_2154 = tpu.vector_load %arg11[%get3A_2153] {strides = array<i32>} : memref<256xf32, #tpu.memory_space<vmem>>, vector<16xf32>,
        %add3A_2155 = arith.addf %add3A_2152, %get3A_2154 : vector<16xf32>
        %get3A_2156 = arith.constant 112 : index
        %get3A_2157 = tpu.vector_load %arg11[%get3A_2156] {strides = array<i32>} : memref<256xf32, #tpu.memory_space<vmem>>, vector<16xf32>,
        %add3A_2158 = arith.addf %add3A_2155, %get3A_2157 : vector<16xf32>
        %get3A_2159 = arith.constant 128 : index
        %get3A_2160 = tpu.vector_load %arg11[%get3A_2159] {strides = array<i32>} : memref<256xf32, #tpu.memory_space<vmem>>, vector<16xf32>,
        %add3A_2161 = arith.addf %add3A_2158, %get3A_2160 : vector<16xf32>
        %get3A_2162 = arith.constant 144 : index
        %get3A_2163 = tpu.vector_load %arg11[%get3A_2162] {strides = array<i32>} : memref<256xf32, #tpu.memory_space<vmem>>, vector<16xf32>,
        %add3A_2164 = arith.addf %add3A_2161, %get3A_2163 : vector<16xf32>
        %get3A_2165 = arith.constant 160 : index
        %get3A_2166 = tpu.vector_load %arg11[%get3A_2165] {strides = array<i32>} : memref<256xf32, #tpu.memory_space<vmem>>, vector<16xf32>,
        %add3A_2167 = arith.addf %add3A_2164, %get3A_2166 : vector<16xf32>
        %get3A_2168 = arith.constant 176 : index
        %get3A_2169 = tpu.vector_load %arg11[%get3A_2168] {strides = array<i32>} : memref<256xf32, #tpu.memory_space<vmem>>, vector<16xf32>,
        %add3A_2170 = arith.addf %add3A_2167, %get3A_2169 : vector<16xf32>
        %get3A_2171 = arith.constant 192 : index
        %get3A_2172 = tpu.vector_load %arg11[%get3A_2171] {strides = array<i32>} : memref<256xf32, #tpu.memory_space<vmem>>, vector<16xf32>,
        %add3A_2173 = arith.addf %add3A_2170, %get3A_2172 : vector<16xf32>
        %get3A_2174 = arith.constant 208 : index
        %get3A_2175 = tpu.vector_load %arg11[%get3A_2174] {strides = array<i32>} : memref<256xf32, #tpu.memory_space<vmem>>, vector<16xf32>,
        %add3A_2176 = arith.addf %add3A_2173, %get3A_2175 : vector<16xf32>
        %get3A_2177 = arith.constant 224 : index
        %get3A_2178 = tpu.vector_load %arg11[%get3A_2177] {strides = array<i32>} : memref<256xf32, #tpu.memory_space<vmem>>, vector<16xf32>,
        %add3A_2179 = arith.addf %add3A_2176, %get3A_2178 : vector<16xf32>
        %get3A_2180 = arith.constant 240 : index
        %get3A_2181 = tpu.vector_load %arg11[%get3A_2180] {strides = array<i32>} : memref<256xf32, #tpu.memory_space<vmem>>, vector<16xf32>,
        %add3A_2182 = arith.addf %add3A_2179, %get3A_2181 : vector<16xf32>
        %mul3A_2183 = arith.constant 16 : i32
        %mul3A_2184 = arith.muli %mul3A_1477, %mul3A_2183 : i32
        %add3A_2185 = arith.addi %mul3A_13, %mul3A_2184 : i32
        %swap3A = arith.index_cast %add3A_2185 : i32 to index
        %swap3A_2186 = tpu.vector_load %arg12[%swap3A] {strides = array<i32>} : memref<512xf32, #tpu.memory_space<vmem>>, vector<16xf32>,
        tpu.vector_store %arg12[%swap3A], %add3A_2182 {strides = array<i32>} : memref<512xf32, #tpu.memory_space<vmem>>, vector<16xf32>,
        %mul3A_2187 = arith.constant 2 : i32
        %mul3A_2188 = arith.muli %mul3A_2187, %scan3A_504 : i32
        %add3A_2189 = arith.constant 2 : i32
        %add3A_2190 = arith.addi %mul3A_2188, %add3A_2189 : i32
        %lt3A = arith.constant 16 : i32
        %lt3A_2191 = arith.cmpi slt, %add3A_2190, %lt3A : i32
        %convert_element_type3A = arith.extui %lt3A_2191 : i1 to i32
        %cond3A = arith.constant 0 : i32
        %cond3A_2192 = arith.cmpi ne, %convert_element_type3A, %cond3A : i32
        scf.if %cond3A_2192 {
          %mul3A_3356 = arith.constant 2 : i32
          %mul3A_3357 = arith.muli %mul3A_3356, %scan3A_504 : i32
          %add3A_3358 = arith.constant 2 : i32
          %add3A_3359 = arith.addi %mul3A_3357, %add3A_3358 : i32
          %mul3A_3360 = arith.constant 16 : i32
          %mul3A_3361 = arith.muli %add3A_3359, %mul3A_3360 : i32
          %add3A_3362 = arith.addi %mul3A_13, %mul3A_3361 : i32
          %get3A_3363 = arith.index_cast %add3A_3362 : i32 to index
          %get3A_3364 = tpu.vector_load %arg7[%get3A_3363] {strides = array<i32>} : memref<512xi32, #tpu.memory_space<vmem>>, vector<16xi32>,
          %add3A_3365 = arith.addi %mul3A_13, %mul3A_3361 : i32
          %get3A_3366 = arith.index_cast %add3A_3365 : i32 to index
          %get3A_3367 = tpu.vector_load %arg8[%get3A_3366] {strides = array<i32>} : memref<512xi32, #tpu.memory_space<vmem>>, vector<16xi32>,
          %slice3A_3368 = vector.extract_strided_slice %get3A_3364 {offsets = [0], sizes = [1], strides = [1]} : vector<16xi32> to vector<1xi32>
          %squeeze3A_3369 = vector.extract %slice3A_3368[0] : i32 from vector<1xi32>
          %add3A_3370 = arith.constant 0 : i32
          %add3A_3371 = arith.addi %mul3A_3361, %add3A_3370 : i32
          %dma_start3A_3372 = arith.constant 0 : i32
          %dma_start3A_3373 = tpu.memref_slice %arg9[%add3A_3371, %dma_start3A_3372] : memref<256x64xf32, #tpu.memory_space<vmem>> -> memref<1x64xf32, #tpu.memory_space<vmem>>
          %dma_start3A_3374 = tpu.memref_squeeze %dma_start3A_3373 : memref<1x64xf32, #tpu.memory_space<vmem>> -> memref<64xf32, #tpu.memory_space<vmem>>
          %dma_start3A_3375 = arith.constant 0 : i32
          %dma_start3A_3376 = tpu.memref_slice %arg4[%squeeze3A_3369, %dma_start3A_3375] : memref<100000x64xf32, #tpu.memory_space<hbm>> -> memref<1x64xf32, #tpu.memory_space<hbm>>
          %dma_start3A_3377 = tpu.memref_squeeze %dma_start3A_3376 : memref<1x64xf32, #tpu.memory_space<hbm>> -> memref<64xf32, #tpu.memory_space<hbm>>
          %dma_start3A_3378 = arith.constant 0 : i32
          %dma_start3A_3379 = tpu.memref_slice %arg9[%add3A_3371, %dma_start3A_3378] : memref<256x64xf32, #tpu.memory_space<vmem>> -> memref<1x64xf32, #tpu.memory_space<vmem>>
          %dma_start3A_3380 = tpu.memref_squeeze %dma_start3A_3379 : memref<1x64xf32, #tpu.memory_space<vmem>> -> memref<64xf32, #tpu.memory_space<vmem>>
          %dma_start3A_3381 = arith.constant 0 : i32
          %dma_start3A_3382 = tpu.memref_slice %arg4[%squeeze3A_3369, %dma_start3A_3381] : memref<100000x64xf32, #tpu.memory_space<hbm>> -> memref<1x64xf32, #tpu.memory_space<hbm>>
          %dma_start3A_3383 = tpu.memref_squeeze %dma_start3A_3382 : memref<1x64xf32, #tpu.memory_space<hbm>> -> memref<64xf32, #tpu.memory_space<hbm>>
          tpu.enqueue_dma source(%dma_start3A_3383 : memref<64xf32, #tpu.memory_space<hbm>>) target(%dma_start3A_3380 : memref<64xf32, #tpu.memory_space<vmem>>) target_semaphore(%arg13 : memref<!tpu.dma_semaphore, #tpu.memory_space<semaphore_mem>>)
          %slice3A_3384 = vector.extract_strided_slice %get3A_3367 {offsets = [0], sizes = [1], strides = [1]} : vector<16xi32> to vector<1xi32>
          %squeeze3A_3385 = vector.extract %slice3A_3384[0] : i32 from vector<1xi32>
          %add3A_3386 = arith.constant 0 : i32
          %add3A_3387 = arith.addi %mul3A_3361, %add3A_3386 : i32
          %dma_start3A_3388 = arith.constant 0 : i32
          %dma_start3A_3389 = tpu.memref_slice %arg10[%add3A_3387, %dma_start3A_3388] : memref<256x64xf32, #tpu.memory_space<vmem>> -> memref<1x64xf32, #tpu.memory_space<vmem>>
          %dma_start3A_3390 = tpu.memref_squeeze %dma_start3A_3389 : memref<1x64xf32, #tpu.memory_space<vmem>> -> memref<64xf32, #tpu.memory_space<vmem>>
          %dma_start3A_3391 = arith.constant 0 : i32
          %dma_start3A_3392 = tpu.memref_slice %arg5[%squeeze3A_3385, %dma_start3A_3391] : memref<100000x64xf32, #tpu.memory_space<hbm>> -> memref<1x64xf32, #tpu.memory_space<hbm>>
          %dma_start3A_3393 = tpu.memref_squeeze %dma_start3A_3392 : memref<1x64xf32, #tpu.memory_space<hbm>> -> memref<64xf32, #tpu.memory_space<hbm>>
          %dma_start3A_3394 = arith.constant 0 : i32
          %dma_start3A_3395 = tpu.memref_slice %arg10[%add3A_3387, %dma_start3A_3394] : memref<256x64xf32, #tpu.memory_space<vmem>> -> memref<1x64xf32, #tpu.memory_space<vmem>>
          %dma_start3A_3396 = tpu.memref_squeeze %dma_start3A_3395 : memref<1x64xf32, #tpu.memory_space<vmem>> -> memref<64xf32, #tpu.memory_space<vmem>>
          %dma_start3A_3397 = arith.constant 0 : i32
          %dma_start3A_3398 = tpu.memref_slice %arg5[%squeeze3A_3385, %dma_start3A_3397] : memref<100000x64xf32, #tpu.memory_space<hbm>> -> memref<1x64xf32, #tpu.memory_space<hbm>>
          %dma_start3A_3399 = tpu.memref_squeeze %dma_start3A_3398 : memref<1x64xf32, #tpu.memory_space<hbm>> -> memref<64xf32, #tpu.memory_space<hbm>>
          tpu.enqueue_dma source(%dma_start3A_3399 : memref<64xf32, #tpu.memory_space<hbm>>) target(%dma_start3A_3396 : memref<64xf32, #tpu.memory_space<vmem>>) target_semaphore(%arg13 : memref<!tpu.dma_semaphore, #tpu.memory_space<semaphore_mem>>)
          %slice3A_3400 = vector.extract_strided_slice %get3A_3364 {offsets = [1], sizes = [1], strides = [1]} : vector<16xi32> to vector<1xi32>
          %squeeze3A_3401 = vector.extract %slice3A_3400[0] : i32 from vector<1xi32>
          %add3A_3402 = arith.constant 1 : i32
          %add3A_3403 = arith.addi %mul3A_3361, %add3A_3402 : i32
          %dma_start3A_3404 = arith.constant 0 : i32
          %dma_start3A_3405 = tpu.memref_slice %arg9[%add3A_3403, %dma_start3A_3404] : memref<256x64xf32, #tpu.memory_space<vmem>> -> memref<1x64xf32, #tpu.memory_space<vmem>>
          %dma_start3A_3406 = tpu.memref_squeeze %dma_start3A_3405 : memref<1x64xf32, #tpu.memory_space<vmem>> -> memref<64xf32, #tpu.memory_space<vmem>>
          %dma_start3A_3407 = arith.constant 0 : i32
          %dma_start3A_3408 = tpu.memref_slice %arg4[%squeeze3A_3401, %dma_start3A_3407] : memref<100000x64xf32, #tpu.memory_space<hbm>> -> memref<1x64xf32, #tpu.memory_space<hbm>>
          %dma_start3A_3409 = tpu.memref_squeeze %dma_start3A_3408 : memref<1x64xf32, #tpu.memory_space<hbm>> -> memref<64xf32, #tpu.memory_space<hbm>>
          %dma_start3A_3410 = arith.constant 0 : i32
          %dma_start3A_3411 = tpu.memref_slice %arg9[%add3A_3403, %dma_start3A_3410] : memref<256x64xf32, #tpu.memory_space<vmem>> -> memref<1x64xf32, #tpu.memory_space<vmem>>
          %dma_start3A_3412 = tpu.memref_squeeze %dma_start3A_3411 : memref<1x64xf32, #tpu.memory_space<vmem>> -> memref<64xf32, #tpu.memory_space<vmem>>
          %dma_start3A_3413 = arith.constant 0 : i32
          %dma_start3A_3414 = tpu.memref_slice %arg4[%squeeze3A_3401, %dma_start3A_3413] : memref<100000x64xf32, #tpu.memory_space<hbm>> -> memref<1x64xf32, #tpu.memory_space<hbm>>
          %dma_start3A_3415 = tpu.memref_squeeze %dma_start3A_3414 : memref<1x64xf32, #tpu.memory_space<hbm>> -> memref<64xf32, #tpu.memory_space<hbm>>
          tpu.enqueue_dma source(%dma_start3A_3415 : memref<64xf32, #tpu.memory_space<hbm>>) target(%dma_start3A_3412 : memref<64xf32, #tpu.memory_space<vmem>>) target_semaphore(%arg13 : memref<!tpu.dma_semaphore, #tpu.memory_space<semaphore_mem>>)
          %slice3A_3416 = vector.extract_strided_slice %get3A_3367 {offsets = [1], sizes = [1], strides = [1]} : vector<16xi32> to vector<1xi32>
          %squeeze3A_3417 = vector.extract %slice3A_3416[0] : i32 from vector<1xi32>
          %add3A_3418 = arith.constant 1 : i32
          %add3A_3419 = arith.addi %mul3A_3361, %add3A_3418 : i32
          %dma_start3A_3420 = arith.constant 0 : i32
          %dma_start3A_3421 = tpu.memref_slice %arg10[%add3A_3419, %dma_start3A_3420] : memref<256x64xf32, #tpu.memory_space<vmem>> -> memref<1x64xf32, #tpu.memory_space<vmem>>
          %dma_start3A_3422 = tpu.memref_squeeze %dma_start3A_3421 : memref<1x64xf32, #tpu.memory_space<vmem>> -> memref<64xf32, #tpu.memory_space<vmem>>
          %dma_start3A_3423 = arith.constant 0 : i32
          %dma_start3A_3424 = tpu.memref_slice %arg5[%squeeze3A_3417, %dma_start3A_3423] : memref<100000x64xf32, #tpu.memory_space<hbm>> -> memref<1x64xf32, #tpu.memory_space<hbm>>
          %dma_start3A_3425 = tpu.memref_squeeze %dma_start3A_3424 : memref<1x64xf32, #tpu.memory_space<hbm>> -> memref<64xf32, #tpu.memory_space<hbm>>
          %dma_start3A_3426 = arith.constant 0 : i32
          %dma_start3A_3427 = tpu.memref_slice %arg10[%add3A_3419, %dma_start3A_3426] : memref<256x64xf32, #tpu.memory_space<vmem>> -> memref<1x64xf32, #tpu.memory_space<vmem>>
          %dma_start3A_3428 = tpu.memref_squeeze %dma_start3A_3427 : memref<1x64xf32, #tpu.memory_space<vmem>> -> memref<64xf32, #tpu.memory_space<vmem>>
          %dma_start3A_3429 = arith.constant 0 : i32
          %dma_start3A_3430 = tpu.memref_slice %arg5[%squeeze3A_3417, %dma_start3A_3429] : memref<100000x64xf32, #tpu.memory_space<hbm>> -> memref<1x64xf32, #tpu.memory_space<hbm>>
          %dma_start3A_3431 = tpu.memref_squeeze %dma_start3A_3430 : memref<1x64xf32, #tpu.memory_space<hbm>> -> memref<64xf32, #tpu.memory_space<hbm>>
          tpu.enqueue_dma source(%dma_start3A_3431 : memref<64xf32, #tpu.memory_space<hbm>>) target(%dma_start3A_3428 : memref<64xf32, #tpu.memory_space<vmem>>) target_semaphore(%arg13 : memref<!tpu.dma_semaphore, #tpu.memory_space<semaphore_mem>>)
          %slice3A_3432 = vector.extract_strided_slice %get3A_3364 {offsets = [2], sizes = [1], strides = [1]} : vector<16xi32> to vector<1xi32>
          %squeeze3A_3433 = vector.extract %slice3A_3432[0] : i32 from vector<1xi32>
          %add3A_3434 = arith.constant 2 : i32
          %add3A_3435 = arith.addi %mul3A_3361, %add3A_3434 : i32
          %dma_start3A_3436 = arith.constant 0 : i32
          %dma_start3A_3437 = tpu.memref_slice %arg9[%add3A_3435, %dma_start3A_3436] : memref<256x64xf32, #tpu.memory_space<vmem>> -> memref<1x64xf32, #tpu.memory_space<vmem>>
          %dma_start3A_3438 = tpu.memref_squeeze %dma_start3A_3437 : memref<1x64xf32, #tpu.memory_space<vmem>> -> memref<64xf32, #tpu.memory_space<vmem>>
          %dma_start3A_3439 = arith.constant 0 : i32
          %dma_start3A_3440 = tpu.memref_slice %arg4[%squeeze3A_3433, %dma_start3A_3439] : memref<100000x64xf32, #tpu.memory_space<hbm>> -> memref<1x64xf32, #tpu.memory_space<hbm>>
          %dma_start3A_3441 = tpu.memref_squeeze %dma_start3A_3440 : memref<1x64xf32, #tpu.memory_space<hbm>> -> memref<64xf32, #tpu.memory_space<hbm>>
          %dma_start3A_3442 = arith.constant 0 : i32
          %dma_start3A_3443 = tpu.memref_slice %arg9[%add3A_3435, %dma_start3A_3442] : memref<256x64xf32, #tpu.memory_space<vmem>> -> memref<1x64xf32, #tpu.memory_space<vmem>>
          %dma_start3A_3444 = tpu.memref_squeeze %dma_start3A_3443 : memref<1x64xf32, #tpu.memory_space<vmem>> -> memref<64xf32, #tpu.memory_space<vmem>>
          %dma_start3A_3445 = arith.constant 0 : i32
          %dma_start3A_3446 = tpu.memref_slice %arg4[%squeeze3A_3433, %dma_start3A_3445] : memref<100000x64xf32, #tpu.memory_space<hbm>> -> memref<1x64xf32, #tpu.memory_space<hbm>>
          %dma_start3A_3447 = tpu.memref_squeeze %dma_start3A_3446 : memref<1x64xf32, #tpu.memory_space<hbm>> -> memref<64xf32, #tpu.memory_space<hbm>>
          tpu.enqueue_dma source(%dma_start3A_3447 : memref<64xf32, #tpu.memory_space<hbm>>) target(%dma_start3A_3444 : memref<64xf32, #tpu.memory_space<vmem>>) target_semaphore(%arg13 : memref<!tpu.dma_semaphore, #tpu.memory_space<semaphore_mem>>)
          %slice3A_3448 = vector.extract_strided_slice %get3A_3367 {offsets = [2], sizes = [1], strides = [1]} : vector<16xi32> to vector<1xi32>
          %squeeze3A_3449 = vector.extract %slice3A_3448[0] : i32 from vector<1xi32>
          %add3A_3450 = arith.constant 2 : i32
          %add3A_3451 = arith.addi %mul3A_3361, %add3A_3450 : i32
          %dma_start3A_3452 = arith.constant 0 : i32
          %dma_start3A_3453 = tpu.memref_slice %arg10[%add3A_3451, %dma_start3A_3452] : memref<256x64xf32, #tpu.memory_space<vmem>> -> memref<1x64xf32, #tpu.memory_space<vmem>>
          %dma_start3A_3454 = tpu.memref_squeeze %dma_start3A_3453 : memref<1x64xf32, #tpu.memory_space<vmem>> -> memref<64xf32, #tpu.memory_space<vmem>>
          %dma_start3A_3455 = arith.constant 0 : i32
          %dma_start3A_3456 = tpu.memref_slice %arg5[%squeeze3A_3449, %dma_start3A_3455] : memref<100000x64xf32, #tpu.memory_space<hbm>> -> memref<1x64xf32, #tpu.memory_space<hbm>>
          %dma_start3A_3457 = tpu.memref_squeeze %dma_start3A_3456 : memref<1x64xf32, #tpu.memory_space<hbm>> -> memref<64xf32, #tpu.memory_space<hbm>>
          %dma_start3A_3458 = arith.constant 0 : i32
          %dma_start3A_3459 = tpu.memref_slice %arg10[%add3A_3451, %dma_start3A_3458] : memref<256x64xf32, #tpu.memory_space<vmem>> -> memref<1x64xf32, #tpu.memory_space<vmem>>
          %dma_start3A_3460 = tpu.memref_squeeze %dma_start3A_3459 : memref<1x64xf32, #tpu.memory_space<vmem>> -> memref<64xf32, #tpu.memory_space<vmem>>
          %dma_start3A_3461 = arith.constant 0 : i32
          %dma_start3A_3462 = tpu.memref_slice %arg5[%squeeze3A_3449, %dma_start3A_3461] : memref<100000x64xf32, #tpu.memory_space<hbm>> -> memref<1x64xf32, #tpu.memory_space<hbm>>
          %dma_start3A_3463 = tpu.memref_squeeze %dma_start3A_3462 : memref<1x64xf32, #tpu.memory_space<hbm>> -> memref<64xf32, #tpu.memory_space<hbm>>
          tpu.enqueue_dma source(%dma_start3A_3463 : memref<64xf32, #tpu.memory_space<hbm>>) target(%dma_start3A_3460 : memref<64xf32, #tpu.memory_space<vmem>>) target_semaphore(%arg13 : memref<!tpu.dma_semaphore, #tpu.memory_space<semaphore_mem>>)
          %slice3A_3464 = vector.extract_strided_slice %get3A_3364 {offsets = [3], sizes = [1], strides = [1]} : vector<16xi32> to vector<1xi32>
          %squeeze3A_3465 = vector.extract %slice3A_3464[0] : i32 from vector<1xi32>
          %add3A_3466 = arith.constant 3 : i32
          %add3A_3467 = arith.addi %mul3A_3361, %add3A_3466 : i32
          %dma_start3A_3468 = arith.constant 0 : i32
          %dma_start3A_3469 = tpu.memref_slice %arg9[%add3A_3467, %dma_start3A_3468] : memref<256x64xf32, #tpu.memory_space<vmem>> -> memref<1x64xf32, #tpu.memory_space<vmem>>
          %dma_start3A_3470 = tpu.memref_squeeze %dma_start3A_3469 : memref<1x64xf32, #tpu.memory_space<vmem>> -> memref<64xf32, #tpu.memory_space<vmem>>
          %dma_start3A_3471 = arith.constant 0 : i32
          %dma_start3A_3472 = tpu.memref_slice %arg4[%squeeze3A_3465, %dma_start3A_3471] : memref<100000x64xf32, #tpu.memory_space<hbm>> -> memref<1x64xf32, #tpu.memory_space<hbm>>
          %dma_start3A_3473 = tpu.memref_squeeze %dma_start3A_3472 : memref<1x64xf32, #tpu.memory_space<hbm>> -> memref<64xf32, #tpu.memory_space<hbm>>
          %dma_start3A_3474 = arith.constant 0 : i32
          %dma_start3A_3475 = tpu.memref_slice %arg9[%add3A_3467, %dma_start3A_3474] : memref<256x64xf32, #tpu.memory_space<vmem>> -> memref<1x64xf32, #tpu.memory_space<vmem>>
          %dma_start3A_3476 = tpu.memref_squeeze %dma_start3A_3475 : memref<1x64xf32, #tpu.memory_space<vmem>> -> memref<64xf32, #tpu.memory_space<vmem>>
          %dma_start3A_3477 = arith.constant 0 : i32
          %dma_start3A_3478 = tpu.memref_slice %arg4[%squeeze3A_3465, %dma_start3A_3477] : memref<100000x64xf32, #tpu.memory_space<hbm>> -> memref<1x64xf32, #tpu.memory_space<hbm>>
          %dma_start3A_3479 = tpu.memref_squeeze %dma_start3A_3478 : memref<1x64xf32, #tpu.memory_space<hbm>> -> memref<64xf32, #tpu.memory_space<hbm>>
          tpu.enqueue_dma source(%dma_start3A_3479 : memref<64xf32, #tpu.memory_space<hbm>>) target(%dma_start3A_3476 : memref<64xf32, #tpu.memory_space<vmem>>) target_semaphore(%arg13 : memref<!tpu.dma_semaphore, #tpu.memory_space<semaphore_mem>>)
          %slice3A_3480 = vector.extract_strided_slice %get3A_3367 {offsets = [3], sizes = [1], strides = [1]} : vector<16xi32> to vector<1xi32>
          %squeeze3A_3481 = vector.extract %slice3A_3480[0] : i32 from vector<1xi32>
          %add3A_3482 = arith.constant 3 : i32
          %add3A_3483 = arith.addi %mul3A_3361, %add3A_3482 : i32
          %dma_start3A_3484 = arith.constant 0 : i32
          %dma_start3A_3485 = tpu.memref_slice %arg10[%add3A_3483, %dma_start3A_3484] : memref<256x64xf32, #tpu.memory_space<vmem>> -> memref<1x64xf32, #tpu.memory_space<vmem>>
          %dma_start3A_3486 = tpu.memref_squeeze %dma_start3A_3485 : memref<1x64xf32, #tpu.memory_space<vmem>> -> memref<64xf32, #tpu.memory_space<vmem>>
          %dma_start3A_3487 = arith.constant 0 : i32
          %dma_start3A_3488 = tpu.memref_slice %arg5[%squeeze3A_3481, %dma_start3A_3487] : memref<100000x64xf32, #tpu.memory_space<hbm>> -> memref<1x64xf32, #tpu.memory_space<hbm>>
          %dma_start3A_3489 = tpu.memref_squeeze %dma_start3A_3488 : memref<1x64xf32, #tpu.memory_space<hbm>> -> memref<64xf32, #tpu.memory_space<hbm>>
          %dma_start3A_3490 = arith.constant 0 : i32
          %dma_start3A_3491 = tpu.memref_slice %arg10[%add3A_3483, %dma_start3A_3490] : memref<256x64xf32, #tpu.memory_space<vmem>> -> memref<1x64xf32, #tpu.memory_space<vmem>>
          %dma_start3A_3492 = tpu.memref_squeeze %dma_start3A_3491 : memref<1x64xf32, #tpu.memory_space<vmem>> -> memref<64xf32, #tpu.memory_space<vmem>>
          %dma_start3A_3493 = arith.constant 0 : i32
          %dma_start3A_3494 = tpu.memref_slice %arg5[%squeeze3A_3481, %dma_start3A_3493] : memref<100000x64xf32, #tpu.memory_space<hbm>> -> memref<1x64xf32, #tpu.memory_space<hbm>>
          %dma_start3A_3495 = tpu.memref_squeeze %dma_start3A_3494 : memref<1x64xf32, #tpu.memory_space<hbm>> -> memref<64xf32, #tpu.memory_space<hbm>>
          tpu.enqueue_dma source(%dma_start3A_3495 : memref<64xf32, #tpu.memory_space<hbm>>) target(%dma_start3A_3492 : memref<64xf32, #tpu.memory_space<vmem>>) target_semaphore(%arg13 : memref<!tpu.dma_semaphore, #tpu.memory_space<semaphore_mem>>)
          %slice3A_3496 = vector.extract_strided_slice %get3A_3364 {offsets = [4], sizes = [1], strides = [1]} : vector<16xi32> to vector<1xi32>
          %squeeze3A_3497 = vector.extract %slice3A_3496[0] : i32 from vector<1xi32>
          %add3A_3498 = arith.constant 4 : i32
          %add3A_3499 = arith.addi %mul3A_3361, %add3A_3498 : i32
          %dma_start3A_3500 = arith.constant 0 : i32
          %dma_start3A_3501 = tpu.memref_slice %arg9[%add3A_3499, %dma_start3A_3500] : memref<256x64xf32, #tpu.memory_space<vmem>> -> memref<1x64xf32, #tpu.memory_space<vmem>>
          %dma_start3A_3502 = tpu.memref_squeeze %dma_start3A_3501 : memref<1x64xf32, #tpu.memory_space<vmem>> -> memref<64xf32, #tpu.memory_space<vmem>>
          %dma_start3A_3503 = arith.constant 0 : i32
          %dma_start3A_3504 = tpu.memref_slice %arg4[%squeeze3A_3497, %dma_start3A_3503] : memref<100000x64xf32, #tpu.memory_space<hbm>> -> memref<1x64xf32, #tpu.memory_space<hbm>>
          %dma_start3A_3505 = tpu.memref_squeeze %dma_start3A_3504 : memref<1x64xf32, #tpu.memory_space<hbm>> -> memref<64xf32, #tpu.memory_space<hbm>>
          %dma_start3A_3506 = arith.constant 0 : i32
          %dma_start3A_3507 = tpu.memref_slice %arg9[%add3A_3499, %dma_start3A_3506] : memref<256x64xf32, #tpu.memory_space<vmem>> -> memref<1x64xf32, #tpu.memory_space<vmem>>
          %dma_start3A_3508 = tpu.memref_squeeze %dma_start3A_3507 : memref<1x64xf32, #tpu.memory_space<vmem>> -> memref<64xf32, #tpu.memory_space<vmem>>
          %dma_start3A_3509 = arith.constant 0 : i32
          %dma_start3A_3510 = tpu.memref_slice %arg4[%squeeze3A_3497, %dma_start3A_3509] : memref<100000x64xf32, #tpu.memory_space<hbm>> -> memref<1x64xf32, #tpu.memory_space<hbm>>
          %dma_start3A_3511 = tpu.memref_squeeze %dma_start3A_3510 : memref<1x64xf32, #tpu.memory_space<hbm>> -> memref<64xf32, #tpu.memory_space<hbm>>
          tpu.enqueue_dma source(%dma_start3A_3511 : memref<64xf32, #tpu.memory_space<hbm>>) target(%dma_start3A_3508 : memref<64xf32, #tpu.memory_space<vmem>>) target_semaphore(%arg13 : memref<!tpu.dma_semaphore, #tpu.memory_space<semaphore_mem>>)
          %slice3A_3512 = vector.extract_strided_slice %get3A_3367 {offsets = [4], sizes = [1], strides = [1]} : vector<16xi32> to vector<1xi32>
          %squeeze3A_3513 = vector.extract %slice3A_3512[0] : i32 from vector<1xi32>
          %add3A_3514 = arith.constant 4 : i32
          %add3A_3515 = arith.addi %mul3A_3361, %add3A_3514 : i32
          %dma_start3A_3516 = arith.constant 0 : i32
          %dma_start3A_3517 = tpu.memref_slice %arg10[%add3A_3515, %dma_start3A_3516] : memref<256x64xf32, #tpu.memory_space<vmem>> -> memref<1x64xf32, #tpu.memory_space<vmem>>
          %dma_start3A_3518 = tpu.memref_squeeze %dma_start3A_3517 : memref<1x64xf32, #tpu.memory_space<vmem>> -> memref<64xf32, #tpu.memory_space<vmem>>
          %dma_start3A_3519 = arith.constant 0 : i32
          %dma_start3A_3520 = tpu.memref_slice %arg5[%squeeze3A_3513, %dma_start3A_3519] : memref<100000x64xf32, #tpu.memory_space<hbm>> -> memref<1x64xf32, #tpu.memory_space<hbm>>
          %dma_start3A_3521 = tpu.memref_squeeze %dma_start3A_3520 : memref<1x64xf32, #tpu.memory_space<hbm>> -> memref<64xf32, #tpu.memory_space<hbm>>
          %dma_start3A_3522 = arith.constant 0 : i32
          %dma_start3A_3523 = tpu.memref_slice %arg10[%add3A_3515, %dma_start3A_3522] : memref<256x64xf32, #tpu.memory_space<vmem>> -> memref<1x64xf32, #tpu.memory_space<vmem>>
          %dma_start3A_3524 = tpu.memref_squeeze %dma_start3A_3523 : memref<1x64xf32, #tpu.memory_space<vmem>> -> memref<64xf32, #tpu.memory_space<vmem>>
          %dma_start3A_3525 = arith.constant 0 : i32
          %dma_start3A_3526 = tpu.memref_slice %arg5[%squeeze3A_3513, %dma_start3A_3525] : memref<100000x64xf32, #tpu.memory_space<hbm>> -> memref<1x64xf32, #tpu.memory_space<hbm>>
          %dma_start3A_3527 = tpu.memref_squeeze %dma_start3A_3526 : memref<1x64xf32, #tpu.memory_space<hbm>> -> memref<64xf32, #tpu.memory_space<hbm>>
          tpu.enqueue_dma source(%dma_start3A_3527 : memref<64xf32, #tpu.memory_space<hbm>>) target(%dma_start3A_3524 : memref<64xf32, #tpu.memory_space<vmem>>) target_semaphore(%arg13 : memref<!tpu.dma_semaphore, #tpu.memory_space<semaphore_mem>>)
          %slice3A_3528 = vector.extract_strided_slice %get3A_3364 {offsets = [5], sizes = [1], strides = [1]} : vector<16xi32> to vector<1xi32>
          %squeeze3A_3529 = vector.extract %slice3A_3528[0] : i32 from vector<1xi32>
          %add3A_3530 = arith.constant 5 : i32
          %add3A_3531 = arith.addi %mul3A_3361, %add3A_3530 : i32
          %dma_start3A_3532 = arith.constant 0 : i32
          %dma_start3A_3533 = tpu.memref_slice %arg9[%add3A_3531, %dma_start3A_3532] : memref<256x64xf32, #tpu.memory_space<vmem>> -> memref<1x64xf32, #tpu.memory_space<vmem>>
          %dma_start3A_3534 = tpu.memref_squeeze %dma_start3A_3533 : memref<1x64xf32, #tpu.memory_space<vmem>> -> memref<64xf32, #tpu.memory_space<vmem>>
          %dma_start3A_3535 = arith.constant 0 : i32
          %dma_start3A_3536 = tpu.memref_slice %arg4[%squeeze3A_3529, %dma_start3A_3535] : memref<100000x64xf32, #tpu.memory_space<hbm>> -> memref<1x64xf32, #tpu.memory_space<hbm>>
          %dma_start3A_3537 = tpu.memref_squeeze %dma_start3A_3536 : memref<1x64xf32, #tpu.memory_space<hbm>> -> memref<64xf32, #tpu.memory_space<hbm>>
          %dma_start3A_3538 = arith.constant 0 : i32
          %dma_start3A_3539 = tpu.memref_slice %arg9[%add3A_3531, %dma_start3A_3538] : memref<256x64xf32, #tpu.memory_space<vmem>> -> memref<1x64xf32, #tpu.memory_space<vmem>>
          %dma_start3A_3540 = tpu.memref_squeeze %dma_start3A_3539 : memref<1x64xf32, #tpu.memory_space<vmem>> -> memref<64xf32, #tpu.memory_space<vmem>>
          %dma_start3A_3541 = arith.constant 0 : i32
          %dma_start3A_3542 = tpu.memref_slice %arg4[%squeeze3A_3529, %dma_start3A_3541] : memref<100000x64xf32, #tpu.memory_space<hbm>> -> memref<1x64xf32, #tpu.memory_space<hbm>>
          %dma_start3A_3543 = tpu.memref_squeeze %dma_start3A_3542 : memref<1x64xf32, #tpu.memory_space<hbm>> -> memref<64xf32, #tpu.memory_space<hbm>>
          tpu.enqueue_dma source(%dma_start3A_3543 : memref<64xf32, #tpu.memory_space<hbm>>) target(%dma_start3A_3540 : memref<64xf32, #tpu.memory_space<vmem>>) target_semaphore(%arg13 : memref<!tpu.dma_semaphore, #tpu.memory_space<semaphore_mem>>)
          %slice3A_3544 = vector.extract_strided_slice %get3A_3367 {offsets = [5], sizes = [1], strides = [1]} : vector<16xi32> to vector<1xi32>
          %squeeze3A_3545 = vector.extract %slice3A_3544[0] : i32 from vector<1xi32>
          %add3A_3546 = arith.constant 5 : i32
          %add3A_3547 = arith.addi %mul3A_3361, %add3A_3546 : i32
          %dma_start3A_3548 = arith.constant 0 : i32
          %dma_start3A_3549 = tpu.memref_slice %arg10[%add3A_3547, %dma_start3A_3548] : memref<256x64xf32, #tpu.memory_space<vmem>> -> memref<1x64xf32, #tpu.memory_space<vmem>>
          %dma_start3A_3550 = tpu.memref_squeeze %dma_start3A_3549 : memref<1x64xf32, #tpu.memory_space<vmem>> -> memref<64xf32, #tpu.memory_space<vmem>>
          %dma_start3A_3551 = arith.constant 0 : i32
          %dma_start3A_3552 = tpu.memref_slice %arg5[%squeeze3A_3545, %dma_start3A_3551] : memref<100000x64xf32, #tpu.memory_space<hbm>> -> memref<1x64xf32, #tpu.memory_space<hbm>>
          %dma_start3A_3553 = tpu.memref_squeeze %dma_start3A_3552 : memref<1x64xf32, #tpu.memory_space<hbm>> -> memref<64xf32, #tpu.memory_space<hbm>>
          %dma_start3A_3554 = arith.constant 0 : i32
          %dma_start3A_3555 = tpu.memref_slice %arg10[%add3A_3547, %dma_start3A_3554] : memref<256x64xf32, #tpu.memory_space<vmem>> -> memref<1x64xf32, #tpu.memory_space<vmem>>
          %dma_start3A_3556 = tpu.memref_squeeze %dma_start3A_3555 : memref<1x64xf32, #tpu.memory_space<vmem>> -> memref<64xf32, #tpu.memory_space<vmem>>
          %dma_start3A_3557 = arith.constant 0 : i32
          %dma_start3A_3558 = tpu.memref_slice %arg5[%squeeze3A_3545, %dma_start3A_3557] : memref<100000x64xf32, #tpu.memory_space<hbm>> -> memref<1x64xf32, #tpu.memory_space<hbm>>
          %dma_start3A_3559 = tpu.memref_squeeze %dma_start3A_3558 : memref<1x64xf32, #tpu.memory_space<hbm>> -> memref<64xf32, #tpu.memory_space<hbm>>
          tpu.enqueue_dma source(%dma_start3A_3559 : memref<64xf32, #tpu.memory_space<hbm>>) target(%dma_start3A_3556 : memref<64xf32, #tpu.memory_space<vmem>>) target_semaphore(%arg13 : memref<!tpu.dma_semaphore, #tpu.memory_space<semaphore_mem>>)
          %slice3A_3560 = vector.extract_strided_slice %get3A_3364 {offsets = [6], sizes = [1], strides = [1]} : vector<16xi32> to vector<1xi32>
          %squeeze3A_3561 = vector.extract %slice3A_3560[0] : i32 from vector<1xi32>
          %add3A_3562 = arith.constant 6 : i32
          %add3A_3563 = arith.addi %mul3A_3361, %add3A_3562 : i32
          %dma_start3A_3564 = arith.constant 0 : i32
          %dma_start3A_3565 = tpu.memref_slice %arg9[%add3A_3563, %dma_start3A_3564] : memref<256x64xf32, #tpu.memory_space<vmem>> -> memref<1x64xf32, #tpu.memory_space<vmem>>
          %dma_start3A_3566 = tpu.memref_squeeze %dma_start3A_3565 : memref<1x64xf32, #tpu.memory_space<vmem>> -> memref<64xf32, #tpu.memory_space<vmem>>
          %dma_start3A_3567 = arith.constant 0 : i32
          %dma_start3A_3568 = tpu.memref_slice %arg4[%squeeze3A_3561, %dma_start3A_3567] : memref<100000x64xf32, #tpu.memory_space<hbm>> -> memref<1x64xf32, #tpu.memory_space<hbm>>
          %dma_start3A_3569 = tpu.memref_squeeze %dma_start3A_3568 : memref<1x64xf32, #tpu.memory_space<hbm>> -> memref<64xf32, #tpu.memory_space<hbm>>
          %dma_start3A_3570 = arith.constant 0 : i32
          %dma_start3A_3571 = tpu.memref_slice %arg9[%add3A_3563, %dma_start3A_3570] : memref<256x64xf32, #tpu.memory_space<vmem>> -> memref<1x64xf32, #tpu.memory_space<vmem>>
          %dma_start3A_3572 = tpu.memref_squeeze %dma_start3A_3571 : memref<1x64xf32, #tpu.memory_space<vmem>> -> memref<64xf32, #tpu.memory_space<vmem>>
          %dma_start3A_3573 = arith.constant 0 : i32
          %dma_start3A_3574 = tpu.memref_slice %arg4[%squeeze3A_3561, %dma_start3A_3573] : memref<100000x64xf32, #tpu.memory_space<hbm>> -> memref<1x64xf32, #tpu.memory_space<hbm>>
          %dma_start3A_3575 = tpu.memref_squeeze %dma_start3A_3574 : memref<1x64xf32, #tpu.memory_space<hbm>> -> memref<64xf32, #tpu.memory_space<hbm>>
          tpu.enqueue_dma source(%dma_start3A_3575 : memref<64xf32, #tpu.memory_space<hbm>>) target(%dma_start3A_3572 : memref<64xf32, #tpu.memory_space<vmem>>) target_semaphore(%arg13 : memref<!tpu.dma_semaphore, #tpu.memory_space<semaphore_mem>>)
          %slice3A_3576 = vector.extract_strided_slice %get3A_3367 {offsets = [6], sizes = [1], strides = [1]} : vector<16xi32> to vector<1xi32>
          %squeeze3A_3577 = vector.extract %slice3A_3576[0] : i32 from vector<1xi32>
          %add3A_3578 = arith.constant 6 : i32
          %add3A_3579 = arith.addi %mul3A_3361, %add3A_3578 : i32
          %dma_start3A_3580 = arith.constant 0 : i32
          %dma_start3A_3581 = tpu.memref_slice %arg10[%add3A_3579, %dma_start3A_3580] : memref<256x64xf32, #tpu.memory_space<vmem>> -> memref<1x64xf32, #tpu.memory_space<vmem>>
          %dma_start3A_3582 = tpu.memref_squeeze %dma_start3A_3581 : memref<1x64xf32, #tpu.memory_space<vmem>> -> memref<64xf32, #tpu.memory_space<vmem>>
          %dma_start3A_3583 = arith.constant 0 : i32
          %dma_start3A_3584 = tpu.memref_slice %arg5[%squeeze3A_3577, %dma_start3A_3583] : memref<100000x64xf32, #tpu.memory_space<hbm>> -> memref<1x64xf32, #tpu.memory_space<hbm>>
          %dma_start3A_3585 = tpu.memref_squeeze %dma_start3A_3584 : memref<1x64xf32, #tpu.memory_space<hbm>> -> memref<64xf32, #tpu.memory_space<hbm>>
          %dma_start3A_3586 = arith.constant 0 : i32
          %dma_start3A_3587 = tpu.memref_slice %arg10[%add3A_3579, %dma_start3A_3586] : memref<256x64xf32, #tpu.memory_space<vmem>> -> memref<1x64xf32, #tpu.memory_space<vmem>>
          %dma_start3A_3588 = tpu.memref_squeeze %dma_start3A_3587 : memref<1x64xf32, #tpu.memory_space<vmem>> -> memref<64xf32, #tpu.memory_space<vmem>>
          %dma_start3A_3589 = arith.constant 0 : i32
          %dma_start3A_3590 = tpu.memref_slice %arg5[%squeeze3A_3577, %dma_start3A_3589] : memref<100000x64xf32, #tpu.memory_space<hbm>> -> memref<1x64xf32, #tpu.memory_space<hbm>>
          %dma_start3A_3591 = tpu.memref_squeeze %dma_start3A_3590 : memref<1x64xf32, #tpu.memory_space<hbm>> -> memref<64xf32, #tpu.memory_space<hbm>>
          tpu.enqueue_dma source(%dma_start3A_3591 : memref<64xf32, #tpu.memory_space<hbm>>) target(%dma_start3A_3588 : memref<64xf32, #tpu.memory_space<vmem>>) target_semaphore(%arg13 : memref<!tpu.dma_semaphore, #tpu.memory_space<semaphore_mem>>)
          %slice3A_3592 = vector.extract_strided_slice %get3A_3364 {offsets = [7], sizes = [1], strides = [1]} : vector<16xi32> to vector<1xi32>
          %squeeze3A_3593 = vector.extract %slice3A_3592[0] : i32 from vector<1xi32>
          %add3A_3594 = arith.constant 7 : i32
          %add3A_3595 = arith.addi %mul3A_3361, %add3A_3594 : i32
          %dma_start3A_3596 = arith.constant 0 : i32
          %dma_start3A_3597 = tpu.memref_slice %arg9[%add3A_3595, %dma_start3A_3596] : memref<256x64xf32, #tpu.memory_space<vmem>> -> memref<1x64xf32, #tpu.memory_space<vmem>>
          %dma_start3A_3598 = tpu.memref_squeeze %dma_start3A_3597 : memref<1x64xf32, #tpu.memory_space<vmem>> -> memref<64xf32, #tpu.memory_space<vmem>>
          %dma_start3A_3599 = arith.constant 0 : i32
          %dma_start3A_3600 = tpu.memref_slice %arg4[%squeeze3A_3593, %dma_start3A_3599] : memref<100000x64xf32, #tpu.memory_space<hbm>> -> memref<1x64xf32, #tpu.memory_space<hbm>>
          %dma_start3A_3601 = tpu.memref_squeeze %dma_start3A_3600 : memref<1x64xf32, #tpu.memory_space<hbm>> -> memref<64xf32, #tpu.memory_space<hbm>>
          %dma_start3A_3602 = arith.constant 0 : i32
          %dma_start3A_3603 = tpu.memref_slice %arg9[%add3A_3595, %dma_start3A_3602] : memref<256x64xf32, #tpu.memory_space<vmem>> -> memref<1x64xf32, #tpu.memory_space<vmem>>
          %dma_start3A_3604 = tpu.memref_squeeze %dma_start3A_3603 : memref<1x64xf32, #tpu.memory_space<vmem>> -> memref<64xf32, #tpu.memory_space<vmem>>
          %dma_start3A_3605 = arith.constant 0 : i32
          %dma_start3A_3606 = tpu.memref_slice %arg4[%squeeze3A_3593, %dma_start3A_3605] : memref<100000x64xf32, #tpu.memory_space<hbm>> -> memref<1x64xf32, #tpu.memory_space<hbm>>
          %dma_start3A_3607 = tpu.memref_squeeze %dma_start3A_3606 : memref<1x64xf32, #tpu.memory_space<hbm>> -> memref<64xf32, #tpu.memory_space<hbm>>
          tpu.enqueue_dma source(%dma_start3A_3607 : memref<64xf32, #tpu.memory_space<hbm>>) target(%dma_start3A_3604 : memref<64xf32, #tpu.memory_space<vmem>>) target_semaphore(%arg13 : memref<!tpu.dma_semaphore, #tpu.memory_space<semaphore_mem>>)
          %slice3A_3608 = vector.extract_strided_slice %get3A_3367 {offsets = [7], sizes = [1], strides = [1]} : vector<16xi32> to vector<1xi32>
          %squeeze3A_3609 = vector.extract %slice3A_3608[0] : i32 from vector<1xi32>
          %add3A_3610 = arith.constant 7 : i32
          %add3A_3611 = arith.addi %mul3A_3361, %add3A_3610 : i32
          %dma_start3A_3612 = arith.constant 0 : i32
          %dma_start3A_3613 = tpu.memref_slice %arg10[%add3A_3611, %dma_start3A_3612] : memref<256x64xf32, #tpu.memory_space<vmem>> -> memref<1x64xf32, #tpu.memory_space<vmem>>
          %dma_start3A_3614 = tpu.memref_squeeze %dma_start3A_3613 : memref<1x64xf32, #tpu.memory_space<vmem>> -> memref<64xf32, #tpu.memory_space<vmem>>
          %dma_start3A_3615 = arith.constant 0 : i32
          %dma_start3A_3616 = tpu.memref_slice %arg5[%squeeze3A_3609, %dma_start3A_3615] : memref<100000x64xf32, #tpu.memory_space<hbm>> -> memref<1x64xf32, #tpu.memory_space<hbm>>
          %dma_start3A_3617 = tpu.memref_squeeze %dma_start3A_3616 : memref<1x64xf32, #tpu.memory_space<hbm>> -> memref<64xf32, #tpu.memory_space<hbm>>
          %dma_start3A_3618 = arith.constant 0 : i32
          %dma_start3A_3619 = tpu.memref_slice %arg10[%add3A_3611, %dma_start3A_3618] : memref<256x64xf32, #tpu.memory_space<vmem>> -> memref<1x64xf32, #tpu.memory_space<vmem>>
          %dma_start3A_3620 = tpu.memref_squeeze %dma_start3A_3619 : memref<1x64xf32, #tpu.memory_space<vmem>> -> memref<64xf32, #tpu.memory_space<vmem>>
          %dma_start3A_3621 = arith.constant 0 : i32
          %dma_start3A_3622 = tpu.memref_slice %arg5[%squeeze3A_3609, %dma_start3A_3621] : memref<100000x64xf32, #tpu.memory_space<hbm>> -> memref<1x64xf32, #tpu.memory_space<hbm>>
          %dma_start3A_3623 = tpu.memref_squeeze %dma_start3A_3622 : memref<1x64xf32, #tpu.memory_space<hbm>> -> memref<64xf32, #tpu.memory_space<hbm>>
          tpu.enqueue_dma source(%dma_start3A_3623 : memref<64xf32, #tpu.memory_space<hbm>>) target(%dma_start3A_3620 : memref<64xf32, #tpu.memory_space<vmem>>) target_semaphore(%arg13 : memref<!tpu.dma_semaphore, #tpu.memory_space<semaphore_mem>>)
          %slice3A_3624 = vector.extract_strided_slice %get3A_3364 {offsets = [8], sizes = [1], strides = [1]} : vector<16xi32> to vector<1xi32>
          %squeeze3A_3625 = vector.extract %slice3A_3624[0] : i32 from vector<1xi32>
          %add3A_3626 = arith.constant 8 : i32
          %add3A_3627 = arith.addi %mul3A_3361, %add3A_3626 : i32
          %dma_start3A_3628 = arith.constant 0 : i32
          %dma_start3A_3629 = tpu.memref_slice %arg9[%add3A_3627, %dma_start3A_3628] : memref<256x64xf32, #tpu.memory_space<vmem>> -> memref<1x64xf32, #tpu.memory_space<vmem>>
          %dma_start3A_3630 = tpu.memref_squeeze %dma_start3A_3629 : memref<1x64xf32, #tpu.memory_space<vmem>> -> memref<64xf32, #tpu.memory_space<vmem>>
          %dma_start3A_3631 = arith.constant 0 : i32
          %dma_start3A_3632 = tpu.memref_slice %arg4[%squeeze3A_3625, %dma_start3A_3631] : memref<100000x64xf32, #tpu.memory_space<hbm>> -> memref<1x64xf32, #tpu.memory_space<hbm>>
          %dma_start3A_3633 = tpu.memref_squeeze %dma_start3A_3632 : memref<1x64xf32, #tpu.memory_space<hbm>> -> memref<64xf32, #tpu.memory_space<hbm>>
          %dma_start3A_3634 = arith.constant 0 : i32
          %dma_start3A_3635 = tpu.memref_slice %arg9[%add3A_3627, %dma_start3A_3634] : memref<256x64xf32, #tpu.memory_space<vmem>> -> memref<1x64xf32, #tpu.memory_space<vmem>>
          %dma_start3A_3636 = tpu.memref_squeeze %dma_start3A_3635 : memref<1x64xf32, #tpu.memory_space<vmem>> -> memref<64xf32, #tpu.memory_space<vmem>>
          %dma_start3A_3637 = arith.constant 0 : i32
          %dma_start3A_3638 = tpu.memref_slice %arg4[%squeeze3A_3625, %dma_start3A_3637] : memref<100000x64xf32, #tpu.memory_space<hbm>> -> memref<1x64xf32, #tpu.memory_space<hbm>>
          %dma_start3A_3639 = tpu.memref_squeeze %dma_start3A_3638 : memref<1x64xf32, #tpu.memory_space<hbm>> -> memref<64xf32, #tpu.memory_space<hbm>>
          tpu.enqueue_dma source(%dma_start3A_3639 : memref<64xf32, #tpu.memory_space<hbm>>) target(%dma_start3A_3636 : memref<64xf32, #tpu.memory_space<vmem>>) target_semaphore(%arg13 : memref<!tpu.dma_semaphore, #tpu.memory_space<semaphore_mem>>)
          %slice3A_3640 = vector.extract_strided_slice %get3A_3367 {offsets = [8], sizes = [1], strides = [1]} : vector<16xi32> to vector<1xi32>
          %squeeze3A_3641 = vector.extract %slice3A_3640[0] : i32 from vector<1xi32>
          %add3A_3642 = arith.constant 8 : i32
          %add3A_3643 = arith.addi %mul3A_3361, %add3A_3642 : i32
          %dma_start3A_3644 = arith.constant 0 : i32
          %dma_start3A_3645 = tpu.memref_slice %arg10[%add3A_3643, %dma_start3A_3644] : memref<256x64xf32, #tpu.memory_space<vmem>> -> memref<1x64xf32, #tpu.memory_space<vmem>>
          %dma_start3A_3646 = tpu.memref_squeeze %dma_start3A_3645 : memref<1x64xf32, #tpu.memory_space<vmem>> -> memref<64xf32, #tpu.memory_space<vmem>>
          %dma_start3A_3647 = arith.constant 0 : i32
          %dma_start3A_3648 = tpu.memref_slice %arg5[%squeeze3A_3641, %dma_start3A_3647] : memref<100000x64xf32, #tpu.memory_space<hbm>> -> memref<1x64xf32, #tpu.memory_space<hbm>>
          %dma_start3A_3649 = tpu.memref_squeeze %dma_start3A_3648 : memref<1x64xf32, #tpu.memory_space<hbm>> -> memref<64xf32, #tpu.memory_space<hbm>>
          %dma_start3A_3650 = arith.constant 0 : i32
          %dma_start3A_3651 = tpu.memref_slice %arg10[%add3A_3643, %dma_start3A_3650] : memref<256x64xf32, #tpu.memory_space<vmem>> -> memref<1x64xf32, #tpu.memory_space<vmem>>
          %dma_start3A_3652 = tpu.memref_squeeze %dma_start3A_3651 : memref<1x64xf32, #tpu.memory_space<vmem>> -> memref<64xf32, #tpu.memory_space<vmem>>
          %dma_start3A_3653 = arith.constant 0 : i32
          %dma_start3A_3654 = tpu.memref_slice %arg5[%squeeze3A_3641, %dma_start3A_3653] : memref<100000x64xf32, #tpu.memory_space<hbm>> -> memref<1x64xf32, #tpu.memory_space<hbm>>
          %dma_start3A_3655 = tpu.memref_squeeze %dma_start3A_3654 : memref<1x64xf32, #tpu.memory_space<hbm>> -> memref<64xf32, #tpu.memory_space<hbm>>
          tpu.enqueue_dma source(%dma_start3A_3655 : memref<64xf32, #tpu.memory_space<hbm>>) target(%dma_start3A_3652 : memref<64xf32, #tpu.memory_space<vmem>>) target_semaphore(%arg13 : memref<!tpu.dma_semaphore, #tpu.memory_space<semaphore_mem>>)
          %slice3A_3656 = vector.extract_strided_slice %get3A_3364 {offsets = [9], sizes = [1], strides = [1]} : vector<16xi32> to vector<1xi32>
          %squeeze3A_3657 = vector.extract %slice3A_3656[0] : i32 from vector<1xi32>
          %add3A_3658 = arith.constant 9 : i32
          %add3A_3659 = arith.addi %mul3A_3361, %add3A_3658 : i32
          %dma_start3A_3660 = arith.constant 0 : i32
          %dma_start3A_3661 = tpu.memref_slice %arg9[%add3A_3659, %dma_start3A_3660] : memref<256x64xf32, #tpu.memory_space<vmem>> -> memref<1x64xf32, #tpu.memory_space<vmem>>
          %dma_start3A_3662 = tpu.memref_squeeze %dma_start3A_3661 : memref<1x64xf32, #tpu.memory_space<vmem>> -> memref<64xf32, #tpu.memory_space<vmem>>
          %dma_start3A_3663 = arith.constant 0 : i32
          %dma_start3A_3664 = tpu.memref_slice %arg4[%squeeze3A_3657, %dma_start3A_3663] : memref<100000x64xf32, #tpu.memory_space<hbm>> -> memref<1x64xf32, #tpu.memory_space<hbm>>
          %dma_start3A_3665 = tpu.memref_squeeze %dma_start3A_3664 : memref<1x64xf32, #tpu.memory_space<hbm>> -> memref<64xf32, #tpu.memory_space<hbm>>
          %dma_start3A_3666 = arith.constant 0 : i32
          %dma_start3A_3667 = tpu.memref_slice %arg9[%add3A_3659, %dma_start3A_3666] : memref<256x64xf32, #tpu.memory_space<vmem>> -> memref<1x64xf32, #tpu.memory_space<vmem>>
          %dma_start3A_3668 = tpu.memref_squeeze %dma_start3A_3667 : memref<1x64xf32, #tpu.memory_space<vmem>> -> memref<64xf32, #tpu.memory_space<vmem>>
          %dma_start3A_3669 = arith.constant 0 : i32
          %dma_start3A_3670 = tpu.memref_slice %arg4[%squeeze3A_3657, %dma_start3A_3669] : memref<100000x64xf32, #tpu.memory_space<hbm>> -> memref<1x64xf32, #tpu.memory_space<hbm>>
          %dma_start3A_3671 = tpu.memref_squeeze %dma_start3A_3670 : memref<1x64xf32, #tpu.memory_space<hbm>> -> memref<64xf32, #tpu.memory_space<hbm>>
          tpu.enqueue_dma source(%dma_start3A_3671 : memref<64xf32, #tpu.memory_space<hbm>>) target(%dma_start3A_3668 : memref<64xf32, #tpu.memory_space<vmem>>) target_semaphore(%arg13 : memref<!tpu.dma_semaphore, #tpu.memory_space<semaphore_mem>>)
          %slice3A_3672 = vector.extract_strided_slice %get3A_3367 {offsets = [9], sizes = [1], strides = [1]} : vector<16xi32> to vector<1xi32>
          %squeeze3A_3673 = vector.extract %slice3A_3672[0] : i32 from vector<1xi32>
          %add3A_3674 = arith.constant 9 : i32
          %add3A_3675 = arith.addi %mul3A_3361, %add3A_3674 : i32
          %dma_start3A_3676 = arith.constant 0 : i32
          %dma_start3A_3677 = tpu.memref_slice %arg10[%add3A_3675, %dma_start3A_3676] : memref<256x64xf32, #tpu.memory_space<vmem>> -> memref<1x64xf32, #tpu.memory_space<vmem>>
          %dma_start3A_3678 = tpu.memref_squeeze %dma_start3A_3677 : memref<1x64xf32, #tpu.memory_space<vmem>> -> memref<64xf32, #tpu.memory_space<vmem>>
          %dma_start3A_3679 = arith.constant 0 : i32
          %dma_start3A_3680 = tpu.memref_slice %arg5[%squeeze3A_3673, %dma_start3A_3679] : memref<100000x64xf32, #tpu.memory_space<hbm>> -> memref<1x64xf32, #tpu.memory_space<hbm>>
          %dma_start3A_3681 = tpu.memref_squeeze %dma_start3A_3680 : memref<1x64xf32, #tpu.memory_space<hbm>> -> memref<64xf32, #tpu.memory_space<hbm>>
          %dma_start3A_3682 = arith.constant 0 : i32
          %dma_start3A_3683 = tpu.memref_slice %arg10[%add3A_3675, %dma_start3A_3682] : memref<256x64xf32, #tpu.memory_space<vmem>> -> memref<1x64xf32, #tpu.memory_space<vmem>>
          %dma_start3A_3684 = tpu.memref_squeeze %dma_start3A_3683 : memref<1x64xf32, #tpu.memory_space<vmem>> -> memref<64xf32, #tpu.memory_space<vmem>>
          %dma_start3A_3685 = arith.constant 0 : i32
          %dma_start3A_3686 = tpu.memref_slice %arg5[%squeeze3A_3673, %dma_start3A_3685] : memref<100000x64xf32, #tpu.memory_space<hbm>> -> memref<1x64xf32, #tpu.memory_space<hbm>>
          %dma_start3A_3687 = tpu.memref_squeeze %dma_start3A_3686 : memref<1x64xf32, #tpu.memory_space<hbm>> -> memref<64xf32, #tpu.memory_space<hbm>>
          tpu.enqueue_dma source(%dma_start3A_3687 : memref<64xf32, #tpu.memory_space<hbm>>) target(%dma_start3A_3684 : memref<64xf32, #tpu.memory_space<vmem>>) target_semaphore(%arg13 : memref<!tpu.dma_semaphore, #tpu.memory_space<semaphore_mem>>)
          %slice3A_3688 = vector.extract_strided_slice %get3A_3364 {offsets = [10], sizes = [1], strides = [1]} : vector<16xi32> to vector<1xi32>
          %squeeze3A_3689 = vector.extract %slice3A_3688[0] : i32 from vector<1xi32>
          %add3A_3690 = arith.constant 10 : i32
          %add3A_3691 = arith.addi %mul3A_3361, %add3A_3690 : i32
          %dma_start3A_3692 = arith.constant 0 : i32
          %dma_start3A_3693 = tpu.memref_slice %arg9[%add3A_3691, %dma_start3A_3692] : memref<256x64xf32, #tpu.memory_space<vmem>> -> memref<1x64xf32, #tpu.memory_space<vmem>>
          %dma_start3A_3694 = tpu.memref_squeeze %dma_start3A_3693 : memref<1x64xf32, #tpu.memory_space<vmem>> -> memref<64xf32, #tpu.memory_space<vmem>>
          %dma_start3A_3695 = arith.constant 0 : i32
          %dma_start3A_3696 = tpu.memref_slice %arg4[%squeeze3A_3689, %dma_start3A_3695] : memref<100000x64xf32, #tpu.memory_space<hbm>> -> memref<1x64xf32, #tpu.memory_space<hbm>>
          %dma_start3A_3697 = tpu.memref_squeeze %dma_start3A_3696 : memref<1x64xf32, #tpu.memory_space<hbm>> -> memref<64xf32, #tpu.memory_space<hbm>>
          %dma_start3A_3698 = arith.constant 0 : i32
          %dma_start3A_3699 = tpu.memref_slice %arg9[%add3A_3691, %dma_start3A_3698] : memref<256x64xf32, #tpu.memory_space<vmem>> -> memref<1x64xf32, #tpu.memory_space<vmem>>
          %dma_start3A_3700 = tpu.memref_squeeze %dma_start3A_3699 : memref<1x64xf32, #tpu.memory_space<vmem>> -> memref<64xf32, #tpu.memory_space<vmem>>
          %dma_start3A_3701 = arith.constant 0 : i32
          %dma_start3A_3702 = tpu.memref_slice %arg4[%squeeze3A_3689, %dma_start3A_3701] : memref<100000x64xf32, #tpu.memory_space<hbm>> -> memref<1x64xf32, #tpu.memory_space<hbm>>
          %dma_start3A_3703 = tpu.memref_squeeze %dma_start3A_3702 : memref<1x64xf32, #tpu.memory_space<hbm>> -> memref<64xf32, #tpu.memory_space<hbm>>
          tpu.enqueue_dma source(%dma_start3A_3703 : memref<64xf32, #tpu.memory_space<hbm>>) target(%dma_start3A_3700 : memref<64xf32, #tpu.memory_space<vmem>>) target_semaphore(%arg13 : memref<!tpu.dma_semaphore, #tpu.memory_space<semaphore_mem>>)
          %slice3A_3704 = vector.extract_strided_slice %get3A_3367 {offsets = [10], sizes = [1], strides = [1]} : vector<16xi32> to vector<1xi32>
          %squeeze3A_3705 = vector.extract %slice3A_3704[0] : i32 from vector<1xi32>
          %add3A_3706 = arith.constant 10 : i32
          %add3A_3707 = arith.addi %mul3A_3361, %add3A_3706 : i32
          %dma_start3A_3708 = arith.constant 0 : i32
          %dma_start3A_3709 = tpu.memref_slice %arg10[%add3A_3707, %dma_start3A_3708] : memref<256x64xf32, #tpu.memory_space<vmem>> -> memref<1x64xf32, #tpu.memory_space<vmem>>
          %dma_start3A_3710 = tpu.memref_squeeze %dma_start3A_3709 : memref<1x64xf32, #tpu.memory_space<vmem>> -> memref<64xf32, #tpu.memory_space<vmem>>
          %dma_start3A_3711 = arith.constant 0 : i32
          %dma_start3A_3712 = tpu.memref_slice %arg5[%squeeze3A_3705, %dma_start3A_3711] : memref<100000x64xf32, #tpu.memory_space<hbm>> -> memref<1x64xf32, #tpu.memory_space<hbm>>
          %dma_start3A_3713 = tpu.memref_squeeze %dma_start3A_3712 : memref<1x64xf32, #tpu.memory_space<hbm>> -> memref<64xf32, #tpu.memory_space<hbm>>
          %dma_start3A_3714 = arith.constant 0 : i32
          %dma_start3A_3715 = tpu.memref_slice %arg10[%add3A_3707, %dma_start3A_3714] : memref<256x64xf32, #tpu.memory_space<vmem>> -> memref<1x64xf32, #tpu.memory_space<vmem>>
          %dma_start3A_3716 = tpu.memref_squeeze %dma_start3A_3715 : memref<1x64xf32, #tpu.memory_space<vmem>> -> memref<64xf32, #tpu.memory_space<vmem>>
          %dma_start3A_3717 = arith.constant 0 : i32
          %dma_start3A_3718 = tpu.memref_slice %arg5[%squeeze3A_3705, %dma_start3A_3717] : memref<100000x64xf32, #tpu.memory_space<hbm>> -> memref<1x64xf32, #tpu.memory_space<hbm>>
          %dma_start3A_3719 = tpu.memref_squeeze %dma_start3A_3718 : memref<1x64xf32, #tpu.memory_space<hbm>> -> memref<64xf32, #tpu.memory_space<hbm>>
          tpu.enqueue_dma source(%dma_start3A_3719 : memref<64xf32, #tpu.memory_space<hbm>>) target(%dma_start3A_3716 : memref<64xf32, #tpu.memory_space<vmem>>) target_semaphore(%arg13 : memref<!tpu.dma_semaphore, #tpu.memory_space<semaphore_mem>>)
          %slice3A_3720 = vector.extract_strided_slice %get3A_3364 {offsets = [11], sizes = [1], strides = [1]} : vector<16xi32> to vector<1xi32>
          %squeeze3A_3721 = vector.extract %slice3A_3720[0] : i32 from vector<1xi32>
          %add3A_3722 = arith.constant 11 : i32
          %add3A_3723 = arith.addi %mul3A_3361, %add3A_3722 : i32
          %dma_start3A_3724 = arith.constant 0 : i32
          %dma_start3A_3725 = tpu.memref_slice %arg9[%add3A_3723, %dma_start3A_3724] : memref<256x64xf32, #tpu.memory_space<vmem>> -> memref<1x64xf32, #tpu.memory_space<vmem>>
          %dma_start3A_3726 = tpu.memref_squeeze %dma_start3A_3725 : memref<1x64xf32, #tpu.memory_space<vmem>> -> memref<64xf32, #tpu.memory_space<vmem>>
          %dma_start3A_3727 = arith.constant 0 : i32
          %dma_start3A_3728 = tpu.memref_slice %arg4[%squeeze3A_3721, %dma_start3A_3727] : memref<100000x64xf32, #tpu.memory_space<hbm>> -> memref<1x64xf32, #tpu.memory_space<hbm>>
          %dma_start3A_3729 = tpu.memref_squeeze %dma_start3A_3728 : memref<1x64xf32, #tpu.memory_space<hbm>> -> memref<64xf32, #tpu.memory_space<hbm>>
          %dma_start3A_3730 = arith.constant 0 : i32
          %dma_start3A_3731 = tpu.memref_slice %arg9[%add3A_3723, %dma_start3A_3730] : memref<256x64xf32, #tpu.memory_space<vmem>> -> memref<1x64xf32, #tpu.memory_space<vmem>>
          %dma_start3A_3732 = tpu.memref_squeeze %dma_start3A_3731 : memref<1x64xf32, #tpu.memory_space<vmem>> -> memref<64xf32, #tpu.memory_space<vmem>>
          %dma_start3A_3733 = arith.constant 0 : i32
          %dma_start3A_3734 = tpu.memref_slice %arg4[%squeeze3A_3721, %dma_start3A_3733] : memref<100000x64xf32, #tpu.memory_space<hbm>> -> memref<1x64xf32, #tpu.memory_space<hbm>>
          %dma_start3A_3735 = tpu.memref_squeeze %dma_start3A_3734 : memref<1x64xf32, #tpu.memory_space<hbm>> -> memref<64xf32, #tpu.memory_space<hbm>>
          tpu.enqueue_dma source(%dma_start3A_3735 : memref<64xf32, #tpu.memory_space<hbm>>) target(%dma_start3A_3732 : memref<64xf32, #tpu.memory_space<vmem>>) target_semaphore(%arg13 : memref<!tpu.dma_semaphore, #tpu.memory_space<semaphore_mem>>)
          %slice3A_3736 = vector.extract_strided_slice %get3A_3367 {offsets = [11], sizes = [1], strides = [1]} : vector<16xi32> to vector<1xi32>
          %squeeze3A_3737 = vector.extract %slice3A_3736[0] : i32 from vector<1xi32>
          %add3A_3738 = arith.constant 11 : i32
          %add3A_3739 = arith.addi %mul3A_3361, %add3A_3738 : i32
          %dma_start3A_3740 = arith.constant 0 : i32
          %dma_start3A_3741 = tpu.memref_slice %arg10[%add3A_3739, %dma_start3A_3740] : memref<256x64xf32, #tpu.memory_space<vmem>> -> memref<1x64xf32, #tpu.memory_space<vmem>>
          %dma_start3A_3742 = tpu.memref_squeeze %dma_start3A_3741 : memref<1x64xf32, #tpu.memory_space<vmem>> -> memref<64xf32, #tpu.memory_space<vmem>>
          %dma_start3A_3743 = arith.constant 0 : i32
          %dma_start3A_3744 = tpu.memref_slice %arg5[%squeeze3A_3737, %dma_start3A_3743] : memref<100000x64xf32, #tpu.memory_space<hbm>> -> memref<1x64xf32, #tpu.memory_space<hbm>>
          %dma_start3A_3745 = tpu.memref_squeeze %dma_start3A_3744 : memref<1x64xf32, #tpu.memory_space<hbm>> -> memref<64xf32, #tpu.memory_space<hbm>>
          %dma_start3A_3746 = arith.constant 0 : i32
          %dma_start3A_3747 = tpu.memref_slice %arg10[%add3A_3739, %dma_start3A_3746] : memref<256x64xf32, #tpu.memory_space<vmem>> -> memref<1x64xf32, #tpu.memory_space<vmem>>
          %dma_start3A_3748 = tpu.memref_squeeze %dma_start3A_3747 : memref<1x64xf32, #tpu.memory_space<vmem>> -> memref<64xf32, #tpu.memory_space<vmem>>
          %dma_start3A_3749 = arith.constant 0 : i32
          %dma_start3A_3750 = tpu.memref_slice %arg5[%squeeze3A_3737, %dma_start3A_3749] : memref<100000x64xf32, #tpu.memory_space<hbm>> -> memref<1x64xf32, #tpu.memory_space<hbm>>
          %dma_start3A_3751 = tpu.memref_squeeze %dma_start3A_3750 : memref<1x64xf32, #tpu.memory_space<hbm>> -> memref<64xf32, #tpu.memory_space<hbm>>
          tpu.enqueue_dma source(%dma_start3A_3751 : memref<64xf32, #tpu.memory_space<hbm>>) target(%dma_start3A_3748 : memref<64xf32, #tpu.memory_space<vmem>>) target_semaphore(%arg13 : memref<!tpu.dma_semaphore, #tpu.memory_space<semaphore_mem>>)
          %slice3A_3752 = vector.extract_strided_slice %get3A_3364 {offsets = [12], sizes = [1], strides = [1]} : vector<16xi32> to vector<1xi32>
          %squeeze3A_3753 = vector.extract %slice3A_3752[0] : i32 from vector<1xi32>
          %add3A_3754 = arith.constant 12 : i32
          %add3A_3755 = arith.addi %mul3A_3361, %add3A_3754 : i32
          %dma_start3A_3756 = arith.constant 0 : i32
          %dma_start3A_3757 = tpu.memref_slice %arg9[%add3A_3755, %dma_start3A_3756] : memref<256x64xf32, #tpu.memory_space<vmem>> -> memref<1x64xf32, #tpu.memory_space<vmem>>
          %dma_start3A_3758 = tpu.memref_squeeze %dma_start3A_3757 : memref<1x64xf32, #tpu.memory_space<vmem>> -> memref<64xf32, #tpu.memory_space<vmem>>
          %dma_start3A_3759 = arith.constant 0 : i32
          %dma_start3A_3760 = tpu.memref_slice %arg4[%squeeze3A_3753, %dma_start3A_3759] : memref<100000x64xf32, #tpu.memory_space<hbm>> -> memref<1x64xf32, #tpu.memory_space<hbm>>
          %dma_start3A_3761 = tpu.memref_squeeze %dma_start3A_3760 : memref<1x64xf32, #tpu.memory_space<hbm>> -> memref<64xf32, #tpu.memory_space<hbm>>
          %dma_start3A_3762 = arith.constant 0 : i32
          %dma_start3A_3763 = tpu.memref_slice %arg9[%add3A_3755, %dma_start3A_3762] : memref<256x64xf32, #tpu.memory_space<vmem>> -> memref<1x64xf32, #tpu.memory_space<vmem>>
          %dma_start3A_3764 = tpu.memref_squeeze %dma_start3A_3763 : memref<1x64xf32, #tpu.memory_space<vmem>> -> memref<64xf32, #tpu.memory_space<vmem>>
          %dma_start3A_3765 = arith.constant 0 : i32
          %dma_start3A_3766 = tpu.memref_slice %arg4[%squeeze3A_3753, %dma_start3A_3765] : memref<100000x64xf32, #tpu.memory_space<hbm>> -> memref<1x64xf32, #tpu.memory_space<hbm>>
          %dma_start3A_3767 = tpu.memref_squeeze %dma_start3A_3766 : memref<1x64xf32, #tpu.memory_space<hbm>> -> memref<64xf32, #tpu.memory_space<hbm>>
          tpu.enqueue_dma source(%dma_start3A_3767 : memref<64xf32, #tpu.memory_space<hbm>>) target(%dma_start3A_3764 : memref<64xf32, #tpu.memory_space<vmem>>) target_semaphore(%arg13 : memref<!tpu.dma_semaphore, #tpu.memory_space<semaphore_mem>>)
          %slice3A_3768 = vector.extract_strided_slice %get3A_3367 {offsets = [12], sizes = [1], strides = [1]} : vector<16xi32> to vector<1xi32>
          %squeeze3A_3769 = vector.extract %slice3A_3768[0] : i32 from vector<1xi32>
          %add3A_3770 = arith.constant 12 : i32
          %add3A_3771 = arith.addi %mul3A_3361, %add3A_3770 : i32
          %dma_start3A_3772 = arith.constant 0 : i32
          %dma_start3A_3773 = tpu.memref_slice %arg10[%add3A_3771, %dma_start3A_3772] : memref<256x64xf32, #tpu.memory_space<vmem>> -> memref<1x64xf32, #tpu.memory_space<vmem>>
          %dma_start3A_3774 = tpu.memref_squeeze %dma_start3A_3773 : memref<1x64xf32, #tpu.memory_space<vmem>> -> memref<64xf32, #tpu.memory_space<vmem>>
          %dma_start3A_3775 = arith.constant 0 : i32
          %dma_start3A_3776 = tpu.memref_slice %arg5[%squeeze3A_3769, %dma_start3A_3775] : memref<100000x64xf32, #tpu.memory_space<hbm>> -> memref<1x64xf32, #tpu.memory_space<hbm>>
          %dma_start3A_3777 = tpu.memref_squeeze %dma_start3A_3776 : memref<1x64xf32, #tpu.memory_space<hbm>> -> memref<64xf32, #tpu.memory_space<hbm>>
          %dma_start3A_3778 = arith.constant 0 : i32
          %dma_start3A_3779 = tpu.memref_slice %arg10[%add3A_3771, %dma_start3A_3778] : memref<256x64xf32, #tpu.memory_space<vmem>> -> memref<1x64xf32, #tpu.memory_space<vmem>>
          %dma_start3A_3780 = tpu.memref_squeeze %dma_start3A_3779 : memref<1x64xf32, #tpu.memory_space<vmem>> -> memref<64xf32, #tpu.memory_space<vmem>>
          %dma_start3A_3781 = arith.constant 0 : i32
          %dma_start3A_3782 = tpu.memref_slice %arg5[%squeeze3A_3769, %dma_start3A_3781] : memref<100000x64xf32, #tpu.memory_space<hbm>> -> memref<1x64xf32, #tpu.memory_space<hbm>>
          %dma_start3A_3783 = tpu.memref_squeeze %dma_start3A_3782 : memref<1x64xf32, #tpu.memory_space<hbm>> -> memref<64xf32, #tpu.memory_space<hbm>>
          tpu.enqueue_dma source(%dma_start3A_3783 : memref<64xf32, #tpu.memory_space<hbm>>) target(%dma_start3A_3780 : memref<64xf32, #tpu.memory_space<vmem>>) target_semaphore(%arg13 : memref<!tpu.dma_semaphore, #tpu.memory_space<semaphore_mem>>)
          %slice3A_3784 = vector.extract_strided_slice %get3A_3364 {offsets = [13], sizes = [1], strides = [1]} : vector<16xi32> to vector<1xi32>
          %squeeze3A_3785 = vector.extract %slice3A_3784[0] : i32 from vector<1xi32>
          %add3A_3786 = arith.constant 13 : i32
          %add3A_3787 = arith.addi %mul3A_3361, %add3A_3786 : i32
          %dma_start3A_3788 = arith.constant 0 : i32
          %dma_start3A_3789 = tpu.memref_slice %arg9[%add3A_3787, %dma_start3A_3788] : memref<256x64xf32, #tpu.memory_space<vmem>> -> memref<1x64xf32, #tpu.memory_space<vmem>>
          %dma_start3A_3790 = tpu.memref_squeeze %dma_start3A_3789 : memref<1x64xf32, #tpu.memory_space<vmem>> -> memref<64xf32, #tpu.memory_space<vmem>>
          %dma_start3A_3791 = arith.constant 0 : i32
          %dma_start3A_3792 = tpu.memref_slice %arg4[%squeeze3A_3785, %dma_start3A_3791] : memref<100000x64xf32, #tpu.memory_space<hbm>> -> memref<1x64xf32, #tpu.memory_space<hbm>>
          %dma_start3A_3793 = tpu.memref_squeeze %dma_start3A_3792 : memref<1x64xf32, #tpu.memory_space<hbm>> -> memref<64xf32, #tpu.memory_space<hbm>>
          %dma_start3A_3794 = arith.constant 0 : i32
          %dma_start3A_3795 = tpu.memref_slice %arg9[%add3A_3787, %dma_start3A_3794] : memref<256x64xf32, #tpu.memory_space<vmem>> -> memref<1x64xf32, #tpu.memory_space<vmem>>
          %dma_start3A_3796 = tpu.memref_squeeze %dma_start3A_3795 : memref<1x64xf32, #tpu.memory_space<vmem>> -> memref<64xf32, #tpu.memory_space<vmem>>
          %dma_start3A_3797 = arith.constant 0 : i32
          %dma_start3A_3798 = tpu.memref_slice %arg4[%squeeze3A_3785, %dma_start3A_3797] : memref<100000x64xf32, #tpu.memory_space<hbm>> -> memref<1x64xf32, #tpu.memory_space<hbm>>
          %dma_start3A_3799 = tpu.memref_squeeze %dma_start3A_3798 : memref<1x64xf32, #tpu.memory_space<hbm>> -> memref<64xf32, #tpu.memory_space<hbm>>
          tpu.enqueue_dma source(%dma_start3A_3799 : memref<64xf32, #tpu.memory_space<hbm>>) target(%dma_start3A_3796 : memref<64xf32, #tpu.memory_space<vmem>>) target_semaphore(%arg13 : memref<!tpu.dma_semaphore, #tpu.memory_space<semaphore_mem>>)
          %slice3A_3800 = vector.extract_strided_slice %get3A_3367 {offsets = [13], sizes = [1], strides = [1]} : vector<16xi32> to vector<1xi32>
          %squeeze3A_3801 = vector.extract %slice3A_3800[0] : i32 from vector<1xi32>
          %add3A_3802 = arith.constant 13 : i32
          %add3A_3803 = arith.addi %mul3A_3361, %add3A_3802 : i32
          %dma_start3A_3804 = arith.constant 0 : i32
          %dma_start3A_3805 = tpu.memref_slice %arg10[%add3A_3803, %dma_start3A_3804] : memref<256x64xf32, #tpu.memory_space<vmem>> -> memref<1x64xf32, #tpu.memory_space<vmem>>
          %dma_start3A_3806 = tpu.memref_squeeze %dma_start3A_3805 : memref<1x64xf32, #tpu.memory_space<vmem>> -> memref<64xf32, #tpu.memory_space<vmem>>
          %dma_start3A_3807 = arith.constant 0 : i32
          %dma_start3A_3808 = tpu.memref_slice %arg5[%squeeze3A_3801, %dma_start3A_3807] : memref<100000x64xf32, #tpu.memory_space<hbm>> -> memref<1x64xf32, #tpu.memory_space<hbm>>
          %dma_start3A_3809 = tpu.memref_squeeze %dma_start3A_3808 : memref<1x64xf32, #tpu.memory_space<hbm>> -> memref<64xf32, #tpu.memory_space<hbm>>
          %dma_start3A_3810 = arith.constant 0 : i32
          %dma_start3A_3811 = tpu.memref_slice %arg10[%add3A_3803, %dma_start3A_3810] : memref<256x64xf32, #tpu.memory_space<vmem>> -> memref<1x64xf32, #tpu.memory_space<vmem>>
          %dma_start3A_3812 = tpu.memref_squeeze %dma_start3A_3811 : memref<1x64xf32, #tpu.memory_space<vmem>> -> memref<64xf32, #tpu.memory_space<vmem>>
          %dma_start3A_3813 = arith.constant 0 : i32
          %dma_start3A_3814 = tpu.memref_slice %arg5[%squeeze3A_3801, %dma_start3A_3813] : memref<100000x64xf32, #tpu.memory_space<hbm>> -> memref<1x64xf32, #tpu.memory_space<hbm>>
          %dma_start3A_3815 = tpu.memref_squeeze %dma_start3A_3814 : memref<1x64xf32, #tpu.memory_space<hbm>> -> memref<64xf32, #tpu.memory_space<hbm>>
          tpu.enqueue_dma source(%dma_start3A_3815 : memref<64xf32, #tpu.memory_space<hbm>>) target(%dma_start3A_3812 : memref<64xf32, #tpu.memory_space<vmem>>) target_semaphore(%arg13 : memref<!tpu.dma_semaphore, #tpu.memory_space<semaphore_mem>>)
          %slice3A_3816 = vector.extract_strided_slice %get3A_3364 {offsets = [14], sizes = [1], strides = [1]} : vector<16xi32> to vector<1xi32>
          %squeeze3A_3817 = vector.extract %slice3A_3816[0] : i32 from vector<1xi32>
          %add3A_3818 = arith.constant 14 : i32
          %add3A_3819 = arith.addi %mul3A_3361, %add3A_3818 : i32
          %dma_start3A_3820 = arith.constant 0 : i32
          %dma_start3A_3821 = tpu.memref_slice %arg9[%add3A_3819, %dma_start3A_3820] : memref<256x64xf32, #tpu.memory_space<vmem>> -> memref<1x64xf32, #tpu.memory_space<vmem>>
          %dma_start3A_3822 = tpu.memref_squeeze %dma_start3A_3821 : memref<1x64xf32, #tpu.memory_space<vmem>> -> memref<64xf32, #tpu.memory_space<vmem>>
          %dma_start3A_3823 = arith.constant 0 : i32
          %dma_start3A_3824 = tpu.memref_slice %arg4[%squeeze3A_3817, %dma_start3A_3823] : memref<100000x64xf32, #tpu.memory_space<hbm>> -> memref<1x64xf32, #tpu.memory_space<hbm>>
          %dma_start3A_3825 = tpu.memref_squeeze %dma_start3A_3824 : memref<1x64xf32, #tpu.memory_space<hbm>> -> memref<64xf32, #tpu.memory_space<hbm>>
          %dma_start3A_3826 = arith.constant 0 : i32
          %dma_start3A_3827 = tpu.memref_slice %arg9[%add3A_3819, %dma_start3A_3826] : memref<256x64xf32, #tpu.memory_space<vmem>> -> memref<1x64xf32, #tpu.memory_space<vmem>>
          %dma_start3A_3828 = tpu.memref_squeeze %dma_start3A_3827 : memref<1x64xf32, #tpu.memory_space<vmem>> -> memref<64xf32, #tpu.memory_space<vmem>>
          %dma_start3A_3829 = arith.constant 0 : i32
          %dma_start3A_3830 = tpu.memref_slice %arg4[%squeeze3A_3817, %dma_start3A_3829] : memref<100000x64xf32, #tpu.memory_space<hbm>> -> memref<1x64xf32, #tpu.memory_space<hbm>>
          %dma_start3A_3831 = tpu.memref_squeeze %dma_start3A_3830 : memref<1x64xf32, #tpu.memory_space<hbm>> -> memref<64xf32, #tpu.memory_space<hbm>>
          tpu.enqueue_dma source(%dma_start3A_3831 : memref<64xf32, #tpu.memory_space<hbm>>) target(%dma_start3A_3828 : memref<64xf32, #tpu.memory_space<vmem>>) target_semaphore(%arg13 : memref<!tpu.dma_semaphore, #tpu.memory_space<semaphore_mem>>)
          %slice3A_3832 = vector.extract_strided_slice %get3A_3367 {offsets = [14], sizes = [1], strides = [1]} : vector<16xi32> to vector<1xi32>
          %squeeze3A_3833 = vector.extract %slice3A_3832[0] : i32 from vector<1xi32>
          %add3A_3834 = arith.constant 14 : i32
          %add3A_3835 = arith.addi %mul3A_3361, %add3A_3834 : i32
          %dma_start3A_3836 = arith.constant 0 : i32
          %dma_start3A_3837 = tpu.memref_slice %arg10[%add3A_3835, %dma_start3A_3836] : memref<256x64xf32, #tpu.memory_space<vmem>> -> memref<1x64xf32, #tpu.memory_space<vmem>>
          %dma_start3A_3838 = tpu.memref_squeeze %dma_start3A_3837 : memref<1x64xf32, #tpu.memory_space<vmem>> -> memref<64xf32, #tpu.memory_space<vmem>>
          %dma_start3A_3839 = arith.constant 0 : i32
          %dma_start3A_3840 = tpu.memref_slice %arg5[%squeeze3A_3833, %dma_start3A_3839] : memref<100000x64xf32, #tpu.memory_space<hbm>> -> memref<1x64xf32, #tpu.memory_space<hbm>>
          %dma_start3A_3841 = tpu.memref_squeeze %dma_start3A_3840 : memref<1x64xf32, #tpu.memory_space<hbm>> -> memref<64xf32, #tpu.memory_space<hbm>>
          %dma_start3A_3842 = arith.constant 0 : i32
          %dma_start3A_3843 = tpu.memref_slice %arg10[%add3A_3835, %dma_start3A_3842] : memref<256x64xf32, #tpu.memory_space<vmem>> -> memref<1x64xf32, #tpu.memory_space<vmem>>
          %dma_start3A_3844 = tpu.memref_squeeze %dma_start3A_3843 : memref<1x64xf32, #tpu.memory_space<vmem>> -> memref<64xf32, #tpu.memory_space<vmem>>
          %dma_start3A_3845 = arith.constant 0 : i32
          %dma_start3A_3846 = tpu.memref_slice %arg5[%squeeze3A_3833, %dma_start3A_3845] : memref<100000x64xf32, #tpu.memory_space<hbm>> -> memref<1x64xf32, #tpu.memory_space<hbm>>
          %dma_start3A_3847 = tpu.memref_squeeze %dma_start3A_3846 : memref<1x64xf32, #tpu.memory_space<hbm>> -> memref<64xf32, #tpu.memory_space<hbm>>
          tpu.enqueue_dma source(%dma_start3A_3847 : memref<64xf32, #tpu.memory_space<hbm>>) target(%dma_start3A_3844 : memref<64xf32, #tpu.memory_space<vmem>>) target_semaphore(%arg13 : memref<!tpu.dma_semaphore, #tpu.memory_space<semaphore_mem>>)
          %slice3A_3848 = vector.extract_strided_slice %get3A_3364 {offsets = [15], sizes = [1], strides = [1]} : vector<16xi32> to vector<1xi32>
          %squeeze3A_3849 = vector.extract %slice3A_3848[0] : i32 from vector<1xi32>
          %add3A_3850 = arith.constant 15 : i32
          %add3A_3851 = arith.addi %mul3A_3361, %add3A_3850 : i32
          %dma_start3A_3852 = arith.constant 0 : i32
          %dma_start3A_3853 = tpu.memref_slice %arg9[%add3A_3851, %dma_start3A_3852] : memref<256x64xf32, #tpu.memory_space<vmem>> -> memref<1x64xf32, #tpu.memory_space<vmem>>
          %dma_start3A_3854 = tpu.memref_squeeze %dma_start3A_3853 : memref<1x64xf32, #tpu.memory_space<vmem>> -> memref<64xf32, #tpu.memory_space<vmem>>
          %dma_start3A_3855 = arith.constant 0 : i32
          %dma_start3A_3856 = tpu.memref_slice %arg4[%squeeze3A_3849, %dma_start3A_3855] : memref<100000x64xf32, #tpu.memory_space<hbm>> -> memref<1x64xf32, #tpu.memory_space<hbm>>
          %dma_start3A_3857 = tpu.memref_squeeze %dma_start3A_3856 : memref<1x64xf32, #tpu.memory_space<hbm>> -> memref<64xf32, #tpu.memory_space<hbm>>
          %dma_start3A_3858 = arith.constant 0 : i32
          %dma_start3A_3859 = tpu.memref_slice %arg9[%add3A_3851, %dma_start3A_3858] : memref<256x64xf32, #tpu.memory_space<vmem>> -> memref<1x64xf32, #tpu.memory_space<vmem>>
          %dma_start3A_3860 = tpu.memref_squeeze %dma_start3A_3859 : memref<1x64xf32, #tpu.memory_space<vmem>> -> memref<64xf32, #tpu.memory_space<vmem>>
          %dma_start3A_3861 = arith.constant 0 : i32
          %dma_start3A_3862 = tpu.memref_slice %arg4[%squeeze3A_3849, %dma_start3A_3861] : memref<100000x64xf32, #tpu.memory_space<hbm>> -> memref<1x64xf32, #tpu.memory_space<hbm>>
          %dma_start3A_3863 = tpu.memref_squeeze %dma_start3A_3862 : memref<1x64xf32, #tpu.memory_space<hbm>> -> memref<64xf32, #tpu.memory_space<hbm>>
          tpu.enqueue_dma source(%dma_start3A_3863 : memref<64xf32, #tpu.memory_space<hbm>>) target(%dma_start3A_3860 : memref<64xf32, #tpu.memory_space<vmem>>) target_semaphore(%arg13 : memref<!tpu.dma_semaphore, #tpu.memory_space<semaphore_mem>>)
          %slice3A_3864 = vector.extract_strided_slice %get3A_3367 {offsets = [15], sizes = [1], strides = [1]} : vector<16xi32> to vector<1xi32>
          %squeeze3A_3865 = vector.extract %slice3A_3864[0] : i32 from vector<1xi32>
          %add3A_3866 = arith.constant 15 : i32
          %add3A_3867 = arith.addi %mul3A_3361, %add3A_3866 : i32
          %dma_start3A_3868 = arith.constant 0 : i32
          %dma_start3A_3869 = tpu.memref_slice %arg10[%add3A_3867, %dma_start3A_3868] : memref<256x64xf32, #tpu.memory_space<vmem>> -> memref<1x64xf32, #tpu.memory_space<vmem>>
          %dma_start3A_3870 = tpu.memref_squeeze %dma_start3A_3869 : memref<1x64xf32, #tpu.memory_space<vmem>> -> memref<64xf32, #tpu.memory_space<vmem>>
          %dma_start3A_3871 = arith.constant 0 : i32
          %dma_start3A_3872 = tpu.memref_slice %arg5[%squeeze3A_3865, %dma_start3A_3871] : memref<100000x64xf32, #tpu.memory_space<hbm>> -> memref<1x64xf32, #tpu.memory_space<hbm>>
          %dma_start3A_3873 = tpu.memref_squeeze %dma_start3A_3872 : memref<1x64xf32, #tpu.memory_space<hbm>> -> memref<64xf32, #tpu.memory_space<hbm>>
          %dma_start3A_3874 = arith.constant 0 : i32
          %dma_start3A_3875 = tpu.memref_slice %arg10[%add3A_3867, %dma_start3A_3874] : memref<256x64xf32, #tpu.memory_space<vmem>> -> memref<1x64xf32, #tpu.memory_space<vmem>>
          %dma_start3A_3876 = tpu.memref_squeeze %dma_start3A_3875 : memref<1x64xf32, #tpu.memory_space<vmem>> -> memref<64xf32, #tpu.memory_space<vmem>>
          %dma_start3A_3877 = arith.constant 0 : i32
          %dma_start3A_3878 = tpu.memref_slice %arg5[%squeeze3A_3865, %dma_start3A_3877] : memref<100000x64xf32, #tpu.memory_space<hbm>> -> memref<1x64xf32, #tpu.memory_space<hbm>>
          %dma_start3A_3879 = tpu.memref_squeeze %dma_start3A_3878 : memref<1x64xf32, #tpu.memory_space<hbm>> -> memref<64xf32, #tpu.memory_space<hbm>>
          tpu.enqueue_dma source(%dma_start3A_3879 : memref<64xf32, #tpu.memory_space<hbm>>) target(%dma_start3A_3876 : memref<64xf32, #tpu.memory_space<vmem>>) target_semaphore(%arg13 : memref<!tpu.dma_semaphore, #tpu.memory_space<semaphore_mem>>)
        } else {
        }
        %dma_wait3A_2193 = arith.constant 0 : i32
        %dma_wait3A_2194 = arith.constant 0 : i32
        %dma_wait3A_2195 = arith.constant 0 : i32
        %dma_wait3A_2196 = tpu.memref_slice %arg9[%dma_wait3A_2194, %dma_wait3A_2195] : memref<256x64xf32, #tpu.memory_space<vmem>> -> memref<1x64xf32, #tpu.memory_space<vmem>>
        %dma_wait3A_2197 = tpu.memref_squeeze %dma_wait3A_2196 : memref<1x64xf32, #tpu.memory_space<vmem>> -> memref<64xf32, #tpu.memory_space<vmem>>
        %dma_wait3A_2198 = arith.constant 0 : i32
        %dma_wait3A_2199 = tpu.memref_slice %arg4[%dma_wait3A_2193, %dma_wait3A_2198] : memref<100000x64xf32, #tpu.memory_space<hbm>> -> memref<1x64xf32, #tpu.memory_space<hbm>>
        %dma_wait3A_2200 = tpu.memref_squeeze %dma_wait3A_2199 : memref<1x64xf32, #tpu.memory_space<hbm>> -> memref<64xf32, #tpu.memory_space<hbm>>
        %dma_wait3A_2201 = arith.constant 0 : i32
        %dma_wait3A_2202 = tpu.memref_slice %arg9[%dma_wait3A_2194, %dma_wait3A_2201] : memref<256x64xf32, #tpu.memory_space<vmem>> -> memref<1x64xf32, #tpu.memory_space<vmem>>
        %dma_wait3A_2203 = tpu.memref_squeeze %dma_wait3A_2202 : memref<1x64xf32, #tpu.memory_space<vmem>> -> memref<64xf32, #tpu.memory_space<vmem>>
        %dma_wait3A_2204 = arith.constant 0 : i32
        %dma_wait3A_2205 = tpu.memref_slice %arg4[%dma_wait3A_2193, %dma_wait3A_2204] : memref<100000x64xf32, #tpu.memory_space<hbm>> -> memref<1x64xf32, #tpu.memory_space<hbm>>
        %dma_wait3A_2206 = tpu.memref_squeeze %dma_wait3A_2205 : memref<1x64xf32, #tpu.memory_space<hbm>> -> memref<64xf32, #tpu.memory_space<hbm>>
        tpu.wait_dma2 semaphore(%arg14 : memref<!tpu.dma_semaphore, #tpu.memory_space<semaphore_mem>>) src(%dma_wait3A_2206 : memref<64xf32, #tpu.memory_space<hbm>>) dst(%dma_wait3A_2203 : memref<64xf32, #tpu.memory_space<vmem>>)
        %dma_wait3A_2207 = arith.constant 0 : i32
        %dma_wait3A_2208 = arith.constant 0 : i32
        %dma_wait3A_2209 = arith.constant 0 : i32
        %dma_wait3A_2210 = tpu.memref_slice %arg10[%dma_wait3A_2208, %dma_wait3A_2209] : memref<256x64xf32, #tpu.memory_space<vmem>> -> memref<1x64xf32, #tpu.memory_space<vmem>>
        %dma_wait3A_2211 = tpu.memref_squeeze %dma_wait3A_2210 : memref<1x64xf32, #tpu.memory_space<vmem>> -> memref<64xf32, #tpu.memory_space<vmem>>
        %dma_wait3A_2212 = arith.constant 0 : i32
        %dma_wait3A_2213 = tpu.memref_slice %arg5[%dma_wait3A_2207, %dma_wait3A_2212] : memref<100000x64xf32, #tpu.memory_space<hbm>> -> memref<1x64xf32, #tpu.memory_space<hbm>>
        %dma_wait3A_2214 = tpu.memref_squeeze %dma_wait3A_2213 : memref<1x64xf32, #tpu.memory_space<hbm>> -> memref<64xf32, #tpu.memory_space<hbm>>
        %dma_wait3A_2215 = arith.constant 0 : i32
        %dma_wait3A_2216 = tpu.memref_slice %arg10[%dma_wait3A_2208, %dma_wait3A_2215] : memref<256x64xf32, #tpu.memory_space<vmem>> -> memref<1x64xf32, #tpu.memory_space<vmem>>
        %dma_wait3A_2217 = tpu.memref_squeeze %dma_wait3A_2216 : memref<1x64xf32, #tpu.memory_space<vmem>> -> memref<64xf32, #tpu.memory_space<vmem>>
        %dma_wait3A_2218 = arith.constant 0 : i32
        %dma_wait3A_2219 = tpu.memref_slice %arg5[%dma_wait3A_2207, %dma_wait3A_2218] : memref<100000x64xf32, #tpu.memory_space<hbm>> -> memref<1x64xf32, #tpu.memory_space<hbm>>
        %dma_wait3A_2220 = tpu.memref_squeeze %dma_wait3A_2219 : memref<1x64xf32, #tpu.memory_space<hbm>> -> memref<64xf32, #tpu.memory_space<hbm>>
        tpu.wait_dma2 semaphore(%arg14 : memref<!tpu.dma_semaphore, #tpu.memory_space<semaphore_mem>>) src(%dma_wait3A_2220 : memref<64xf32, #tpu.memory_space<hbm>>) dst(%dma_wait3A_2217 : memref<64xf32, #tpu.memory_space<vmem>>)
        %dma_wait3A_2221 = arith.constant 0 : i32
        %dma_wait3A_2222 = arith.constant 1 : i32
        %dma_wait3A_2223 = arith.constant 0 : i32
        %dma_wait3A_2224 = tpu.memref_slice %arg9[%dma_wait3A_2222, %dma_wait3A_2223] : memref<256x64xf32, #tpu.memory_space<vmem>> -> memref<1x64xf32, #tpu.memory_space<vmem>>
        %dma_wait3A_2225 = tpu.memref_squeeze %dma_wait3A_2224 : memref<1x64xf32, #tpu.memory_space<vmem>> -> memref<64xf32, #tpu.memory_space<vmem>>
        %dma_wait3A_2226 = arith.constant 0 : i32
        %dma_wait3A_2227 = tpu.memref_slice %arg4[%dma_wait3A_2221, %dma_wait3A_2226] : memref<100000x64xf32, #tpu.memory_space<hbm>> -> memref<1x64xf32, #tpu.memory_space<hbm>>
        %dma_wait3A_2228 = tpu.memref_squeeze %dma_wait3A_2227 : memref<1x64xf32, #tpu.memory_space<hbm>> -> memref<64xf32, #tpu.memory_space<hbm>>
        %dma_wait3A_2229 = arith.constant 0 : i32
        %dma_wait3A_2230 = tpu.memref_slice %arg9[%dma_wait3A_2222, %dma_wait3A_2229] : memref<256x64xf32, #tpu.memory_space<vmem>> -> memref<1x64xf32, #tpu.memory_space<vmem>>
        %dma_wait3A_2231 = tpu.memref_squeeze %dma_wait3A_2230 : memref<1x64xf32, #tpu.memory_space<vmem>> -> memref<64xf32, #tpu.memory_space<vmem>>
        %dma_wait3A_2232 = arith.constant 0 : i32
        %dma_wait3A_2233 = tpu.memref_slice %arg4[%dma_wait3A_2221, %dma_wait3A_2232] : memref<100000x64xf32, #tpu.memory_space<hbm>> -> memref<1x64xf32, #tpu.memory_space<hbm>>
        %dma_wait3A_2234 = tpu.memref_squeeze %dma_wait3A_2233 : memref<1x64xf32, #tpu.memory_space<hbm>> -> memref<64xf32, #tpu.memory_space<hbm>>
        tpu.wait_dma2 semaphore(%arg14 : memref<!tpu.dma_semaphore, #tpu.memory_space<semaphore_mem>>) src(%dma_wait3A_2234 : memref<64xf32, #tpu.memory_space<hbm>>) dst(%dma_wait3A_2231 : memref<64xf32, #tpu.memory_space<vmem>>)
        %dma_wait3A_2235 = arith.constant 0 : i32
        %dma_wait3A_2236 = arith.constant 1 : i32
        %dma_wait3A_2237 = arith.constant 0 : i32
        %dma_wait3A_2238 = tpu.memref_slice %arg10[%dma_wait3A_2236, %dma_wait3A_2237] : memref<256x64xf32, #tpu.memory_space<vmem>> -> memref<1x64xf32, #tpu.memory_space<vmem>>
        %dma_wait3A_2239 = tpu.memref_squeeze %dma_wait3A_2238 : memref<1x64xf32, #tpu.memory_space<vmem>> -> memref<64xf32, #tpu.memory_space<vmem>>
        %dma_wait3A_2240 = arith.constant 0 : i32
        %dma_wait3A_2241 = tpu.memref_slice %arg5[%dma_wait3A_2235, %dma_wait3A_2240] : memref<100000x64xf32, #tpu.memory_space<hbm>> -> memref<1x64xf32, #tpu.memory_space<hbm>>
        %dma_wait3A_2242 = tpu.memref_squeeze %dma_wait3A_2241 : memref<1x64xf32, #tpu.memory_space<hbm>> -> memref<64xf32, #tpu.memory_space<hbm>>
        %dma_wait3A_2243 = arith.constant 0 : i32
        %dma_wait3A_2244 = tpu.memref_slice %arg10[%dma_wait3A_2236, %dma_wait3A_2243] : memref<256x64xf32, #tpu.memory_space<vmem>> -> memref<1x64xf32, #tpu.memory_space<vmem>>
        %dma_wait3A_2245 = tpu.memref_squeeze %dma_wait3A_2244 : memref<1x64xf32, #tpu.memory_space<vmem>> -> memref<64xf32, #tpu.memory_space<vmem>>
        %dma_wait3A_2246 = arith.constant 0 : i32
        %dma_wait3A_2247 = tpu.memref_slice %arg5[%dma_wait3A_2235, %dma_wait3A_2246] : memref<100000x64xf32, #tpu.memory_space<hbm>> -> memref<1x64xf32, #tpu.memory_space<hbm>>
        %dma_wait3A_2248 = tpu.memref_squeeze %dma_wait3A_2247 : memref<1x64xf32, #tpu.memory_space<hbm>> -> memref<64xf32, #tpu.memory_space<hbm>>
        tpu.wait_dma2 semaphore(%arg14 : memref<!tpu.dma_semaphore, #tpu.memory_space<semaphore_mem>>) src(%dma_wait3A_2248 : memref<64xf32, #tpu.memory_space<hbm>>) dst(%dma_wait3A_2245 : memref<64xf32, #tpu.memory_space<vmem>>)
        %dma_wait3A_2249 = arith.constant 0 : i32
        %dma_wait3A_2250 = arith.constant 2 : i32
        %dma_wait3A_2251 = arith.constant 0 : i32
        %dma_wait3A_2252 = tpu.memref_slice %arg9[%dma_wait3A_2250, %dma_wait3A_2251] : memref<256x64xf32, #tpu.memory_space<vmem>> -> memref<1x64xf32, #tpu.memory_space<vmem>>
        %dma_wait3A_2253 = tpu.memref_squeeze %dma_wait3A_2252 : memref<1x64xf32, #tpu.memory_space<vmem>> -> memref<64xf32, #tpu.memory_space<vmem>>
        %dma_wait3A_2254 = arith.constant 0 : i32
        %dma_wait3A_2255 = tpu.memref_slice %arg4[%dma_wait3A_2249, %dma_wait3A_2254] : memref<100000x64xf32, #tpu.memory_space<hbm>> -> memref<1x64xf32, #tpu.memory_space<hbm>>
        %dma_wait3A_2256 = tpu.memref_squeeze %dma_wait3A_2255 : memref<1x64xf32, #tpu.memory_space<hbm>> -> memref<64xf32, #tpu.memory_space<hbm>>
        %dma_wait3A_2257 = arith.constant 0 : i32
        %dma_wait3A_2258 = tpu.memref_slice %arg9[%dma_wait3A_2250, %dma_wait3A_2257] : memref<256x64xf32, #tpu.memory_space<vmem>> -> memref<1x64xf32, #tpu.memory_space<vmem>>
        %dma_wait3A_2259 = tpu.memref_squeeze %dma_wait3A_2258 : memref<1x64xf32, #tpu.memory_space<vmem>> -> memref<64xf32, #tpu.memory_space<vmem>>
        %dma_wait3A_2260 = arith.constant 0 : i32
        %dma_wait3A_2261 = tpu.memref_slice %arg4[%dma_wait3A_2249, %dma_wait3A_2260] : memref<100000x64xf32, #tpu.memory_space<hbm>> -> memref<1x64xf32, #tpu.memory_space<hbm>>
        %dma_wait3A_2262 = tpu.memref_squeeze %dma_wait3A_2261 : memref<1x64xf32, #tpu.memory_space<hbm>> -> memref<64xf32, #tpu.memory_space<hbm>>
        tpu.wait_dma2 semaphore(%arg14 : memref<!tpu.dma_semaphore, #tpu.memory_space<semaphore_mem>>) src(%dma_wait3A_2262 : memref<64xf32, #tpu.memory_space<hbm>>) dst(%dma_wait3A_2259 : memref<64xf32, #tpu.memory_space<vmem>>)
        %dma_wait3A_2263 = arith.constant 0 : i32
        %dma_wait3A_2264 = arith.constant 2 : i32
        %dma_wait3A_2265 = arith.constant 0 : i32
        %dma_wait3A_2266 = tpu.memref_slice %arg10[%dma_wait3A_2264, %dma_wait3A_2265] : memref<256x64xf32, #tpu.memory_space<vmem>> -> memref<1x64xf32, #tpu.memory_space<vmem>>
        %dma_wait3A_2267 = tpu.memref_squeeze %dma_wait3A_2266 : memref<1x64xf32, #tpu.memory_space<vmem>> -> memref<64xf32, #tpu.memory_space<vmem>>
        %dma_wait3A_2268 = arith.constant 0 : i32
        %dma_wait3A_2269 = tpu.memref_slice %arg5[%dma_wait3A_2263, %dma_wait3A_2268] : memref<100000x64xf32, #tpu.memory_space<hbm>> -> memref<1x64xf32, #tpu.memory_space<hbm>>
        %dma_wait3A_2270 = tpu.memref_squeeze %dma_wait3A_2269 : memref<1x64xf32, #tpu.memory_space<hbm>> -> memref<64xf32, #tpu.memory_space<hbm>>
        %dma_wait3A_2271 = arith.constant 0 : i32
        %dma_wait3A_2272 = tpu.memref_slice %arg10[%dma_wait3A_2264, %dma_wait3A_2271] : memref<256x64xf32, #tpu.memory_space<vmem>> -> memref<1x64xf32, #tpu.memory_space<vmem>>
        %dma_wait3A_2273 = tpu.memref_squeeze %dma_wait3A_2272 : memref<1x64xf32, #tpu.memory_space<vmem>> -> memref<64xf32, #tpu.memory_space<vmem>>
        %dma_wait3A_2274 = arith.constant 0 : i32
        %dma_wait3A_2275 = tpu.memref_slice %arg5[%dma_wait3A_2263, %dma_wait3A_2274] : memref<100000x64xf32, #tpu.memory_space<hbm>> -> memref<1x64xf32, #tpu.memory_space<hbm>>
        %dma_wait3A_2276 = tpu.memref_squeeze %dma_wait3A_2275 : memref<1x64xf32, #tpu.memory_space<hbm>> -> memref<64xf32, #tpu.memory_space<hbm>>
        tpu.wait_dma2 semaphore(%arg14 : memref<!tpu.dma_semaphore, #tpu.memory_space<semaphore_mem>>) src(%dma_wait3A_2276 : memref<64xf32, #tpu.memory_space<hbm>>) dst(%dma_wait3A_2273 : memref<64xf32, #tpu.memory_space<vmem>>)
        %dma_wait3A_2277 = arith.constant 0 : i32
        %dma_wait3A_2278 = arith.constant 3 : i32
        %dma_wait3A_2279 = arith.constant 0 : i32
        %dma_wait3A_2280 = tpu.memref_slice %arg9[%dma_wait3A_2278, %dma_wait3A_2279] : memref<256x64xf32, #tpu.memory_space<vmem>> -> memref<1x64xf32, #tpu.memory_space<vmem>>
        %dma_wait3A_2281 = tpu.memref_squeeze %dma_wait3A_2280 : memref<1x64xf32, #tpu.memory_space<vmem>> -> memref<64xf32, #tpu.memory_space<vmem>>
        %dma_wait3A_2282 = arith.constant 0 : i32
        %dma_wait3A_2283 = tpu.memref_slice %arg4[%dma_wait3A_2277, %dma_wait3A_2282] : memref<100000x64xf32, #tpu.memory_space<hbm>> -> memref<1x64xf32, #tpu.memory_space<hbm>>
        %dma_wait3A_2284 = tpu.memref_squeeze %dma_wait3A_2283 : memref<1x64xf32, #tpu.memory_space<hbm>> -> memref<64xf32, #tpu.memory_space<hbm>>
        %dma_wait3A_2285 = arith.constant 0 : i32
        %dma_wait3A_2286 = tpu.memref_slice %arg9[%dma_wait3A_2278, %dma_wait3A_2285] : memref<256x64xf32, #tpu.memory_space<vmem>> -> memref<1x64xf32, #tpu.memory_space<vmem>>
        %dma_wait3A_2287 = tpu.memref_squeeze %dma_wait3A_2286 : memref<1x64xf32, #tpu.memory_space<vmem>> -> memref<64xf32, #tpu.memory_space<vmem>>
        %dma_wait3A_2288 = arith.constant 0 : i32
        %dma_wait3A_2289 = tpu.memref_slice %arg4[%dma_wait3A_2277, %dma_wait3A_2288] : memref<100000x64xf32, #tpu.memory_space<hbm>> -> memref<1x64xf32, #tpu.memory_space<hbm>>
        %dma_wait3A_2290 = tpu.memref_squeeze %dma_wait3A_2289 : memref<1x64xf32, #tpu.memory_space<hbm>> -> memref<64xf32, #tpu.memory_space<hbm>>
        tpu.wait_dma2 semaphore(%arg14 : memref<!tpu.dma_semaphore, #tpu.memory_space<semaphore_mem>>) src(%dma_wait3A_2290 : memref<64xf32, #tpu.memory_space<hbm>>) dst(%dma_wait3A_2287 : memref<64xf32, #tpu.memory_space<vmem>>)
        %dma_wait3A_2291 = arith.constant 0 : i32
        %dma_wait3A_2292 = arith.constant 3 : i32
        %dma_wait3A_2293 = arith.constant 0 : i32
        %dma_wait3A_2294 = tpu.memref_slice %arg10[%dma_wait3A_2292, %dma_wait3A_2293] : memref<256x64xf32, #tpu.memory_space<vmem>> -> memref<1x64xf32, #tpu.memory_space<vmem>>
        %dma_wait3A_2295 = tpu.memref_squeeze %dma_wait3A_2294 : memref<1x64xf32, #tpu.memory_space<vmem>> -> memref<64xf32, #tpu.memory_space<vmem>>
        %dma_wait3A_2296 = arith.constant 0 : i32
        %dma_wait3A_2297 = tpu.memref_slice %arg5[%dma_wait3A_2291, %dma_wait3A_2296] : memref<100000x64xf32, #tpu.memory_space<hbm>> -> memref<1x64xf32, #tpu.memory_space<hbm>>
        %dma_wait3A_2298 = tpu.memref_squeeze %dma_wait3A_2297 : memref<1x64xf32, #tpu.memory_space<hbm>> -> memref<64xf32, #tpu.memory_space<hbm>>
        %dma_wait3A_2299 = arith.constant 0 : i32
        %dma_wait3A_2300 = tpu.memref_slice %arg10[%dma_wait3A_2292, %dma_wait3A_2299] : memref<256x64xf32, #tpu.memory_space<vmem>> -> memref<1x64xf32, #tpu.memory_space<vmem>>
        %dma_wait3A_2301 = tpu.memref_squeeze %dma_wait3A_2300 : memref<1x64xf32, #tpu.memory_space<vmem>> -> memref<64xf32, #tpu.memory_space<vmem>>
        %dma_wait3A_2302 = arith.constant 0 : i32
        %dma_wait3A_2303 = tpu.memref_slice %arg5[%dma_wait3A_2291, %dma_wait3A_2302] : memref<100000x64xf32, #tpu.memory_space<hbm>> -> memref<1x64xf32, #tpu.memory_space<hbm>>
        %dma_wait3A_2304 = tpu.memref_squeeze %dma_wait3A_2303 : memref<1x64xf32, #tpu.memory_space<hbm>> -> memref<64xf32, #tpu.memory_space<hbm>>
        tpu.wait_dma2 semaphore(%arg14 : memref<!tpu.dma_semaphore, #tpu.memory_space<semaphore_mem>>) src(%dma_wait3A_2304 : memref<64xf32, #tpu.memory_space<hbm>>) dst(%dma_wait3A_2301 : memref<64xf32, #tpu.memory_space<vmem>>)
        %dma_wait3A_2305 = arith.constant 0 : i32
        %dma_wait3A_2306 = arith.constant 4 : i32
        %dma_wait3A_2307 = arith.constant 0 : i32
        %dma_wait3A_2308 = tpu.memref_slice %arg9[%dma_wait3A_2306, %dma_wait3A_2307] : memref<256x64xf32, #tpu.memory_space<vmem>> -> memref<1x64xf32, #tpu.memory_space<vmem>>
        %dma_wait3A_2309 = tpu.memref_squeeze %dma_wait3A_2308 : memref<1x64xf32, #tpu.memory_space<vmem>> -> memref<64xf32, #tpu.memory_space<vmem>>
        %dma_wait3A_2310 = arith.constant 0 : i32
        %dma_wait3A_2311 = tpu.memref_slice %arg4[%dma_wait3A_2305, %dma_wait3A_2310] : memref<100000x64xf32, #tpu.memory_space<hbm>> -> memref<1x64xf32, #tpu.memory_space<hbm>>
        %dma_wait3A_2312 = tpu.memref_squeeze %dma_wait3A_2311 : memref<1x64xf32, #tpu.memory_space<hbm>> -> memref<64xf32, #tpu.memory_space<hbm>>
        %dma_wait3A_2313 = arith.constant 0 : i32
        %dma_wait3A_2314 = tpu.memref_slice %arg9[%dma_wait3A_2306, %dma_wait3A_2313] : memref<256x64xf32, #tpu.memory_space<vmem>> -> memref<1x64xf32, #tpu.memory_space<vmem>>
        %dma_wait3A_2315 = tpu.memref_squeeze %dma_wait3A_2314 : memref<1x64xf32, #tpu.memory_space<vmem>> -> memref<64xf32, #tpu.memory_space<vmem>>
        %dma_wait3A_2316 = arith.constant 0 : i32
        %dma_wait3A_2317 = tpu.memref_slice %arg4[%dma_wait3A_2305, %dma_wait3A_2316] : memref<100000x64xf32, #tpu.memory_space<hbm>> -> memref<1x64xf32, #tpu.memory_space<hbm>>
        %dma_wait3A_2318 = tpu.memref_squeeze %dma_wait3A_2317 : memref<1x64xf32, #tpu.memory_space<hbm>> -> memref<64xf32, #tpu.memory_space<hbm>>
        tpu.wait_dma2 semaphore(%arg14 : memref<!tpu.dma_semaphore, #tpu.memory_space<semaphore_mem>>) src(%dma_wait3A_2318 : memref<64xf32, #tpu.memory_space<hbm>>) dst(%dma_wait3A_2315 : memref<64xf32, #tpu.memory_space<vmem>>)
        %dma_wait3A_2319 = arith.constant 0 : i32
        %dma_wait3A_2320 = arith.constant 4 : i32
        %dma_wait3A_2321 = arith.constant 0 : i32
        %dma_wait3A_2322 = tpu.memref_slice %arg10[%dma_wait3A_2320, %dma_wait3A_2321] : memref<256x64xf32, #tpu.memory_space<vmem>> -> memref<1x64xf32, #tpu.memory_space<vmem>>
        %dma_wait3A_2323 = tpu.memref_squeeze %dma_wait3A_2322 : memref<1x64xf32, #tpu.memory_space<vmem>> -> memref<64xf32, #tpu.memory_space<vmem>>
        %dma_wait3A_2324 = arith.constant 0 : i32
        %dma_wait3A_2325 = tpu.memref_slice %arg5[%dma_wait3A_2319, %dma_wait3A_2324] : memref<100000x64xf32, #tpu.memory_space<hbm>> -> memref<1x64xf32, #tpu.memory_space<hbm>>
        %dma_wait3A_2326 = tpu.memref_squeeze %dma_wait3A_2325 : memref<1x64xf32, #tpu.memory_space<hbm>> -> memref<64xf32, #tpu.memory_space<hbm>>
        %dma_wait3A_2327 = arith.constant 0 : i32
        %dma_wait3A_2328 = tpu.memref_slice %arg10[%dma_wait3A_2320, %dma_wait3A_2327] : memref<256x64xf32, #tpu.memory_space<vmem>> -> memref<1x64xf32, #tpu.memory_space<vmem>>
        %dma_wait3A_2329 = tpu.memref_squeeze %dma_wait3A_2328 : memref<1x64xf32, #tpu.memory_space<vmem>> -> memref<64xf32, #tpu.memory_space<vmem>>
        %dma_wait3A_2330 = arith.constant 0 : i32
        %dma_wait3A_2331 = tpu.memref_slice %arg5[%dma_wait3A_2319, %dma_wait3A_2330] : memref<100000x64xf32, #tpu.memory_space<hbm>> -> memref<1x64xf32, #tpu.memory_space<hbm>>
        %dma_wait3A_2332 = tpu.memref_squeeze %dma_wait3A_2331 : memref<1x64xf32, #tpu.memory_space<hbm>> -> memref<64xf32, #tpu.memory_space<hbm>>
        tpu.wait_dma2 semaphore(%arg14 : memref<!tpu.dma_semaphore, #tpu.memory_space<semaphore_mem>>) src(%dma_wait3A_2332 : memref<64xf32, #tpu.memory_space<hbm>>) dst(%dma_wait3A_2329 : memref<64xf32, #tpu.memory_space<vmem>>)
        %dma_wait3A_2333 = arith.constant 0 : i32
        %dma_wait3A_2334 = arith.constant 5 : i32
        %dma_wait3A_2335 = arith.constant 0 : i32
        %dma_wait3A_2336 = tpu.memref_slice %arg9[%dma_wait3A_2334, %dma_wait3A_2335] : memref<256x64xf32, #tpu.memory_space<vmem>> -> memref<1x64xf32, #tpu.memory_space<vmem>>
        %dma_wait3A_2337 = tpu.memref_squeeze %dma_wait3A_2336 : memref<1x64xf32, #tpu.memory_space<vmem>> -> memref<64xf32, #tpu.memory_space<vmem>>
        %dma_wait3A_2338 = arith.constant 0 : i32
        %dma_wait3A_2339 = tpu.memref_slice %arg4[%dma_wait3A_2333, %dma_wait3A_2338] : memref<100000x64xf32, #tpu.memory_space<hbm>> -> memref<1x64xf32, #tpu.memory_space<hbm>>
        %dma_wait3A_2340 = tpu.memref_squeeze %dma_wait3A_2339 : memref<1x64xf32, #tpu.memory_space<hbm>> -> memref<64xf32, #tpu.memory_space<hbm>>
        %dma_wait3A_2341 = arith.constant 0 : i32
        %dma_wait3A_2342 = tpu.memref_slice %arg9[%dma_wait3A_2334, %dma_wait3A_2341] : memref<256x64xf32, #tpu.memory_space<vmem>> -> memref<1x64xf32, #tpu.memory_space<vmem>>
        %dma_wait3A_2343 = tpu.memref_squeeze %dma_wait3A_2342 : memref<1x64xf32, #tpu.memory_space<vmem>> -> memref<64xf32, #tpu.memory_space<vmem>>
        %dma_wait3A_2344 = arith.constant 0 : i32
        %dma_wait3A_2345 = tpu.memref_slice %arg4[%dma_wait3A_2333, %dma_wait3A_2344] : memref<100000x64xf32, #tpu.memory_space<hbm>> -> memref<1x64xf32, #tpu.memory_space<hbm>>
        %dma_wait3A_2346 = tpu.memref_squeeze %dma_wait3A_2345 : memref<1x64xf32, #tpu.memory_space<hbm>> -> memref<64xf32, #tpu.memory_space<hbm>>
        tpu.wait_dma2 semaphore(%arg14 : memref<!tpu.dma_semaphore, #tpu.memory_space<semaphore_mem>>) src(%dma_wait3A_2346 : memref<64xf32, #tpu.memory_space<hbm>>) dst(%dma_wait3A_2343 : memref<64xf32, #tpu.memory_space<vmem>>)
        %dma_wait3A_2347 = arith.constant 0 : i32
        %dma_wait3A_2348 = arith.constant 5 : i32
        %dma_wait3A_2349 = arith.constant 0 : i32
        %dma_wait3A_2350 = tpu.memref_slice %arg10[%dma_wait3A_2348, %dma_wait3A_2349] : memref<256x64xf32, #tpu.memory_space<vmem>> -> memref<1x64xf32, #tpu.memory_space<vmem>>
        %dma_wait3A_2351 = tpu.memref_squeeze %dma_wait3A_2350 : memref<1x64xf32, #tpu.memory_space<vmem>> -> memref<64xf32, #tpu.memory_space<vmem>>
        %dma_wait3A_2352 = arith.constant 0 : i32
        %dma_wait3A_2353 = tpu.memref_slice %arg5[%dma_wait3A_2347, %dma_wait3A_2352] : memref<100000x64xf32, #tpu.memory_space<hbm>> -> memref<1x64xf32, #tpu.memory_space<hbm>>
        %dma_wait3A_2354 = tpu.memref_squeeze %dma_wait3A_2353 : memref<1x64xf32, #tpu.memory_space<hbm>> -> memref<64xf32, #tpu.memory_space<hbm>>
        %dma_wait3A_2355 = arith.constant 0 : i32
        %dma_wait3A_2356 = tpu.memref_slice %arg10[%dma_wait3A_2348, %dma_wait3A_2355] : memref<256x64xf32, #tpu.memory_space<vmem>> -> memref<1x64xf32, #tpu.memory_space<vmem>>
        %dma_wait3A_2357 = tpu.memref_squeeze %dma_wait3A_2356 : memref<1x64xf32, #tpu.memory_space<vmem>> -> memref<64xf32, #tpu.memory_space<vmem>>
        %dma_wait3A_2358 = arith.constant 0 : i32
        %dma_wait3A_2359 = tpu.memref_slice %arg5[%dma_wait3A_2347, %dma_wait3A_2358] : memref<100000x64xf32, #tpu.memory_space<hbm>> -> memref<1x64xf32, #tpu.memory_space<hbm>>
        %dma_wait3A_2360 = tpu.memref_squeeze %dma_wait3A_2359 : memref<1x64xf32, #tpu.memory_space<hbm>> -> memref<64xf32, #tpu.memory_space<hbm>>
        tpu.wait_dma2 semaphore(%arg14 : memref<!tpu.dma_semaphore, #tpu.memory_space<semaphore_mem>>) src(%dma_wait3A_2360 : memref<64xf32, #tpu.memory_space<hbm>>) dst(%dma_wait3A_2357 : memref<64xf32, #tpu.memory_space<vmem>>)
        %dma_wait3A_2361 = arith.constant 0 : i32
        %dma_wait3A_2362 = arith.constant 6 : i32
        %dma_wait3A_2363 = arith.constant 0 : i32
        %dma_wait3A_2364 = tpu.memref_slice %arg9[%dma_wait3A_2362, %dma_wait3A_2363] : memref<256x64xf32, #tpu.memory_space<vmem>> -> memref<1x64xf32, #tpu.memory_space<vmem>>
        %dma_wait3A_2365 = tpu.memref_squeeze %dma_wait3A_2364 : memref<1x64xf32, #tpu.memory_space<vmem>> -> memref<64xf32, #tpu.memory_space<vmem>>
        %dma_wait3A_2366 = arith.constant 0 : i32
        %dma_wait3A_2367 = tpu.memref_slice %arg4[%dma_wait3A_2361, %dma_wait3A_2366] : memref<100000x64xf32, #tpu.memory_space<hbm>> -> memref<1x64xf32, #tpu.memory_space<hbm>>
        %dma_wait3A_2368 = tpu.memref_squeeze %dma_wait3A_2367 : memref<1x64xf32, #tpu.memory_space<hbm>> -> memref<64xf32, #tpu.memory_space<hbm>>
        %dma_wait3A_2369 = arith.constant 0 : i32
        %dma_wait3A_2370 = tpu.memref_slice %arg9[%dma_wait3A_2362, %dma_wait3A_2369] : memref<256x64xf32, #tpu.memory_space<vmem>> -> memref<1x64xf32, #tpu.memory_space<vmem>>
        %dma_wait3A_2371 = tpu.memref_squeeze %dma_wait3A_2370 : memref<1x64xf32, #tpu.memory_space<vmem>> -> memref<64xf32, #tpu.memory_space<vmem>>
        %dma_wait3A_2372 = arith.constant 0 : i32
        %dma_wait3A_2373 = tpu.memref_slice %arg4[%dma_wait3A_2361, %dma_wait3A_2372] : memref<100000x64xf32, #tpu.memory_space<hbm>> -> memref<1x64xf32, #tpu.memory_space<hbm>>
        %dma_wait3A_2374 = tpu.memref_squeeze %dma_wait3A_2373 : memref<1x64xf32, #tpu.memory_space<hbm>> -> memref<64xf32, #tpu.memory_space<hbm>>
        tpu.wait_dma2 semaphore(%arg14 : memref<!tpu.dma_semaphore, #tpu.memory_space<semaphore_mem>>) src(%dma_wait3A_2374 : memref<64xf32, #tpu.memory_space<hbm>>) dst(%dma_wait3A_2371 : memref<64xf32, #tpu.memory_space<vmem>>)
        %dma_wait3A_2375 = arith.constant 0 : i32
        %dma_wait3A_2376 = arith.constant 6 : i32
        %dma_wait3A_2377 = arith.constant 0 : i32
        %dma_wait3A_2378 = tpu.memref_slice %arg10[%dma_wait3A_2376, %dma_wait3A_2377] : memref<256x64xf32, #tpu.memory_space<vmem>> -> memref<1x64xf32, #tpu.memory_space<vmem>>
        %dma_wait3A_2379 = tpu.memref_squeeze %dma_wait3A_2378 : memref<1x64xf32, #tpu.memory_space<vmem>> -> memref<64xf32, #tpu.memory_space<vmem>>
        %dma_wait3A_2380 = arith.constant 0 : i32
        %dma_wait3A_2381 = tpu.memref_slice %arg5[%dma_wait3A_2375, %dma_wait3A_2380] : memref<100000x64xf32, #tpu.memory_space<hbm>> -> memref<1x64xf32, #tpu.memory_space<hbm>>
        %dma_wait3A_2382 = tpu.memref_squeeze %dma_wait3A_2381 : memref<1x64xf32, #tpu.memory_space<hbm>> -> memref<64xf32, #tpu.memory_space<hbm>>
        %dma_wait3A_2383 = arith.constant 0 : i32
        %dma_wait3A_2384 = tpu.memref_slice %arg10[%dma_wait3A_2376, %dma_wait3A_2383] : memref<256x64xf32, #tpu.memory_space<vmem>> -> memref<1x64xf32, #tpu.memory_space<vmem>>
        %dma_wait3A_2385 = tpu.memref_squeeze %dma_wait3A_2384 : memref<1x64xf32, #tpu.memory_space<vmem>> -> memref<64xf32, #tpu.memory_space<vmem>>
        %dma_wait3A_2386 = arith.constant 0 : i32
        %dma_wait3A_2387 = tpu.memref_slice %arg5[%dma_wait3A_2375, %dma_wait3A_2386] : memref<100000x64xf32, #tpu.memory_space<hbm>> -> memref<1x64xf32, #tpu.memory_space<hbm>>
        %dma_wait3A_2388 = tpu.memref_squeeze %dma_wait3A_2387 : memref<1x64xf32, #tpu.memory_space<hbm>> -> memref<64xf32, #tpu.memory_space<hbm>>
        tpu.wait_dma2 semaphore(%arg14 : memref<!tpu.dma_semaphore, #tpu.memory_space<semaphore_mem>>) src(%dma_wait3A_2388 : memref<64xf32, #tpu.memory_space<hbm>>) dst(%dma_wait3A_2385 : memref<64xf32, #tpu.memory_space<vmem>>)
        %dma_wait3A_2389 = arith.constant 0 : i32
        %dma_wait3A_2390 = arith.constant 7 : i32
        %dma_wait3A_2391 = arith.constant 0 : i32
        %dma_wait3A_2392 = tpu.memref_slice %arg9[%dma_wait3A_2390, %dma_wait3A_2391] : memref<256x64xf32, #tpu.memory_space<vmem>> -> memref<1x64xf32, #tpu.memory_space<vmem>>
        %dma_wait3A_2393 = tpu.memref_squeeze %dma_wait3A_2392 : memref<1x64xf32, #tpu.memory_space<vmem>> -> memref<64xf32, #tpu.memory_space<vmem>>
        %dma_wait3A_2394 = arith.constant 0 : i32
        %dma_wait3A_2395 = tpu.memref_slice %arg4[%dma_wait3A_2389, %dma_wait3A_2394] : memref<100000x64xf32, #tpu.memory_space<hbm>> -> memref<1x64xf32, #tpu.memory_space<hbm>>
        %dma_wait3A_2396 = tpu.memref_squeeze %dma_wait3A_2395 : memref<1x64xf32, #tpu.memory_space<hbm>> -> memref<64xf32, #tpu.memory_space<hbm>>
        %dma_wait3A_2397 = arith.constant 0 : i32
        %dma_wait3A_2398 = tpu.memref_slice %arg9[%dma_wait3A_2390, %dma_wait3A_2397] : memref<256x64xf32, #tpu.memory_space<vmem>> -> memref<1x64xf32, #tpu.memory_space<vmem>>
        %dma_wait3A_2399 = tpu.memref_squeeze %dma_wait3A_2398 : memref<1x64xf32, #tpu.memory_space<vmem>> -> memref<64xf32, #tpu.memory_space<vmem>>
        %dma_wait3A_2400 = arith.constant 0 : i32
        %dma_wait3A_2401 = tpu.memref_slice %arg4[%dma_wait3A_2389, %dma_wait3A_2400] : memref<100000x64xf32, #tpu.memory_space<hbm>> -> memref<1x64xf32, #tpu.memory_space<hbm>>
        %dma_wait3A_2402 = tpu.memref_squeeze %dma_wait3A_2401 : memref<1x64xf32, #tpu.memory_space<hbm>> -> memref<64xf32, #tpu.memory_space<hbm>>
        tpu.wait_dma2 semaphore(%arg14 : memref<!tpu.dma_semaphore, #tpu.memory_space<semaphore_mem>>) src(%dma_wait3A_2402 : memref<64xf32, #tpu.memory_space<hbm>>) dst(%dma_wait3A_2399 : memref<64xf32, #tpu.memory_space<vmem>>)
        %dma_wait3A_2403 = arith.constant 0 : i32
        %dma_wait3A_2404 = arith.constant 7 : i32
        %dma_wait3A_2405 = arith.constant 0 : i32
        %dma_wait3A_2406 = tpu.memref_slice %arg10[%dma_wait3A_2404, %dma_wait3A_2405] : memref<256x64xf32, #tpu.memory_space<vmem>> -> memref<1x64xf32, #tpu.memory_space<vmem>>
        %dma_wait3A_2407 = tpu.memref_squeeze %dma_wait3A_2406 : memref<1x64xf32, #tpu.memory_space<vmem>> -> memref<64xf32, #tpu.memory_space<vmem>>
        %dma_wait3A_2408 = arith.constant 0 : i32
        %dma_wait3A_2409 = tpu.memref_slice %arg5[%dma_wait3A_2403, %dma_wait3A_2408] : memref<100000x64xf32, #tpu.memory_space<hbm>> -> memref<1x64xf32, #tpu.memory_space<hbm>>
        %dma_wait3A_2410 = tpu.memref_squeeze %dma_wait3A_2409 : memref<1x64xf32, #tpu.memory_space<hbm>> -> memref<64xf32, #tpu.memory_space<hbm>>
        %dma_wait3A_2411 = arith.constant 0 : i32
        %dma_wait3A_2412 = tpu.memref_slice %arg10[%dma_wait3A_2404, %dma_wait3A_2411] : memref<256x64xf32, #tpu.memory_space<vmem>> -> memref<1x64xf32, #tpu.memory_space<vmem>>
        %dma_wait3A_2413 = tpu.memref_squeeze %dma_wait3A_2412 : memref<1x64xf32, #tpu.memory_space<vmem>> -> memref<64xf32, #tpu.memory_space<vmem>>
        %dma_wait3A_2414 = arith.constant 0 : i32
        %dma_wait3A_2415 = tpu.memref_slice %arg5[%dma_wait3A_2403, %dma_wait3A_2414] : memref<100000x64xf32, #tpu.memory_space<hbm>> -> memref<1x64xf32, #tpu.memory_space<hbm>>
        %dma_wait3A_2416 = tpu.memref_squeeze %dma_wait3A_2415 : memref<1x64xf32, #tpu.memory_space<hbm>> -> memref<64xf32, #tpu.memory_space<hbm>>
        tpu.wait_dma2 semaphore(%arg14 : memref<!tpu.dma_semaphore, #tpu.memory_space<semaphore_mem>>) src(%dma_wait3A_2416 : memref<64xf32, #tpu.memory_space<hbm>>) dst(%dma_wait3A_2413 : memref<64xf32, #tpu.memory_space<vmem>>)
        %dma_wait3A_2417 = arith.constant 0 : i32
        %dma_wait3A_2418 = arith.constant 8 : i32
        %dma_wait3A_2419 = arith.constant 0 : i32
        %dma_wait3A_2420 = tpu.memref_slice %arg9[%dma_wait3A_2418, %dma_wait3A_2419] : memref<256x64xf32, #tpu.memory_space<vmem>> -> memref<1x64xf32, #tpu.memory_space<vmem>>
        %dma_wait3A_2421 = tpu.memref_squeeze %dma_wait3A_2420 : memref<1x64xf32, #tpu.memory_space<vmem>> -> memref<64xf32, #tpu.memory_space<vmem>>
        %dma_wait3A_2422 = arith.constant 0 : i32
        %dma_wait3A_2423 = tpu.memref_slice %arg4[%dma_wait3A_2417, %dma_wait3A_2422] : memref<100000x64xf32, #tpu.memory_space<hbm>> -> memref<1x64xf32, #tpu.memory_space<hbm>>
        %dma_wait3A_2424 = tpu.memref_squeeze %dma_wait3A_2423 : memref<1x64xf32, #tpu.memory_space<hbm>> -> memref<64xf32, #tpu.memory_space<hbm>>
        %dma_wait3A_2425 = arith.constant 0 : i32
        %dma_wait3A_2426 = tpu.memref_slice %arg9[%dma_wait3A_2418, %dma_wait3A_2425] : memref<256x64xf32, #tpu.memory_space<vmem>> -> memref<1x64xf32, #tpu.memory_space<vmem>>
        %dma_wait3A_2427 = tpu.memref_squeeze %dma_wait3A_2426 : memref<1x64xf32, #tpu.memory_space<vmem>> -> memref<64xf32, #tpu.memory_space<vmem>>
        %dma_wait3A_2428 = arith.constant 0 : i32
        %dma_wait3A_2429 = tpu.memref_slice %arg4[%dma_wait3A_2417, %dma_wait3A_2428] : memref<100000x64xf32, #tpu.memory_space<hbm>> -> memref<1x64xf32, #tpu.memory_space<hbm>>
        %dma_wait3A_2430 = tpu.memref_squeeze %dma_wait3A_2429 : memref<1x64xf32, #tpu.memory_space<hbm>> -> memref<64xf32, #tpu.memory_space<hbm>>
        tpu.wait_dma2 semaphore(%arg14 : memref<!tpu.dma_semaphore, #tpu.memory_space<semaphore_mem>>) src(%dma_wait3A_2430 : memref<64xf32, #tpu.memory_space<hbm>>) dst(%dma_wait3A_2427 : memref<64xf32, #tpu.memory_space<vmem>>)
        %dma_wait3A_2431 = arith.constant 0 : i32
        %dma_wait3A_2432 = arith.constant 8 : i32
        %dma_wait3A_2433 = arith.constant 0 : i32
        %dma_wait3A_2434 = tpu.memref_slice %arg10[%dma_wait3A_2432, %dma_wait3A_2433] : memref<256x64xf32, #tpu.memory_space<vmem>> -> memref<1x64xf32, #tpu.memory_space<vmem>>
        %dma_wait3A_2435 = tpu.memref_squeeze %dma_wait3A_2434 : memref<1x64xf32, #tpu.memory_space<vmem>> -> memref<64xf32, #tpu.memory_space<vmem>>
        %dma_wait3A_2436 = arith.constant 0 : i32
        %dma_wait3A_2437 = tpu.memref_slice %arg5[%dma_wait3A_2431, %dma_wait3A_2436] : memref<100000x64xf32, #tpu.memory_space<hbm>> -> memref<1x64xf32, #tpu.memory_space<hbm>>
        %dma_wait3A_2438 = tpu.memref_squeeze %dma_wait3A_2437 : memref<1x64xf32, #tpu.memory_space<hbm>> -> memref<64xf32, #tpu.memory_space<hbm>>
        %dma_wait3A_2439 = arith.constant 0 : i32
        %dma_wait3A_2440 = tpu.memref_slice %arg10[%dma_wait3A_2432, %dma_wait3A_2439] : memref<256x64xf32, #tpu.memory_space<vmem>> -> memref<1x64xf32, #tpu.memory_space<vmem>>
        %dma_wait3A_2441 = tpu.memref_squeeze %dma_wait3A_2440 : memref<1x64xf32, #tpu.memory_space<vmem>> -> memref<64xf32, #tpu.memory_space<vmem>>
        %dma_wait3A_2442 = arith.constant 0 : i32
        %dma_wait3A_2443 = tpu.memref_slice %arg5[%dma_wait3A_2431, %dma_wait3A_2442] : memref<100000x64xf32, #tpu.memory_space<hbm>> -> memref<1x64xf32, #tpu.memory_space<hbm>>
        %dma_wait3A_2444 = tpu.memref_squeeze %dma_wait3A_2443 : memref<1x64xf32, #tpu.memory_space<hbm>> -> memref<64xf32, #tpu.memory_space<hbm>>
        tpu.wait_dma2 semaphore(%arg14 : memref<!tpu.dma_semaphore, #tpu.memory_space<semaphore_mem>>) src(%dma_wait3A_2444 : memref<64xf32, #tpu.memory_space<hbm>>) dst(%dma_wait3A_2441 : memref<64xf32, #tpu.memory_space<vmem>>)
        %dma_wait3A_2445 = arith.constant 0 : i32
        %dma_wait3A_2446 = arith.constant 9 : i32
        %dma_wait3A_2447 = arith.constant 0 : i32
        %dma_wait3A_2448 = tpu.memref_slice %arg9[%dma_wait3A_2446, %dma_wait3A_2447] : memref<256x64xf32, #tpu.memory_space<vmem>> -> memref<1x64xf32, #tpu.memory_space<vmem>>
        %dma_wait3A_2449 = tpu.memref_squeeze %dma_wait3A_2448 : memref<1x64xf32, #tpu.memory_space<vmem>> -> memref<64xf32, #tpu.memory_space<vmem>>
        %dma_wait3A_2450 = arith.constant 0 : i32
        %dma_wait3A_2451 = tpu.memref_slice %arg4[%dma_wait3A_2445, %dma_wait3A_2450] : memref<100000x64xf32, #tpu.memory_space<hbm>> -> memref<1x64xf32, #tpu.memory_space<hbm>>
        %dma_wait3A_2452 = tpu.memref_squeeze %dma_wait3A_2451 : memref<1x64xf32, #tpu.memory_space<hbm>> -> memref<64xf32, #tpu.memory_space<hbm>>
        %dma_wait3A_2453 = arith.constant 0 : i32
        %dma_wait3A_2454 = tpu.memref_slice %arg9[%dma_wait3A_2446, %dma_wait3A_2453] : memref<256x64xf32, #tpu.memory_space<vmem>> -> memref<1x64xf32, #tpu.memory_space<vmem>>
        %dma_wait3A_2455 = tpu.memref_squeeze %dma_wait3A_2454 : memref<1x64xf32, #tpu.memory_space<vmem>> -> memref<64xf32, #tpu.memory_space<vmem>>
        %dma_wait3A_2456 = arith.constant 0 : i32
        %dma_wait3A_2457 = tpu.memref_slice %arg4[%dma_wait3A_2445, %dma_wait3A_2456] : memref<100000x64xf32, #tpu.memory_space<hbm>> -> memref<1x64xf32, #tpu.memory_space<hbm>>
        %dma_wait3A_2458 = tpu.memref_squeeze %dma_wait3A_2457 : memref<1x64xf32, #tpu.memory_space<hbm>> -> memref<64xf32, #tpu.memory_space<hbm>>
        tpu.wait_dma2 semaphore(%arg14 : memref<!tpu.dma_semaphore, #tpu.memory_space<semaphore_mem>>) src(%dma_wait3A_2458 : memref<64xf32, #tpu.memory_space<hbm>>) dst(%dma_wait3A_2455 : memref<64xf32, #tpu.memory_space<vmem>>)
        %dma_wait3A_2459 = arith.constant 0 : i32
        %dma_wait3A_2460 = arith.constant 9 : i32
        %dma_wait3A_2461 = arith.constant 0 : i32
        %dma_wait3A_2462 = tpu.memref_slice %arg10[%dma_wait3A_2460, %dma_wait3A_2461] : memref<256x64xf32, #tpu.memory_space<vmem>> -> memref<1x64xf32, #tpu.memory_space<vmem>>
        %dma_wait3A_2463 = tpu.memref_squeeze %dma_wait3A_2462 : memref<1x64xf32, #tpu.memory_space<vmem>> -> memref<64xf32, #tpu.memory_space<vmem>>
        %dma_wait3A_2464 = arith.constant 0 : i32
        %dma_wait3A_2465 = tpu.memref_slice %arg5[%dma_wait3A_2459, %dma_wait3A_2464] : memref<100000x64xf32, #tpu.memory_space<hbm>> -> memref<1x64xf32, #tpu.memory_space<hbm>>
        %dma_wait3A_2466 = tpu.memref_squeeze %dma_wait3A_2465 : memref<1x64xf32, #tpu.memory_space<hbm>> -> memref<64xf32, #tpu.memory_space<hbm>>
        %dma_wait3A_2467 = arith.constant 0 : i32
        %dma_wait3A_2468 = tpu.memref_slice %arg10[%dma_wait3A_2460, %dma_wait3A_2467] : memref<256x64xf32, #tpu.memory_space<vmem>> -> memref<1x64xf32, #tpu.memory_space<vmem>>
        %dma_wait3A_2469 = tpu.memref_squeeze %dma_wait3A_2468 : memref<1x64xf32, #tpu.memory_space<vmem>> -> memref<64xf32, #tpu.memory_space<vmem>>
        %dma_wait3A_2470 = arith.constant 0 : i32
        %dma_wait3A_2471 = tpu.memref_slice %arg5[%dma_wait3A_2459, %dma_wait3A_2470] : memref<100000x64xf32, #tpu.memory_space<hbm>> -> memref<1x64xf32, #tpu.memory_space<hbm>>
        %dma_wait3A_2472 = tpu.memref_squeeze %dma_wait3A_2471 : memref<1x64xf32, #tpu.memory_space<hbm>> -> memref<64xf32, #tpu.memory_space<hbm>>
        tpu.wait_dma2 semaphore(%arg14 : memref<!tpu.dma_semaphore, #tpu.memory_space<semaphore_mem>>) src(%dma_wait3A_2472 : memref<64xf32, #tpu.memory_space<hbm>>) dst(%dma_wait3A_2469 : memref<64xf32, #tpu.memory_space<vmem>>)
        %dma_wait3A_2473 = arith.constant 0 : i32
        %dma_wait3A_2474 = arith.constant 10 : i32
        %dma_wait3A_2475 = arith.constant 0 : i32
        %dma_wait3A_2476 = tpu.memref_slice %arg9[%dma_wait3A_2474, %dma_wait3A_2475] : memref<256x64xf32, #tpu.memory_space<vmem>> -> memref<1x64xf32, #tpu.memory_space<vmem>>
        %dma_wait3A_2477 = tpu.memref_squeeze %dma_wait3A_2476 : memref<1x64xf32, #tpu.memory_space<vmem>> -> memref<64xf32, #tpu.memory_space<vmem>>
        %dma_wait3A_2478 = arith.constant 0 : i32
        %dma_wait3A_2479 = tpu.memref_slice %arg4[%dma_wait3A_2473, %dma_wait3A_2478] : memref<100000x64xf32, #tpu.memory_space<hbm>> -> memref<1x64xf32, #tpu.memory_space<hbm>>
        %dma_wait3A_2480 = tpu.memref_squeeze %dma_wait3A_2479 : memref<1x64xf32, #tpu.memory_space<hbm>> -> memref<64xf32, #tpu.memory_space<hbm>>
        %dma_wait3A_2481 = arith.constant 0 : i32
        %dma_wait3A_2482 = tpu.memref_slice %arg9[%dma_wait3A_2474, %dma_wait3A_2481] : memref<256x64xf32, #tpu.memory_space<vmem>> -> memref<1x64xf32, #tpu.memory_space<vmem>>
        %dma_wait3A_2483 = tpu.memref_squeeze %dma_wait3A_2482 : memref<1x64xf32, #tpu.memory_space<vmem>> -> memref<64xf32, #tpu.memory_space<vmem>>
        %dma_wait3A_2484 = arith.constant 0 : i32
        %dma_wait3A_2485 = tpu.memref_slice %arg4[%dma_wait3A_2473, %dma_wait3A_2484] : memref<100000x64xf32, #tpu.memory_space<hbm>> -> memref<1x64xf32, #tpu.memory_space<hbm>>
        %dma_wait3A_2486 = tpu.memref_squeeze %dma_wait3A_2485 : memref<1x64xf32, #tpu.memory_space<hbm>> -> memref<64xf32, #tpu.memory_space<hbm>>
        tpu.wait_dma2 semaphore(%arg14 : memref<!tpu.dma_semaphore, #tpu.memory_space<semaphore_mem>>) src(%dma_wait3A_2486 : memref<64xf32, #tpu.memory_space<hbm>>) dst(%dma_wait3A_2483 : memref<64xf32, #tpu.memory_space<vmem>>)
        %dma_wait3A_2487 = arith.constant 0 : i32
        %dma_wait3A_2488 = arith.constant 10 : i32
        %dma_wait3A_2489 = arith.constant 0 : i32
        %dma_wait3A_2490 = tpu.memref_slice %arg10[%dma_wait3A_2488, %dma_wait3A_2489] : memref<256x64xf32, #tpu.memory_space<vmem>> -> memref<1x64xf32, #tpu.memory_space<vmem>>
        %dma_wait3A_2491 = tpu.memref_squeeze %dma_wait3A_2490 : memref<1x64xf32, #tpu.memory_space<vmem>> -> memref<64xf32, #tpu.memory_space<vmem>>
        %dma_wait3A_2492 = arith.constant 0 : i32
        %dma_wait3A_2493 = tpu.memref_slice %arg5[%dma_wait3A_2487, %dma_wait3A_2492] : memref<100000x64xf32, #tpu.memory_space<hbm>> -> memref<1x64xf32, #tpu.memory_space<hbm>>
        %dma_wait3A_2494 = tpu.memref_squeeze %dma_wait3A_2493 : memref<1x64xf32, #tpu.memory_space<hbm>> -> memref<64xf32, #tpu.memory_space<hbm>>
        %dma_wait3A_2495 = arith.constant 0 : i32
        %dma_wait3A_2496 = tpu.memref_slice %arg10[%dma_wait3A_2488, %dma_wait3A_2495] : memref<256x64xf32, #tpu.memory_space<vmem>> -> memref<1x64xf32, #tpu.memory_space<vmem>>
        %dma_wait3A_2497 = tpu.memref_squeeze %dma_wait3A_2496 : memref<1x64xf32, #tpu.memory_space<vmem>> -> memref<64xf32, #tpu.memory_space<vmem>>
        %dma_wait3A_2498 = arith.constant 0 : i32
        %dma_wait3A_2499 = tpu.memref_slice %arg5[%dma_wait3A_2487, %dma_wait3A_2498] : memref<100000x64xf32, #tpu.memory_space<hbm>> -> memref<1x64xf32, #tpu.memory_space<hbm>>
        %dma_wait3A_2500 = tpu.memref_squeeze %dma_wait3A_2499 : memref<1x64xf32, #tpu.memory_space<hbm>> -> memref<64xf32, #tpu.memory_space<hbm>>
        tpu.wait_dma2 semaphore(%arg14 : memref<!tpu.dma_semaphore, #tpu.memory_space<semaphore_mem>>) src(%dma_wait3A_2500 : memref<64xf32, #tpu.memory_space<hbm>>) dst(%dma_wait3A_2497 : memref<64xf32, #tpu.memory_space<vmem>>)
        %dma_wait3A_2501 = arith.constant 0 : i32
        %dma_wait3A_2502 = arith.constant 11 : i32
        %dma_wait3A_2503 = arith.constant 0 : i32
        %dma_wait3A_2504 = tpu.memref_slice %arg9[%dma_wait3A_2502, %dma_wait3A_2503] : memref<256x64xf32, #tpu.memory_space<vmem>> -> memref<1x64xf32, #tpu.memory_space<vmem>>
        %dma_wait3A_2505 = tpu.memref_squeeze %dma_wait3A_2504 : memref<1x64xf32, #tpu.memory_space<vmem>> -> memref<64xf32, #tpu.memory_space<vmem>>
        %dma_wait3A_2506 = arith.constant 0 : i32
        %dma_wait3A_2507 = tpu.memref_slice %arg4[%dma_wait3A_2501, %dma_wait3A_2506] : memref<100000x64xf32, #tpu.memory_space<hbm>> -> memref<1x64xf32, #tpu.memory_space<hbm>>
        %dma_wait3A_2508 = tpu.memref_squeeze %dma_wait3A_2507 : memref<1x64xf32, #tpu.memory_space<hbm>> -> memref<64xf32, #tpu.memory_space<hbm>>
        %dma_wait3A_2509 = arith.constant 0 : i32
        %dma_wait3A_2510 = tpu.memref_slice %arg9[%dma_wait3A_2502, %dma_wait3A_2509] : memref<256x64xf32, #tpu.memory_space<vmem>> -> memref<1x64xf32, #tpu.memory_space<vmem>>
        %dma_wait3A_2511 = tpu.memref_squeeze %dma_wait3A_2510 : memref<1x64xf32, #tpu.memory_space<vmem>> -> memref<64xf32, #tpu.memory_space<vmem>>
        %dma_wait3A_2512 = arith.constant 0 : i32
        %dma_wait3A_2513 = tpu.memref_slice %arg4[%dma_wait3A_2501, %dma_wait3A_2512] : memref<100000x64xf32, #tpu.memory_space<hbm>> -> memref<1x64xf32, #tpu.memory_space<hbm>>
        %dma_wait3A_2514 = tpu.memref_squeeze %dma_wait3A_2513 : memref<1x64xf32, #tpu.memory_space<hbm>> -> memref<64xf32, #tpu.memory_space<hbm>>
        tpu.wait_dma2 semaphore(%arg14 : memref<!tpu.dma_semaphore, #tpu.memory_space<semaphore_mem>>) src(%dma_wait3A_2514 : memref<64xf32, #tpu.memory_space<hbm>>) dst(%dma_wait3A_2511 : memref<64xf32, #tpu.memory_space<vmem>>)
        %dma_wait3A_2515 = arith.constant 0 : i32
        %dma_wait3A_2516 = arith.constant 11 : i32
        %dma_wait3A_2517 = arith.constant 0 : i32
        %dma_wait3A_2518 = tpu.memref_slice %arg10[%dma_wait3A_2516, %dma_wait3A_2517] : memref<256x64xf32, #tpu.memory_space<vmem>> -> memref<1x64xf32, #tpu.memory_space<vmem>>
        %dma_wait3A_2519 = tpu.memref_squeeze %dma_wait3A_2518 : memref<1x64xf32, #tpu.memory_space<vmem>> -> memref<64xf32, #tpu.memory_space<vmem>>
        %dma_wait3A_2520 = arith.constant 0 : i32
        %dma_wait3A_2521 = tpu.memref_slice %arg5[%dma_wait3A_2515, %dma_wait3A_2520] : memref<100000x64xf32, #tpu.memory_space<hbm>> -> memref<1x64xf32, #tpu.memory_space<hbm>>
        %dma_wait3A_2522 = tpu.memref_squeeze %dma_wait3A_2521 : memref<1x64xf32, #tpu.memory_space<hbm>> -> memref<64xf32, #tpu.memory_space<hbm>>
        %dma_wait3A_2523 = arith.constant 0 : i32
        %dma_wait3A_2524 = tpu.memref_slice %arg10[%dma_wait3A_2516, %dma_wait3A_2523] : memref<256x64xf32, #tpu.memory_space<vmem>> -> memref<1x64xf32, #tpu.memory_space<vmem>>
        %dma_wait3A_2525 = tpu.memref_squeeze %dma_wait3A_2524 : memref<1x64xf32, #tpu.memory_space<vmem>> -> memref<64xf32, #tpu.memory_space<vmem>>
        %dma_wait3A_2526 = arith.constant 0 : i32
        %dma_wait3A_2527 = tpu.memref_slice %arg5[%dma_wait3A_2515, %dma_wait3A_2526] : memref<100000x64xf32, #tpu.memory_space<hbm>> -> memref<1x64xf32, #tpu.memory_space<hbm>>
        %dma_wait3A_2528 = tpu.memref_squeeze %dma_wait3A_2527 : memref<1x64xf32, #tpu.memory_space<hbm>> -> memref<64xf32, #tpu.memory_space<hbm>>
        tpu.wait_dma2 semaphore(%arg14 : memref<!tpu.dma_semaphore, #tpu.memory_space<semaphore_mem>>) src(%dma_wait3A_2528 : memref<64xf32, #tpu.memory_space<hbm>>) dst(%dma_wait3A_2525 : memref<64xf32, #tpu.memory_space<vmem>>)
        %dma_wait3A_2529 = arith.constant 0 : i32
        %dma_wait3A_2530 = arith.constant 12 : i32
        %dma_wait3A_2531 = arith.constant 0 : i32
        %dma_wait3A_2532 = tpu.memref_slice %arg9[%dma_wait3A_2530, %dma_wait3A_2531] : memref<256x64xf32, #tpu.memory_space<vmem>> -> memref<1x64xf32, #tpu.memory_space<vmem>>
        %dma_wait3A_2533 = tpu.memref_squeeze %dma_wait3A_2532 : memref<1x64xf32, #tpu.memory_space<vmem>> -> memref<64xf32, #tpu.memory_space<vmem>>
        %dma_wait3A_2534 = arith.constant 0 : i32
        %dma_wait3A_2535 = tpu.memref_slice %arg4[%dma_wait3A_2529, %dma_wait3A_2534] : memref<100000x64xf32, #tpu.memory_space<hbm>> -> memref<1x64xf32, #tpu.memory_space<hbm>>
        %dma_wait3A_2536 = tpu.memref_squeeze %dma_wait3A_2535 : memref<1x64xf32, #tpu.memory_space<hbm>> -> memref<64xf32, #tpu.memory_space<hbm>>
        %dma_wait3A_2537 = arith.constant 0 : i32
        %dma_wait3A_2538 = tpu.memref_slice %arg9[%dma_wait3A_2530, %dma_wait3A_2537] : memref<256x64xf32, #tpu.memory_space<vmem>> -> memref<1x64xf32, #tpu.memory_space<vmem>>
        %dma_wait3A_2539 = tpu.memref_squeeze %dma_wait3A_2538 : memref<1x64xf32, #tpu.memory_space<vmem>> -> memref<64xf32, #tpu.memory_space<vmem>>
        %dma_wait3A_2540 = arith.constant 0 : i32
        %dma_wait3A_2541 = tpu.memref_slice %arg4[%dma_wait3A_2529, %dma_wait3A_2540] : memref<100000x64xf32, #tpu.memory_space<hbm>> -> memref<1x64xf32, #tpu.memory_space<hbm>>
        %dma_wait3A_2542 = tpu.memref_squeeze %dma_wait3A_2541 : memref<1x64xf32, #tpu.memory_space<hbm>> -> memref<64xf32, #tpu.memory_space<hbm>>
        tpu.wait_dma2 semaphore(%arg14 : memref<!tpu.dma_semaphore, #tpu.memory_space<semaphore_mem>>) src(%dma_wait3A_2542 : memref<64xf32, #tpu.memory_space<hbm>>) dst(%dma_wait3A_2539 : memref<64xf32, #tpu.memory_space<vmem>>)
        %dma_wait3A_2543 = arith.constant 0 : i32
        %dma_wait3A_2544 = arith.constant 12 : i32
        %dma_wait3A_2545 = arith.constant 0 : i32
        %dma_wait3A_2546 = tpu.memref_slice %arg10[%dma_wait3A_2544, %dma_wait3A_2545] : memref<256x64xf32, #tpu.memory_space<vmem>> -> memref<1x64xf32, #tpu.memory_space<vmem>>
        %dma_wait3A_2547 = tpu.memref_squeeze %dma_wait3A_2546 : memref<1x64xf32, #tpu.memory_space<vmem>> -> memref<64xf32, #tpu.memory_space<vmem>>
        %dma_wait3A_2548 = arith.constant 0 : i32
        %dma_wait3A_2549 = tpu.memref_slice %arg5[%dma_wait3A_2543, %dma_wait3A_2548] : memref<100000x64xf32, #tpu.memory_space<hbm>> -> memref<1x64xf32, #tpu.memory_space<hbm>>
        %dma_wait3A_2550 = tpu.memref_squeeze %dma_wait3A_2549 : memref<1x64xf32, #tpu.memory_space<hbm>> -> memref<64xf32, #tpu.memory_space<hbm>>
        %dma_wait3A_2551 = arith.constant 0 : i32
        %dma_wait3A_2552 = tpu.memref_slice %arg10[%dma_wait3A_2544, %dma_wait3A_2551] : memref<256x64xf32, #tpu.memory_space<vmem>> -> memref<1x64xf32, #tpu.memory_space<vmem>>
        %dma_wait3A_2553 = tpu.memref_squeeze %dma_wait3A_2552 : memref<1x64xf32, #tpu.memory_space<vmem>> -> memref<64xf32, #tpu.memory_space<vmem>>
        %dma_wait3A_2554 = arith.constant 0 : i32
        %dma_wait3A_2555 = tpu.memref_slice %arg5[%dma_wait3A_2543, %dma_wait3A_2554] : memref<100000x64xf32, #tpu.memory_space<hbm>> -> memref<1x64xf32, #tpu.memory_space<hbm>>
        %dma_wait3A_2556 = tpu.memref_squeeze %dma_wait3A_2555 : memref<1x64xf32, #tpu.memory_space<hbm>> -> memref<64xf32, #tpu.memory_space<hbm>>
        tpu.wait_dma2 semaphore(%arg14 : memref<!tpu.dma_semaphore, #tpu.memory_space<semaphore_mem>>) src(%dma_wait3A_2556 : memref<64xf32, #tpu.memory_space<hbm>>) dst(%dma_wait3A_2553 : memref<64xf32, #tpu.memory_space<vmem>>)
        %dma_wait3A_2557 = arith.constant 0 : i32
        %dma_wait3A_2558 = arith.constant 13 : i32
        %dma_wait3A_2559 = arith.constant 0 : i32
        %dma_wait3A_2560 = tpu.memref_slice %arg9[%dma_wait3A_2558, %dma_wait3A_2559] : memref<256x64xf32, #tpu.memory_space<vmem>> -> memref<1x64xf32, #tpu.memory_space<vmem>>
        %dma_wait3A_2561 = tpu.memref_squeeze %dma_wait3A_2560 : memref<1x64xf32, #tpu.memory_space<vmem>> -> memref<64xf32, #tpu.memory_space<vmem>>
        %dma_wait3A_2562 = arith.constant 0 : i32
        %dma_wait3A_2563 = tpu.memref_slice %arg4[%dma_wait3A_2557, %dma_wait3A_2562] : memref<100000x64xf32, #tpu.memory_space<hbm>> -> memref<1x64xf32, #tpu.memory_space<hbm>>
        %dma_wait3A_2564 = tpu.memref_squeeze %dma_wait3A_2563 : memref<1x64xf32, #tpu.memory_space<hbm>> -> memref<64xf32, #tpu.memory_space<hbm>>
        %dma_wait3A_2565 = arith.constant 0 : i32
        %dma_wait3A_2566 = tpu.memref_slice %arg9[%dma_wait3A_2558, %dma_wait3A_2565] : memref<256x64xf32, #tpu.memory_space<vmem>> -> memref<1x64xf32, #tpu.memory_space<vmem>>
        %dma_wait3A_2567 = tpu.memref_squeeze %dma_wait3A_2566 : memref<1x64xf32, #tpu.memory_space<vmem>> -> memref<64xf32, #tpu.memory_space<vmem>>
        %dma_wait3A_2568 = arith.constant 0 : i32
        %dma_wait3A_2569 = tpu.memref_slice %arg4[%dma_wait3A_2557, %dma_wait3A_2568] : memref<100000x64xf32, #tpu.memory_space<hbm>> -> memref<1x64xf32, #tpu.memory_space<hbm>>
        %dma_wait3A_2570 = tpu.memref_squeeze %dma_wait3A_2569 : memref<1x64xf32, #tpu.memory_space<hbm>> -> memref<64xf32, #tpu.memory_space<hbm>>
        tpu.wait_dma2 semaphore(%arg14 : memref<!tpu.dma_semaphore, #tpu.memory_space<semaphore_mem>>) src(%dma_wait3A_2570 : memref<64xf32, #tpu.memory_space<hbm>>) dst(%dma_wait3A_2567 : memref<64xf32, #tpu.memory_space<vmem>>)
        %dma_wait3A_2571 = arith.constant 0 : i32
        %dma_wait3A_2572 = arith.constant 13 : i32
        %dma_wait3A_2573 = arith.constant 0 : i32
        %dma_wait3A_2574 = tpu.memref_slice %arg10[%dma_wait3A_2572, %dma_wait3A_2573] : memref<256x64xf32, #tpu.memory_space<vmem>> -> memref<1x64xf32, #tpu.memory_space<vmem>>
        %dma_wait3A_2575 = tpu.memref_squeeze %dma_wait3A_2574 : memref<1x64xf32, #tpu.memory_space<vmem>> -> memref<64xf32, #tpu.memory_space<vmem>>
        %dma_wait3A_2576 = arith.constant 0 : i32
        %dma_wait3A_2577 = tpu.memref_slice %arg5[%dma_wait3A_2571, %dma_wait3A_2576] : memref<100000x64xf32, #tpu.memory_space<hbm>> -> memref<1x64xf32, #tpu.memory_space<hbm>>
        %dma_wait3A_2578 = tpu.memref_squeeze %dma_wait3A_2577 : memref<1x64xf32, #tpu.memory_space<hbm>> -> memref<64xf32, #tpu.memory_space<hbm>>
        %dma_wait3A_2579 = arith.constant 0 : i32
        %dma_wait3A_2580 = tpu.memref_slice %arg10[%dma_wait3A_2572, %dma_wait3A_2579] : memref<256x64xf32, #tpu.memory_space<vmem>> -> memref<1x64xf32, #tpu.memory_space<vmem>>
        %dma_wait3A_2581 = tpu.memref_squeeze %dma_wait3A_2580 : memref<1x64xf32, #tpu.memory_space<vmem>> -> memref<64xf32, #tpu.memory_space<vmem>>
        %dma_wait3A_2582 = arith.constant 0 : i32
        %dma_wait3A_2583 = tpu.memref_slice %arg5[%dma_wait3A_2571, %dma_wait3A_2582] : memref<100000x64xf32, #tpu.memory_space<hbm>> -> memref<1x64xf32, #tpu.memory_space<hbm>>
        %dma_wait3A_2584 = tpu.memref_squeeze %dma_wait3A_2583 : memref<1x64xf32, #tpu.memory_space<hbm>> -> memref<64xf32, #tpu.memory_space<hbm>>
        tpu.wait_dma2 semaphore(%arg14 : memref<!tpu.dma_semaphore, #tpu.memory_space<semaphore_mem>>) src(%dma_wait3A_2584 : memref<64xf32, #tpu.memory_space<hbm>>) dst(%dma_wait3A_2581 : memref<64xf32, #tpu.memory_space<vmem>>)
        %dma_wait3A_2585 = arith.constant 0 : i32
        %dma_wait3A_2586 = arith.constant 14 : i32
        %dma_wait3A_2587 = arith.constant 0 : i32
        %dma_wait3A_2588 = tpu.memref_slice %arg9[%dma_wait3A_2586, %dma_wait3A_2587] : memref<256x64xf32, #tpu.memory_space<vmem>> -> memref<1x64xf32, #tpu.memory_space<vmem>>
        %dma_wait3A_2589 = tpu.memref_squeeze %dma_wait3A_2588 : memref<1x64xf32, #tpu.memory_space<vmem>> -> memref<64xf32, #tpu.memory_space<vmem>>
        %dma_wait3A_2590 = arith.constant 0 : i32
        %dma_wait3A_2591 = tpu.memref_slice %arg4[%dma_wait3A_2585, %dma_wait3A_2590] : memref<100000x64xf32, #tpu.memory_space<hbm>> -> memref<1x64xf32, #tpu.memory_space<hbm>>
        %dma_wait3A_2592 = tpu.memref_squeeze %dma_wait3A_2591 : memref<1x64xf32, #tpu.memory_space<hbm>> -> memref<64xf32, #tpu.memory_space<hbm>>
        %dma_wait3A_2593 = arith.constant 0 : i32
        %dma_wait3A_2594 = tpu.memref_slice %arg9[%dma_wait3A_2586, %dma_wait3A_2593] : memref<256x64xf32, #tpu.memory_space<vmem>> -> memref<1x64xf32, #tpu.memory_space<vmem>>
        %dma_wait3A_2595 = tpu.memref_squeeze %dma_wait3A_2594 : memref<1x64xf32, #tpu.memory_space<vmem>> -> memref<64xf32, #tpu.memory_space<vmem>>
        %dma_wait3A_2596 = arith.constant 0 : i32
        %dma_wait3A_2597 = tpu.memref_slice %arg4[%dma_wait3A_2585, %dma_wait3A_2596] : memref<100000x64xf32, #tpu.memory_space<hbm>> -> memref<1x64xf32, #tpu.memory_space<hbm>>
        %dma_wait3A_2598 = tpu.memref_squeeze %dma_wait3A_2597 : memref<1x64xf32, #tpu.memory_space<hbm>> -> memref<64xf32, #tpu.memory_space<hbm>>
        tpu.wait_dma2 semaphore(%arg14 : memref<!tpu.dma_semaphore, #tpu.memory_space<semaphore_mem>>) src(%dma_wait3A_2598 : memref<64xf32, #tpu.memory_space<hbm>>) dst(%dma_wait3A_2595 : memref<64xf32, #tpu.memory_space<vmem>>)
        %dma_wait3A_2599 = arith.constant 0 : i32
        %dma_wait3A_2600 = arith.constant 14 : i32
        %dma_wait3A_2601 = arith.constant 0 : i32
        %dma_wait3A_2602 = tpu.memref_slice %arg10[%dma_wait3A_2600, %dma_wait3A_2601] : memref<256x64xf32, #tpu.memory_space<vmem>> -> memref<1x64xf32, #tpu.memory_space<vmem>>
        %dma_wait3A_2603 = tpu.memref_squeeze %dma_wait3A_2602 : memref<1x64xf32, #tpu.memory_space<vmem>> -> memref<64xf32, #tpu.memory_space<vmem>>
        %dma_wait3A_2604 = arith.constant 0 : i32
        %dma_wait3A_2605 = tpu.memref_slice %arg5[%dma_wait3A_2599, %dma_wait3A_2604] : memref<100000x64xf32, #tpu.memory_space<hbm>> -> memref<1x64xf32, #tpu.memory_space<hbm>>
        %dma_wait3A_2606 = tpu.memref_squeeze %dma_wait3A_2605 : memref<1x64xf32, #tpu.memory_space<hbm>> -> memref<64xf32, #tpu.memory_space<hbm>>
        %dma_wait3A_2607 = arith.constant 0 : i32
        %dma_wait3A_2608 = tpu.memref_slice %arg10[%dma_wait3A_2600, %dma_wait3A_2607] : memref<256x64xf32, #tpu.memory_space<vmem>> -> memref<1x64xf32, #tpu.memory_space<vmem>>
        %dma_wait3A_2609 = tpu.memref_squeeze %dma_wait3A_2608 : memref<1x64xf32, #tpu.memory_space<vmem>> -> memref<64xf32, #tpu.memory_space<vmem>>
        %dma_wait3A_2610 = arith.constant 0 : i32
        %dma_wait3A_2611 = tpu.memref_slice %arg5[%dma_wait3A_2599, %dma_wait3A_2610] : memref<100000x64xf32, #tpu.memory_space<hbm>> -> memref<1x64xf32, #tpu.memory_space<hbm>>
        %dma_wait3A_2612 = tpu.memref_squeeze %dma_wait3A_2611 : memref<1x64xf32, #tpu.memory_space<hbm>> -> memref<64xf32, #tpu.memory_space<hbm>>
        tpu.wait_dma2 semaphore(%arg14 : memref<!tpu.dma_semaphore, #tpu.memory_space<semaphore_mem>>) src(%dma_wait3A_2612 : memref<64xf32, #tpu.memory_space<hbm>>) dst(%dma_wait3A_2609 : memref<64xf32, #tpu.memory_space<vmem>>)
        %dma_wait3A_2613 = arith.constant 0 : i32
        %dma_wait3A_2614 = arith.constant 15 : i32
        %dma_wait3A_2615 = arith.constant 0 : i32
        %dma_wait3A_2616 = tpu.memref_slice %arg9[%dma_wait3A_2614, %dma_wait3A_2615] : memref<256x64xf32, #tpu.memory_space<vmem>> -> memref<1x64xf32, #tpu.memory_space<vmem>>
        %dma_wait3A_2617 = tpu.memref_squeeze %dma_wait3A_2616 : memref<1x64xf32, #tpu.memory_space<vmem>> -> memref<64xf32, #tpu.memory_space<vmem>>
        %dma_wait3A_2618 = arith.constant 0 : i32
        %dma_wait3A_2619 = tpu.memref_slice %arg4[%dma_wait3A_2613, %dma_wait3A_2618] : memref<100000x64xf32, #tpu.memory_space<hbm>> -> memref<1x64xf32, #tpu.memory_space<hbm>>
        %dma_wait3A_2620 = tpu.memref_squeeze %dma_wait3A_2619 : memref<1x64xf32, #tpu.memory_space<hbm>> -> memref<64xf32, #tpu.memory_space<hbm>>
        %dma_wait3A_2621 = arith.constant 0 : i32
        %dma_wait3A_2622 = tpu.memref_slice %arg9[%dma_wait3A_2614, %dma_wait3A_2621] : memref<256x64xf32, #tpu.memory_space<vmem>> -> memref<1x64xf32, #tpu.memory_space<vmem>>
        %dma_wait3A_2623 = tpu.memref_squeeze %dma_wait3A_2622 : memref<1x64xf32, #tpu.memory_space<vmem>> -> memref<64xf32, #tpu.memory_space<vmem>>
        %dma_wait3A_2624 = arith.constant 0 : i32
        %dma_wait3A_2625 = tpu.memref_slice %arg4[%dma_wait3A_2613, %dma_wait3A_2624] : memref<100000x64xf32, #tpu.memory_space<hbm>> -> memref<1x64xf32, #tpu.memory_space<hbm>>
        %dma_wait3A_2626 = tpu.memref_squeeze %dma_wait3A_2625 : memref<1x64xf32, #tpu.memory_space<hbm>> -> memref<64xf32, #tpu.memory_space<hbm>>
        tpu.wait_dma2 semaphore(%arg14 : memref<!tpu.dma_semaphore, #tpu.memory_space<semaphore_mem>>) src(%dma_wait3A_2626 : memref<64xf32, #tpu.memory_space<hbm>>) dst(%dma_wait3A_2623 : memref<64xf32, #tpu.memory_space<vmem>>)
        %dma_wait3A_2627 = arith.constant 0 : i32
        %dma_wait3A_2628 = arith.constant 15 : i32
        %dma_wait3A_2629 = arith.constant 0 : i32
        %dma_wait3A_2630 = tpu.memref_slice %arg10[%dma_wait3A_2628, %dma_wait3A_2629] : memref<256x64xf32, #tpu.memory_space<vmem>> -> memref<1x64xf32, #tpu.memory_space<vmem>>
        %dma_wait3A_2631 = tpu.memref_squeeze %dma_wait3A_2630 : memref<1x64xf32, #tpu.memory_space<vmem>> -> memref<64xf32, #tpu.memory_space<vmem>>
        %dma_wait3A_2632 = arith.constant 0 : i32
        %dma_wait3A_2633 = tpu.memref_slice %arg5[%dma_wait3A_2627, %dma_wait3A_2632] : memref<100000x64xf32, #tpu.memory_space<hbm>> -> memref<1x64xf32, #tpu.memory_space<hbm>>
        %dma_wait3A_2634 = tpu.memref_squeeze %dma_wait3A_2633 : memref<1x64xf32, #tpu.memory_space<hbm>> -> memref<64xf32, #tpu.memory_space<hbm>>
        %dma_wait3A_2635 = arith.constant 0 : i32
        %dma_wait3A_2636 = tpu.memref_slice %arg10[%dma_wait3A_2628, %dma_wait3A_2635] : memref<256x64xf32, #tpu.memory_space<vmem>> -> memref<1x64xf32, #tpu.memory_space<vmem>>
        %dma_wait3A_2637 = tpu.memref_squeeze %dma_wait3A_2636 : memref<1x64xf32, #tpu.memory_space<vmem>> -> memref<64xf32, #tpu.memory_space<vmem>>
        %dma_wait3A_2638 = arith.constant 0 : i32
        %dma_wait3A_2639 = tpu.memref_slice %arg5[%dma_wait3A_2627, %dma_wait3A_2638] : memref<100000x64xf32, #tpu.memory_space<hbm>> -> memref<1x64xf32, #tpu.memory_space<hbm>>
        %dma_wait3A_2640 = tpu.memref_squeeze %dma_wait3A_2639 : memref<1x64xf32, #tpu.memory_space<hbm>> -> memref<64xf32, #tpu.memory_space<hbm>>
        tpu.wait_dma2 semaphore(%arg14 : memref<!tpu.dma_semaphore, #tpu.memory_space<semaphore_mem>>) src(%dma_wait3A_2640 : memref<64xf32, #tpu.memory_space<hbm>>) dst(%dma_wait3A_2637 : memref<64xf32, #tpu.memory_space<vmem>>)
        %mul3A_2641 = arith.constant 2 : i32
        %mul3A_2642 = arith.muli %mul3A_2641, %scan3A_504 : i32
        %add3A_2643 = arith.constant 1 : i32
        %add3A_2644 = arith.addi %mul3A_2642, %add3A_2643 : i32
        %mul3A_2645 = arith.constant 16 : i32
        %mul3A_2646 = arith.muli %add3A_2644, %mul3A_2645 : i32
        %add3A_2647 = arith.constant 0 : i32
        %add3A_2648 = arith.addi %mul3A_2646, %add3A_2647 : i32
        %broadcast_in_dim3A_2649 = arith.constant 0.000000e+00 : f32
        %broadcast_in_dim3A_2650 = vector.broadcast %broadcast_in_dim3A_2649 : f32 to vector<16xf32>
        %get3A_2651 = arith.index_cast %add3A_2648 : i32 to index
        %get3A_2652 = arith.constant 0 : index
        %get3A_2653 = tpu.vector_load %arg9[%get3A_2651, %get3A_2652] {strides = array<i32>} : memref<256x64xf32, #tpu.memory_space<vmem>>, vector<16xf32>,
        %get3A_2654 = arith.index_cast %add3A_2648 : i32 to index
        %get3A_2655 = arith.constant 0 : index
        %get3A_2656 = tpu.vector_load %arg10[%get3A_2654, %get3A_2655] {strides = array<i32>} : memref<256x64xf32, #tpu.memory_space<vmem>>, vector<16xf32>,
        %mul3A_2657 = arith.mulf %get3A_2653, %get3A_2656 : vector<16xf32>
        %add3A_2658 = arith.addf %broadcast_in_dim3A_2650, %mul3A_2657 : vector<16xf32>
        %get3A_2659 = arith.index_cast %add3A_2648 : i32 to index
        %get3A_2660 = arith.constant 16 : index
        %get3A_2661 = tpu.vector_load %arg9[%get3A_2659, %get3A_2660] {strides = array<i32>} : memref<256x64xf32, #tpu.memory_space<vmem>>, vector<16xf32>,
        %get3A_2662 = arith.index_cast %add3A_2648 : i32 to index
        %get3A_2663 = arith.constant 16 : index
        %get3A_2664 = tpu.vector_load %arg10[%get3A_2662, %get3A_2663] {strides = array<i32>} : memref<256x64xf32, #tpu.memory_space<vmem>>, vector<16xf32>,
        %mul3A_2665 = arith.mulf %get3A_2661, %get3A_2664 : vector<16xf32>
        %add3A_2666 = arith.addf %add3A_2658, %mul3A_2665 : vector<16xf32>
        %get3A_2667 = arith.index_cast %add3A_2648 : i32 to index
        %get3A_2668 = arith.constant 32 : index
        %get3A_2669 = tpu.vector_load %arg9[%get3A_2667, %get3A_2668] {strides = array<i32>} : memref<256x64xf32, #tpu.memory_space<vmem>>, vector<16xf32>,
        %get3A_2670 = arith.index_cast %add3A_2648 : i32 to index
        %get3A_2671 = arith.constant 32 : index
        %get3A_2672 = tpu.vector_load %arg10[%get3A_2670, %get3A_2671] {strides = array<i32>} : memref<256x64xf32, #tpu.memory_space<vmem>>, vector<16xf32>,
        %mul3A_2673 = arith.mulf %get3A_2669, %get3A_2672 : vector<16xf32>
        %add3A_2674 = arith.addf %add3A_2666, %mul3A_2673 : vector<16xf32>
        %get3A_2675 = arith.index_cast %add3A_2648 : i32 to index
        %get3A_2676 = arith.constant 48 : index
        %get3A_2677 = tpu.vector_load %arg9[%get3A_2675, %get3A_2676] {strides = array<i32>} : memref<256x64xf32, #tpu.memory_space<vmem>>, vector<16xf32>,
        %get3A_2678 = arith.index_cast %add3A_2648 : i32 to index
        %get3A_2679 = arith.constant 48 : index
        %get3A_2680 = tpu.vector_load %arg10[%get3A_2678, %get3A_2679] {strides = array<i32>} : memref<256x64xf32, #tpu.memory_space<vmem>>, vector<16xf32>,
        %mul3A_2681 = arith.mulf %get3A_2677, %get3A_2680 : vector<16xf32>
        %add3A_2682 = arith.addf %add3A_2674, %mul3A_2681 : vector<16xf32>
        %add3A_2683 = arith.constant 0 : i32
        %add3A_2684 = vector.broadcast %add3A_2683 : i32 to vector<16xi32>
        %add3A_2685 = arith.addi %mul3A_5, %add3A_2684 : vector<16xi32>
        tpu.vector_store_idx %arg11[%add3A_2685], %add3A_2682 : memref<256xf32, #tpu.memory_space<vmem>>[vector<16xi32>], vector<16xf32>,
        %mul3A_2686 = arith.constant 16 : i32
        %mul3A_2687 = arith.muli %add3A_2644, %mul3A_2686 : i32
        %add3A_2688 = arith.constant 1 : i32
        %add3A_2689 = arith.addi %mul3A_2687, %add3A_2688 : i32
        %broadcast_in_dim3A_2690 = arith.constant 0.000000e+00 : f32
        %broadcast_in_dim3A_2691 = vector.broadcast %broadcast_in_dim3A_2690 : f32 to vector<16xf32>
        %get3A_2692 = arith.index_cast %add3A_2689 : i32 to index
        %get3A_2693 = arith.constant 0 : index
        %get3A_2694 = tpu.vector_load %arg9[%get3A_2692, %get3A_2693] {strides = array<i32>} : memref<256x64xf32, #tpu.memory_space<vmem>>, vector<16xf32>,
        %get3A_2695 = arith.index_cast %add3A_2689 : i32 to index
        %get3A_2696 = arith.constant 0 : index
        %get3A_2697 = tpu.vector_load %arg10[%get3A_2695, %get3A_2696] {strides = array<i32>} : memref<256x64xf32, #tpu.memory_space<vmem>>, vector<16xf32>,
        %mul3A_2698 = arith.mulf %get3A_2694, %get3A_2697 : vector<16xf32>
        %add3A_2699 = arith.addf %broadcast_in_dim3A_2691, %mul3A_2698 : vector<16xf32>
        %get3A_2700 = arith.index_cast %add3A_2689 : i32 to index
        %get3A_2701 = arith.constant 16 : index
        %get3A_2702 = tpu.vector_load %arg9[%get3A_2700, %get3A_2701] {strides = array<i32>} : memref<256x64xf32, #tpu.memory_space<vmem>>, vector<16xf32>,
        %get3A_2703 = arith.index_cast %add3A_2689 : i32 to index
        %get3A_2704 = arith.constant 16 : index
        %get3A_2705 = tpu.vector_load %arg10[%get3A_2703, %get3A_2704] {strides = array<i32>} : memref<256x64xf32, #tpu.memory_space<vmem>>, vector<16xf32>,
        %mul3A_2706 = arith.mulf %get3A_2702, %get3A_2705 : vector<16xf32>
        %add3A_2707 = arith.addf %add3A_2699, %mul3A_2706 : vector<16xf32>
        %get3A_2708 = arith.index_cast %add3A_2689 : i32 to index
        %get3A_2709 = arith.constant 32 : index
        %get3A_2710 = tpu.vector_load %arg9[%get3A_2708, %get3A_2709] {strides = array<i32>} : memref<256x64xf32, #tpu.memory_space<vmem>>, vector<16xf32>,
        %get3A_2711 = arith.index_cast %add3A_2689 : i32 to index
        %get3A_2712 = arith.constant 32 : index
        %get3A_2713 = tpu.vector_load %arg10[%get3A_2711, %get3A_2712] {strides = array<i32>} : memref<256x64xf32, #tpu.memory_space<vmem>>, vector<16xf32>,
        %mul3A_2714 = arith.mulf %get3A_2710, %get3A_2713 : vector<16xf32>
        %add3A_2715 = arith.addf %add3A_2707, %mul3A_2714 : vector<16xf32>
        %get3A_2716 = arith.index_cast %add3A_2689 : i32 to index
        %get3A_2717 = arith.constant 48 : index
        %get3A_2718 = tpu.vector_load %arg9[%get3A_2716, %get3A_2717] {strides = array<i32>} : memref<256x64xf32, #tpu.memory_space<vmem>>, vector<16xf32>,
        %get3A_2719 = arith.index_cast %add3A_2689 : i32 to index
        %get3A_2720 = arith.constant 48 : index
        %get3A_2721 = tpu.vector_load %arg10[%get3A_2719, %get3A_2720] {strides = array<i32>} : memref<256x64xf32, #tpu.memory_space<vmem>>, vector<16xf32>,
        %mul3A_2722 = arith.mulf %get3A_2718, %get3A_2721 : vector<16xf32>
        %add3A_2723 = arith.addf %add3A_2715, %mul3A_2722 : vector<16xf32>
        %add3A_2724 = arith.constant 1 : i32
        %add3A_2725 = vector.broadcast %add3A_2724 : i32 to vector<16xi32>
        %add3A_2726 = arith.addi %mul3A_5, %add3A_2725 : vector<16xi32>
        tpu.vector_store_idx %arg11[%add3A_2726], %add3A_2723 : memref<256xf32, #tpu.memory_space<vmem>>[vector<16xi32>], vector<16xf32>,
        %mul3A_2727 = arith.constant 16 : i32
        %mul3A_2728 = arith.muli %add3A_2644, %mul3A_2727 : i32
        %add3A_2729 = arith.constant 2 : i32
        %add3A_2730 = arith.addi %mul3A_2728, %add3A_2729 : i32
        %broadcast_in_dim3A_2731 = arith.constant 0.000000e+00 : f32
        %broadcast_in_dim3A_2732 = vector.broadcast %broadcast_in_dim3A_2731 : f32 to vector<16xf32>
        %get3A_2733 = arith.index_cast %add3A_2730 : i32 to index
        %get3A_2734 = arith.constant 0 : index
        %get3A_2735 = tpu.vector_load %arg9[%get3A_2733, %get3A_2734] {strides = array<i32>} : memref<256x64xf32, #tpu.memory_space<vmem>>, vector<16xf32>,
        %get3A_2736 = arith.index_cast %add3A_2730 : i32 to index
        %get3A_2737 = arith.constant 0 : index
        %get3A_2738 = tpu.vector_load %arg10[%get3A_2736, %get3A_2737] {strides = array<i32>} : memref<256x64xf32, #tpu.memory_space<vmem>>, vector<16xf32>,
        %mul3A_2739 = arith.mulf %get3A_2735, %get3A_2738 : vector<16xf32>
        %add3A_2740 = arith.addf %broadcast_in_dim3A_2732, %mul3A_2739 : vector<16xf32>
        %get3A_2741 = arith.index_cast %add3A_2730 : i32 to index
        %get3A_2742 = arith.constant 16 : index
        %get3A_2743 = tpu.vector_load %arg9[%get3A_2741, %get3A_2742] {strides = array<i32>} : memref<256x64xf32, #tpu.memory_space<vmem>>, vector<16xf32>,
        %get3A_2744 = arith.index_cast %add3A_2730 : i32 to index
        %get3A_2745 = arith.constant 16 : index
        %get3A_2746 = tpu.vector_load %arg10[%get3A_2744, %get3A_2745] {strides = array<i32>} : memref<256x64xf32, #tpu.memory_space<vmem>>, vector<16xf32>,
        %mul3A_2747 = arith.mulf %get3A_2743, %get3A_2746 : vector<16xf32>
        %add3A_2748 = arith.addf %add3A_2740, %mul3A_2747 : vector<16xf32>
        %get3A_2749 = arith.index_cast %add3A_2730 : i32 to index
        %get3A_2750 = arith.constant 32 : index
        %get3A_2751 = tpu.vector_load %arg9[%get3A_2749, %get3A_2750] {strides = array<i32>} : memref<256x64xf32, #tpu.memory_space<vmem>>, vector<16xf32>,
        %get3A_2752 = arith.index_cast %add3A_2730 : i32 to index
        %get3A_2753 = arith.constant 32 : index
        %get3A_2754 = tpu.vector_load %arg10[%get3A_2752, %get3A_2753] {strides = array<i32>} : memref<256x64xf32, #tpu.memory_space<vmem>>, vector<16xf32>,
        %mul3A_2755 = arith.mulf %get3A_2751, %get3A_2754 : vector<16xf32>
        %add3A_2756 = arith.addf %add3A_2748, %mul3A_2755 : vector<16xf32>
        %get3A_2757 = arith.index_cast %add3A_2730 : i32 to index
        %get3A_2758 = arith.constant 48 : index
        %get3A_2759 = tpu.vector_load %arg9[%get3A_2757, %get3A_2758] {strides = array<i32>} : memref<256x64xf32, #tpu.memory_space<vmem>>, vector<16xf32>,
        %get3A_2760 = arith.index_cast %add3A_2730 : i32 to index
        %get3A_2761 = arith.constant 48 : index
        %get3A_2762 = tpu.vector_load %arg10[%get3A_2760, %get3A_2761] {strides = array<i32>} : memref<256x64xf32, #tpu.memory_space<vmem>>, vector<16xf32>,
        %mul3A_2763 = arith.mulf %get3A_2759, %get3A_2762 : vector<16xf32>
        %add3A_2764 = arith.addf %add3A_2756, %mul3A_2763 : vector<16xf32>
        %add3A_2765 = arith.constant 2 : i32
        %add3A_2766 = vector.broadcast %add3A_2765 : i32 to vector<16xi32>
        %add3A_2767 = arith.addi %mul3A_5, %add3A_2766 : vector<16xi32>
        tpu.vector_store_idx %arg11[%add3A_2767], %add3A_2764 : memref<256xf32, #tpu.memory_space<vmem>>[vector<16xi32>], vector<16xf32>,
        %mul3A_2768 = arith.constant 16 : i32
        %mul3A_2769 = arith.muli %add3A_2644, %mul3A_2768 : i32
        %add3A_2770 = arith.constant 3 : i32
        %add3A_2771 = arith.addi %mul3A_2769, %add3A_2770 : i32
        %broadcast_in_dim3A_2772 = arith.constant 0.000000e+00 : f32
        %broadcast_in_dim3A_2773 = vector.broadcast %broadcast_in_dim3A_2772 : f32 to vector<16xf32>
        %get3A_2774 = arith.index_cast %add3A_2771 : i32 to index
        %get3A_2775 = arith.constant 0 : index
        %get3A_2776 = tpu.vector_load %arg9[%get3A_2774, %get3A_2775] {strides = array<i32>} : memref<256x64xf32, #tpu.memory_space<vmem>>, vector<16xf32>,
        %get3A_2777 = arith.index_cast %add3A_2771 : i32 to index
        %get3A_2778 = arith.constant 0 : index
        %get3A_2779 = tpu.vector_load %arg10[%get3A_2777, %get3A_2778] {strides = array<i32>} : memref<256x64xf32, #tpu.memory_space<vmem>>, vector<16xf32>,
        %mul3A_2780 = arith.mulf %get3A_2776, %get3A_2779 : vector<16xf32>
        %add3A_2781 = arith.addf %broadcast_in_dim3A_2773, %mul3A_2780 : vector<16xf32>
        %get3A_2782 = arith.index_cast %add3A_2771 : i32 to index
        %get3A_2783 = arith.constant 16 : index
        %get3A_2784 = tpu.vector_load %arg9[%get3A_2782, %get3A_2783] {strides = array<i32>} : memref<256x64xf32, #tpu.memory_space<vmem>>, vector<16xf32>,
        %get3A_2785 = arith.index_cast %add3A_2771 : i32 to index
        %get3A_2786 = arith.constant 16 : index
        %get3A_2787 = tpu.vector_load %arg10[%get3A_2785, %get3A_2786] {strides = array<i32>} : memref<256x64xf32, #tpu.memory_space<vmem>>, vector<16xf32>,
        %mul3A_2788 = arith.mulf %get3A_2784, %get3A_2787 : vector<16xf32>
        %add3A_2789 = arith.addf %add3A_2781, %mul3A_2788 : vector<16xf32>
        %get3A_2790 = arith.index_cast %add3A_2771 : i32 to index
        %get3A_2791 = arith.constant 32 : index
        %get3A_2792 = tpu.vector_load %arg9[%get3A_2790, %get3A_2791] {strides = array<i32>} : memref<256x64xf32, #tpu.memory_space<vmem>>, vector<16xf32>,
        %get3A_2793 = arith.index_cast %add3A_2771 : i32 to index
        %get3A_2794 = arith.constant 32 : index
        %get3A_2795 = tpu.vector_load %arg10[%get3A_2793, %get3A_2794] {strides = array<i32>} : memref<256x64xf32, #tpu.memory_space<vmem>>, vector<16xf32>,
        %mul3A_2796 = arith.mulf %get3A_2792, %get3A_2795 : vector<16xf32>
        %add3A_2797 = arith.addf %add3A_2789, %mul3A_2796 : vector<16xf32>
        %get3A_2798 = arith.index_cast %add3A_2771 : i32 to index
        %get3A_2799 = arith.constant 48 : index
        %get3A_2800 = tpu.vector_load %arg9[%get3A_2798, %get3A_2799] {strides = array<i32>} : memref<256x64xf32, #tpu.memory_space<vmem>>, vector<16xf32>,
        %get3A_2801 = arith.index_cast %add3A_2771 : i32 to index
        %get3A_2802 = arith.constant 48 : index
        %get3A_2803 = tpu.vector_load %arg10[%get3A_2801, %get3A_2802] {strides = array<i32>} : memref<256x64xf32, #tpu.memory_space<vmem>>, vector<16xf32>,
        %mul3A_2804 = arith.mulf %get3A_2800, %get3A_2803 : vector<16xf32>
        %add3A_2805 = arith.addf %add3A_2797, %mul3A_2804 : vector<16xf32>
        %add3A_2806 = arith.constant 3 : i32
        %add3A_2807 = vector.broadcast %add3A_2806 : i32 to vector<16xi32>
        %add3A_2808 = arith.addi %mul3A_5, %add3A_2807 : vector<16xi32>
        tpu.vector_store_idx %arg11[%add3A_2808], %add3A_2805 : memref<256xf32, #tpu.memory_space<vmem>>[vector<16xi32>], vector<16xf32>,
        %mul3A_2809 = arith.constant 16 : i32
        %mul3A_2810 = arith.muli %add3A_2644, %mul3A_2809 : i32
        %add3A_2811 = arith.constant 4 : i32
        %add3A_2812 = arith.addi %mul3A_2810, %add3A_2811 : i32
        %broadcast_in_dim3A_2813 = arith.constant 0.000000e+00 : f32
        %broadcast_in_dim3A_2814 = vector.broadcast %broadcast_in_dim3A_2813 : f32 to vector<16xf32>
        %get3A_2815 = arith.index_cast %add3A_2812 : i32 to index
        %get3A_2816 = arith.constant 0 : index
        %get3A_2817 = tpu.vector_load %arg9[%get3A_2815, %get3A_2816] {strides = array<i32>} : memref<256x64xf32, #tpu.memory_space<vmem>>, vector<16xf32>,
        %get3A_2818 = arith.index_cast %add3A_2812 : i32 to index
        %get3A_2819 = arith.constant 0 : index
        %get3A_2820 = tpu.vector_load %arg10[%get3A_2818, %get3A_2819] {strides = array<i32>} : memref<256x64xf32, #tpu.memory_space<vmem>>, vector<16xf32>,
        %mul3A_2821 = arith.mulf %get3A_2817, %get3A_2820 : vector<16xf32>
        %add3A_2822 = arith.addf %broadcast_in_dim3A_2814, %mul3A_2821 : vector<16xf32>
        %get3A_2823 = arith.index_cast %add3A_2812 : i32 to index
        %get3A_2824 = arith.constant 16 : index
        %get3A_2825 = tpu.vector_load %arg9[%get3A_2823, %get3A_2824] {strides = array<i32>} : memref<256x64xf32, #tpu.memory_space<vmem>>, vector<16xf32>,
        %get3A_2826 = arith.index_cast %add3A_2812 : i32 to index
        %get3A_2827 = arith.constant 16 : index
        %get3A_2828 = tpu.vector_load %arg10[%get3A_2826, %get3A_2827] {strides = array<i32>} : memref<256x64xf32, #tpu.memory_space<vmem>>, vector<16xf32>,
        %mul3A_2829 = arith.mulf %get3A_2825, %get3A_2828 : vector<16xf32>
        %add3A_2830 = arith.addf %add3A_2822, %mul3A_2829 : vector<16xf32>
        %get3A_2831 = arith.index_cast %add3A_2812 : i32 to index
        %get3A_2832 = arith.constant 32 : index
        %get3A_2833 = tpu.vector_load %arg9[%get3A_2831, %get3A_2832] {strides = array<i32>} : memref<256x64xf32, #tpu.memory_space<vmem>>, vector<16xf32>,
        %get3A_2834 = arith.index_cast %add3A_2812 : i32 to index
        %get3A_2835 = arith.constant 32 : index
        %get3A_2836 = tpu.vector_load %arg10[%get3A_2834, %get3A_2835] {strides = array<i32>} : memref<256x64xf32, #tpu.memory_space<vmem>>, vector<16xf32>,
        %mul3A_2837 = arith.mulf %get3A_2833, %get3A_2836 : vector<16xf32>
        %add3A_2838 = arith.addf %add3A_2830, %mul3A_2837 : vector<16xf32>
        %get3A_2839 = arith.index_cast %add3A_2812 : i32 to index
        %get3A_2840 = arith.constant 48 : index
        %get3A_2841 = tpu.vector_load %arg9[%get3A_2839, %get3A_2840] {strides = array<i32>} : memref<256x64xf32, #tpu.memory_space<vmem>>, vector<16xf32>,
        %get3A_2842 = arith.index_cast %add3A_2812 : i32 to index
        %get3A_2843 = arith.constant 48 : index
        %get3A_2844 = tpu.vector_load %arg10[%get3A_2842, %get3A_2843] {strides = array<i32>} : memref<256x64xf32, #tpu.memory_space<vmem>>, vector<16xf32>,
        %mul3A_2845 = arith.mulf %get3A_2841, %get3A_2844 : vector<16xf32>
        %add3A_2846 = arith.addf %add3A_2838, %mul3A_2845 : vector<16xf32>
        %add3A_2847 = arith.constant 4 : i32
        %add3A_2848 = vector.broadcast %add3A_2847 : i32 to vector<16xi32>
        %add3A_2849 = arith.addi %mul3A_5, %add3A_2848 : vector<16xi32>
        tpu.vector_store_idx %arg11[%add3A_2849], %add3A_2846 : memref<256xf32, #tpu.memory_space<vmem>>[vector<16xi32>], vector<16xf32>,
        %mul3A_2850 = arith.constant 16 : i32
        %mul3A_2851 = arith.muli %add3A_2644, %mul3A_2850 : i32
        %add3A_2852 = arith.constant 5 : i32
        %add3A_2853 = arith.addi %mul3A_2851, %add3A_2852 : i32
        %broadcast_in_dim3A_2854 = arith.constant 0.000000e+00 : f32
        %broadcast_in_dim3A_2855 = vector.broadcast %broadcast_in_dim3A_2854 : f32 to vector<16xf32>
        %get3A_2856 = arith.index_cast %add3A_2853 : i32 to index
        %get3A_2857 = arith.constant 0 : index
        %get3A_2858 = tpu.vector_load %arg9[%get3A_2856, %get3A_2857] {strides = array<i32>} : memref<256x64xf32, #tpu.memory_space<vmem>>, vector<16xf32>,
        %get3A_2859 = arith.index_cast %add3A_2853 : i32 to index
        %get3A_2860 = arith.constant 0 : index
        %get3A_2861 = tpu.vector_load %arg10[%get3A_2859, %get3A_2860] {strides = array<i32>} : memref<256x64xf32, #tpu.memory_space<vmem>>, vector<16xf32>,
        %mul3A_2862 = arith.mulf %get3A_2858, %get3A_2861 : vector<16xf32>
        %add3A_2863 = arith.addf %broadcast_in_dim3A_2855, %mul3A_2862 : vector<16xf32>
        %get3A_2864 = arith.index_cast %add3A_2853 : i32 to index
        %get3A_2865 = arith.constant 16 : index
        %get3A_2866 = tpu.vector_load %arg9[%get3A_2864, %get3A_2865] {strides = array<i32>} : memref<256x64xf32, #tpu.memory_space<vmem>>, vector<16xf32>,
        %get3A_2867 = arith.index_cast %add3A_2853 : i32 to index
        %get3A_2868 = arith.constant 16 : index
        %get3A_2869 = tpu.vector_load %arg10[%get3A_2867, %get3A_2868] {strides = array<i32>} : memref<256x64xf32, #tpu.memory_space<vmem>>, vector<16xf32>,
        %mul3A_2870 = arith.mulf %get3A_2866, %get3A_2869 : vector<16xf32>
        %add3A_2871 = arith.addf %add3A_2863, %mul3A_2870 : vector<16xf32>
        %get3A_2872 = arith.index_cast %add3A_2853 : i32 to index
        %get3A_2873 = arith.constant 32 : index
        %get3A_2874 = tpu.vector_load %arg9[%get3A_2872, %get3A_2873] {strides = array<i32>} : memref<256x64xf32, #tpu.memory_space<vmem>>, vector<16xf32>,
        %get3A_2875 = arith.index_cast %add3A_2853 : i32 to index
        %get3A_2876 = arith.constant 32 : index
        %get3A_2877 = tpu.vector_load %arg10[%get3A_2875, %get3A_2876] {strides = array<i32>} : memref<256x64xf32, #tpu.memory_space<vmem>>, vector<16xf32>,
        %mul3A_2878 = arith.mulf %get3A_2874, %get3A_2877 : vector<16xf32>
        %add3A_2879 = arith.addf %add3A_2871, %mul3A_2878 : vector<16xf32>
        %get3A_2880 = arith.index_cast %add3A_2853 : i32 to index
        %get3A_2881 = arith.constant 48 : index
        %get3A_2882 = tpu.vector_load %arg9[%get3A_2880, %get3A_2881] {strides = array<i32>} : memref<256x64xf32, #tpu.memory_space<vmem>>, vector<16xf32>,
        %get3A_2883 = arith.index_cast %add3A_2853 : i32 to index
        %get3A_2884 = arith.constant 48 : index
        %get3A_2885 = tpu.vector_load %arg10[%get3A_2883, %get3A_2884] {strides = array<i32>} : memref<256x64xf32, #tpu.memory_space<vmem>>, vector<16xf32>,
        %mul3A_2886 = arith.mulf %get3A_2882, %get3A_2885 : vector<16xf32>
        %add3A_2887 = arith.addf %add3A_2879, %mul3A_2886 : vector<16xf32>
        %add3A_2888 = arith.constant 5 : i32
        %add3A_2889 = vector.broadcast %add3A_2888 : i32 to vector<16xi32>
        %add3A_2890 = arith.addi %mul3A_5, %add3A_2889 : vector<16xi32>
        tpu.vector_store_idx %arg11[%add3A_2890], %add3A_2887 : memref<256xf32, #tpu.memory_space<vmem>>[vector<16xi32>], vector<16xf32>,
        %mul3A_2891 = arith.constant 16 : i32
        %mul3A_2892 = arith.muli %add3A_2644, %mul3A_2891 : i32
        %add3A_2893 = arith.constant 6 : i32
        %add3A_2894 = arith.addi %mul3A_2892, %add3A_2893 : i32
        %broadcast_in_dim3A_2895 = arith.constant 0.000000e+00 : f32
        %broadcast_in_dim3A_2896 = vector.broadcast %broadcast_in_dim3A_2895 : f32 to vector<16xf32>
        %get3A_2897 = arith.index_cast %add3A_2894 : i32 to index
        %get3A_2898 = arith.constant 0 : index
        %get3A_2899 = tpu.vector_load %arg9[%get3A_2897, %get3A_2898] {strides = array<i32>} : memref<256x64xf32, #tpu.memory_space<vmem>>, vector<16xf32>,
        %get3A_2900 = arith.index_cast %add3A_2894 : i32 to index
        %get3A_2901 = arith.constant 0 : index
        %get3A_2902 = tpu.vector_load %arg10[%get3A_2900, %get3A_2901] {strides = array<i32>} : memref<256x64xf32, #tpu.memory_space<vmem>>, vector<16xf32>,
        %mul3A_2903 = arith.mulf %get3A_2899, %get3A_2902 : vector<16xf32>
        %add3A_2904 = arith.addf %broadcast_in_dim3A_2896, %mul3A_2903 : vector<16xf32>
        %get3A_2905 = arith.index_cast %add3A_2894 : i32 to index
        %get3A_2906 = arith.constant 16 : index
        %get3A_2907 = tpu.vector_load %arg9[%get3A_2905, %get3A_2906] {strides = array<i32>} : memref<256x64xf32, #tpu.memory_space<vmem>>, vector<16xf32>,
        %get3A_2908 = arith.index_cast %add3A_2894 : i32 to index
        %get3A_2909 = arith.constant 16 : index
        %get3A_2910 = tpu.vector_load %arg10[%get3A_2908, %get3A_2909] {strides = array<i32>} : memref<256x64xf32, #tpu.memory_space<vmem>>, vector<16xf32>,
        %mul3A_2911 = arith.mulf %get3A_2907, %get3A_2910 : vector<16xf32>
        %add3A_2912 = arith.addf %add3A_2904, %mul3A_2911 : vector<16xf32>
        %get3A_2913 = arith.index_cast %add3A_2894 : i32 to index
        %get3A_2914 = arith.constant 32 : index
        %get3A_2915 = tpu.vector_load %arg9[%get3A_2913, %get3A_2914] {strides = array<i32>} : memref<256x64xf32, #tpu.memory_space<vmem>>, vector<16xf32>,
        %get3A_2916 = arith.index_cast %add3A_2894 : i32 to index
        %get3A_2917 = arith.constant 32 : index
        %get3A_2918 = tpu.vector_load %arg10[%get3A_2916, %get3A_2917] {strides = array<i32>} : memref<256x64xf32, #tpu.memory_space<vmem>>, vector<16xf32>,
        %mul3A_2919 = arith.mulf %get3A_2915, %get3A_2918 : vector<16xf32>
        %add3A_2920 = arith.addf %add3A_2912, %mul3A_2919 : vector<16xf32>
        %get3A_2921 = arith.index_cast %add3A_2894 : i32 to index
        %get3A_2922 = arith.constant 48 : index
        %get3A_2923 = tpu.vector_load %arg9[%get3A_2921, %get3A_2922] {strides = array<i32>} : memref<256x64xf32, #tpu.memory_space<vmem>>, vector<16xf32>,
        %get3A_2924 = arith.index_cast %add3A_2894 : i32 to index
        %get3A_2925 = arith.constant 48 : index
        %get3A_2926 = tpu.vector_load %arg10[%get3A_2924, %get3A_2925] {strides = array<i32>} : memref<256x64xf32, #tpu.memory_space<vmem>>, vector<16xf32>,
        %mul3A_2927 = arith.mulf %get3A_2923, %get3A_2926 : vector<16xf32>
        %add3A_2928 = arith.addf %add3A_2920, %mul3A_2927 : vector<16xf32>
        %add3A_2929 = arith.constant 6 : i32
        %add3A_2930 = vector.broadcast %add3A_2929 : i32 to vector<16xi32>
        %add3A_2931 = arith.addi %mul3A_5, %add3A_2930 : vector<16xi32>
        tpu.vector_store_idx %arg11[%add3A_2931], %add3A_2928 : memref<256xf32, #tpu.memory_space<vmem>>[vector<16xi32>], vector<16xf32>,
        %mul3A_2932 = arith.constant 16 : i32
        %mul3A_2933 = arith.muli %add3A_2644, %mul3A_2932 : i32
        %add3A_2934 = arith.constant 7 : i32
        %add3A_2935 = arith.addi %mul3A_2933, %add3A_2934 : i32
        %broadcast_in_dim3A_2936 = arith.constant 0.000000e+00 : f32
        %broadcast_in_dim3A_2937 = vector.broadcast %broadcast_in_dim3A_2936 : f32 to vector<16xf32>
        %get3A_2938 = arith.index_cast %add3A_2935 : i32 to index
        %get3A_2939 = arith.constant 0 : index
        %get3A_2940 = tpu.vector_load %arg9[%get3A_2938, %get3A_2939] {strides = array<i32>} : memref<256x64xf32, #tpu.memory_space<vmem>>, vector<16xf32>,
        %get3A_2941 = arith.index_cast %add3A_2935 : i32 to index
        %get3A_2942 = arith.constant 0 : index
        %get3A_2943 = tpu.vector_load %arg10[%get3A_2941, %get3A_2942] {strides = array<i32>} : memref<256x64xf32, #tpu.memory_space<vmem>>, vector<16xf32>,
        %mul3A_2944 = arith.mulf %get3A_2940, %get3A_2943 : vector<16xf32>
        %add3A_2945 = arith.addf %broadcast_in_dim3A_2937, %mul3A_2944 : vector<16xf32>
        %get3A_2946 = arith.index_cast %add3A_2935 : i32 to index
        %get3A_2947 = arith.constant 16 : index
        %get3A_2948 = tpu.vector_load %arg9[%get3A_2946, %get3A_2947] {strides = array<i32>} : memref<256x64xf32, #tpu.memory_space<vmem>>, vector<16xf32>,
        %get3A_2949 = arith.index_cast %add3A_2935 : i32 to index
        %get3A_2950 = arith.constant 16 : index
        %get3A_2951 = tpu.vector_load %arg10[%get3A_2949, %get3A_2950] {strides = array<i32>} : memref<256x64xf32, #tpu.memory_space<vmem>>, vector<16xf32>,
        %mul3A_2952 = arith.mulf %get3A_2948, %get3A_2951 : vector<16xf32>
        %add3A_2953 = arith.addf %add3A_2945, %mul3A_2952 : vector<16xf32>
        %get3A_2954 = arith.index_cast %add3A_2935 : i32 to index
        %get3A_2955 = arith.constant 32 : index
        %get3A_2956 = tpu.vector_load %arg9[%get3A_2954, %get3A_2955] {strides = array<i32>} : memref<256x64xf32, #tpu.memory_space<vmem>>, vector<16xf32>,
        %get3A_2957 = arith.index_cast %add3A_2935 : i32 to index
        %get3A_2958 = arith.constant 32 : index
        %get3A_2959 = tpu.vector_load %arg10[%get3A_2957, %get3A_2958] {strides = array<i32>} : memref<256x64xf32, #tpu.memory_space<vmem>>, vector<16xf32>,
        %mul3A_2960 = arith.mulf %get3A_2956, %get3A_2959 : vector<16xf32>
        %add3A_2961 = arith.addf %add3A_2953, %mul3A_2960 : vector<16xf32>
        %get3A_2962 = arith.index_cast %add3A_2935 : i32 to index
        %get3A_2963 = arith.constant 48 : index
        %get3A_2964 = tpu.vector_load %arg9[%get3A_2962, %get3A_2963] {strides = array<i32>} : memref<256x64xf32, #tpu.memory_space<vmem>>, vector<16xf32>,
        %get3A_2965 = arith.index_cast %add3A_2935 : i32 to index
        %get3A_2966 = arith.constant 48 : index
        %get3A_2967 = tpu.vector_load %arg10[%get3A_2965, %get3A_2966] {strides = array<i32>} : memref<256x64xf32, #tpu.memory_space<vmem>>, vector<16xf32>,
        %mul3A_2968 = arith.mulf %get3A_2964, %get3A_2967 : vector<16xf32>
        %add3A_2969 = arith.addf %add3A_2961, %mul3A_2968 : vector<16xf32>
        %add3A_2970 = arith.constant 7 : i32
        %add3A_2971 = vector.broadcast %add3A_2970 : i32 to vector<16xi32>
        %add3A_2972 = arith.addi %mul3A_5, %add3A_2971 : vector<16xi32>
        tpu.vector_store_idx %arg11[%add3A_2972], %add3A_2969 : memref<256xf32, #tpu.memory_space<vmem>>[vector<16xi32>], vector<16xf32>,
        %mul3A_2973 = arith.constant 16 : i32
        %mul3A_2974 = arith.muli %add3A_2644, %mul3A_2973 : i32
        %add3A_2975 = arith.constant 8 : i32
        %add3A_2976 = arith.addi %mul3A_2974, %add3A_2975 : i32
        %broadcast_in_dim3A_2977 = arith.constant 0.000000e+00 : f32
        %broadcast_in_dim3A_2978 = vector.broadcast %broadcast_in_dim3A_2977 : f32 to vector<16xf32>
        %get3A_2979 = arith.index_cast %add3A_2976 : i32 to index
        %get3A_2980 = arith.constant 0 : index
        %get3A_2981 = tpu.vector_load %arg9[%get3A_2979, %get3A_2980] {strides = array<i32>} : memref<256x64xf32, #tpu.memory_space<vmem>>, vector<16xf32>,
        %get3A_2982 = arith.index_cast %add3A_2976 : i32 to index
        %get3A_2983 = arith.constant 0 : index
        %get3A_2984 = tpu.vector_load %arg10[%get3A_2982, %get3A_2983] {strides = array<i32>} : memref<256x64xf32, #tpu.memory_space<vmem>>, vector<16xf32>,
        %mul3A_2985 = arith.mulf %get3A_2981, %get3A_2984 : vector<16xf32>
        %add3A_2986 = arith.addf %broadcast_in_dim3A_2978, %mul3A_2985 : vector<16xf32>
        %get3A_2987 = arith.index_cast %add3A_2976 : i32 to index
        %get3A_2988 = arith.constant 16 : index
        %get3A_2989 = tpu.vector_load %arg9[%get3A_2987, %get3A_2988] {strides = array<i32>} : memref<256x64xf32, #tpu.memory_space<vmem>>, vector<16xf32>,
        %get3A_2990 = arith.index_cast %add3A_2976 : i32 to index
        %get3A_2991 = arith.constant 16 : index
        %get3A_2992 = tpu.vector_load %arg10[%get3A_2990, %get3A_2991] {strides = array<i32>} : memref<256x64xf32, #tpu.memory_space<vmem>>, vector<16xf32>,
        %mul3A_2993 = arith.mulf %get3A_2989, %get3A_2992 : vector<16xf32>
        %add3A_2994 = arith.addf %add3A_2986, %mul3A_2993 : vector<16xf32>
        %get3A_2995 = arith.index_cast %add3A_2976 : i32 to index
        %get3A_2996 = arith.constant 32 : index
        %get3A_2997 = tpu.vector_load %arg9[%get3A_2995, %get3A_2996] {strides = array<i32>} : memref<256x64xf32, #tpu.memory_space<vmem>>, vector<16xf32>,
        %get3A_2998 = arith.index_cast %add3A_2976 : i32 to index
        %get3A_2999 = arith.constant 32 : index
        %get3A_3000 = tpu.vector_load %arg10[%get3A_2998, %get3A_2999] {strides = array<i32>} : memref<256x64xf32, #tpu.memory_space<vmem>>, vector<16xf32>,
        %mul3A_3001 = arith.mulf %get3A_2997, %get3A_3000 : vector<16xf32>
        %add3A_3002 = arith.addf %add3A_2994, %mul3A_3001 : vector<16xf32>
        %get3A_3003 = arith.index_cast %add3A_2976 : i32 to index
        %get3A_3004 = arith.constant 48 : index
        %get3A_3005 = tpu.vector_load %arg9[%get3A_3003, %get3A_3004] {strides = array<i32>} : memref<256x64xf32, #tpu.memory_space<vmem>>, vector<16xf32>,
        %get3A_3006 = arith.index_cast %add3A_2976 : i32 to index
        %get3A_3007 = arith.constant 48 : index
        %get3A_3008 = tpu.vector_load %arg10[%get3A_3006, %get3A_3007] {strides = array<i32>} : memref<256x64xf32, #tpu.memory_space<vmem>>, vector<16xf32>,
        %mul3A_3009 = arith.mulf %get3A_3005, %get3A_3008 : vector<16xf32>
        %add3A_3010 = arith.addf %add3A_3002, %mul3A_3009 : vector<16xf32>
        %add3A_3011 = arith.constant 8 : i32
        %add3A_3012 = vector.broadcast %add3A_3011 : i32 to vector<16xi32>
        %add3A_3013 = arith.addi %mul3A_5, %add3A_3012 : vector<16xi32>
        tpu.vector_store_idx %arg11[%add3A_3013], %add3A_3010 : memref<256xf32, #tpu.memory_space<vmem>>[vector<16xi32>], vector<16xf32>,
        %mul3A_3014 = arith.constant 16 : i32
        %mul3A_3015 = arith.muli %add3A_2644, %mul3A_3014 : i32
        %add3A_3016 = arith.constant 9 : i32
        %add3A_3017 = arith.addi %mul3A_3015, %add3A_3016 : i32
        %broadcast_in_dim3A_3018 = arith.constant 0.000000e+00 : f32
        %broadcast_in_dim3A_3019 = vector.broadcast %broadcast_in_dim3A_3018 : f32 to vector<16xf32>
        %get3A_3020 = arith.index_cast %add3A_3017 : i32 to index
        %get3A_3021 = arith.constant 0 : index
        %get3A_3022 = tpu.vector_load %arg9[%get3A_3020, %get3A_3021] {strides = array<i32>} : memref<256x64xf32, #tpu.memory_space<vmem>>, vector<16xf32>,
        %get3A_3023 = arith.index_cast %add3A_3017 : i32 to index
        %get3A_3024 = arith.constant 0 : index
        %get3A_3025 = tpu.vector_load %arg10[%get3A_3023, %get3A_3024] {strides = array<i32>} : memref<256x64xf32, #tpu.memory_space<vmem>>, vector<16xf32>,
        %mul3A_3026 = arith.mulf %get3A_3022, %get3A_3025 : vector<16xf32>
        %add3A_3027 = arith.addf %broadcast_in_dim3A_3019, %mul3A_3026 : vector<16xf32>
        %get3A_3028 = arith.index_cast %add3A_3017 : i32 to index
        %get3A_3029 = arith.constant 16 : index
        %get3A_3030 = tpu.vector_load %arg9[%get3A_3028, %get3A_3029] {strides = array<i32>} : memref<256x64xf32, #tpu.memory_space<vmem>>, vector<16xf32>,
        %get3A_3031 = arith.index_cast %add3A_3017 : i32 to index
        %get3A_3032 = arith.constant 16 : index
        %get3A_3033 = tpu.vector_load %arg10[%get3A_3031, %get3A_3032] {strides = array<i32>} : memref<256x64xf32, #tpu.memory_space<vmem>>, vector<16xf32>,
        %mul3A_3034 = arith.mulf %get3A_3030, %get3A_3033 : vector<16xf32>
        %add3A_3035 = arith.addf %add3A_3027, %mul3A_3034 : vector<16xf32>
        %get3A_3036 = arith.index_cast %add3A_3017 : i32 to index
        %get3A_3037 = arith.constant 32 : index
        %get3A_3038 = tpu.vector_load %arg9[%get3A_3036, %get3A_3037] {strides = array<i32>} : memref<256x64xf32, #tpu.memory_space<vmem>>, vector<16xf32>,
        %get3A_3039 = arith.index_cast %add3A_3017 : i32 to index
        %get3A_3040 = arith.constant 32 : index
        %get3A_3041 = tpu.vector_load %arg10[%get3A_3039, %get3A_3040] {strides = array<i32>} : memref<256x64xf32, #tpu.memory_space<vmem>>, vector<16xf32>,
        %mul3A_3042 = arith.mulf %get3A_3038, %get3A_3041 : vector<16xf32>
        %add3A_3043 = arith.addf %add3A_3035, %mul3A_3042 : vector<16xf32>
        %get3A_3044 = arith.index_cast %add3A_3017 : i32 to index
        %get3A_3045 = arith.constant 48 : index
        %get3A_3046 = tpu.vector_load %arg9[%get3A_3044, %get3A_3045] {strides = array<i32>} : memref<256x64xf32, #tpu.memory_space<vmem>>, vector<16xf32>,
        %get3A_3047 = arith.index_cast %add3A_3017 : i32 to index
        %get3A_3048 = arith.constant 48 : index
        %get3A_3049 = tpu.vector_load %arg10[%get3A_3047, %get3A_3048] {strides = array<i32>} : memref<256x64xf32, #tpu.memory_space<vmem>>, vector<16xf32>,
        %mul3A_3050 = arith.mulf %get3A_3046, %get3A_3049 : vector<16xf32>
        %add3A_3051 = arith.addf %add3A_3043, %mul3A_3050 : vector<16xf32>
        %add3A_3052 = arith.constant 9 : i32
        %add3A_3053 = vector.broadcast %add3A_3052 : i32 to vector<16xi32>
        %add3A_3054 = arith.addi %mul3A_5, %add3A_3053 : vector<16xi32>
        tpu.vector_store_idx %arg11[%add3A_3054], %add3A_3051 : memref<256xf32, #tpu.memory_space<vmem>>[vector<16xi32>], vector<16xf32>,
        %mul3A_3055 = arith.constant 16 : i32
        %mul3A_3056 = arith.muli %add3A_2644, %mul3A_3055 : i32
        %add3A_3057 = arith.constant 10 : i32
        %add3A_3058 = arith.addi %mul3A_3056, %add3A_3057 : i32
        %broadcast_in_dim3A_3059 = arith.constant 0.000000e+00 : f32
        %broadcast_in_dim3A_3060 = vector.broadcast %broadcast_in_dim3A_3059 : f32 to vector<16xf32>
        %get3A_3061 = arith.index_cast %add3A_3058 : i32 to index
        %get3A_3062 = arith.constant 0 : index
        %get3A_3063 = tpu.vector_load %arg9[%get3A_3061, %get3A_3062] {strides = array<i32>} : memref<256x64xf32, #tpu.memory_space<vmem>>, vector<16xf32>,
        %get3A_3064 = arith.index_cast %add3A_3058 : i32 to index
        %get3A_3065 = arith.constant 0 : index
        %get3A_3066 = tpu.vector_load %arg10[%get3A_3064, %get3A_3065] {strides = array<i32>} : memref<256x64xf32, #tpu.memory_space<vmem>>, vector<16xf32>,
        %mul3A_3067 = arith.mulf %get3A_3063, %get3A_3066 : vector<16xf32>
        %add3A_3068 = arith.addf %broadcast_in_dim3A_3060, %mul3A_3067 : vector<16xf32>
        %get3A_3069 = arith.index_cast %add3A_3058 : i32 to index
        %get3A_3070 = arith.constant 16 : index
        %get3A_3071 = tpu.vector_load %arg9[%get3A_3069, %get3A_3070] {strides = array<i32>} : memref<256x64xf32, #tpu.memory_space<vmem>>, vector<16xf32>,
        %get3A_3072 = arith.index_cast %add3A_3058 : i32 to index
        %get3A_3073 = arith.constant 16 : index
        %get3A_3074 = tpu.vector_load %arg10[%get3A_3072, %get3A_3073] {strides = array<i32>} : memref<256x64xf32, #tpu.memory_space<vmem>>, vector<16xf32>,
        %mul3A_3075 = arith.mulf %get3A_3071, %get3A_3074 : vector<16xf32>
        %add3A_3076 = arith.addf %add3A_3068, %mul3A_3075 : vector<16xf32>
        %get3A_3077 = arith.index_cast %add3A_3058 : i32 to index
        %get3A_3078 = arith.constant 32 : index
        %get3A_3079 = tpu.vector_load %arg9[%get3A_3077, %get3A_3078] {strides = array<i32>} : memref<256x64xf32, #tpu.memory_space<vmem>>, vector<16xf32>,
        %get3A_3080 = arith.index_cast %add3A_3058 : i32 to index
        %get3A_3081 = arith.constant 32 : index
        %get3A_3082 = tpu.vector_load %arg10[%get3A_3080, %get3A_3081] {strides = array<i32>} : memref<256x64xf32, #tpu.memory_space<vmem>>, vector<16xf32>,
        %mul3A_3083 = arith.mulf %get3A_3079, %get3A_3082 : vector<16xf32>
        %add3A_3084 = arith.addf %add3A_3076, %mul3A_3083 : vector<16xf32>
        %get3A_3085 = arith.index_cast %add3A_3058 : i32 to index
        %get3A_3086 = arith.constant 48 : index
        %get3A_3087 = tpu.vector_load %arg9[%get3A_3085, %get3A_3086] {strides = array<i32>} : memref<256x64xf32, #tpu.memory_space<vmem>>, vector<16xf32>,
        %get3A_3088 = arith.index_cast %add3A_3058 : i32 to index
        %get3A_3089 = arith.constant 48 : index
        %get3A_3090 = tpu.vector_load %arg10[%get3A_3088, %get3A_3089] {strides = array<i32>} : memref<256x64xf32, #tpu.memory_space<vmem>>, vector<16xf32>,
        %mul3A_3091 = arith.mulf %get3A_3087, %get3A_3090 : vector<16xf32>
        %add3A_3092 = arith.addf %add3A_3084, %mul3A_3091 : vector<16xf32>
        %add3A_3093 = arith.constant 10 : i32
        %add3A_3094 = vector.broadcast %add3A_3093 : i32 to vector<16xi32>
        %add3A_3095 = arith.addi %mul3A_5, %add3A_3094 : vector<16xi32>
        tpu.vector_store_idx %arg11[%add3A_3095], %add3A_3092 : memref<256xf32, #tpu.memory_space<vmem>>[vector<16xi32>], vector<16xf32>,
        %mul3A_3096 = arith.constant 16 : i32
        %mul3A_3097 = arith.muli %add3A_2644, %mul3A_3096 : i32
        %add3A_3098 = arith.constant 11 : i32
        %add3A_3099 = arith.addi %mul3A_3097, %add3A_3098 : i32
        %broadcast_in_dim3A_3100 = arith.constant 0.000000e+00 : f32
        %broadcast_in_dim3A_3101 = vector.broadcast %broadcast_in_dim3A_3100 : f32 to vector<16xf32>
        %get3A_3102 = arith.index_cast %add3A_3099 : i32 to index
        %get3A_3103 = arith.constant 0 : index
        %get3A_3104 = tpu.vector_load %arg9[%get3A_3102, %get3A_3103] {strides = array<i32>} : memref<256x64xf32, #tpu.memory_space<vmem>>, vector<16xf32>,
        %get3A_3105 = arith.index_cast %add3A_3099 : i32 to index
        %get3A_3106 = arith.constant 0 : index
        %get3A_3107 = tpu.vector_load %arg10[%get3A_3105, %get3A_3106] {strides = array<i32>} : memref<256x64xf32, #tpu.memory_space<vmem>>, vector<16xf32>,
        %mul3A_3108 = arith.mulf %get3A_3104, %get3A_3107 : vector<16xf32>
        %add3A_3109 = arith.addf %broadcast_in_dim3A_3101, %mul3A_3108 : vector<16xf32>
        %get3A_3110 = arith.index_cast %add3A_3099 : i32 to index
        %get3A_3111 = arith.constant 16 : index
        %get3A_3112 = tpu.vector_load %arg9[%get3A_3110, %get3A_3111] {strides = array<i32>} : memref<256x64xf32, #tpu.memory_space<vmem>>, vector<16xf32>,
        %get3A_3113 = arith.index_cast %add3A_3099 : i32 to index
        %get3A_3114 = arith.constant 16 : index
        %get3A_3115 = tpu.vector_load %arg10[%get3A_3113, %get3A_3114] {strides = array<i32>} : memref<256x64xf32, #tpu.memory_space<vmem>>, vector<16xf32>,
        %mul3A_3116 = arith.mulf %get3A_3112, %get3A_3115 : vector<16xf32>
        %add3A_3117 = arith.addf %add3A_3109, %mul3A_3116 : vector<16xf32>
        %get3A_3118 = arith.index_cast %add3A_3099 : i32 to index
        %get3A_3119 = arith.constant 32 : index
        %get3A_3120 = tpu.vector_load %arg9[%get3A_3118, %get3A_3119] {strides = array<i32>} : memref<256x64xf32, #tpu.memory_space<vmem>>, vector<16xf32>,
        %get3A_3121 = arith.index_cast %add3A_3099 : i32 to index
        %get3A_3122 = arith.constant 32 : index
        %get3A_3123 = tpu.vector_load %arg10[%get3A_3121, %get3A_3122] {strides = array<i32>} : memref<256x64xf32, #tpu.memory_space<vmem>>, vector<16xf32>,
        %mul3A_3124 = arith.mulf %get3A_3120, %get3A_3123 : vector<16xf32>
        %add3A_3125 = arith.addf %add3A_3117, %mul3A_3124 : vector<16xf32>
        %get3A_3126 = arith.index_cast %add3A_3099 : i32 to index
        %get3A_3127 = arith.constant 48 : index
        %get3A_3128 = tpu.vector_load %arg9[%get3A_3126, %get3A_3127] {strides = array<i32>} : memref<256x64xf32, #tpu.memory_space<vmem>>, vector<16xf32>,
        %get3A_3129 = arith.index_cast %add3A_3099 : i32 to index
        %get3A_3130 = arith.constant 48 : index
        %get3A_3131 = tpu.vector_load %arg10[%get3A_3129, %get3A_3130] {strides = array<i32>} : memref<256x64xf32, #tpu.memory_space<vmem>>, vector<16xf32>,
        %mul3A_3132 = arith.mulf %get3A_3128, %get3A_3131 : vector<16xf32>
        %add3A_3133 = arith.addf %add3A_3125, %mul3A_3132 : vector<16xf32>
        %add3A_3134 = arith.constant 11 : i32
        %add3A_3135 = vector.broadcast %add3A_3134 : i32 to vector<16xi32>
        %add3A_3136 = arith.addi %mul3A_5, %add3A_3135 : vector<16xi32>
        tpu.vector_store_idx %arg11[%add3A_3136], %add3A_3133 : memref<256xf32, #tpu.memory_space<vmem>>[vector<16xi32>], vector<16xf32>,
        %mul3A_3137 = arith.constant 16 : i32
        %mul3A_3138 = arith.muli %add3A_2644, %mul3A_3137 : i32
        %add3A_3139 = arith.constant 12 : i32
        %add3A_3140 = arith.addi %mul3A_3138, %add3A_3139 : i32
        %broadcast_in_dim3A_3141 = arith.constant 0.000000e+00 : f32
        %broadcast_in_dim3A_3142 = vector.broadcast %broadcast_in_dim3A_3141 : f32 to vector<16xf32>
        %get3A_3143 = arith.index_cast %add3A_3140 : i32 to index
        %get3A_3144 = arith.constant 0 : index
        %get3A_3145 = tpu.vector_load %arg9[%get3A_3143, %get3A_3144] {strides = array<i32>} : memref<256x64xf32, #tpu.memory_space<vmem>>, vector<16xf32>,
        %get3A_3146 = arith.index_cast %add3A_3140 : i32 to index
        %get3A_3147 = arith.constant 0 : index
        %get3A_3148 = tpu.vector_load %arg10[%get3A_3146, %get3A_3147] {strides = array<i32>} : memref<256x64xf32, #tpu.memory_space<vmem>>, vector<16xf32>,
        %mul3A_3149 = arith.mulf %get3A_3145, %get3A_3148 : vector<16xf32>
        %add3A_3150 = arith.addf %broadcast_in_dim3A_3142, %mul3A_3149 : vector<16xf32>
        %get3A_3151 = arith.index_cast %add3A_3140 : i32 to index
        %get3A_3152 = arith.constant 16 : index
        %get3A_3153 = tpu.vector_load %arg9[%get3A_3151, %get3A_3152] {strides = array<i32>} : memref<256x64xf32, #tpu.memory_space<vmem>>, vector<16xf32>,
        %get3A_3154 = arith.index_cast %add3A_3140 : i32 to index
        %get3A_3155 = arith.constant 16 : index
        %get3A_3156 = tpu.vector_load %arg10[%get3A_3154, %get3A_3155] {strides = array<i32>} : memref<256x64xf32, #tpu.memory_space<vmem>>, vector<16xf32>,
        %mul3A_3157 = arith.mulf %get3A_3153, %get3A_3156 : vector<16xf32>
        %add3A_3158 = arith.addf %add3A_3150, %mul3A_3157 : vector<16xf32>
        %get3A_3159 = arith.index_cast %add3A_3140 : i32 to index
        %get3A_3160 = arith.constant 32 : index
        %get3A_3161 = tpu.vector_load %arg9[%get3A_3159, %get3A_3160] {strides = array<i32>} : memref<256x64xf32, #tpu.memory_space<vmem>>, vector<16xf32>,
        %get3A_3162 = arith.index_cast %add3A_3140 : i32 to index
        %get3A_3163 = arith.constant 32 : index
        %get3A_3164 = tpu.vector_load %arg10[%get3A_3162, %get3A_3163] {strides = array<i32>} : memref<256x64xf32, #tpu.memory_space<vmem>>, vector<16xf32>,
        %mul3A_3165 = arith.mulf %get3A_3161, %get3A_3164 : vector<16xf32>
        %add3A_3166 = arith.addf %add3A_3158, %mul3A_3165 : vector<16xf32>
        %get3A_3167 = arith.index_cast %add3A_3140 : i32 to index
        %get3A_3168 = arith.constant 48 : index
        %get3A_3169 = tpu.vector_load %arg9[%get3A_3167, %get3A_3168] {strides = array<i32>} : memref<256x64xf32, #tpu.memory_space<vmem>>, vector<16xf32>,
        %get3A_3170 = arith.index_cast %add3A_3140 : i32 to index
        %get3A_3171 = arith.constant 48 : index
        %get3A_3172 = tpu.vector_load %arg10[%get3A_3170, %get3A_3171] {strides = array<i32>} : memref<256x64xf32, #tpu.memory_space<vmem>>, vector<16xf32>,
        %mul3A_3173 = arith.mulf %get3A_3169, %get3A_3172 : vector<16xf32>
        %add3A_3174 = arith.addf %add3A_3166, %mul3A_3173 : vector<16xf32>
        %add3A_3175 = arith.constant 12 : i32
        %add3A_3176 = vector.broadcast %add3A_3175 : i32 to vector<16xi32>
        %add3A_3177 = arith.addi %mul3A_5, %add3A_3176 : vector<16xi32>
        tpu.vector_store_idx %arg11[%add3A_3177], %add3A_3174 : memref<256xf32, #tpu.memory_space<vmem>>[vector<16xi32>], vector<16xf32>,
        %mul3A_3178 = arith.constant 16 : i32
        %mul3A_3179 = arith.muli %add3A_2644, %mul3A_3178 : i32
        %add3A_3180 = arith.constant 13 : i32
        %add3A_3181 = arith.addi %mul3A_3179, %add3A_3180 : i32
        %broadcast_in_dim3A_3182 = arith.constant 0.000000e+00 : f32
        %broadcast_in_dim3A_3183 = vector.broadcast %broadcast_in_dim3A_3182 : f32 to vector<16xf32>
        %get3A_3184 = arith.index_cast %add3A_3181 : i32 to index
        %get3A_3185 = arith.constant 0 : index
        %get3A_3186 = tpu.vector_load %arg9[%get3A_3184, %get3A_3185] {strides = array<i32>} : memref<256x64xf32, #tpu.memory_space<vmem>>, vector<16xf32>,
        %get3A_3187 = arith.index_cast %add3A_3181 : i32 to index
        %get3A_3188 = arith.constant 0 : index
        %get3A_3189 = tpu.vector_load %arg10[%get3A_3187, %get3A_3188] {strides = array<i32>} : memref<256x64xf32, #tpu.memory_space<vmem>>, vector<16xf32>,
        %mul3A_3190 = arith.mulf %get3A_3186, %get3A_3189 : vector<16xf32>
        %add3A_3191 = arith.addf %broadcast_in_dim3A_3183, %mul3A_3190 : vector<16xf32>
        %get3A_3192 = arith.index_cast %add3A_3181 : i32 to index
        %get3A_3193 = arith.constant 16 : index
        %get3A_3194 = tpu.vector_load %arg9[%get3A_3192, %get3A_3193] {strides = array<i32>} : memref<256x64xf32, #tpu.memory_space<vmem>>, vector<16xf32>,
        %get3A_3195 = arith.index_cast %add3A_3181 : i32 to index
        %get3A_3196 = arith.constant 16 : index
        %get3A_3197 = tpu.vector_load %arg10[%get3A_3195, %get3A_3196] {strides = array<i32>} : memref<256x64xf32, #tpu.memory_space<vmem>>, vector<16xf32>,
        %mul3A_3198 = arith.mulf %get3A_3194, %get3A_3197 : vector<16xf32>
        %add3A_3199 = arith.addf %add3A_3191, %mul3A_3198 : vector<16xf32>
        %get3A_3200 = arith.index_cast %add3A_3181 : i32 to index
        %get3A_3201 = arith.constant 32 : index
        %get3A_3202 = tpu.vector_load %arg9[%get3A_3200, %get3A_3201] {strides = array<i32>} : memref<256x64xf32, #tpu.memory_space<vmem>>, vector<16xf32>,
        %get3A_3203 = arith.index_cast %add3A_3181 : i32 to index
        %get3A_3204 = arith.constant 32 : index
        %get3A_3205 = tpu.vector_load %arg10[%get3A_3203, %get3A_3204] {strides = array<i32>} : memref<256x64xf32, #tpu.memory_space<vmem>>, vector<16xf32>,
        %mul3A_3206 = arith.mulf %get3A_3202, %get3A_3205 : vector<16xf32>
        %add3A_3207 = arith.addf %add3A_3199, %mul3A_3206 : vector<16xf32>
        %get3A_3208 = arith.index_cast %add3A_3181 : i32 to index
        %get3A_3209 = arith.constant 48 : index
        %get3A_3210 = tpu.vector_load %arg9[%get3A_3208, %get3A_3209] {strides = array<i32>} : memref<256x64xf32, #tpu.memory_space<vmem>>, vector<16xf32>,
        %get3A_3211 = arith.index_cast %add3A_3181 : i32 to index
        %get3A_3212 = arith.constant 48 : index
        %get3A_3213 = tpu.vector_load %arg10[%get3A_3211, %get3A_3212] {strides = array<i32>} : memref<256x64xf32, #tpu.memory_space<vmem>>, vector<16xf32>,
        %mul3A_3214 = arith.mulf %get3A_3210, %get3A_3213 : vector<16xf32>
        %add3A_3215 = arith.addf %add3A_3207, %mul3A_3214 : vector<16xf32>
        %add3A_3216 = arith.constant 13 : i32
        %add3A_3217 = vector.broadcast %add3A_3216 : i32 to vector<16xi32>
        %add3A_3218 = arith.addi %mul3A_5, %add3A_3217 : vector<16xi32>
        tpu.vector_store_idx %arg11[%add3A_3218], %add3A_3215 : memref<256xf32, #tpu.memory_space<vmem>>[vector<16xi32>], vector<16xf32>,
        %mul3A_3219 = arith.constant 16 : i32
        %mul3A_3220 = arith.muli %add3A_2644, %mul3A_3219 : i32
        %add3A_3221 = arith.constant 14 : i32
        %add3A_3222 = arith.addi %mul3A_3220, %add3A_3221 : i32
        %broadcast_in_dim3A_3223 = arith.constant 0.000000e+00 : f32
        %broadcast_in_dim3A_3224 = vector.broadcast %broadcast_in_dim3A_3223 : f32 to vector<16xf32>
        %get3A_3225 = arith.index_cast %add3A_3222 : i32 to index
        %get3A_3226 = arith.constant 0 : index
        %get3A_3227 = tpu.vector_load %arg9[%get3A_3225, %get3A_3226] {strides = array<i32>} : memref<256x64xf32, #tpu.memory_space<vmem>>, vector<16xf32>,
        %get3A_3228 = arith.index_cast %add3A_3222 : i32 to index
        %get3A_3229 = arith.constant 0 : index
        %get3A_3230 = tpu.vector_load %arg10[%get3A_3228, %get3A_3229] {strides = array<i32>} : memref<256x64xf32, #tpu.memory_space<vmem>>, vector<16xf32>,
        %mul3A_3231 = arith.mulf %get3A_3227, %get3A_3230 : vector<16xf32>
        %add3A_3232 = arith.addf %broadcast_in_dim3A_3224, %mul3A_3231 : vector<16xf32>
        %get3A_3233 = arith.index_cast %add3A_3222 : i32 to index
        %get3A_3234 = arith.constant 16 : index
        %get3A_3235 = tpu.vector_load %arg9[%get3A_3233, %get3A_3234] {strides = array<i32>} : memref<256x64xf32, #tpu.memory_space<vmem>>, vector<16xf32>,
        %get3A_3236 = arith.index_cast %add3A_3222 : i32 to index
        %get3A_3237 = arith.constant 16 : index
        %get3A_3238 = tpu.vector_load %arg10[%get3A_3236, %get3A_3237] {strides = array<i32>} : memref<256x64xf32, #tpu.memory_space<vmem>>, vector<16xf32>,
        %mul3A_3239 = arith.mulf %get3A_3235, %get3A_3238 : vector<16xf32>
        %add3A_3240 = arith.addf %add3A_3232, %mul3A_3239 : vector<16xf32>
        %get3A_3241 = arith.index_cast %add3A_3222 : i32 to index
        %get3A_3242 = arith.constant 32 : index
        %get3A_3243 = tpu.vector_load %arg9[%get3A_3241, %get3A_3242] {strides = array<i32>} : memref<256x64xf32, #tpu.memory_space<vmem>>, vector<16xf32>,
        %get3A_3244 = arith.index_cast %add3A_3222 : i32 to index
        %get3A_3245 = arith.constant 32 : index
        %get3A_3246 = tpu.vector_load %arg10[%get3A_3244, %get3A_3245] {strides = array<i32>} : memref<256x64xf32, #tpu.memory_space<vmem>>, vector<16xf32>,
        %mul3A_3247 = arith.mulf %get3A_3243, %get3A_3246 : vector<16xf32>
        %add3A_3248 = arith.addf %add3A_3240, %mul3A_3247 : vector<16xf32>
        %get3A_3249 = arith.index_cast %add3A_3222 : i32 to index
        %get3A_3250 = arith.constant 48 : index
        %get3A_3251 = tpu.vector_load %arg9[%get3A_3249, %get3A_3250] {strides = array<i32>} : memref<256x64xf32, #tpu.memory_space<vmem>>, vector<16xf32>,
        %get3A_3252 = arith.index_cast %add3A_3222 : i32 to index
        %get3A_3253 = arith.constant 48 : index
        %get3A_3254 = tpu.vector_load %arg10[%get3A_3252, %get3A_3253] {strides = array<i32>} : memref<256x64xf32, #tpu.memory_space<vmem>>, vector<16xf32>,
        %mul3A_3255 = arith.mulf %get3A_3251, %get3A_3254 : vector<16xf32>
        %add3A_3256 = arith.addf %add3A_3248, %mul3A_3255 : vector<16xf32>
        %add3A_3257 = arith.constant 14 : i32
        %add3A_3258 = vector.broadcast %add3A_3257 : i32 to vector<16xi32>
        %add3A_3259 = arith.addi %mul3A_5, %add3A_3258 : vector<16xi32>
        tpu.vector_store_idx %arg11[%add3A_3259], %add3A_3256 : memref<256xf32, #tpu.memory_space<vmem>>[vector<16xi32>], vector<16xf32>,
        %mul3A_3260 = arith.constant 16 : i32
        %mul3A_3261 = arith.muli %add3A_2644, %mul3A_3260 : i32
        %add3A_3262 = arith.constant 15 : i32
        %add3A_3263 = arith.addi %mul3A_3261, %add3A_3262 : i32
        %broadcast_in_dim3A_3264 = arith.constant 0.000000e+00 : f32
        %broadcast_in_dim3A_3265 = vector.broadcast %broadcast_in_dim3A_3264 : f32 to vector<16xf32>
        %get3A_3266 = arith.index_cast %add3A_3263 : i32 to index
        %get3A_3267 = arith.constant 0 : index
        %get3A_3268 = tpu.vector_load %arg9[%get3A_3266, %get3A_3267] {strides = array<i32>} : memref<256x64xf32, #tpu.memory_space<vmem>>, vector<16xf32>,
        %get3A_3269 = arith.index_cast %add3A_3263 : i32 to index
        %get3A_3270 = arith.constant 0 : index
        %get3A_3271 = tpu.vector_load %arg10[%get3A_3269, %get3A_3270] {strides = array<i32>} : memref<256x64xf32, #tpu.memory_space<vmem>>, vector<16xf32>,
        %mul3A_3272 = arith.mulf %get3A_3268, %get3A_3271 : vector<16xf32>
        %add3A_3273 = arith.addf %broadcast_in_dim3A_3265, %mul3A_3272 : vector<16xf32>
        %get3A_3274 = arith.index_cast %add3A_3263 : i32 to index
        %get3A_3275 = arith.constant 16 : index
        %get3A_3276 = tpu.vector_load %arg9[%get3A_3274, %get3A_3275] {strides = array<i32>} : memref<256x64xf32, #tpu.memory_space<vmem>>, vector<16xf32>,
        %get3A_3277 = arith.index_cast %add3A_3263 : i32 to index
        %get3A_3278 = arith.constant 16 : index
        %get3A_3279 = tpu.vector_load %arg10[%get3A_3277, %get3A_3278] {strides = array<i32>} : memref<256x64xf32, #tpu.memory_space<vmem>>, vector<16xf32>,
        %mul3A_3280 = arith.mulf %get3A_3276, %get3A_3279 : vector<16xf32>
        %add3A_3281 = arith.addf %add3A_3273, %mul3A_3280 : vector<16xf32>
        %get3A_3282 = arith.index_cast %add3A_3263 : i32 to index
        %get3A_3283 = arith.constant 32 : index
        %get3A_3284 = tpu.vector_load %arg9[%get3A_3282, %get3A_3283] {strides = array<i32>} : memref<256x64xf32, #tpu.memory_space<vmem>>, vector<16xf32>,
        %get3A_3285 = arith.index_cast %add3A_3263 : i32 to index
        %get3A_3286 = arith.constant 32 : index
        %get3A_3287 = tpu.vector_load %arg10[%get3A_3285, %get3A_3286] {strides = array<i32>} : memref<256x64xf32, #tpu.memory_space<vmem>>, vector<16xf32>,
        %mul3A_3288 = arith.mulf %get3A_3284, %get3A_3287 : vector<16xf32>
        %add3A_3289 = arith.addf %add3A_3281, %mul3A_3288 : vector<16xf32>
        %get3A_3290 = arith.index_cast %add3A_3263 : i32 to index
        %get3A_3291 = arith.constant 48 : index
        %get3A_3292 = tpu.vector_load %arg9[%get3A_3290, %get3A_3291] {strides = array<i32>} : memref<256x64xf32, #tpu.memory_space<vmem>>, vector<16xf32>,
        %get3A_3293 = arith.index_cast %add3A_3263 : i32 to index
        %get3A_3294 = arith.constant 48 : index
        %get3A_3295 = tpu.vector_load %arg10[%get3A_3293, %get3A_3294] {strides = array<i32>} : memref<256x64xf32, #tpu.memory_space<vmem>>, vector<16xf32>,
        %mul3A_3296 = arith.mulf %get3A_3292, %get3A_3295 : vector<16xf32>
        %add3A_3297 = arith.addf %add3A_3289, %mul3A_3296 : vector<16xf32>
        %add3A_3298 = arith.constant 15 : i32
        %add3A_3299 = vector.broadcast %add3A_3298 : i32 to vector<16xi32>
        %add3A_3300 = arith.addi %mul3A_5, %add3A_3299 : vector<16xi32>
        tpu.vector_store_idx %arg11[%add3A_3300], %add3A_3297 : memref<256xf32, #tpu.memory_space<vmem>>[vector<16xi32>], vector<16xf32>,
        %broadcast_in_dim3A_3301 = arith.constant 0.000000e+00 : f32
        %broadcast_in_dim3A_3302 = vector.broadcast %broadcast_in_dim3A_3301 : f32 to vector<16xf32>
        %get3A_3303 = arith.constant 0 : index
        %get3A_3304 = tpu.vector_load %arg11[%get3A_3303] {strides = array<i32>} : memref<256xf32, #tpu.memory_space<vmem>>, vector<16xf32>,
        %add3A_3305 = arith.addf %broadcast_in_dim3A_3302, %get3A_3304 : vector<16xf32>
        %get3A_3306 = arith.constant 16 : index
        %get3A_3307 = tpu.vector_load %arg11[%get3A_3306] {strides = array<i32>} : memref<256xf32, #tpu.memory_space<vmem>>, vector<16xf32>,
        %add3A_3308 = arith.addf %add3A_3305, %get3A_3307 : vector<16xf32>
        %get3A_3309 = arith.constant 32 : index
        %get3A_3310 = tpu.vector_load %arg11[%get3A_3309] {strides = array<i32>} : memref<256xf32, #tpu.memory_space<vmem>>, vector<16xf32>,
        %add3A_3311 = arith.addf %add3A_3308, %get3A_3310 : vector<16xf32>
        %get3A_3312 = arith.constant 48 : index
        %get3A_3313 = tpu.vector_load %arg11[%get3A_3312] {strides = array<i32>} : memref<256xf32, #tpu.memory_space<vmem>>, vector<16xf32>,
        %add3A_3314 = arith.addf %add3A_3311, %get3A_3313 : vector<16xf32>
        %get3A_3315 = arith.constant 64 : index
        %get3A_3316 = tpu.vector_load %arg11[%get3A_3315] {strides = array<i32>} : memref<256xf32, #tpu.memory_space<vmem>>, vector<16xf32>,
        %add3A_3317 = arith.addf %add3A_3314, %get3A_3316 : vector<16xf32>
        %get3A_3318 = arith.constant 80 : index
        %get3A_3319 = tpu.vector_load %arg11[%get3A_3318] {strides = array<i32>} : memref<256xf32, #tpu.memory_space<vmem>>, vector<16xf32>,
        %add3A_3320 = arith.addf %add3A_3317, %get3A_3319 : vector<16xf32>
        %get3A_3321 = arith.constant 96 : index
        %get3A_3322 = tpu.vector_load %arg11[%get3A_3321] {strides = array<i32>} : memref<256xf32, #tpu.memory_space<vmem>>, vector<16xf32>,
        %add3A_3323 = arith.addf %add3A_3320, %get3A_3322 : vector<16xf32>
        %get3A_3324 = arith.constant 112 : index
        %get3A_3325 = tpu.vector_load %arg11[%get3A_3324] {strides = array<i32>} : memref<256xf32, #tpu.memory_space<vmem>>, vector<16xf32>,
        %add3A_3326 = arith.addf %add3A_3323, %get3A_3325 : vector<16xf32>
        %get3A_3327 = arith.constant 128 : index
        %get3A_3328 = tpu.vector_load %arg11[%get3A_3327] {strides = array<i32>} : memref<256xf32, #tpu.memory_space<vmem>>, vector<16xf32>,
        %add3A_3329 = arith.addf %add3A_3326, %get3A_3328 : vector<16xf32>
        %get3A_3330 = arith.constant 144 : index
        %get3A_3331 = tpu.vector_load %arg11[%get3A_3330] {strides = array<i32>} : memref<256xf32, #tpu.memory_space<vmem>>, vector<16xf32>,
        %add3A_3332 = arith.addf %add3A_3329, %get3A_3331 : vector<16xf32>
        %get3A_3333 = arith.constant 160 : index
        %get3A_3334 = tpu.vector_load %arg11[%get3A_3333] {strides = array<i32>} : memref<256xf32, #tpu.memory_space<vmem>>, vector<16xf32>,
        %add3A_3335 = arith.addf %add3A_3332, %get3A_3334 : vector<16xf32>
        %get3A_3336 = arith.constant 176 : index
        %get3A_3337 = tpu.vector_load %arg11[%get3A_3336] {strides = array<i32>} : memref<256xf32, #tpu.memory_space<vmem>>, vector<16xf32>,
        %add3A_3338 = arith.addf %add3A_3335, %get3A_3337 : vector<16xf32>
        %get3A_3339 = arith.constant 192 : index
        %get3A_3340 = tpu.vector_load %arg11[%get3A_3339] {strides = array<i32>} : memref<256xf32, #tpu.memory_space<vmem>>, vector<16xf32>,
        %add3A_3341 = arith.addf %add3A_3338, %get3A_3340 : vector<16xf32>
        %get3A_3342 = arith.constant 208 : index
        %get3A_3343 = tpu.vector_load %arg11[%get3A_3342] {strides = array<i32>} : memref<256xf32, #tpu.memory_space<vmem>>, vector<16xf32>,
        %add3A_3344 = arith.addf %add3A_3341, %get3A_3343 : vector<16xf32>
        %get3A_3345 = arith.constant 224 : index
        %get3A_3346 = tpu.vector_load %arg11[%get3A_3345] {strides = array<i32>} : memref<256xf32, #tpu.memory_space<vmem>>, vector<16xf32>,
        %add3A_3347 = arith.addf %add3A_3344, %get3A_3346 : vector<16xf32>
        %get3A_3348 = arith.constant 240 : index
        %get3A_3349 = tpu.vector_load %arg11[%get3A_3348] {strides = array<i32>} : memref<256xf32, #tpu.memory_space<vmem>>, vector<16xf32>,
        %add3A_3350 = arith.addf %add3A_3347, %get3A_3349 : vector<16xf32>
        %mul3A_3351 = arith.constant 16 : i32
        %mul3A_3352 = arith.muli %add3A_2644, %mul3A_3351 : i32
        %add3A_3353 = arith.addi %mul3A_13, %mul3A_3352 : i32
        %swap3A_3354 = arith.index_cast %add3A_3353 : i32 to index
        %swap3A_3355 = tpu.vector_load %arg12[%swap3A_3354] {strides = array<i32>} : memref<512xf32, #tpu.memory_space<vmem>>, vector<16xf32>,
        tpu.vector_store %arg12[%swap3A_3354], %add3A_3350 {strides = array<i32>} : memref<512xf32, #tpu.memory_space<vmem>>, vector<16xf32>,
      }
      %scan3A_503 = arith.constant 8 : i32
    }
    %scan3A_10 = arith.constant 2 : i32
    "tpu.region"() ({
      %run_scoped3A = tpu.sem_alloc : memref<!tpu.dma_semaphore, #tpu.memory_space<semaphore_mem>>
      %dma_start3A = tpu.memref_slice %arg6[%mul3A_2] : memref<16384xf32, #tpu.memory_space<hbm>> -> memref<512xf32, #tpu.memory_space<hbm>>
      %dma_start3A_11 = tpu.memref_slice %arg6[%mul3A_2] : memref<16384xf32, #tpu.memory_space<hbm>> -> memref<512xf32, #tpu.memory_space<hbm>>
      tpu.enqueue_dma source(%arg12 : memref<512xf32, #tpu.memory_space<vmem>>) target(%dma_start3A_11 : memref<512xf32, #tpu.memory_space<hbm>>) target_semaphore(%run_scoped3A : memref<!tpu.dma_semaphore, #tpu.memory_space<semaphore_mem>>)
      %dma_wait3A = tpu.memref_slice %arg6[%mul3A_2] : memref<16384xf32, #tpu.memory_space<hbm>> -> memref<512xf32, #tpu.memory_space<hbm>>
      %dma_wait3A_12 = tpu.memref_slice %arg6[%mul3A_2] : memref<16384xf32, #tpu.memory_space<hbm>> -> memref<512xf32, #tpu.memory_space<hbm>>
      tpu.wait_dma2 semaphore(%run_scoped3A : memref<!tpu.dma_semaphore, #tpu.memory_space<semaphore_mem>>) src(%arg12 : memref<512xf32, #tpu.memory_space<vmem>>) dst(%dma_wait3A_12 : memref<512xf32, #tpu.memory_space<hbm>>)
      tpu.yield
    }) : () -> ()
    return
  }
}

</mosaic_0001>

<sc_bundles>
// kernel: kernel.3.cloned.1.call-start
scs
__scs_entry_jumppad:
0x0: {  	(pc) =	sbr.rel $0x88, $3  }
0x1: {  	(tag) =	ssettag $0x0;
	lr =	simm.s32 $0x1  }
0x2: {  	[smem:$0x3F9D] =	sst lr;
	_ =	strace $0xD0000000  }
0x3: {  	_ = 	snop  }
0x4: {  	_ = 	snop  }
0x5: {  	_ = 	snop  }
0x6: {  	_ = 	snop  }
0x7: {  	_ = 	snop  }
__scs_overlays_trampoline_lowered:
0x8: {  	[smem:$0x3FAC] =	sst s0  }
0x9: {  	[smem:$0x3FAD] =	sst s1  }
0xa: {  	[smem:$0x3FAE] =	sst s2  }
0xb: {  	[smem:$0x3FAF] =	sst s3  }
0xc: {  	[smem:$0x3FB0] =	sst s4  }
0xd: {  	[smem:$0x3FB1] =	sst s5  }
0xe: {  	[smem:$0x3FB2] =	sst s6  }
0xf: {  	[smem:$0x3FB3] =	sst s7  }
0x10: {  	[smem:$0x3FB4] =	sst s8  }
0x11: {  	[smem:$0x3FB5] =	sst s9;
	s0 =	simm.s32 @!p0 $0x0  }
0x12: {  	s1 =	sld [smem:$0x3F9B];
	s0 =	simm.s32 @p0 $0x1  }
0x13: {  	[smem:$0x3FB6] =	sst s0;
	s0 =	simm.s32 @!p1 $0x0  }
0x14: {  	s2 =	sld [smem:$0x3F9A];
	s0 =	simm.s32 @p1 $0x1  }
0x15: {  	[smem:$0x3FB7] =	sst s0;
	s0 =	simm.s32 @!p2 $0x0  }
0x16: {  	s3 =	sld [smem:$0x3FDB];
	s0 =	simm.s32 @p2 $0x1  }
0x17: {  	s4 =	simm.s32 $0x1BF5;
	[smem:$0x3FB9] =	sst s0  }
0x18: {  	s0 =	sld [smem:$0x3F9C];
	_ =	swait.ge [sflag:s4], $0x0  }
0x19: {  	s7 =	sld [smem:$0x3F9D]  }
0x1a: {  	s8 =	sadd.s32 $0xFFFFE003, lr  }
0x1b: {  	s9 =	sadd.s32 $0xFFFFFEF7, lr;
	s5 =	simm.s32 $0xFFFFFFFF;
	p2 =	slt.u32 s8, $0xFFFFF086  }
0x1c: {  	p1 =	slt.u32 s9, $0xF7A;
	s5 =	simm.s32 @!p2 $0x0  }
0x1d: {  	s5 =	simm.s32 @p1 $0x1;
	p0 =	seq.s32 s7, s2  }
0x1e: {  	s7 =	smul.u32 @!p0 $0xF7A, s2;
	p2 =	seq.s32 @!p0 s5, $0x0  }
0x1f: {  	s9 =	smul.u32 $0xF7A, s1;
	s8 =	simm.s32 @!p0 $0x1BF5;
	p2 =	por !p2, p0  }
0x20: {  	[sflag:s8] =	ssyncset.s32 @!p0 $0xFFFFF086;
	s6 =	sadd.s32 @!p0 s3, s7;
	s7 =	simm.s32 @!p0 $0x108  }
0x21: {  	s3 =	sadd.s32 s3, s9;
	s6 =	sadd.s32 @!p0 $0x88, s6;
	s7 =	simm.s32 @p2 $0x1082  }
0x22: {  	[simem:s7], [sflag:s8] =	dma.local @!p0 [hbm:s6], $0xF7A  }
0x23: {  	s9 =	sor.u32 $0xD0000000, s2;
	s6 =	simm.s32 $0x108;
	_ =	swait.ge @!p0 [sflag:s8], $0x0  }
0x24: {  	s3 =	sadd.s32 $0x88, s3;
	s6 =	simm.s32 @!p1 $0x1082;
	[sflag:s4] =	ssyncset.s32 $0xFFFFF086  }
0x25: {  	[simem:s6], [sflag:s4] =	dma.local [hbm:s3], $0xF7A  }
0x26: {  	[smem:$0x3F9D] =	sst s1;
	(tag) =	ssettag s2;
	_ =	strace s9  }
0x27: {  	s1 =	sld [smem:$0x3FAD]  }
0x28: {  	s2 =	sld [smem:$0x3FAE]  }
0x29: {  	s4 =	sld [smem:$0x3FB0]  }
0x2a: {  	p0 =	seq.s32 s5, $0x0;
	s5 =	sld [smem:$0x3FB1]  }
0x2b: {  	s6 =	sld [smem:$0x3FB2]  }
0x2c: {  	s7 =	sld [smem:$0x3FB3]  }
0x2d: {  	s3 =	simm.s32 $0x108;
	s8 =	sld [smem:$0x3FB4]  }
0x2e: {  	s3 =	simm.s32 @!p0 $0x1082;
	s9 =	sld [smem:$0x3FB5]  }
0x2f: {  	lr =	sadd.s32 s0, s3;
	s0 =	sld [smem:$0x3FAC]  }
0x30: {  	s3 =	sld [smem:$0x3FAF]  }
0x31: {  	[smem:$0x3FB8] =	sst s10  }
0x32: {  	s10 =	sld [smem:$0x3FB6];
	_ =	sdelay $0x3  }
0x33: {  	p0 =	seq.s32 s10, $0x1;
	s10 =	sld [smem:$0x3FB8];
	_ =	sdelay $0x3  }
0x34: {  	[smem:$0x3FB8] =	sst s10  }
0x35: {  	s10 =	sld [smem:$0x3FB7];
	_ =	sdelay $0x3  }
0x36: {  	p1 =	seq.s32 s10, $0x1;
	s10 =	sld [smem:$0x3FB8];
	_ =	sdelay $0x3  }
0x37: {  	[smem:$0x3FB8] =	sst s10  }
0x38: {  	s10 =	sld [smem:$0x3FB9]  }
0x39: {  	_ = 	snop;
	(pc) =	sbr.ind lr, $3  }
0x3a: {  	_ = 	snop  }
0x3b: {  	_ = 	snop  }
0x3c: {  	p2 =	seq.s32 s10, $0x1;
	s10 =	sld [smem:$0x3FB8]  }
0x3d: {  	_ =	shalt  }
0x3e: {  	_ =	shalt  }
0x3f: {  	_ =	shalt  }
0x40: {  	_ =	shalt  }
0x41: {  	_ =	shalt  }
0x42: {  	_ =	shalt  }
0x43: {  	_ =	shalt  }
0x44: {  	_ =	shalt  }
0x45: {  	_ =	shalt  }
0x46: {  	_ =	shalt  }
0x47: {  	_ =	shalt  }
0x48: {  	_ =	shalt  }
0x49: {  	_ =	shalt  }
0x4a: {  	_ =	shalt  }
0x4b: {  	_ =	shalt  }
0x4c: {  	_ =	shalt  }
0x4d: {  	_ =	shalt  }
0x4e: {  	_ =	shalt  }
0x4f: {  	_ =	shalt  }
0x50: {  	_ =	shalt  }
0x51: {  	_ =	shalt  }
0x52: {  	_ =	shalt  }
0x53: {  	_ =	shalt  }
0x54: {  	_ =	shalt  }
0x55: {  	_ =	shalt  }
0x56: {  	_ =	shalt  }
0x57: {  	_ =	shalt  }
0x58: {  	_ =	shalt  }
0x59: {  	_ =	shalt  }
0x5a: {  	_ =	shalt  }
0x5b: {  	_ =	shalt  }
0x5c: {  	_ =	shalt  }
0x5d: {  	_ =	shalt  }
0x5e: {  	_ =	shalt  }
0x5f: {  	_ =	shalt  }
0x60: {  	_ =	shalt  }
0x61: {  	_ =	shalt  }
0x62: {  	_ =	shalt  }
0x63: {  	_ =	shalt  }
0x64: {  	_ =	shalt  }
0x65: {  	_ =	shalt  }
0x66: {  	_ =	shalt  }
0x67: {  	_ =	shalt  }
0x68: {  	_ =	shalt  }
0x69: {  	_ =	shalt  }
0x6a: {  	_ =	shalt  }
0x6b: {  	_ =	shalt  }
0x6c: {  	_ =	shalt  }
0x6d: {  	_ =	shalt  }
0x6e: {  	_ =	shalt  }
0x6f: {  	_ =	shalt  }
0x70: {  	_ =	shalt  }
0x71: {  	_ =	shalt  }
0x72: {  	_ =	shalt  }
0x73: {  	_ =	shalt  }
0x74: {  	_ =	shalt  }
0x75: {  	_ =	shalt  }
0x76: {  	_ =	shalt  }
0x77: {  	_ =	shalt  }
0x78: {  	_ =	shalt  }
0x79: {  	_ =	shalt  }
0x7a: {  	_ =	shalt  }
0x7b: {  	_ =	shalt  }
0x7c: {  	_ =	shalt  }
0x7d: {  	_ =	shalt  }
0x7e: {  	_ =	shalt  }
0x7f: {  	_ =	shalt  }
0x80: {  	_ =	shalt  }
0x81: {  	_ =	shalt  }
0x82: {  	_ =	shalt  }
0x83: {  	_ =	shalt  }
0x84: {  	_ =	shalt  }
0x85: {  	_ =	shalt  }
0x86: {  	_ =	shalt  }
0x87: {  	_ =	shalt  }
.Lfunc_end0:
.L_simem_size_0:
called_computation_lowered:
.L_overlay_start_0:
0x88: {  	s2 =	sld [smem:$0x3FD9]  }
0x89: {  	s3 =	sld [smem:$0x3FFE];
	_ =	sdelay $0x1  }
0x8a: {  	s1 =	srdreg.scid  }
0x8b: {  	s0 =	sand.u32 $0x1, s1  }
0x8c: {  	s17 =	sshll.u32 s0, $0xA;
	s2 =	sadd.s32 s3, s2  }
0x8d: {  	s2 =	sadd.s32 s2, s17  }
0x8e: {  	[smem:$0x3FC4] =	sst s2  }
0x8f: {  	_ = 	snop  }
0x90: {  	s2 =	sld [smem:$0x3FC9]  }
0x91: {  	s18 =	sld [smem:$0x3FC8]  }
0x92: {  	s4 =	sld [smem:$0x3FD0];
	(tm) =	ssettm $0x1  }
0x93: {  	s5 =	sld [smem:$0x3FFB];
	_ =	sdelay $0x3  }
0x94: {  	_ =	strace s5  }
0x95: {  	s5 =	sld [smem:$0x3FFC];
	_ =	sdelay $0x3  }
0x96: {  	_ =	strace s5  }
0x97: {  	s5 =	sld [smem:$0x3FFD];
	_ =	sdelay $0x3  }
0x98: {  	_ =	strace s5  }
0x99: {  	_ =	strace $0x8FFFFFFF  }
0x9a: {  	s19 =	sld [smem:$0x3FDB];
	_ =	sdelay $0x1  }
0x9b: {  	s6 =	simm.s32 $_scs_section_size  }
0x9c: {  	s7 =	simm.s32 $_size__tile_overlayer_lowered;
	s8 =	simm.s32 $_tile_overlayer_lowered  }
0x9d: {  	s22 =	simm.s32 $0x1BFF;
	s21 =	sshll.u32 s8, $0x1;
	s5 =	sadd.s32 s6, s19  }
0x9e: {  	s9 =	simm.s32 $0x0;
	s20 =	sshll.u32 s7, $0x1;
	s7 =	sadd.s32 s21, s5  }
0x9f: {  	[timem:s9], [sflag:s22] =	dma.local [hbm:s7], s20  }
0xa0: {  	_ =	swait.ge [sflag:s22], s20  }
0xa1: {  	s6 =	ssub.s32 $0x0, s20;
	[sflag:s22] =	ssyncset.done $0x0  }
0xa2: {  	[sflag:s22] =	ssyncadd.s32 s6;
	_ =	sdelay $0x1  }
0xa3: {  	s23 =	simm.s32 $0x1B8B  }
0xa4: {  	_ =	swait.ge [sflag:s23], $0x1  }
0xa5: {  	[sflag:s23] =	ssyncset.done $0x0  }
0xa6: {  	s25 =	simm.s32 $0x1B8E;
	s24 =	sld [smem:$0x3FFE];
	[sflag:s23] =	ssyncadd.s32 $0xFFFFFFFF  }
0xa7: {  	s26 =	simm.s32 $execute0_lowered;
	[smem:$0x3FD2] =	sst s25  }
0xa8: {  	s7 =	sshll.u32 s26, $0x1;
	_ =	strace $0x80000046;
	[dreg:$0x1] =	wrdreg $0xFFFFFFFF  }
0xa9: {  	s28 =	simm.s32 $_size_execute0_lowered;
	s5 =	sadd.s32 s5, s7;
	[dreg:$0x0] =	wrdreg $0x0  }
0xaa: {  	s7 =	sshll.u32 s28, $0x1;
	[dreg:$0x2] =	wrdreg s5  }
0xab: {  	[dreg:$0x3] =	wrdreg s7  }
0xac: {  	[dreg:$0x4] =	wrdreg $0xC0  }
0xad: {  	_ =	task [dreg:s9], $0x5FFFF  }
0xae: {  	[dreg:$0x1] =	wrdreg $0xFFFFFFFF  }
0xaf: {  	[dreg:$0x0] =	wrdreg $0x60  }
0xb0: {  	[dreg:$0x2] =	wrdreg s2  }
0xb1: {  	[dreg:$0x3] =	wrdreg s18  }
0xb2: {  	[dreg:$0x4] =	wrdreg s24  }
0xb3: {  	[dreg:$0x5] =	wrdreg s4  }
0xb4: {  	[dreg:$0x6] =	wrdreg $0x9  }
0xb5: {  	_ =	task.clear_ibuf [dreg:s9], $0x7FFFF;
	_ =	strace $0x90000046  }
0xb6: {  	s29 =	simm.s32 $0x9;
	_ =	strace $0x80000048  }
0xb7: {  	_ =	swait.ge [sflag:s29], $0x1  }
0xb8: {  	[sflag:s29] =	ssyncadd.s32 $0xFFFFFFFF  }
0xb9: {  	_ =	strace $0x90000048  }
0xba: {  	_ =	sfence  }
0xbb: {  	s30 =	sld [smem:$0x0];
	_ =	sdelay $0x2  }
0xbc: {  	s31 =	sshll.u32 s1, $0xD;
	s1 =	sshrl.u32 s1, $0x2  }
0xbd: {  	s3 =	sand.u32 $0x4000, s31;
	s1 =	sadd.s32 s1, s30  }
0xbe: {  	s0 =	sor.u32 s3, s0;
	s1 =	sshll.u32 s1, $0x11  }
0xbf: {  	s0 =	sor.u32 s1, s0  }
0xc0: {  	s0 =	sadd.s32 $0x8F2B, s0  }
0xc1: {  	[sflag:s0] =	ssyncadd.remote.s32 $0x1  }
0xc2: {  	_ =	sfence.sel $0xFFFF  }
0xc3: {  	[dreg:$0x0] =	wrdreg $0xFFFFFFFF;
	(pc) =	sbr.abs _section_cstart, $3  }
0xc4: {  	[dreg:$0x1] =	wrdreg $0xFFFFFFFF  }
0xc5: {  	_ =	task.clear_ibuf [dreg:s9], $0x2FFFF;
	_ =	strace $0x9FFFFFFF  }
0xc6: {  	(tm) =	ssettm $0x7FFFFFFF  }
0xc7: {  	_ =	shalt  }
tec
execute0_lowered:
.L_overlay_start_1:
0x0: {  	(tag) =	ssettag $0x1  }
0x1: {  	s0 =	rddreg [dreg:$0x0]  }
0x2: {  	s1 =	rddreg [dreg:$0x1]  }
0x3: {  	s4 =	rddreg [dreg:$0x2]  }
0x4: {  	s5 =	rddreg [dreg:$0x3];
	s2 =	simm.s32 $0x0  }
0x5: {  	s3 =	srdreg.scid;
	s7 =	stileid.u32;
	s11 =	simm.s32 $0xB00  }
0x6: {  	s12 =	simm.s32 $0x8B00;
	s13 =	simm.s32 $0xB80;
	s14 =	simm.s32 $0x8B80  }
0x7: {  	s15 =	simm.s32 $0x1;
	s16 =	simm.s32 $0x10400;
	s17 =	simm.s32 $0x2  }
0x8: {  	s10 =	simm.s32 $0x0;
	[smem:$0x7FF] =	sst s2;
	s3 =	sand.u32 $0x1, s3  }
0x9: {  	v0 =	vlaneseq.u32;
	s7 =	sshll.u32 s7, $0x7;
	_ =	strace $0x80000047;
	s6 =	ssub.s32 $0x2, s3  }
0xa: {  	v0 =	vmul.u32 $0x10, v0;
	s8 =	sshll.u32 s3, $0x6;
	s3 =	sadd.s32 $0x2000, s4;
	s4 =	sadd.s32 $0x188A00, s4  }
0xb: {  	s9 =	sshrl.u32 s6, $0x1;
	s7 =	sor.u32 s8, s7;
	s8 =	simm.s32 $0xA80  }
.Ltmp0:
0xc: {  	v1 =	vor.u32 $0x1, v0;
	v2 =	vor.u32 $0x2, v0;
	v3 =	vor.u32 $0x3, v0;
	s6 =	ssub.s32 s6, s9;
	s0 =	sadd.s32 s0, s7;
	(pc) =	sbr.rel .LBB2_1-.Ltmp0, $4  }
0xd: {  	v4 =	vor.u32 $0x4, v0;
	v5 =	vor.u32 $0x5, v0;
	v6 =	vor.u32 $0x6, v0;
	s29 =	sadd.s32 s1, s7;
	s30 =	sadd.s32 s5, s7;
	[dreg:$0x5] =	wrdreg s0  }
0xe: {  	v7 =	vor.u32 $0x7, v0;
	v8 =	vor.u32 $0x8, v0;
	v9 =	vor.u32 $0x9, v0;
	s1 =	simm.s32 $0x3;
	s5 =	simm.s32 $0x8980;
	[dreg:$0x6] =	wrdreg s29  }
0xf: {  	v10 =	vor.u32 $0xA, v0;
	v11 =	vor.u32 $0xB, v0;
	v12 =	vor.u32 $0xC, v0;
	s7 =	simm.s32 $0x8A00;
	[dreg:$0x7] =	wrdreg s30;
	s31 =	smax.u32 s6, $0x1  }
0x10: {  	v13 =	vor.u32 $0xD, v0;
	v14 =	vor.u32 $0xE, v0;
	v15 =	vor.u32 $0xF, v0;
	s9 =	simm.s32 $0x8A80;
	s6 =	simm.s32 $0xA00;
	[dreg:$0x8] =	wrdreg s31  }
.LBB2_7:
0x11: {  	s0 =	rddreg [dreg:$0x7];
	s1 =	simm.s32 $0x10500  }
0x12: {  	[hbm4b:s0+s2] =	stream.linear.scatter [tilespmem:s1], [sflag:$0x3], $0x200, $0x38;
	[tilespmem:$0x10700] =	vst v63  }
0x13: {  	s1 =	simm.s32 $0x3  }
0x14: {  	_ =	swait.ge [sflag:s1], $0x200  }
0x15: {  	s10 =	rddreg [dreg:$0x9]  }
0x16: {  	s31 =	rddreg [dreg:$0x8];
	s10 =	sadd.s32 $0x1, s10  }
0x17: {  	p0 =	sne.s32 s10, s31  }
.Ltmp1:
0x18: {  	_ = 	snop;
	(pc) =	sbr.rel @!p0 .LBB2_8-.Ltmp1, $3  }
0x19: {  	_ =	sdelay $0x1  }
0x1a: {  	[sflag:s1] =	ssyncset.done $0x0  }
0x1b: {  	[sflag:s1] =	ssyncadd.s32 $0xFFFFFE00  }
.LBB2_1:
0x1c: {  	[dreg:$0x9] =	wrdreg s10  }
0x1d: {  	s0 =	rddreg [dreg:$0x5]  }
0x1e: {  	[tilespmem:s2], [sflag:$0x3] =	stream.linear.gather [hbm4b:s0+s2], $0x200, $0x38;
	[tilespmem:$0x10700] =	vst v63  }
0x1f: {  	_ =	swait.ge [sflag:s1], $0x200  }
0x20: {  	s31 =	simm.s32 $0x200;
	[sflag:s1] =	ssyncset.done $0x0  }
.Ltmp2:
0x21: {  	s30 =	rddreg [dreg:$0x6];
	[sflag:s1] =	ssyncadd.s32 $0xFFFFFE00;
	(pc) =	sbr.rel .LBB2_2-.Ltmp2, $4  }
0x22: {  	[tilespmem:s31], [sflag:$0x3] =	stream.linear.gather [hbm4b:s30+s2], $0x200, $0x38;
	[tilespmem:$0x10700] =	vst v63  }
0x23: {  	_ =	swait.ge [sflag:s1], $0x200  }
0x24: {  	[sflag:s1] =	ssyncset.done $0x0  }
0x25: {  	p1 =	por $0x1, $0x1;
	s18 =	simm.s32 $0x0;
	[sflag:s1] =	ssyncadd.s32 $0xFFFFFE00  }
.LBB2_6:
.Ltmp3:
0x26: {  	(pc) =	sbr.rel @!p0 .LBB2_7-.Ltmp3, $2  }
0x27: {  	_ =	sdelay $0x2  }
0x28: {  	s18 =	simm.s32 $0x100;
	p1 =	por $0x0, $0x0  }
.LBB2_2:
0x29: {  	v16 =	vld [tilespmem:s18+$0x0];
	_ =	sdelay $0x1  }
0x2a: {  	v18 =	vld [tilespmem:s18+$0x200];
	_ =	sdelay $0x2  }
0x2b: {  	v17 =	vshll.u32 v16, $0x4  }
0x2c: {  	(v2sf) =	vpush v17, $0x0  }
0x2d: {  	v16 =	vshll.u32 v18, $0x4  }
0x2e: {  	(v2sf) =	vpush v16, $0x0;
	_ =	sdelay $0x1  }
0x2f: {  	(v2sf) =	vpush v17, $0x1;
	_ =	sdelay $0x2  }
0x30: {  	(v2sf) =	vpush v16, $0x1;
	_ =	sdelay $0x7  }
0x31: {  	s0 =	spop (v2sf);
	(v2sf) =	vpush v17, $0x2;
	_ =	sdelay $0x1  }
0x32: {  	s28 =	spop (v2sf);
	(v2sf) =	vpush v16, $0x2;
	_ =	sdelay $0x1  }
0x33: {  	s30 =	spop (v2sf);
	(v2sf) =	vpush v17, $0x3;
	_ =	sdelay $0x2  }
0x34: {  	s10 =	spop (v2sf);
	(v2sf) =	vpush v16, $0x3;
	_ =	sdelay $0x4  }
0x35: {  	s0 =	sand.u32 $0x1FFFFFF0, s0  }
0x36: {  	s19 =	simm.s32 $0x0;
	s1 =	simm.s32 $0x400;
	s0 =	sadd.s32 s3, s0  }
0x37: {  	[tilespmem:s1], [sflag:$0x1] =	stream.linear.gather [hbm4b:s0+s19], $0x80, $0x38;
	[tilespmem:$0x10700] =	vst v63  }
0x38: {  	s21 =	spop (v2sf);
	(v2sf) =	vpush v17, $0x4  }
0x39: {  	s0 =	sand.u32 $0x1FFFFFF0, s28  }
0x3a: {  	s29 =	simm.s32 $0x8400;
	s0 =	sadd.s32 s4, s0;
	s23 =	spop (v2sf);
	(v2sf) =	vpush v16, $0x4  }
0x3b: {  	[tilespmem:s29], [sflag:$0x1] =	stream.linear.gather [hbm4b:s0+s19], $0x80, $0x38;
	[tilespmem:$0x10700] =	vst v63  }
0x3c: {  	s0 =	sand.u32 $0x1FFFFFF0, s30;
	s25 =	spop (v2sf);
	(v2sf) =	vpush v17, $0x5  }
0x3d: {  	s31 =	simm.s32 $0x480;
	s0 =	sadd.s32 s3, s0  }
0x3e: {  	[tilespmem:s31], [sflag:$0x1] =	stream.linear.gather [hbm4b:s0+s19], $0x80, $0x38;
	[tilespmem:$0x10700] =	vst v63  }
0x3f: {  	s28 =	spop (v2sf);
	(v2sf) =	vpush v16, $0x5  }
0x40: {  	s0 =	sand.u32 $0x1FFFFFF0, s10  }
0x41: {  	s20 =	simm.s32 $0x8480;
	s0 =	sadd.s32 s4, s0  }
0x42: {  	[tilespmem:s20], [sflag:$0x1] =	stream.linear.gather [hbm4b:s0+s19], $0x80, $0x38;
	[tilespmem:$0x10700] =	vst v63  }
0x43: {  	s0 =	sand.u32 $0x1FFFFFF0, s21  }
0x44: {  	s22 =	simm.s32 $0x500;
	s0 =	sadd.s32 s3, s0  }
0x45: {  	[tilespmem:s22], [sflag:$0x1] =	stream.linear.gather [hbm4b:s0+s19], $0x80, $0x38;
	[tilespmem:$0x10700] =	vst v63  }
0x46: {  	s0 =	sand.u32 $0x1FFFFFF0, s23  }
0x47: {  	s24 =	simm.s32 $0x8500;
	s0 =	sadd.s32 s4, s0;
	s30 =	spop (v2sf);
	(v2sf) =	vpush v17, $0x6  }
0x48: {  	[tilespmem:s24], [sflag:$0x1] =	stream.linear.gather [hbm4b:s0+s19], $0x80, $0x38;
	[tilespmem:$0x10700] =	vst v63  }
0x49: {  	s10 =	spop (v2sf);
	(v2sf) =	vpush v16, $0x6  }
0x4a: {  	s0 =	sand.u32 $0x1FFFFFF0, s25  }
0x4b: {  	s26 =	simm.s32 $0x580;
	s0 =	sadd.s32 s3, s0;
	s21 =	spop (v2sf);
	(v2sf) =	vpush v17, $0x7  }
0x4c: {  	[tilespmem:s26], [sflag:$0x1] =	stream.linear.gather [hbm4b:s0+s19], $0x80, $0x38;
	[tilespmem:$0x10700] =	vst v63  }
0x4d: {  	s0 =	sand.u32 $0x1FFFFFF0, s28  }
0x4e: {  	s29 =	simm.s32 $0x8580;
	s0 =	sadd.s32 s4, s0;
	s23 =	spop (v2sf);
	(v2sf) =	vpush v16, $0x7  }
0x4f: {  	[tilespmem:s29], [sflag:$0x1] =	stream.linear.gather [hbm4b:s0+s19], $0x80, $0x38;
	[tilespmem:$0x10700] =	vst v63  }
0x50: {  	s0 =	sand.u32 $0x1FFFFFF0, s30  }
0x51: {  	s31 =	simm.s32 $0x600;
	s0 =	sadd.s32 s3, s0  }
0x52: {  	[tilespmem:s31], [sflag:$0x1] =	stream.linear.gather [hbm4b:s0+s19], $0x80, $0x38;
	[tilespmem:$0x10700] =	vst v63  }
0x53: {  	s0 =	sand.u32 $0x1FFFFFF0, s10  }
0x54: {  	s20 =	simm.s32 $0x8600;
	s0 =	sadd.s32 s4, s0  }
0x55: {  	[tilespmem:s20], [sflag:$0x1] =	stream.linear.gather [hbm4b:s0+s19], $0x80, $0x38;
	[tilespmem:$0x10700] =	vst v63  }
0x56: {  	s25 =	spop (v2sf);
	(v2sf) =	vpush v17, $0x8  }
0x57: {  	s0 =	sand.u32 $0x1FFFFFF0, s21  }
0x58: {  	s22 =	simm.s32 $0x680;
	s0 =	sadd.s32 s3, s0;
	s28 =	spop (v2sf);
	(v2sf) =	vpush v16, $0x8  }
0x59: {  	[tilespmem:s22], [sflag:$0x1] =	stream.linear.gather [hbm4b:s0+s19], $0x80, $0x38;
	[tilespmem:$0x10700] =	vst v63  }
0x5a: {  	s0 =	sand.u32 $0x1FFFFFF0, s23;
	s30 =	spop (v2sf);
	(v2sf) =	vpush v17, $0x9  }
0x5b: {  	s24 =	simm.s32 $0x8680;
	s0 =	sadd.s32 s4, s0  }
0x5c: {  	[tilespmem:s24], [sflag:$0x1] =	stream.linear.gather [hbm4b:s0+s19], $0x80, $0x38;
	[tilespmem:$0x10700] =	vst v63  }
0x5d: {  	s10 =	spop (v2sf);
	(v2sf) =	vpush v16, $0x9  }
0x5e: {  	s0 =	sand.u32 $0x1FFFFFF0, s25  }
0x5f: {  	s26 =	simm.s32 $0x700;
	s0 =	sadd.s32 s3, s0  }
0x60: {  	[tilespmem:s26], [sflag:$0x1] =	stream.linear.gather [hbm4b:s0+s19], $0x80, $0x38;
	[tilespmem:$0x10700] =	vst v63  }
0x61: {  	s0 =	sand.u32 $0x1FFFFFF0, s28  }
0x62: {  	s29 =	simm.s32 $0x8700;
	s0 =	sadd.s32 s4, s0  }
0x63: {  	[tilespmem:s29], [sflag:$0x1] =	stream.linear.gather [hbm4b:s0+s19], $0x80, $0x38;
	[tilespmem:$0x10700] =	vst v63  }
0x64: {  	s0 =	sand.u32 $0x1FFFFFF0, s30  }
0x65: {  	s31 =	simm.s32 $0x780;
	s0 =	sadd.s32 s3, s0;
	s21 =	spop (v2sf);
	(v2sf) =	vpush v17, $0xA  }
0x66: {  	[tilespmem:s31], [sflag:$0x1] =	stream.linear.gather [hbm4b:s0+s19], $0x80, $0x38;
	[tilespmem:$0x10700] =	vst v63  }
0x67: {  	s23 =	spop (v2sf);
	(v2sf) =	vpush v16, $0xA  }
0x68: {  	s0 =	sand.u32 $0x1FFFFFF0, s10  }
0x69: {  	s20 =	simm.s32 $0x8780;
	s0 =	sadd.s32 s4, s0;
	s25 =	spop (v2sf);
	(v2sf) =	vpush v17, $0xB  }
0x6a: {  	[tilespmem:s20], [sflag:$0x1] =	stream.linear.gather [hbm4b:s0+s19], $0x80, $0x38;
	[tilespmem:$0x10700] =	vst v63  }
0x6b: {  	s0 =	sand.u32 $0x1FFFFFF0, s21  }
0x6c: {  	s22 =	simm.s32 $0x800;
	s0 =	sadd.s32 s3, s0;
	s28 =	spop (v2sf);
	(v2sf) =	vpush v16, $0xB  }
0x6d: {  	[tilespmem:s22], [sflag:$0x1] =	stream.linear.gather [hbm4b:s0+s19], $0x80, $0x38;
	[tilespmem:$0x10700] =	vst v63  }
0x6e: {  	s0 =	sand.u32 $0x1FFFFFF0, s23  }
0x6f: {  	s24 =	simm.s32 $0x8800;
	s0 =	sadd.s32 s4, s0  }
0x70: {  	[tilespmem:s24], [sflag:$0x1] =	stream.linear.gather [hbm4b:s0+s19], $0x80, $0x38;
	[tilespmem:$0x10700] =	vst v63  }
0x71: {  	s0 =	sand.u32 $0x1FFFFFF0, s25  }
0x72: {  	s26 =	simm.s32 $0x880;
	s0 =	sadd.s32 s3, s0  }
0x73: {  	[tilespmem:s26], [sflag:$0x1] =	stream.linear.gather [hbm4b:s0+s19], $0x80, $0x38;
	[tilespmem:$0x10700] =	vst v63  }
0x74: {  	s30 =	spop (v2sf);
	(v2sf) =	vpush v17, $0xC  }
0x75: {  	s0 =	sand.u32 $0x1FFFFFF0, s28  }
0x76: {  	s29 =	simm.s32 $0x8880;
	s0 =	sadd.s32 s4, s0;
	s1 =	spop (v2sf);
	(v2sf) =	vpush v16, $0xC  }
0x77: {  	[tilespmem:s29], [sflag:$0x1] =	stream.linear.gather [hbm4b:s0+s19], $0x80, $0x38;
	[tilespmem:$0x10700] =	vst v63  }
0x78: {  	s0 =	sand.u32 $0x1FFFFFF0, s30;
	s20 =	spop (v2sf);
	(v2sf) =	vpush v17, $0xD  }
0x79: {  	s31 =	simm.s32 $0x900;
	s0 =	sadd.s32 s3, s0  }
0x7a: {  	[tilespmem:s31], [sflag:$0x1] =	stream.linear.gather [hbm4b:s0+s19], $0x80, $0x38;
	[tilespmem:$0x10700] =	vst v63  }
0x7b: {  	s22 =	spop (v2sf);
	(v2sf) =	vpush v16, $0xD  }
0x7c: {  	s0 =	sand.u32 $0x1FFFFFF0, s1  }
0x7d: {  	s10 =	simm.s32 $0x8900;
	s0 =	sadd.s32 s4, s0  }
0x7e: {  	[tilespmem:s10], [sflag:$0x1] =	stream.linear.gather [hbm4b:s0+s19], $0x80, $0x38;
	[tilespmem:$0x10700] =	vst v63  }
0x7f: {  	s0 =	sand.u32 $0x1FFFFFF0, s20  }
0x80: {  	s21 =	simm.s32 $0x980;
	s0 =	sadd.s32 s3, s0  }
0x81: {  	[tilespmem:s21], [sflag:$0x1] =	stream.linear.gather [hbm4b:s0+s19], $0x80, $0x38;
	[tilespmem:$0x10700] =	vst v63  }
0x82: {  	s0 =	sand.u32 $0x1FFFFFF0, s22  }
0x83: {  	s0 =	sadd.s32 s4, s0;
	s23 =	spop (v2sf);
	(v2sf) =	vpush v17, $0xE  }
0x84: {  	[tilespmem:s5], [sflag:$0x1] =	stream.linear.gather [hbm4b:s0+s19], $0x80, $0x38;
	[tilespmem:$0x10700] =	vst v63  }
0x85: {  	s24 =	spop (v2sf);
	(v2sf) =	vpush v16, $0xE  }
0x86: {  	s0 =	sand.u32 $0x1FFFFFF0, s23  }
0x87: {  	s0 =	sadd.s32 s3, s0;
	s25 =	spop (v2sf)  }
0x88: {  	(v2sf) =	vpush v17, $0xF;
	[tilespmem:s6], [sflag:$0x1] =	stream.linear.gather [hbm4b:s0+s19], $0x80, $0x38;
	[tilespmem:$0x10700] =	vst v63  }
0x89: {  	s0 =	sand.u32 $0x1FFFFFF0, s24  }
0x8a: {  	s26 =	spop (v2sf);
	s0 =	sadd.s32 s4, s0  }
0x8b: {  	(v2sf) =	vpush v16, $0xF;
	[tilespmem:s7], [sflag:$0x1] =	stream.linear.gather [hbm4b:s0+s19], $0x80, $0x38;
	[tilespmem:$0x10700] =	vst v63  }
0x8c: {  	s0 =	sand.u32 $0x1FFFFFF0, s25  }
0x8d: {  	s0 =	sadd.s32 s3, s0  }
0x8e: {  	[tilespmem:s8], [sflag:$0x1] =	stream.linear.gather [hbm4b:s0+s19], $0x80, $0x38;
	[tilespmem:$0x10700] =	vst v63  }
0x8f: {  	s0 =	sand.u32 $0x1FFFFFF0, s26  }
0x90: {  	s0 =	sadd.s32 s4, s0  }
0x91: {  	[tilespmem:s9], [sflag:$0x1] =	stream.linear.gather [hbm4b:s0+s19], $0x80, $0x38;
	[tilespmem:$0x10700] =	vst v63  }
0x92: {  	s28 =	spop (v2sf)  }
0x93: {  	s0 =	sand.u32 $0x1FFFFFF0, s28  }
0x94: {  	s29 =	spop (v2sf);
	s0 =	sadd.s32 s3, s0  }
0x95: {  	[tilespmem:s11], [sflag:$0x1] =	stream.linear.gather [hbm4b:s0+s19], $0x80, $0x38;
	[tilespmem:$0x10700] =	vst v63  }
0x96: {  	s0 =	sand.u32 $0x1FFFFFF0, s29  }
0x97: {  	s30 =	spop (v2sf);
	s0 =	sadd.s32 s4, s0  }
0x98: {  	[tilespmem:s12], [sflag:$0x1] =	stream.linear.gather [hbm4b:s0+s19], $0x80, $0x38;
	[tilespmem:$0x10700] =	vst v63  }
0x99: {  	s0 =	sand.u32 $0x1FFFFFF0, s30  }
.Ltmp4:
0x9a: {  	s31 =	spop (v2sf);
	s0 =	sadd.s32 s3, s0;
	(pc) =	sbr.rel .LBB2_3-.Ltmp4, $4  }
0x9b: {  	[tilespmem:s13], [sflag:$0x1] =	stream.linear.gather [hbm4b:s0+s19], $0x80, $0x38;
	[tilespmem:$0x10700] =	vst v63  }
0x9c: {  	s0 =	sand.u32 $0x1FFFFFF0, s31  }
0x9d: {  	p0 =	por p1, p1;
	s20 =	sadd.s32 $0x10500, s18;
	s0 =	sadd.s32 s4, s0  }
0x9e: {  	[tilespmem:s14], [sflag:$0x1] =	stream.linear.gather [hbm4b:s0+s19], $0x80, $0x38;
	[tilespmem:$0x10700] =	vst v63  }
.LBB2_5:
0x9f: {  	_ =	swait.ge [sflag:s17], $0x80  }
0xa0: {  	[sflag:s17] =	ssyncset.done $0x0  }
0xa1: {  	[sflag:s17] =	ssyncadd.s32 $0xFFFFFF80  }
0xa2: {  	_ =	swait.ge [sflag:s17], $0x80  }
0xa3: {  	[sflag:s17] =	ssyncset.done $0x0  }
0xa4: {  	[sflag:s17] =	ssyncadd.s32 $0xFFFFFF80  }
0xa5: {  	_ =	swait.ge [sflag:s17], $0x80  }
0xa6: {  	[sflag:s17] =	ssyncset.done $0x0  }
0xa7: {  	[sflag:s17] =	ssyncadd.s32 $0xFFFFFF80  }
0xa8: {  	_ =	swait.ge [sflag:s17], $0x80  }
0xa9: {  	[sflag:s17] =	ssyncset.done $0x0  }
0xaa: {  	[sflag:s17] =	ssyncadd.s32 $0xFFFFFF80  }
0xab: {  	_ =	swait.ge [sflag:s17], $0x80  }
0xac: {  	[sflag:s17] =	ssyncset.done $0x0  }
0xad: {  	[sflag:s17] =	ssyncadd.s32 $0xFFFFFF80  }
0xae: {  	_ =	swait.ge [sflag:s17], $0x80  }
0xaf: {  	[sflag:s17] =	ssyncset.done $0x0  }
0xb0: {  	[sflag:s17] =	ssyncadd.s32 $0xFFFFFF80  }
0xb1: {  	_ =	swait.ge [sflag:s17], $0x80  }
0xb2: {  	[sflag:s17] =	ssyncset.done $0x0  }
0xb3: {  	[sflag:s17] =	ssyncadd.s32 $0xFFFFFF80  }
0xb4: {  	_ =	swait.ge [sflag:s17], $0x80  }
0xb5: {  	[sflag:s17] =	ssyncset.done $0x0  }
0xb6: {  	[sflag:s17] =	ssyncadd.s32 $0xFFFFFF80  }
0xb7: {  	_ =	swait.ge [sflag:s17], $0x80  }
0xb8: {  	[sflag:s17] =	ssyncset.done $0x0  }
0xb9: {  	[sflag:s17] =	ssyncadd.s32 $0xFFFFFF80  }
0xba: {  	_ =	swait.ge [sflag:s17], $0x80  }
0xbb: {  	[sflag:s17] =	ssyncset.done $0x0  }
0xbc: {  	[sflag:s17] =	ssyncadd.s32 $0xFFFFFF80  }
0xbd: {  	_ =	swait.ge [sflag:s17], $0x80  }
0xbe: {  	[sflag:s17] =	ssyncset.done $0x0  }
0xbf: {  	[sflag:s17] =	ssyncadd.s32 $0xFFFFFF80  }
0xc0: {  	_ =	swait.ge [sflag:s17], $0x80  }
0xc1: {  	[sflag:s17] =	ssyncset.done $0x0  }
0xc2: {  	[sflag:s17] =	ssyncadd.s32 $0xFFFFFF80  }
0xc3: {  	_ =	swait.ge [sflag:s17], $0x80  }
0xc4: {  	[sflag:s17] =	ssyncset.done $0x0  }
0xc5: {  	[sflag:s17] =	ssyncadd.s32 $0xFFFFFF80  }
0xc6: {  	_ =	swait.ge [sflag:s17], $0x80  }
0xc7: {  	[sflag:s17] =	ssyncset.done $0x0  }
0xc8: {  	[sflag:s17] =	ssyncadd.s32 $0xFFFFFF80  }
0xc9: {  	_ =	swait.ge [sflag:s17], $0x80  }
0xca: {  	[sflag:s17] =	ssyncset.done $0x0  }
0xcb: {  	[sflag:s17] =	ssyncadd.s32 $0xFFFFFF80  }
0xcc: {  	_ =	swait.ge [sflag:s17], $0x80  }
0xcd: {  	[sflag:s17] =	ssyncset.done $0x0  }
0xce: {  	[sflag:s17] =	ssyncadd.s32 $0xFFFFFF80  }
0xcf: {  	_ =	swait.ge [sflag:s17], $0x80  }
0xd0: {  	[sflag:s17] =	ssyncset.done $0x0  }
0xd1: {  	[sflag:s17] =	ssyncadd.s32 $0xFFFFFF80  }
0xd2: {  	_ =	swait.ge [sflag:s17], $0x80  }
0xd3: {  	[sflag:s17] =	ssyncset.done $0x0  }
0xd4: {  	[sflag:s17] =	ssyncadd.s32 $0xFFFFFF80  }
0xd5: {  	_ =	swait.ge [sflag:s17], $0x80  }
0xd6: {  	[sflag:s17] =	ssyncset.done $0x0  }
0xd7: {  	[sflag:s17] =	ssyncadd.s32 $0xFFFFFF80  }
0xd8: {  	_ =	swait.ge [sflag:s17], $0x80  }
0xd9: {  	[sflag:s17] =	ssyncset.done $0x0  }
0xda: {  	[sflag:s17] =	ssyncadd.s32 $0xFFFFFF80  }
0xdb: {  	_ =	swait.ge [sflag:s17], $0x80  }
0xdc: {  	[sflag:s17] =	ssyncset.done $0x0  }
0xdd: {  	[sflag:s17] =	ssyncadd.s32 $0xFFFFFF80  }
0xde: {  	_ =	swait.ge [sflag:s17], $0x80  }
0xdf: {  	[sflag:s17] =	ssyncset.done $0x0  }
0xe0: {  	[sflag:s17] =	ssyncadd.s32 $0xFFFFFF80  }
0xe1: {  	_ =	swait.ge [sflag:s17], $0x80  }
0xe2: {  	[sflag:s17] =	ssyncset.done $0x0  }
0xe3: {  	[sflag:s17] =	ssyncadd.s32 $0xFFFFFF80  }
0xe4: {  	_ =	swait.ge [sflag:s17], $0x80  }
0xe5: {  	[sflag:s17] =	ssyncset.done $0x0  }
0xe6: {  	[sflag:s17] =	ssyncadd.s32 $0xFFFFFF80  }
0xe7: {  	_ =	swait.ge [sflag:s17], $0x80  }
0xe8: {  	[sflag:s17] =	ssyncset.done $0x0  }
0xe9: {  	[sflag:s17] =	ssyncadd.s32 $0xFFFFFF80  }
0xea: {  	_ =	swait.ge [sflag:s17], $0x80  }
0xeb: {  	[sflag:s17] =	ssyncset.done $0x0  }
0xec: {  	[sflag:s17] =	ssyncadd.s32 $0xFFFFFF80  }
0xed: {  	_ =	swait.ge [sflag:s17], $0x80  }
0xee: {  	[sflag:s17] =	ssyncset.done $0x0  }
0xef: {  	[sflag:s17] =	ssyncadd.s32 $0xFFFFFF80  }
0xf0: {  	_ =	swait.ge [sflag:s17], $0x80  }
0xf1: {  	[sflag:s17] =	ssyncset.done $0x0  }
0xf2: {  	[sflag:s17] =	ssyncadd.s32 $0xFFFFFF80  }
0xf3: {  	_ =	swait.ge [sflag:s17], $0x80  }
0xf4: {  	[sflag:s17] =	ssyncset.done $0x0  }
0xf5: {  	[sflag:s17] =	ssyncadd.s32 $0xFFFFFF80  }
0xf6: {  	_ =	swait.ge [sflag:s17], $0x80  }
0xf7: {  	[sflag:s17] =	ssyncset.done $0x0  }
0xf8: {  	[sflag:s17] =	ssyncadd.s32 $0xFFFFFF80  }
0xf9: {  	_ =	swait.ge [sflag:s17], $0x80  }
0xfa: {  	[sflag:s17] =	ssyncset.done $0x0  }
0xfb: {  	[sflag:s17] =	ssyncadd.s32 $0xFFFFFF80  }
0xfc: {  	_ =	swait.ge [sflag:s17], $0x80  }
0xfd: {  	[sflag:s17] =	ssyncset.done $0x0  }
0xfe: {  	[sflag:s17] =	ssyncadd.s32 $0xFFFFFF80  }
0xff: {  	v16 =	vld [tilespmem:s31+$0x400]  }
0x100: {  	v17 =	vld [tilespmem:s31+$0x8400]  }
0x101: {  	v18 =	vld [tilespmem:s31+$0x410]  }
0x102: {  	v19 =	vld [tilespmem:s31+$0x8410]  }
0x103: {  	v20 =	vld [tilespmem:s31+$0x420]  }
0x104: {  	v21 =	vld [tilespmem:s31+$0x8420]  }
0x105: {  	v22 =	vld [tilespmem:s31+$0x8430];
	v16 =	vmul.f32 v17, v16  }
0x106: {  	v17 =	vld [tilespmem:s31+$0x430]  }
0x107: {  	v18 =	vmul.f32 v19, v18;
	v16 =	vadd.f32 $0.0e+00, v16;
	_ =	sdelay $0x1  }
0x108: {  	v44 =	vmul.f32 v21, v20;
	v16 =	vadd.f32 v18, v16;
	_ =	sdelay $0x1  }
0x109: {  	v17 =	vmul.f32 v22, v17;
	v16 =	vadd.f32 v44, v16;
	_ =	sdelay $0x1  }
0x10a: {  	v16 =	vadd.f32 v17, v16;
	_ =	sdelay $0x1  }
0x10b: {  	s0 =	sor.u32 $0x880, s22;
	[tilespmem:v0+s16+$0x0] =	vst.idx.msk $0xffff, v16  }
0x10c: {  	v16 =	vld [tilespmem:s0+$0x400]  }
0x10d: {  	v17 =	vld [tilespmem:s0+$0x8400]  }
0x10e: {  	v45 =	vld [tilespmem:s22+$0xC90]  }
0x10f: {  	v46 =	vld [tilespmem:s22+$0x8C90]  }
0x110: {  	v47 =	vld [tilespmem:s22+$0xCA0]  }
0x111: {  	v48 =	vld [tilespmem:s22+$0x8CA0]  }
0x112: {  	v49 =	vld [tilespmem:s22+$0x8CB0];
	v16 =	vmul.f32 v17, v16  }
0x113: {  	v17 =	vld [tilespmem:s22+$0xCB0]  }
0x114: {  	v18 =	vmul.f32 v46, v45;
	v16 =	vadd.f32 $0.0e+00, v16;
	_ =	sdelay $0x1  }
0x115: {  	v50 =	vmul.f32 v48, v47;
	v16 =	vadd.f32 v18, v16;
	_ =	sdelay $0x1  }
0x116: {  	v17 =	vmul.f32 v49, v17;
	v16 =	vadd.f32 v50, v16;
	_ =	sdelay $0x1  }
0x117: {  	v16 =	vadd.f32 v17, v16;
	_ =	sdelay $0x1  }
0x118: {  	s31 =	sor.u32 $0x900, s22;
	[tilespmem:v1+s16+$0x0] =	vst.idx.msk $0xffff, v16  }
0x119: {  	v16 =	vld [tilespmem:s31+$0x400]  }
0x11a: {  	v17 =	vld [tilespmem:s31+$0x8400]  }
0x11b: {  	v51 =	vld [tilespmem:s22+$0xD10]  }
0x11c: {  	v52 =	vld [tilespmem:s22+$0x8D10]  }
0x11d: {  	v53 =	vld [tilespmem:s22+$0xD20]  }
0x11e: {  	v54 =	vld [tilespmem:s22+$0x8D20]  }
0x11f: {  	v55 =	vld [tilespmem:s22+$0x8D30];
	v16 =	vmul.f32 v17, v16  }
0x120: {  	v17 =	vld [tilespmem:s22+$0xD30]  }
0x121: {  	v18 =	vmul.f32 v52, v51;
	v16 =	vadd.f32 $0.0e+00, v16;
	_ =	sdelay $0x1  }
0x122: {  	v56 =	vmul.f32 v54, v53;
	v16 =	vadd.f32 v18, v16;
	_ =	sdelay $0x1  }
0x123: {  	v17 =	vmul.f32 v55, v17;
	v16 =	vadd.f32 v56, v16;
	_ =	sdelay $0x1  }
0x124: {  	v16 =	vadd.f32 v17, v16;
	_ =	sdelay $0x1  }
0x125: {  	s1 =	sor.u32 $0x980, s22;
	[tilespmem:v2+s16+$0x0] =	vst.idx.msk $0xffff, v16  }
0x126: {  	v16 =	vld [tilespmem:s1+$0x400]  }
0x127: {  	v17 =	vld [tilespmem:s1+$0x8400]  }
0x128: {  	v57 =	vld [tilespmem:s22+$0xD90]  }
0x129: {  	v58 =	vld [tilespmem:s22+$0x8D90]  }
0x12a: {  	v59 =	vld [tilespmem:s22+$0xDA0]  }
0x12b: {  	v60 =	vld [tilespmem:s22+$0x8DA0]  }
0x12c: {  	v61 =	vld [tilespmem:s22+$0x8DB0];
	v16 =	vmul.f32 v17, v16  }
0x12d: {  	v17 =	vld [tilespmem:s22+$0xDB0]  }
0x12e: {  	v18 =	vmul.f32 v58, v57;
	v16 =	vadd.f32 $0.0e+00, v16;
	_ =	sdelay $0x1  }
0x12f: {  	v62 =	vmul.f32 v60, v59;
	v16 =	vadd.f32 v18, v16;
	_ =	sdelay $0x1  }
0x130: {  	v17 =	vmul.f32 v61, v17;
	v16 =	vadd.f32 v62, v16;
	_ =	sdelay $0x1  }
0x131: {  	v16 =	vadd.f32 v17, v16;
	_ =	sdelay $0x1  }
0x132: {  	s10 =	sor.u32 $0xA00, s22;
	[tilespmem:v3+s16+$0x0] =	vst.idx.msk $0xffff, v16  }
0x133: {  	v16 =	vld [tilespmem:s10+$0x400]  }
0x134: {  	v17 =	vld [tilespmem:s10+$0x8400]  }
0x135: {  	v63 =	vld [tilespmem:s22+$0xE10]  }
0x136: {  	v24 =	vld [tilespmem:s22+$0x8E10]  }
0x137: {  	v25 =	vld [tilespmem:s22+$0xE20]  }
0x138: {  	v26 =	vld [tilespmem:s22+$0x8E20]  }
0x139: {  	v27 =	vld [tilespmem:s22+$0x8E30];
	v16 =	vmul.f32 v17, v16  }
0x13a: {  	v17 =	vld [tilespmem:s22+$0xE30]  }
0x13b: {  	v18 =	vmul.f32 v24, v63;
	v16 =	vadd.f32 $0.0e+00, v16;
	_ =	sdelay $0x1  }
0x13c: {  	v28 =	vmul.f32 v26, v25;
	v16 =	vadd.f32 v18, v16;
	_ =	sdelay $0x1  }
0x13d: {  	v17 =	vmul.f32 v27, v17;
	v16 =	vadd.f32 v28, v16;
	_ =	sdelay $0x1  }
0x13e: {  	v16 =	vadd.f32 v17, v16;
	_ =	sdelay $0x1  }
0x13f: {  	s31 =	sor.u32 $0xA80, s22;
	[tilespmem:v4+s16+$0x0] =	vst.idx.msk $0xffff, v16  }
0x140: {  	v16 =	vld [tilespmem:s31+$0x400]  }
0x141: {  	v17 =	vld [tilespmem:s31+$0x8400]  }
0x142: {  	v29 =	vld [tilespmem:s22+$0xE90]  }
0x143: {  	v30 =	vld [tilespmem:s22+$0x8E90]  }
0x144: {  	v31 =	vld [tilespmem:s22+$0xEA0]  }
0x145: {  	v32 =	vld [tilespmem:s22+$0x8EA0]  }
0x146: {  	v33 =	vld [tilespmem:s22+$0x8EB0];
	v16 =	vmul.f32 v17, v16  }
0x147: {  	v17 =	vld [tilespmem:s22+$0xEB0]  }
0x148: {  	v18 =	vmul.f32 v30, v29;
	v16 =	vadd.f32 $0.0e+00, v16;
	_ =	sdelay $0x1  }
0x149: {  	v34 =	vmul.f32 v32, v31;
	v16 =	vadd.f32 v18, v16;
	_ =	sdelay $0x1  }
0x14a: {  	v17 =	vmul.f32 v33, v17;
	v16 =	vadd.f32 v34, v16;
	_ =	sdelay $0x1  }
0x14b: {  	v16 =	vadd.f32 v17, v16;
	_ =	sdelay $0x1  }
0x14c: {  	s1 =	sor.u32 $0xB00, s22;
	[tilespmem:v5+s16+$0x0] =	vst.idx.msk $0xffff, v16  }
0x14d: {  	v16 =	vld [tilespmem:s1+$0x400]  }
0x14e: {  	v17 =	vld [tilespmem:s1+$0x8400]  }
0x14f: {  	v35 =	vld [tilespmem:s22+$0xF10]  }
0x150: {  	v36 =	vld [tilespmem:s22+$0x8F10]  }
0x151: {  	v37 =	vld [tilespmem:s22+$0xF20]  }
0x152: {  	v38 =	vld [tilespmem:s22+$0x8F20]  }
0x153: {  	v39 =	vld [tilespmem:s22+$0x8F30];
	v16 =	vmul.f32 v17, v16  }
0x154: {  	v17 =	vld [tilespmem:s22+$0xF30]  }
0x155: {  	v18 =	vmul.f32 v36, v35;
	v16 =	vadd.f32 $0.0e+00, v16;
	_ =	sdelay $0x1  }
0x156: {  	v40 =	vmul.f32 v38, v37;
	v16 =	vadd.f32 v18, v16;
	_ =	sdelay $0x1  }
0x157: {  	v17 =	vmul.f32 v39, v17;
	v16 =	vadd.f32 v40, v16;
	_ =	sdelay $0x1  }
0x158: {  	v16 =	vadd.f32 v17, v16;
	_ =	sdelay $0x1  }
0x159: {  	s10 =	sor.u32 $0xB80, s22;
	[tilespmem:v6+s16+$0x0] =	vst.idx.msk $0xffff, v16  }
0x15a: {  	v16 =	vld [tilespmem:s10+$0x400]  }
0x15b: {  	v17 =	vld [tilespmem:s10+$0x8400]  }
0x15c: {  	v41 =	vld [tilespmem:s22+$0xF90]  }
0x15d: {  	v42 =	vld [tilespmem:s22+$0x8F90]  }
0x15e: {  	v43 =	vld [tilespmem:s22+$0xFA0]  }
0x15f: {  	v44 =	vld [tilespmem:s22+$0x8FA0]  }
0x160: {  	v45 =	vld [tilespmem:s22+$0x8FB0];
	v16 =	vmul.f32 v17, v16  }
0x161: {  	v17 =	vld [tilespmem:s22+$0xFB0]  }
0x162: {  	v18 =	vmul.f32 v42, v41;
	v16 =	vadd.f32 $0.0e+00, v16;
	_ =	sdelay $0x1  }
0x163: {  	v46 =	vmul.f32 v44, v43;
	v16 =	vadd.f32 v18, v16;
	_ =	sdelay $0x1  }
0x164: {  	v17 =	vmul.f32 v45, v17;
	v16 =	vadd.f32 v46, v16;
	_ =	sdelay $0x1  }
0x165: {  	v16 =	vadd.f32 v17, v16;
	_ =	sdelay $0x1  }
0x166: {  	s31 =	sor.u32 $0xC00, s22;
	[tilespmem:v7+s16+$0x0] =	vst.idx.msk $0xffff, v16  }
0x167: {  	v16 =	vld [tilespmem:s31+$0x400]  }
0x168: {  	v17 =	vld [tilespmem:s31+$0x8400]  }
0x169: {  	v47 =	vld [tilespmem:s22+$0x1010]  }
0x16a: {  	v48 =	vld [tilespmem:s22+$0x9010]  }
0x16b: {  	v49 =	vld [tilespmem:s22+$0x1020]  }
0x16c: {  	v50 =	vld [tilespmem:s22+$0x9020]  }
0x16d: {  	v51 =	vld [tilespmem:s22+$0x9030];
	v16 =	vmul.f32 v17, v16  }
0x16e: {  	v17 =	vld [tilespmem:s22+$0x1030]  }
0x16f: {  	v18 =	vmul.f32 v48, v47;
	v16 =	vadd.f32 $0.0e+00, v16;
	_ =	sdelay $0x1  }
0x170: {  	v52 =	vmul.f32 v50, v49;
	v16 =	vadd.f32 v18, v16;
	_ =	sdelay $0x1  }
0x171: {  	v17 =	vmul.f32 v51, v17;
	v16 =	vadd.f32 v52, v16;
	_ =	sdelay $0x1  }
0x172: {  	v16 =	vadd.f32 v17, v16;
	_ =	sdelay $0x1  }
0x173: {  	[tilespmem:v8+s16+$0x0] =	vst.idx.msk $0xffff, v16  }
0x174: {  	v16 =	vld [tilespmem:s30+$0x400]  }
0x175: {  	v17 =	vld [tilespmem:s30+$0x8400]  }
0x176: {  	v53 =	vld [tilespmem:s22+$0x1090]  }
0x177: {  	v54 =	vld [tilespmem:s22+$0x9090]  }
0x178: {  	v55 =	vld [tilespmem:s22+$0x10A0]  }
0x179: {  	v56 =	vld [tilespmem:s22+$0x90A0]  }
0x17a: {  	v57 =	vld [tilespmem:s22+$0x90B0];
	v16 =	vmul.f32 v17, v16  }
0x17b: {  	v17 =	vld [tilespmem:s22+$0x10B0]  }
0x17c: {  	v18 =	vmul.f32 v54, v53;
	v16 =	vadd.f32 $0.0e+00, v16;
	_ =	sdelay $0x1  }
0x17d: {  	v58 =	vmul.f32 v56, v55;
	v16 =	vadd.f32 v18, v16;
	_ =	sdelay $0x1  }
0x17e: {  	v17 =	vmul.f32 v57, v17;
	v16 =	vadd.f32 v58, v16;
	_ =	sdelay $0x1  }
0x17f: {  	v16 =	vadd.f32 v17, v16;
	_ =	sdelay $0x1  }
0x180: {  	[tilespmem:v9+s16+$0x0] =	vst.idx.msk $0xffff, v16  }
0x181: {  	v16 =	vld [tilespmem:s29+$0x400]  }
0x182: {  	v17 =	vld [tilespmem:s29+$0x8400]  }
0x183: {  	v59 =	vld [tilespmem:s22+$0x1110]  }
0x184: {  	v60 =	vld [tilespmem:s22+$0x9110]  }
0x185: {  	v61 =	vld [tilespmem:s22+$0x1120]  }
0x186: {  	v62 =	vld [tilespmem:s22+$0x9120]  }
0x187: {  	v63 =	vld [tilespmem:s22+$0x9130];
	v16 =	vmul.f32 v17, v16  }
0x188: {  	v17 =	vld [tilespmem:s22+$0x1130]  }
0x189: {  	v18 =	vmul.f32 v60, v59;
	v16 =	vadd.f32 $0.0e+00, v16;
	_ =	sdelay $0x1  }
0x18a: {  	v23 =	vmul.f32 v62, v61;
	v16 =	vadd.f32 v18, v16;
	_ =	sdelay $0x1  }
0x18b: {  	v17 =	vmul.f32 v63, v17;
	v16 =	vadd.f32 v23, v16;
	_ =	sdelay $0x1  }
0x18c: {  	v16 =	vadd.f32 v17, v16;
	_ =	sdelay $0x1  }
0x18d: {  	[tilespmem:v10+s16+$0x0] =	vst.idx.msk $0xffff, v16  }
0x18e: {  	v16 =	vld [tilespmem:s28+$0x400]  }
0x18f: {  	v17 =	vld [tilespmem:s28+$0x8400]  }
0x190: {  	v24 =	vld [tilespmem:s22+$0x1190]  }
0x191: {  	v25 =	vld [tilespmem:s22+$0x9190]  }
0x192: {  	v26 =	vld [tilespmem:s22+$0x11A0]  }
0x193: {  	v27 =	vld [tilespmem:s22+$0x91A0]  }
0x194: {  	v28 =	vld [tilespmem:s22+$0x91B0];
	v16 =	vmul.f32 v17, v16  }
0x195: {  	v17 =	vld [tilespmem:s22+$0x11B0]  }
0x196: {  	v18 =	vmul.f32 v25, v24;
	v16 =	vadd.f32 $0.0e+00, v16;
	_ =	sdelay $0x1  }
0x197: {  	v29 =	vmul.f32 v27, v26;
	v16 =	vadd.f32 v18, v16;
	_ =	sdelay $0x1  }
0x198: {  	v17 =	vmul.f32 v28, v17;
	v16 =	vadd.f32 v29, v16;
	_ =	sdelay $0x1  }
0x199: {  	v16 =	vadd.f32 v17, v16;
	_ =	sdelay $0x1  }
0x19a: {  	[tilespmem:v11+s16+$0x0] =	vst.idx.msk $0xffff, v16  }
0x19b: {  	v16 =	vld [tilespmem:s26+$0x400]  }
0x19c: {  	v17 =	vld [tilespmem:s26+$0x8400]  }
0x19d: {  	v30 =	vld [tilespmem:s22+$0x1210]  }
0x19e: {  	v31 =	vld [tilespmem:s22+$0x9210]  }
0x19f: {  	v32 =	vld [tilespmem:s22+$0x1220]  }
0x1a0: {  	v33 =	vld [tilespmem:s22+$0x9220]  }
0x1a1: {  	v34 =	vld [tilespmem:s22+$0x9230];
	v16 =	vmul.f32 v17, v16  }
0x1a2: {  	v17 =	vld [tilespmem:s22+$0x1230]  }
0x1a3: {  	v18 =	vmul.f32 v31, v30;
	v16 =	vadd.f32 $0.0e+00, v16;
	_ =	sdelay $0x1  }
0x1a4: {  	v35 =	vmul.f32 v33, v32;
	v16 =	vadd.f32 v18, v16;
	_ =	sdelay $0x1  }
0x1a5: {  	v17 =	vmul.f32 v34, v17;
	v16 =	vadd.f32 v35, v16;
	_ =	sdelay $0x1  }
0x1a6: {  	v16 =	vadd.f32 v17, v16;
	_ =	sdelay $0x1  }
0x1a7: {  	[tilespmem:v12+s16+$0x0] =	vst.idx.msk $0xffff, v16  }
0x1a8: {  	v16 =	vld [tilespmem:s25+$0x400]  }
0x1a9: {  	v17 =	vld [tilespmem:s25+$0x8400]  }
0x1aa: {  	v36 =	vld [tilespmem:s22+$0x1290]  }
0x1ab: {  	v37 =	vld [tilespmem:s22+$0x9290]  }
0x1ac: {  	v38 =	vld [tilespmem:s22+$0x12A0]  }
0x1ad: {  	v39 =	vld [tilespmem:s22+$0x92A0]  }
0x1ae: {  	v40 =	vld [tilespmem:s22+$0x92B0];
	v16 =	vmul.f32 v17, v16  }
0x1af: {  	v17 =	vld [tilespmem:s22+$0x12B0]  }
0x1b0: {  	v18 =	vmul.f32 v37, v36;
	v16 =	vadd.f32 $0.0e+00, v16;
	_ =	sdelay $0x1  }
0x1b1: {  	v41 =	vmul.f32 v39, v38;
	v16 =	vadd.f32 v18, v16;
	_ =	sdelay $0x1  }
0x1b2: {  	v17 =	vmul.f32 v40, v17;
	v16 =	vadd.f32 v41, v16;
	_ =	sdelay $0x1  }
0x1b3: {  	v16 =	vadd.f32 v17, v16;
	_ =	sdelay $0x1  }
0x1b4: {  	[tilespmem:v13+s16+$0x0] =	vst.idx.msk $0xffff, v16  }
0x1b5: {  	v16 =	vld [tilespmem:s24+$0x400]  }
0x1b6: {  	v17 =	vld [tilespmem:s24+$0x8400]  }
0x1b7: {  	v42 =	vld [tilespmem:s22+$0x1310]  }
0x1b8: {  	v43 =	vld [tilespmem:s22+$0x9310]  }
0x1b9: {  	v44 =	vld [tilespmem:s22+$0x1320]  }
0x1ba: {  	v45 =	vld [tilespmem:s22+$0x9320]  }
0x1bb: {  	v46 =	vld [tilespmem:s22+$0x9330];
	v16 =	vmul.f32 v17, v16  }
0x1bc: {  	v17 =	vld [tilespmem:s22+$0x1330]  }
0x1bd: {  	v18 =	vmul.f32 v43, v42;
	v16 =	vadd.f32 $0.0e+00, v16;
	_ =	sdelay $0x1  }
0x1be: {  	v47 =	vmul.f32 v45, v44;
	v16 =	vadd.f32 v18, v16;
	_ =	sdelay $0x1  }
0x1bf: {  	v17 =	vmul.f32 v46, v17;
	v16 =	vadd.f32 v47, v16;
	_ =	sdelay $0x1  }
0x1c0: {  	v16 =	vadd.f32 v17, v16;
	_ =	sdelay $0x1  }
0x1c1: {  	[tilespmem:v14+s16+$0x0] =	vst.idx.msk $0xffff, v16  }
0x1c2: {  	v16 =	vld [tilespmem:s23+$0x400]  }
0x1c3: {  	v17 =	vld [tilespmem:s23+$0x8400]  }
0x1c4: {  	v48 =	vld [tilespmem:s22+$0x1390]  }
0x1c5: {  	v49 =	vld [tilespmem:s22+$0x9390]  }
0x1c6: {  	v50 =	vld [tilespmem:s22+$0x13A0]  }
0x1c7: {  	v51 =	vld [tilespmem:s22+$0x93A0]  }
0x1c8: {  	v52 =	vld [tilespmem:s22+$0x93B0];
	v16 =	vmul.f32 v17, v16  }
0x1c9: {  	v17 =	vld [tilespmem:s22+$0x13B0]  }
0x1ca: {  	v18 =	vmul.f32 v49, v48;
	v16 =	vadd.f32 $0.0e+00, v16;
	_ =	sdelay $0x1  }
0x1cb: {  	v53 =	vmul.f32 v51, v50;
	v16 =	vadd.f32 v18, v16;
	_ =	sdelay $0x1  }
0x1cc: {  	v17 =	vmul.f32 v52, v17;
	v16 =	vadd.f32 v53, v16;
	_ =	sdelay $0x1  }
0x1cd: {  	v16 =	vadd.f32 v17, v16;
	_ =	sdelay $0x1  }
0x1ce: {  	[tilespmem:v15+s16+$0x0] =	vst.idx.msk $0xffff, v16  }
0x1cf: {  	v16 =	vld [tilespmem:$0x10400];
	_ =	sdelay $0x1  }
0x1d0: {  	v17 =	vld [tilespmem:$0x10410];
	_ =	sdelay $0x1  }
0x1d1: {  	v54 =	vld [tilespmem:$0x10420]  }
0x1d2: {  	v16 =	vadd.f32 $0.0e+00, v16  }
0x1d3: {  	v55 =	vld [tilespmem:$0x10430]  }
0x1d4: {  	v16 =	vadd.f32 v17, v16  }
0x1d5: {  	v17 =	vld [tilespmem:$0x10440]  }
0x1d6: {  	v16 =	vadd.f32 v54, v16  }
0x1d7: {  	v56 =	vld [tilespmem:$0x10450]  }
0x1d8: {  	v16 =	vadd.f32 v55, v16  }
0x1d9: {  	v57 =	vld [tilespmem:$0x10460]  }
0x1da: {  	v16 =	vadd.f32 v17, v16  }
0x1db: {  	v17 =	vld [tilespmem:$0x10470]  }
0x1dc: {  	v16 =	vadd.f32 v56, v16  }
0x1dd: {  	v58 =	vld [tilespmem:$0x10480]  }
0x1de: {  	v16 =	vadd.f32 v57, v16  }
0x1df: {  	v59 =	vld [tilespmem:$0x10490]  }
0x1e0: {  	v16 =	vadd.f32 v17, v16  }
0x1e1: {  	v17 =	vld [tilespmem:$0x104A0]  }
0x1e2: {  	v16 =	vadd.f32 v58, v16  }
0x1e3: {  	v60 =	vld [tilespmem:$0x104B0]  }
0x1e4: {  	v16 =	vadd.f32 v59, v16  }
0x1e5: {  	v61 =	vld [tilespmem:$0x104C0]  }
0x1e6: {  	v16 =	vadd.f32 v17, v16  }
0x1e7: {  	v17 =	vld [tilespmem:$0x104D0]  }
0x1e8: {  	v16 =	vadd.f32 v60, v16  }
0x1e9: {  	v62 =	vld [tilespmem:$0x104E0]  }
0x1ea: {  	v16 =	vadd.f32 v61, v16  }
0x1eb: {  	v63 =	vld [tilespmem:$0x104F0]  }
0x1ec: {  	s19 =	sadd.s32 $0x1, s19;
	v16 =	vadd.f32 v17, v16  }
0x1ed: {  	p1 =	sne.s32 s19, $0x8  }
.Ltmp5:
0x1ee: {  	v16 =	vadd.f32 v62, v16;
	(pc) =	sbr.rel @!p1 .LBB2_6-.Ltmp5, $3  }
0x1ef: {  	_ = 	snop  }
0x1f0: {  	v16 =	vadd.f32 v63, v16;
	_ =	sdelay $0x1  }
0x1f1: {  	[tilespmem:s21+$0x10500] =	vst v16  }
.LBB2_3:
0x1f2: {  	s0 =	sshll.u32 s19, $0x5  }
0x1f3: {  	s22 =	sor.u32 $0x10, s0  }
0x1f4: {  	s21 =	sor.u32 s18, s22  }
0x1f5: {  	v16 =	vld [tilespmem:s21+$0x0];
	_ =	sdelay $0x2  }
0x1f6: {  	v18 =	vld [tilespmem:s21+$0x200];
	_ =	sdelay $0x1  }
0x1f7: {  	v17 =	vshll.u32 v16, $0x4  }
0x1f8: {  	(v2sf) =	vpush v17, $0x0;
	_ =	sdelay $0x1  }
0x1f9: {  	v16 =	vshll.u32 v18, $0x4  }
0x1fa: {  	(v2sf) =	vpush v16, $0x0;
	_ =	sdelay $0x4  }
0x1fb: {  	(v2sf) =	vpush v17, $0x1  }
0x1fc: {  	(v2sf) =	vpush v16, $0x1;
	_ =	sdelay $0x5  }
0x1fd: {  	s23 =	spop (v2sf);
	(v2sf) =	vpush v17, $0x2;
	_ =	sdelay $0x2  }
0x1fe: {  	s26 =	spop (v2sf);
	(v2sf) =	vpush v16, $0x2;
	_ =	sdelay $0x4  }
0x1ff: {  	s24 =	sand.u32 $0x1FFFFFF0, s23;
	s10 =	spop (v2sf);
	(v2sf) =	vpush v17, $0x3  }
0x200: {  	s31 =	sshll.u32 s22, $0x7;
	s22 =	sadd.s32 s3, s24;
	s24 =	spop (v2sf);
	(v2sf) =	vpush v16, $0x3  }
0x201: {  	_ =	sdelay $0x1  }
0x202: {  	s25 =	sor.u32 $0x400, s31  }
0x203: {  	[tilespmem:s25], [sflag:$0x2] =	stream.linear.gather [hbm4b:s22+s2], $0x80, $0x38;
	[tilespmem:$0x10700] =	vst v63  }
0x204: {  	s22 =	sand.u32 $0x1FFFFFF0, s26  }
0x205: {  	s1 =	sadd.s32 $0x8400, s31;
	s22 =	sadd.s32 s4, s22;
	s25 =	spop (v2sf);
	(v2sf) =	vpush v17, $0x4  }
0x206: {  	[tilespmem:s1], [sflag:$0x2] =	stream.linear.gather [hbm4b:s22+s2], $0x80, $0x38;
	[tilespmem:$0x10700] =	vst v63  }
0x207: {  	s23 =	sand.u32 $0x1FFFFFF0, s10;
	s22 =	sshll.u32 s19, $0xC  }
0x208: {  	s23 =	sadd.s32 s3, s23;
	s30 =	sor.u32 $0xC80, s22;
	s26 =	spop (v2sf);
	(v2sf) =	vpush v16, $0x4  }
0x209: {  	[tilespmem:s30], [sflag:$0x2] =	stream.linear.gather [hbm4b:s23+s2], $0x80, $0x38;
	[tilespmem:$0x10700] =	vst v63  }
0x20a: {  	s23 =	sand.u32 $0x1FFFFFF0, s24  }
0x20b: {  	s24 =	sadd.s32 $0x8C80, s22;
	s23 =	sadd.s32 s4, s23  }
0x20c: {  	[tilespmem:s24], [sflag:$0x2] =	stream.linear.gather [hbm4b:s23+s2], $0x80, $0x38;
	[tilespmem:$0x10700] =	vst v63  }
0x20d: {  	s23 =	sand.u32 $0x1FFFFFF0, s25;
	s10 =	spop (v2sf);
	(v2sf) =	vpush v17, $0x5  }
0x20e: {  	s29 =	sor.u32 $0xD00, s22;
	s23 =	sadd.s32 s3, s23;
	s24 =	spop (v2sf);
	(v2sf) =	vpush v16, $0x5  }
0x20f: {  	[tilespmem:s29], [sflag:$0x2] =	stream.linear.gather [hbm4b:s23+s2], $0x80, $0x38;
	[tilespmem:$0x10700] =	vst v63  }
0x210: {  	s23 =	sand.u32 $0x1FFFFFF0, s26  }
0x211: {  	s1 =	sadd.s32 $0x8D00, s22;
	s23 =	sadd.s32 s4, s23  }
0x212: {  	[tilespmem:s1], [sflag:$0x2] =	stream.linear.gather [hbm4b:s23+s2], $0x80, $0x38;
	[tilespmem:$0x10700] =	vst v63  }
0x213: {  	s23 =	sand.u32 $0x1FFFFFF0, s10  }
0x214: {  	s28 =	sor.u32 $0xD80, s22;
	s23 =	sadd.s32 s3, s23;
	s26 =	spop (v2sf);
	(v2sf) =	vpush v17, $0x6  }
0x215: {  	[tilespmem:s28], [sflag:$0x2] =	stream.linear.gather [hbm4b:s23+s2], $0x80, $0x38;
	[tilespmem:$0x10700] =	vst v63  }
0x216: {  	s23 =	sand.u32 $0x1FFFFFF0, s24  }
0x217: {  	s25 =	sadd.s32 $0x8D80, s22;
	s23 =	sadd.s32 s4, s23;
	s1 =	spop (v2sf);
	(v2sf) =	vpush v16, $0x6  }
0x218: {  	[tilespmem:s25], [sflag:$0x2] =	stream.linear.gather [hbm4b:s23+s2], $0x80, $0x38;
	[tilespmem:$0x10700] =	vst v63  }
0x219: {  	s23 =	sand.u32 $0x1FFFFFF0, s26  }
0x21a: {  	s26 =	sor.u32 $0xE00, s22;
	s23 =	sadd.s32 s3, s23  }
0x21b: {  	[tilespmem:s26], [sflag:$0x2] =	stream.linear.gather [hbm4b:s23+s2], $0x80, $0x38;
	[tilespmem:$0x10700] =	vst v63  }
0x21c: {  	s25 =	spop (v2sf);
	(v2sf) =	vpush v17, $0x7;
	s23 =	sand.u32 $0x1FFFFFF0, s1  }
0x21d: {  	s10 =	sadd.s32 $0x8E00, s22;
	s1 =	spop (v2sf);
	s23 =	sadd.s32 s4, s23  }
0x21e: {  	(v2sf) =	vpush v16, $0x7;
	[tilespmem:s10], [sflag:$0x2] =	stream.linear.gather [hbm4b:s23+s2], $0x80, $0x38;
	[tilespmem:$0x10700] =	vst v63  }
0x21f: {  	s23 =	sand.u32 $0x1FFFFFF0, s25  }
0x220: {  	s25 =	sor.u32 $0xE80, s22;
	s23 =	sadd.s32 s3, s23  }
0x221: {  	[tilespmem:s25], [sflag:$0x2] =	stream.linear.gather [hbm4b:s23+s2], $0x80, $0x38;
	[tilespmem:$0x10700] =	vst v63  }
0x222: {  	s23 =	sand.u32 $0x1FFFFFF0, s1  }
0x223: {  	s10 =	sadd.s32 $0x8E80, s22;
	s23 =	sadd.s32 s4, s23;
	s1 =	spop (v2sf);
	(v2sf) =	vpush v17, $0x8  }
0x224: {  	[tilespmem:s10], [sflag:$0x2] =	stream.linear.gather [hbm4b:s23+s2], $0x80, $0x38;
	[tilespmem:$0x10700] =	vst v63  }
0x225: {  	s23 =	sand.u32 $0x1FFFFFF0, s1  }
0x226: {  	s24 =	sor.u32 $0xF00, s22;
	s10 =	spop (v2sf);
	s23 =	sadd.s32 s3, s23  }
0x227: {  	(v2sf) =	vpush v16, $0x8;
	[tilespmem:s24], [sflag:$0x2] =	stream.linear.gather [hbm4b:s23+s2], $0x80, $0x38;
	[tilespmem:$0x10700] =	vst v63  }
0x228: {  	s23 =	sand.u32 $0x1FFFFFF0, s10  }
0x229: {  	s1 =	sadd.s32 $0x8F00, s22;
	s23 =	sadd.s32 s4, s23  }
0x22a: {  	[tilespmem:s1], [sflag:$0x2] =	stream.linear.gather [hbm4b:s23+s2], $0x80, $0x38;
	[tilespmem:$0x10700] =	vst v63  }
0x22b: {  	s23 =	spop (v2sf);
	(v2sf) =	vpush v17, $0x9  }
0x22c: {  	s1 =	sand.u32 $0x1FFFFFF0, s23  }
0x22d: {  	s23 =	sor.u32 $0xF80, s22;
	s10 =	spop (v2sf);
	s1 =	sadd.s32 s3, s1  }
0x22e: {  	[tilespmem:s23], [sflag:$0x2] =	stream.linear.gather [hbm4b:s1+s2], $0x80, $0x38;
	[tilespmem:$0x10700] =	vst v63  }
0x22f: {  	(v2sf) =	vpush v16, $0x9;
	s1 =	sand.u32 $0x1FFFFFF0, s10  }
0x230: {  	s10 =	sadd.s32 $0x8F80, s22;
	s1 =	sadd.s32 s4, s1  }
0x231: {  	[tilespmem:s10], [sflag:$0x2] =	stream.linear.gather [hbm4b:s1+s2], $0x80, $0x38;
	[tilespmem:$0x10700] =	vst v63  }
0x232: {  	s10 =	spop (v2sf)  }
0x233: {  	(v2sf) =	vpush v17, $0xA;
	s1 =	sand.u32 $0x1FFFFFF0, s10  }
0x234: {  	s10 =	sadd.s32 $0x1000, s22;
	s1 =	sadd.s32 s3, s1  }
0x235: {  	[tilespmem:s10], [sflag:$0x2] =	stream.linear.gather [hbm4b:s1+s2], $0x80, $0x38;
	[tilespmem:$0x10700] =	vst v63  }
0x236: {  	s10 =	spop (v2sf)  }
0x237: {  	(v2sf) =	vpush v16, $0xA;
	s1 =	sand.u32 $0x1FFFFFF0, s10  }
0x238: {  	s10 =	sadd.s32 $0x9000, s22;
	s1 =	sadd.s32 s4, s1  }
0x239: {  	[tilespmem:s10], [sflag:$0x2] =	stream.linear.gather [hbm4b:s1+s2], $0x80, $0x38;
	[tilespmem:$0x10700] =	vst v63  }
0x23a: {  	s10 =	spop (v2sf)  }
0x23b: {  	(v2sf) =	vpush v17, $0xB;
	s1 =	sand.u32 $0x1FFFFFF0, s10  }
0x23c: {  	s10 =	sadd.s32 $0x1080, s22;
	s1 =	sadd.s32 s3, s1  }
0x23d: {  	[tilespmem:s10], [sflag:$0x2] =	stream.linear.gather [hbm4b:s1+s2], $0x80, $0x38;
	[tilespmem:$0x10700] =	vst v63  }
0x23e: {  	s10 =	spop (v2sf)  }
0x23f: {  	(v2sf) =	vpush v16, $0xB;
	s1 =	sand.u32 $0x1FFFFFF0, s10  }
0x240: {  	s10 =	sadd.s32 $0x9080, s22;
	s1 =	sadd.s32 s4, s1  }
0x241: {  	[tilespmem:s10], [sflag:$0x2] =	stream.linear.gather [hbm4b:s1+s2], $0x80, $0x38;
	[tilespmem:$0x10700] =	vst v63  }
0x242: {  	s10 =	spop (v2sf)  }
0x243: {  	(v2sf) =	vpush v17, $0xC;
	s1 =	sand.u32 $0x1FFFFFF0, s10  }
0x244: {  	s10 =	sadd.s32 $0x1100, s22;
	s1 =	sadd.s32 s3, s1  }
0x245: {  	[tilespmem:s10], [sflag:$0x2] =	stream.linear.gather [hbm4b:s1+s2], $0x80, $0x38;
	[tilespmem:$0x10700] =	vst v63  }
0x246: {  	s10 =	spop (v2sf)  }
0x247: {  	(v2sf) =	vpush v16, $0xC;
	s1 =	sand.u32 $0x1FFFFFF0, s10  }
0x248: {  	s10 =	sadd.s32 $0x9100, s22;
	s1 =	sadd.s32 s4, s1  }
0x249: {  	[tilespmem:s10], [sflag:$0x2] =	stream.linear.gather [hbm4b:s1+s2], $0x80, $0x38;
	[tilespmem:$0x10700] =	vst v63  }
0x24a: {  	s10 =	spop (v2sf)  }
0x24b: {  	(v2sf) =	vpush v17, $0xD;
	s1 =	sand.u32 $0x1FFFFFF0, s10  }
0x24c: {  	s10 =	sadd.s32 $0x1180, s22;
	s1 =	sadd.s32 s3, s1  }
0x24d: {  	[tilespmem:s10], [sflag:$0x2] =	stream.linear.gather [hbm4b:s1+s2], $0x80, $0x38;
	[tilespmem:$0x10700] =	vst v63  }
0x24e: {  	s10 =	spop (v2sf)  }
0x24f: {  	(v2sf) =	vpush v16, $0xD;
	s1 =	sand.u32 $0x1FFFFFF0, s10  }
0x250: {  	s10 =	sadd.s32 $0x9180, s22;
	s1 =	sadd.s32 s4, s1  }
0x251: {  	[tilespmem:s10], [sflag:$0x2] =	stream.linear.gather [hbm4b:s1+s2], $0x80, $0x38;
	[tilespmem:$0x10700] =	vst v63  }
0x252: {  	s10 =	spop (v2sf)  }
0x253: {  	(v2sf) =	vpush v17, $0xE;
	s1 =	sand.u32 $0x1FFFFFF0, s10  }
0x254: {  	s10 =	sadd.s32 $0x1200, s22;
	s1 =	sadd.s32 s3, s1  }
0x255: {  	[tilespmem:s10], [sflag:$0x2] =	stream.linear.gather [hbm4b:s1+s2], $0x80, $0x38;
	[tilespmem:$0x10700] =	vst v63  }
0x256: {  	s10 =	spop (v2sf)  }
0x257: {  	(v2sf) =	vpush v16, $0xE;
	s1 =	sand.u32 $0x1FFFFFF0, s10  }
0x258: {  	s10 =	sadd.s32 $0x9200, s22;
	s1 =	sadd.s32 s4, s1  }
0x259: {  	[tilespmem:s10], [sflag:$0x2] =	stream.linear.gather [hbm4b:s1+s2], $0x80, $0x38;
	[tilespmem:$0x10700] =	vst v63  }
0x25a: {  	s10 =	spop (v2sf)  }
0x25b: {  	(v2sf) =	vpush v17, $0xF;
	s1 =	sand.u32 $0x1FFFFFF0, s10  }
0x25c: {  	s10 =	sadd.s32 $0x1280, s22;
	s1 =	sadd.s32 s3, s1  }
0x25d: {  	[tilespmem:s10], [sflag:$0x2] =	stream.linear.gather [hbm4b:s1+s2], $0x80, $0x38;
	[tilespmem:$0x10700] =	vst v63  }
0x25e: {  	s10 =	spop (v2sf)  }
0x25f: {  	(v2sf) =	vpush v16, $0xF;
	s1 =	sand.u32 $0x1FFFFFF0, s10  }
0x260: {  	s10 =	sadd.s32 $0x9280, s22;
	s1 =	sadd.s32 s4, s1  }
0x261: {  	[tilespmem:s10], [sflag:$0x2] =	stream.linear.gather [hbm4b:s1+s2], $0x80, $0x38;
	[tilespmem:$0x10700] =	vst v63  }
0x262: {  	s10 =	spop (v2sf)  }
0x263: {  	s1 =	sand.u32 $0x1FFFFFF0, s10  }
0x264: {  	s10 =	sadd.s32 $0x1300, s22;
	s1 =	sadd.s32 s3, s1  }
0x265: {  	[tilespmem:s10], [sflag:$0x2] =	stream.linear.gather [hbm4b:s1+s2], $0x80, $0x38;
	[tilespmem:$0x10700] =	vst v63  }
0x266: {  	s10 =	spop (v2sf)  }
0x267: {  	s1 =	sand.u32 $0x1FFFFFF0, s10  }
0x268: {  	s10 =	sadd.s32 $0x9300, s22;
	s1 =	sadd.s32 s4, s1  }
0x269: {  	[tilespmem:s10], [sflag:$0x2] =	stream.linear.gather [hbm4b:s1+s2], $0x80, $0x38;
	[tilespmem:$0x10700] =	vst v63  }
0x26a: {  	s10 =	spop (v2sf)  }
0x26b: {  	s1 =	sand.u32 $0x1FFFFFF0, s10  }
0x26c: {  	s10 =	sadd.s32 $0x1380, s22;
	s1 =	sadd.s32 s3, s1  }
0x26d: {  	[tilespmem:s10], [sflag:$0x2] =	stream.linear.gather [hbm4b:s1+s2], $0x80, $0x38;
	[tilespmem:$0x10700] =	vst v63  }
0x26e: {  	s10 =	spop (v2sf)  }
0x26f: {  	s1 =	sand.u32 $0x1FFFFFF0, s10  }
0x270: {  	s10 =	sadd.s32 $0x9380, s22;
	s1 =	sadd.s32 s4, s1  }
0x271: {  	[tilespmem:s10], [sflag:$0x2] =	stream.linear.gather [hbm4b:s1+s2], $0x80, $0x38;
	[tilespmem:$0x10700] =	vst v63  }
0x272: {  	_ =	swait.ge [sflag:s15], $0x80  }
0x273: {  	[sflag:s15] =	ssyncset.done $0x0  }
0x274: {  	[sflag:s15] =	ssyncadd.s32 $0xFFFFFF80  }
0x275: {  	_ =	swait.ge [sflag:s15], $0x80  }
0x276: {  	[sflag:s15] =	ssyncset.done $0x0  }
0x277: {  	[sflag:s15] =	ssyncadd.s32 $0xFFFFFF80  }
0x278: {  	_ =	swait.ge [sflag:s15], $0x80  }
0x279: {  	[sflag:s15] =	ssyncset.done $0x0  }
0x27a: {  	[sflag:s15] =	ssyncadd.s32 $0xFFFFFF80  }
0x27b: {  	_ =	swait.ge [sflag:s15], $0x80  }
0x27c: {  	[sflag:s15] =	ssyncset.done $0x0  }
0x27d: {  	[sflag:s15] =	ssyncadd.s32 $0xFFFFFF80  }
0x27e: {  	_ =	swait.ge [sflag:s15], $0x80  }
0x27f: {  	[sflag:s15] =	ssyncset.done $0x0  }
0x280: {  	[sflag:s15] =	ssyncadd.s32 $0xFFFFFF80  }
0x281: {  	_ =	swait.ge [sflag:s15], $0x80  }
0x282: {  	[sflag:s15] =	ssyncset.done $0x0  }
0x283: {  	[sflag:s15] =	ssyncadd.s32 $0xFFFFFF80  }
0x284: {  	_ =	swait.ge [sflag:s15], $0x80  }
0x285: {  	[sflag:s15] =	ssyncset.done $0x0  }
0x286: {  	[sflag:s15] =	ssyncadd.s32 $0xFFFFFF80  }
0x287: {  	_ =	swait.ge [sflag:s15], $0x80  }
0x288: {  	[sflag:s15] =	ssyncset.done $0x0  }
0x289: {  	[sflag:s15] =	ssyncadd.s32 $0xFFFFFF80  }
0x28a: {  	_ =	swait.ge [sflag:s15], $0x80  }
0x28b: {  	[sflag:s15] =	ssyncset.done $0x0  }
0x28c: {  	[sflag:s15] =	ssyncadd.s32 $0xFFFFFF80  }
0x28d: {  	_ =	swait.ge [sflag:s15], $0x80  }
0x28e: {  	[sflag:s15] =	ssyncset.done $0x0  }
0x28f: {  	[sflag:s15] =	ssyncadd.s32 $0xFFFFFF80  }
0x290: {  	_ =	swait.ge [sflag:s15], $0x80  }
0x291: {  	[sflag:s15] =	ssyncset.done $0x0  }
0x292: {  	[sflag:s15] =	ssyncadd.s32 $0xFFFFFF80  }
0x293: {  	_ =	swait.ge [sflag:s15], $0x80  }
0x294: {  	[sflag:s15] =	ssyncset.done $0x0  }
0x295: {  	[sflag:s15] =	ssyncadd.s32 $0xFFFFFF80  }
0x296: {  	_ =	swait.ge [sflag:s15], $0x80  }
0x297: {  	[sflag:s15] =	ssyncset.done $0x0  }
0x298: {  	[sflag:s15] =	ssyncadd.s32 $0xFFFFFF80  }
0x299: {  	_ =	swait.ge [sflag:s15], $0x80  }
0x29a: {  	[sflag:s15] =	ssyncset.done $0x0  }
0x29b: {  	[sflag:s15] =	ssyncadd.s32 $0xFFFFFF80  }
0x29c: {  	_ =	swait.ge [sflag:s15], $0x80  }
0x29d: {  	[sflag:s15] =	ssyncset.done $0x0  }
0x29e: {  	[sflag:s15] =	ssyncadd.s32 $0xFFFFFF80  }
0x29f: {  	_ =	swait.ge [sflag:s15], $0x80  }
0x2a0: {  	[sflag:s15] =	ssyncset.done $0x0  }
0x2a1: {  	[sflag:s15] =	ssyncadd.s32 $0xFFFFFF80  }
0x2a2: {  	_ =	swait.ge [sflag:s15], $0x80  }
0x2a3: {  	[sflag:s15] =	ssyncset.done $0x0  }
0x2a4: {  	[sflag:s15] =	ssyncadd.s32 $0xFFFFFF80  }
0x2a5: {  	_ =	swait.ge [sflag:s15], $0x80  }
0x2a6: {  	[sflag:s15] =	ssyncset.done $0x0  }
0x2a7: {  	[sflag:s15] =	ssyncadd.s32 $0xFFFFFF80  }
0x2a8: {  	_ =	swait.ge [sflag:s15], $0x80  }
0x2a9: {  	[sflag:s15] =	ssyncset.done $0x0  }
0x2aa: {  	[sflag:s15] =	ssyncadd.s32 $0xFFFFFF80  }
0x2ab: {  	_ =	swait.ge [sflag:s15], $0x80  }
0x2ac: {  	[sflag:s15] =	ssyncset.done $0x0  }
0x2ad: {  	[sflag:s15] =	ssyncadd.s32 $0xFFFFFF80  }
0x2ae: {  	_ =	swait.ge [sflag:s15], $0x80  }
0x2af: {  	[sflag:s15] =	ssyncset.done $0x0  }
0x2b0: {  	[sflag:s15] =	ssyncadd.s32 $0xFFFFFF80  }
0x2b1: {  	_ =	swait.ge [sflag:s15], $0x80  }
0x2b2: {  	[sflag:s15] =	ssyncset.done $0x0  }
0x2b3: {  	[sflag:s15] =	ssyncadd.s32 $0xFFFFFF80  }
0x2b4: {  	_ =	swait.ge [sflag:s15], $0x80  }
0x2b5: {  	[sflag:s15] =	ssyncset.done $0x0  }
0x2b6: {  	[sflag:s15] =	ssyncadd.s32 $0xFFFFFF80  }
0x2b7: {  	_ =	swait.ge [sflag:s15], $0x80  }
0x2b8: {  	[sflag:s15] =	ssyncset.done $0x0  }
0x2b9: {  	[sflag:s15] =	ssyncadd.s32 $0xFFFFFF80  }
0x2ba: {  	_ =	swait.ge [sflag:s15], $0x80  }
0x2bb: {  	[sflag:s15] =	ssyncset.done $0x0  }
0x2bc: {  	[sflag:s15] =	ssyncadd.s32 $0xFFFFFF80  }
0x2bd: {  	_ =	swait.ge [sflag:s15], $0x80  }
0x2be: {  	[sflag:s15] =	ssyncset.done $0x0  }
0x2bf: {  	[sflag:s15] =	ssyncadd.s32 $0xFFFFFF80  }
0x2c0: {  	_ =	swait.ge [sflag:s15], $0x80  }
0x2c1: {  	[sflag:s15] =	ssyncset.done $0x0  }
0x2c2: {  	[sflag:s15] =	ssyncadd.s32 $0xFFFFFF80  }
0x2c3: {  	_ =	swait.ge [sflag:s15], $0x80  }
0x2c4: {  	[sflag:s15] =	ssyncset.done $0x0  }
0x2c5: {  	[sflag:s15] =	ssyncadd.s32 $0xFFFFFF80  }
0x2c6: {  	_ =	swait.ge [sflag:s15], $0x80  }
0x2c7: {  	[sflag:s15] =	ssyncset.done $0x0  }
0x2c8: {  	[sflag:s15] =	ssyncadd.s32 $0xFFFFFF80  }
0x2c9: {  	_ =	swait.ge [sflag:s15], $0x80  }
0x2ca: {  	[sflag:s15] =	ssyncset.done $0x0  }
0x2cb: {  	[sflag:s15] =	ssyncadd.s32 $0xFFFFFF80  }
0x2cc: {  	_ =	swait.ge [sflag:s15], $0x80  }
0x2cd: {  	[sflag:s15] =	ssyncset.done $0x0  }
0x2ce: {  	[sflag:s15] =	ssyncadd.s32 $0xFFFFFF80  }
0x2cf: {  	_ =	swait.ge [sflag:s15], $0x80  }
0x2d0: {  	[sflag:s15] =	ssyncset.done $0x0  }
0x2d1: {  	[sflag:s15] =	ssyncadd.s32 $0xFFFFFF80  }
0x2d2: {  	v16 =	vld [tilespmem:s22+$0x400]  }
0x2d3: {  	v17 =	vld [tilespmem:s22+$0x8400]  }
0x2d4: {  	v43 =	vld [tilespmem:s22+$0x410]  }
0x2d5: {  	v19 =	vld [tilespmem:s22+$0x8410]  }
0x2d6: {  	v20 =	vld [tilespmem:s22+$0x420]  }
0x2d7: {  	v21 =	vld [tilespmem:s22+$0x8420]  }
0x2d8: {  	v22 =	vld [tilespmem:s22+$0x8430];
	v16 =	vmul.f32 v17, v16  }
0x2d9: {  	v17 =	vld [tilespmem:s22+$0x430]  }
0x2da: {  	v18 =	vmul.f32 v19, v43;
	v16 =	vadd.f32 $0.0e+00, v16;
	_ =	sdelay $0x1  }
0x2db: {  	v44 =	vmul.f32 v21, v20;
	v16 =	vadd.f32 v18, v16;
	_ =	sdelay $0x1  }
0x2dc: {  	v17 =	vmul.f32 v22, v17;
	v16 =	vadd.f32 v44, v16;
	_ =	sdelay $0x1  }
0x2dd: {  	v16 =	vadd.f32 v17, v16;
	_ =	sdelay $0x1  }
0x2de: {  	[tilespmem:v0+s16+$0x0] =	vst.idx.msk $0xffff, v16  }
0x2df: {  	v16 =	vld [tilespmem:s22+$0x480]  }
0x2e0: {  	v17 =	vld [tilespmem:s22+$0x8480]  }
0x2e1: {  	v45 =	vld [tilespmem:s22+$0x490]  }
0x2e2: {  	v46 =	vld [tilespmem:s22+$0x8490]  }
0x2e3: {  	v47 =	vld [tilespmem:s22+$0x4A0]  }
0x2e4: {  	v48 =	vld [tilespmem:s22+$0x84A0]  }
0x2e5: {  	v49 =	vld [tilespmem:s22+$0x84B0];
	v16 =	vmul.f32 v17, v16  }
0x2e6: {  	v17 =	vld [tilespmem:s22+$0x4B0]  }
0x2e7: {  	v18 =	vmul.f32 v46, v45;
	v16 =	vadd.f32 $0.0e+00, v16;
	_ =	sdelay $0x1  }
0x2e8: {  	v50 =	vmul.f32 v48, v47;
	v16 =	vadd.f32 v18, v16;
	_ =	sdelay $0x1  }
0x2e9: {  	v17 =	vmul.f32 v49, v17;
	v16 =	vadd.f32 v50, v16;
	_ =	sdelay $0x1  }
0x2ea: {  	v16 =	vadd.f32 v17, v16;
	_ =	sdelay $0x1  }
0x2eb: {  	[tilespmem:v1+s16+$0x0] =	vst.idx.msk $0xffff, v16  }
0x2ec: {  	v16 =	vld [tilespmem:s22+$0x500]  }
0x2ed: {  	v17 =	vld [tilespmem:s22+$0x8500]  }
0x2ee: {  	v51 =	vld [tilespmem:s22+$0x510]  }
0x2ef: {  	v52 =	vld [tilespmem:s22+$0x8510]  }
0x2f0: {  	v53 =	vld [tilespmem:s22+$0x520]  }
0x2f1: {  	v54 =	vld [tilespmem:s22+$0x8520]  }
0x2f2: {  	v55 =	vld [tilespmem:s22+$0x8530];
	v16 =	vmul.f32 v17, v16  }
0x2f3: {  	v17 =	vld [tilespmem:s22+$0x530]  }
0x2f4: {  	v18 =	vmul.f32 v52, v51;
	v16 =	vadd.f32 $0.0e+00, v16;
	_ =	sdelay $0x1  }
0x2f5: {  	v56 =	vmul.f32 v54, v53;
	v16 =	vadd.f32 v18, v16;
	_ =	sdelay $0x1  }
0x2f6: {  	v17 =	vmul.f32 v55, v17;
	v16 =	vadd.f32 v56, v16;
	_ =	sdelay $0x1  }
0x2f7: {  	v16 =	vadd.f32 v17, v16;
	_ =	sdelay $0x1  }
0x2f8: {  	[tilespmem:v2+s16+$0x0] =	vst.idx.msk $0xffff, v16  }
0x2f9: {  	v16 =	vld [tilespmem:s22+$0x580]  }
0x2fa: {  	v17 =	vld [tilespmem:s22+$0x8580]  }
0x2fb: {  	v57 =	vld [tilespmem:s22+$0x590]  }
0x2fc: {  	v58 =	vld [tilespmem:s22+$0x8590]  }
0x2fd: {  	v59 =	vld [tilespmem:s22+$0x5A0]  }
0x2fe: {  	v60 =	vld [tilespmem:s22+$0x85A0]  }
0x2ff: {  	v61 =	vld [tilespmem:s22+$0x85B0];
	v16 =	vmul.f32 v17, v16  }
0x300: {  	v17 =	vld [tilespmem:s22+$0x5B0]  }
0x301: {  	v18 =	vmul.f32 v58, v57;
	v16 =	vadd.f32 $0.0e+00, v16;
	_ =	sdelay $0x1  }
0x302: {  	v62 =	vmul.f32 v60, v59;
	v16 =	vadd.f32 v18, v16;
	_ =	sdelay $0x1  }
0x303: {  	v17 =	vmul.f32 v61, v17;
	v16 =	vadd.f32 v62, v16;
	_ =	sdelay $0x1  }
0x304: {  	v16 =	vadd.f32 v17, v16;
	_ =	sdelay $0x1  }
0x305: {  	[tilespmem:v3+s16+$0x0] =	vst.idx.msk $0xffff, v16  }
0x306: {  	v16 =	vld [tilespmem:s22+$0x600]  }
0x307: {  	v17 =	vld [tilespmem:s22+$0x8600]  }
0x308: {  	v63 =	vld [tilespmem:s22+$0x610]  }
0x309: {  	v24 =	vld [tilespmem:s22+$0x8610]  }
0x30a: {  	v25 =	vld [tilespmem:s22+$0x620]  }
0x30b: {  	v26 =	vld [tilespmem:s22+$0x8620]  }
0x30c: {  	v27 =	vld [tilespmem:s22+$0x8630];
	v16 =	vmul.f32 v17, v16  }
0x30d: {  	v17 =	vld [tilespmem:s22+$0x630]  }
0x30e: {  	v18 =	vmul.f32 v24, v63;
	v16 =	vadd.f32 $0.0e+00, v16;
	_ =	sdelay $0x1  }
0x30f: {  	v28 =	vmul.f32 v26, v25;
	v16 =	vadd.f32 v18, v16;
	_ =	sdelay $0x1  }
0x310: {  	v17 =	vmul.f32 v27, v17;
	v16 =	vadd.f32 v28, v16;
	_ =	sdelay $0x1  }
0x311: {  	v16 =	vadd.f32 v17, v16;
	_ =	sdelay $0x1  }
0x312: {  	[tilespmem:v4+s16+$0x0] =	vst.idx.msk $0xffff, v16  }
0x313: {  	v16 =	vld [tilespmem:s22+$0x680]  }
0x314: {  	v17 =	vld [tilespmem:s22+$0x8680]  }
0x315: {  	v29 =	vld [tilespmem:s22+$0x690]  }
0x316: {  	v30 =	vld [tilespmem:s22+$0x8690]  }
0x317: {  	v31 =	vld [tilespmem:s22+$0x6A0]  }
0x318: {  	v32 =	vld [tilespmem:s22+$0x86A0]  }
0x319: {  	v33 =	vld [tilespmem:s22+$0x86B0];
	v16 =	vmul.f32 v17, v16  }
0x31a: {  	v17 =	vld [tilespmem:s22+$0x6B0]  }
0x31b: {  	v18 =	vmul.f32 v30, v29;
	v16 =	vadd.f32 $0.0e+00, v16;
	_ =	sdelay $0x1  }
0x31c: {  	v34 =	vmul.f32 v32, v31;
	v16 =	vadd.f32 v18, v16;
	_ =	sdelay $0x1  }
0x31d: {  	v17 =	vmul.f32 v33, v17;
	v16 =	vadd.f32 v34, v16;
	_ =	sdelay $0x1  }
0x31e: {  	v16 =	vadd.f32 v17, v16;
	_ =	sdelay $0x1  }
0x31f: {  	[tilespmem:v5+s16+$0x0] =	vst.idx.msk $0xffff, v16  }
0x320: {  	v16 =	vld [tilespmem:s22+$0x700]  }
0x321: {  	v17 =	vld [tilespmem:s22+$0x8700]  }
0x322: {  	v35 =	vld [tilespmem:s22+$0x710]  }
0x323: {  	v36 =	vld [tilespmem:s22+$0x8710]  }
0x324: {  	v37 =	vld [tilespmem:s22+$0x720]  }
0x325: {  	v38 =	vld [tilespmem:s22+$0x8720]  }
0x326: {  	v39 =	vld [tilespmem:s22+$0x8730];
	v16 =	vmul.f32 v17, v16  }
0x327: {  	v17 =	vld [tilespmem:s22+$0x730]  }
0x328: {  	v18 =	vmul.f32 v36, v35;
	v16 =	vadd.f32 $0.0e+00, v16;
	_ =	sdelay $0x1  }
0x329: {  	v40 =	vmul.f32 v38, v37;
	v16 =	vadd.f32 v18, v16;
	_ =	sdelay $0x1  }
0x32a: {  	v17 =	vmul.f32 v39, v17;
	v16 =	vadd.f32 v40, v16;
	_ =	sdelay $0x1  }
0x32b: {  	v16 =	vadd.f32 v17, v16;
	_ =	sdelay $0x1  }
0x32c: {  	[tilespmem:v6+s16+$0x0] =	vst.idx.msk $0xffff, v16  }
0x32d: {  	v16 =	vld [tilespmem:s22+$0x780]  }
0x32e: {  	v17 =	vld [tilespmem:s22+$0x8780]  }
0x32f: {  	v41 =	vld [tilespmem:s22+$0x790]  }
0x330: {  	v42 =	vld [tilespmem:s22+$0x8790]  }
0x331: {  	v43 =	vld [tilespmem:s22+$0x7A0]  }
0x332: {  	v44 =	vld [tilespmem:s22+$0x87A0]  }
0x333: {  	v45 =	vld [tilespmem:s22+$0x87B0];
	v16 =	vmul.f32 v17, v16  }
0x334: {  	v17 =	vld [tilespmem:s22+$0x7B0]  }
0x335: {  	v18 =	vmul.f32 v42, v41;
	v16 =	vadd.f32 $0.0e+00, v16;
	_ =	sdelay $0x1  }
0x336: {  	v46 =	vmul.f32 v44, v43;
	v16 =	vadd.f32 v18, v16;
	_ =	sdelay $0x1  }
0x337: {  	v17 =	vmul.f32 v45, v17;
	v16 =	vadd.f32 v46, v16;
	_ =	sdelay $0x1  }
0x338: {  	v16 =	vadd.f32 v17, v16;
	_ =	sdelay $0x1  }
0x339: {  	[tilespmem:v7+s16+$0x0] =	vst.idx.msk $0xffff, v16  }
0x33a: {  	v16 =	vld [tilespmem:s22+$0x800]  }
0x33b: {  	v17 =	vld [tilespmem:s22+$0x8800]  }
0x33c: {  	v47 =	vld [tilespmem:s22+$0x810]  }
0x33d: {  	v48 =	vld [tilespmem:s22+$0x8810]  }
0x33e: {  	v49 =	vld [tilespmem:s22+$0x820]  }
0x33f: {  	v50 =	vld [tilespmem:s22+$0x8820]  }
0x340: {  	v51 =	vld [tilespmem:s22+$0x8830];
	v16 =	vmul.f32 v17, v16  }
0x341: {  	v17 =	vld [tilespmem:s22+$0x830]  }
0x342: {  	v18 =	vmul.f32 v48, v47;
	v16 =	vadd.f32 $0.0e+00, v16;
	_ =	sdelay $0x1  }
0x343: {  	v52 =	vmul.f32 v50, v49;
	v16 =	vadd.f32 v18, v16;
	_ =	sdelay $0x1  }
0x344: {  	v17 =	vmul.f32 v51, v17;
	v16 =	vadd.f32 v52, v16;
	_ =	sdelay $0x1  }
0x345: {  	v16 =	vadd.f32 v17, v16;
	_ =	sdelay $0x1  }
0x346: {  	[tilespmem:v8+s16+$0x0] =	vst.idx.msk $0xffff, v16  }
0x347: {  	v16 =	vld [tilespmem:s22+$0x880]  }
0x348: {  	v17 =	vld [tilespmem:s22+$0x8880]  }
0x349: {  	v53 =	vld [tilespmem:s22+$0x890]  }
0x34a: {  	v54 =	vld [tilespmem:s22+$0x8890]  }
0x34b: {  	v55 =	vld [tilespmem:s22+$0x8A0]  }
0x34c: {  	v56 =	vld [tilespmem:s22+$0x88A0]  }
0x34d: {  	v57 =	vld [tilespmem:s22+$0x88B0];
	v16 =	vmul.f32 v17, v16  }
0x34e: {  	v17 =	vld [tilespmem:s22+$0x8B0]  }
0x34f: {  	v18 =	vmul.f32 v54, v53;
	v16 =	vadd.f32 $0.0e+00, v16;
	_ =	sdelay $0x1  }
0x350: {  	v58 =	vmul.f32 v56, v55;
	v16 =	vadd.f32 v18, v16;
	_ =	sdelay $0x1  }
0x351: {  	v17 =	vmul.f32 v57, v17;
	v16 =	vadd.f32 v58, v16;
	_ =	sdelay $0x1  }
0x352: {  	v16 =	vadd.f32 v17, v16;
	_ =	sdelay $0x1  }
0x353: {  	[tilespmem:v9+s16+$0x0] =	vst.idx.msk $0xffff, v16  }
0x354: {  	v16 =	vld [tilespmem:s22+$0x900]  }
0x355: {  	v17 =	vld [tilespmem:s22+$0x8900]  }
0x356: {  	v59 =	vld [tilespmem:s22+$0x910]  }
0x357: {  	v60 =	vld [tilespmem:s22+$0x8910]  }
0x358: {  	v61 =	vld [tilespmem:s22+$0x920]  }
0x359: {  	v62 =	vld [tilespmem:s22+$0x8920]  }
0x35a: {  	v63 =	vld [tilespmem:s22+$0x8930];
	v16 =	vmul.f32 v17, v16  }
0x35b: {  	v17 =	vld [tilespmem:s22+$0x930]  }
0x35c: {  	v18 =	vmul.f32 v60, v59;
	v16 =	vadd.f32 $0.0e+00, v16;
	_ =	sdelay $0x1  }
0x35d: {  	v23 =	vmul.f32 v62, v61;
	v16 =	vadd.f32 v18, v16;
	_ =	sdelay $0x1  }
0x35e: {  	v17 =	vmul.f32 v63, v17;
	v16 =	vadd.f32 v23, v16;
	_ =	sdelay $0x1  }
0x35f: {  	v16 =	vadd.f32 v17, v16;
	_ =	sdelay $0x1  }
0x360: {  	[tilespmem:v10+s16+$0x0] =	vst.idx.msk $0xffff, v16  }
0x361: {  	v16 =	vld [tilespmem:s22+$0x980]  }
0x362: {  	v17 =	vld [tilespmem:s22+$0x8980]  }
0x363: {  	v24 =	vld [tilespmem:s22+$0x990]  }
0x364: {  	v25 =	vld [tilespmem:s22+$0x8990]  }
0x365: {  	v26 =	vld [tilespmem:s22+$0x9A0]  }
0x366: {  	v27 =	vld [tilespmem:s22+$0x89A0]  }
0x367: {  	v28 =	vld [tilespmem:s22+$0x89B0];
	v16 =	vmul.f32 v17, v16  }
0x368: {  	v17 =	vld [tilespmem:s22+$0x9B0]  }
0x369: {  	v18 =	vmul.f32 v25, v24;
	v16 =	vadd.f32 $0.0e+00, v16;
	_ =	sdelay $0x1  }
0x36a: {  	v29 =	vmul.f32 v27, v26;
	v16 =	vadd.f32 v18, v16;
	_ =	sdelay $0x1  }
0x36b: {  	v17 =	vmul.f32 v28, v17;
	v16 =	vadd.f32 v29, v16;
	_ =	sdelay $0x1  }
0x36c: {  	v16 =	vadd.f32 v17, v16;
	_ =	sdelay $0x1  }
0x36d: {  	[tilespmem:v11+s16+$0x0] =	vst.idx.msk $0xffff, v16  }
0x36e: {  	v16 =	vld [tilespmem:s22+$0xA00]  }
0x36f: {  	v17 =	vld [tilespmem:s22+$0x8A00]  }
0x370: {  	v30 =	vld [tilespmem:s22+$0xA10]  }
0x371: {  	v31 =	vld [tilespmem:s22+$0x8A10]  }
0x372: {  	v32 =	vld [tilespmem:s22+$0xA20]  }
0x373: {  	v33 =	vld [tilespmem:s22+$0x8A20]  }
0x374: {  	v34 =	vld [tilespmem:s22+$0x8A30];
	v16 =	vmul.f32 v17, v16  }
0x375: {  	v17 =	vld [tilespmem:s22+$0xA30]  }
0x376: {  	v18 =	vmul.f32 v31, v30;
	v16 =	vadd.f32 $0.0e+00, v16;
	_ =	sdelay $0x1  }
0x377: {  	v35 =	vmul.f32 v33, v32;
	v16 =	vadd.f32 v18, v16;
	_ =	sdelay $0x1  }
0x378: {  	v17 =	vmul.f32 v34, v17;
	v16 =	vadd.f32 v35, v16;
	_ =	sdelay $0x1  }
0x379: {  	v16 =	vadd.f32 v17, v16;
	_ =	sdelay $0x1  }
0x37a: {  	[tilespmem:v12+s16+$0x0] =	vst.idx.msk $0xffff, v16  }
0x37b: {  	v16 =	vld [tilespmem:s22+$0xA80]  }
0x37c: {  	v17 =	vld [tilespmem:s22+$0x8A80]  }
0x37d: {  	v36 =	vld [tilespmem:s22+$0xA90]  }
0x37e: {  	v37 =	vld [tilespmem:s22+$0x8A90]  }
0x37f: {  	v38 =	vld [tilespmem:s22+$0xAA0]  }
0x380: {  	v39 =	vld [tilespmem:s22+$0x8AA0]  }
0x381: {  	v40 =	vld [tilespmem:s22+$0x8AB0];
	v16 =	vmul.f32 v17, v16  }
0x382: {  	v17 =	vld [tilespmem:s22+$0xAB0]  }
0x383: {  	v18 =	vmul.f32 v37, v36;
	v16 =	vadd.f32 $0.0e+00, v16;
	_ =	sdelay $0x1  }
0x384: {  	v41 =	vmul.f32 v39, v38;
	v16 =	vadd.f32 v18, v16;
	_ =	sdelay $0x1  }
0x385: {  	v17 =	vmul.f32 v40, v17;
	v16 =	vadd.f32 v41, v16;
	_ =	sdelay $0x1  }
0x386: {  	v16 =	vadd.f32 v17, v16;
	_ =	sdelay $0x1  }
0x387: {  	[tilespmem:v13+s16+$0x0] =	vst.idx.msk $0xffff, v16  }
0x388: {  	v16 =	vld [tilespmem:s22+$0xB00]  }
0x389: {  	v17 =	vld [tilespmem:s22+$0x8B00]  }
0x38a: {  	v42 =	vld [tilespmem:s22+$0xB10]  }
0x38b: {  	v43 =	vld [tilespmem:s22+$0x8B10]  }
0x38c: {  	v44 =	vld [tilespmem:s22+$0xB20]  }
0x38d: {  	v45 =	vld [tilespmem:s22+$0x8B20]  }
0x38e: {  	v46 =	vld [tilespmem:s22+$0x8B30];
	v16 =	vmul.f32 v17, v16  }
0x38f: {  	v17 =	vld [tilespmem:s22+$0xB30]  }
0x390: {  	v18 =	vmul.f32 v43, v42;
	v16 =	vadd.f32 $0.0e+00, v16;
	_ =	sdelay $0x1  }
0x391: {  	v47 =	vmul.f32 v45, v44;
	v16 =	vadd.f32 v18, v16;
	_ =	sdelay $0x1  }
0x392: {  	v17 =	vmul.f32 v46, v17;
	v16 =	vadd.f32 v47, v16;
	_ =	sdelay $0x1  }
0x393: {  	v16 =	vadd.f32 v17, v16;
	_ =	sdelay $0x1  }
0x394: {  	[tilespmem:v14+s16+$0x0] =	vst.idx.msk $0xffff, v16  }
0x395: {  	v16 =	vld [tilespmem:s22+$0xB80]  }
0x396: {  	v17 =	vld [tilespmem:s22+$0x8B80]  }
0x397: {  	v48 =	vld [tilespmem:s22+$0xB90]  }
0x398: {  	v49 =	vld [tilespmem:s22+$0x8B90]  }
0x399: {  	v50 =	vld [tilespmem:s22+$0xBA0]  }
0x39a: {  	v51 =	vld [tilespmem:s22+$0x8BA0]  }
0x39b: {  	v52 =	vld [tilespmem:s22+$0x8BB0];
	v16 =	vmul.f32 v17, v16  }
0x39c: {  	v17 =	vld [tilespmem:s22+$0xBB0]  }
0x39d: {  	v18 =	vmul.f32 v49, v48;
	v16 =	vadd.f32 $0.0e+00, v16;
	_ =	sdelay $0x1  }
0x39e: {  	v53 =	vmul.f32 v51, v50;
	v16 =	vadd.f32 v18, v16;
	_ =	sdelay $0x1  }
0x39f: {  	v17 =	vmul.f32 v52, v17;
	v16 =	vadd.f32 v53, v16;
	_ =	sdelay $0x1  }
0x3a0: {  	v16 =	vadd.f32 v17, v16;
	_ =	sdelay $0x1  }
0x3a1: {  	[tilespmem:v15+s16+$0x0] =	vst.idx.msk $0xffff, v16  }
0x3a2: {  	v16 =	vld [tilespmem:$0x10400];
	_ =	sdelay $0x1  }
0x3a3: {  	v17 =	vld [tilespmem:$0x10410];
	_ =	sdelay $0x1  }
0x3a4: {  	v54 =	vld [tilespmem:$0x10420]  }
0x3a5: {  	v16 =	vadd.f32 $0.0e+00, v16  }
0x3a6: {  	v55 =	vld [tilespmem:$0x10430]  }
0x3a7: {  	v16 =	vadd.f32 v17, v16  }
0x3a8: {  	v17 =	vld [tilespmem:$0x10440]  }
0x3a9: {  	v16 =	vadd.f32 v54, v16  }
0x3aa: {  	v56 =	vld [tilespmem:$0x10450]  }
0x3ab: {  	v16 =	vadd.f32 v55, v16  }
0x3ac: {  	v57 =	vld [tilespmem:$0x10460]  }
0x3ad: {  	v16 =	vadd.f32 v17, v16  }
0x3ae: {  	v17 =	vld [tilespmem:$0x10470]  }
0x3af: {  	v16 =	vadd.f32 v56, v16  }
0x3b0: {  	v58 =	vld [tilespmem:$0x10480]  }
0x3b1: {  	v16 =	vadd.f32 v57, v16  }
0x3b2: {  	v59 =	vld [tilespmem:$0x10490]  }
0x3b3: {  	v16 =	vadd.f32 v17, v16  }
0x3b4: {  	v17 =	vld [tilespmem:$0x104A0]  }
0x3b5: {  	v16 =	vadd.f32 v58, v16  }
0x3b6: {  	v60 =	vld [tilespmem:$0x104B0]  }
0x3b7: {  	v16 =	vadd.f32 v59, v16  }
0x3b8: {  	v61 =	vld [tilespmem:$0x104C0]  }
0x3b9: {  	v16 =	vadd.f32 v17, v16  }
0x3ba: {  	v17 =	vld [tilespmem:$0x104D0]  }
0x3bb: {  	v16 =	vadd.f32 v60, v16  }
0x3bc: {  	v62 =	vld [tilespmem:$0x104E0]  }
0x3bd: {  	v16 =	vadd.f32 v61, v16  }
0x3be: {  	v63 =	vld [tilespmem:$0x104F0]  }
0x3bf: {  	v16 =	vadd.f32 v17, v16  }
0x3c0: {  	p1 =	seq.s32 s19, $0x7  }
.Ltmp6:
0x3c1: {  	v16 =	vadd.f32 v62, v16;
	(pc) =	sbr.rel @p1 .LBB2_5-.Ltmp6, $4  }
0x3c2: {  	s10 =	sand.u32 $0x80, s0  }
0x3c3: {  	s0 =	sand.u32 $0x60, s0;
	s1 =	sadd.s32 s10, s20;
	v16 =	vadd.f32 v63, v16  }
0x3c4: {  	s0 =	sadd.s32 s0, s1  }
0x3c5: {  	[tilespmem:s0+$0x0] =	vst v16  }
0x3c6: {  	s0 =	sshll.u32 s19, $0x1  }
0x3c7: {  	s0 =	sadd.s32 $0x2, s0  }
0x3c8: {  	s1 =	sshll.u32 s0, $0x4  }
0x3c9: {  	s10 =	sadd.s32 s18, s1  }
0x3ca: {  	s1 =	sand.u32 $0x60, s1;
	s10 =	sand.u32 $0x380, s10  }
0x3cb: {  	s1 =	sor.u32 s1, s10  }
0x3cc: {  	v16 =	vld [tilespmem:s1+$0x0];
	_ =	sdelay $0x3  }
0x3cd: {  	v18 =	vld [tilespmem:s1+$0x200]  }
0x3ce: {  	v17 =	vshll.u32 v16, $0x4  }
0x3cf: {  	(v2sf) =	vpush v17, $0x0;
	_ =	sdelay $0x2  }
0x3d0: {  	v16 =	vshll.u32 v18, $0x4  }
0x3d1: {  	(v2sf) =	vpush v16, $0x0;
	_ =	sdelay $0x3  }
0x3d2: {  	(v2sf) =	vpush v17, $0x1;
	_ =	sdelay $0x3  }
0x3d3: {  	(v2sf) =	vpush v16, $0x1;
	_ =	sdelay $0x2  }
0x3d4: {  	s10 =	spop (v2sf)  }
0x3d5: {  	s0 =	sshll.u32 s0, $0xB;
	(v2sf) =	vpush v17, $0x2;
	s1 =	sand.u32 $0x1FFFFFF0, s10  }
0x3d6: {  	s10 =	sor.u32 $0x400, s0;
	s1 =	sadd.s32 s3, s1  }
0x3d7: {  	[tilespmem:s10], [sflag:$0x1] =	stream.linear.gather [hbm4b:s1+s2], $0x80, $0x38;
	[tilespmem:$0x10700] =	vst v63  }
0x3d8: {  	s10 =	spop (v2sf)  }
0x3d9: {  	(v2sf) =	vpush v16, $0x2;
	s1 =	sand.u32 $0x1FFFFFF0, s10  }
0x3da: {  	s10 =	sadd.s32 $0x8400, s0;
	s1 =	sadd.s32 s4, s1  }
0x3db: {  	[tilespmem:s10], [sflag:$0x1] =	stream.linear.gather [hbm4b:s1+s2], $0x80, $0x38;
	[tilespmem:$0x10700] =	vst v63  }
0x3dc: {  	s10 =	spop (v2sf)  }
0x3dd: {  	(v2sf) =	vpush v17, $0x3;
	s1 =	sand.u32 $0x1FFFFFF0, s10  }
0x3de: {  	s10 =	sor.u32 $0x480, s0;
	s1 =	sadd.s32 s3, s1  }
0x3df: {  	[tilespmem:s10], [sflag:$0x1] =	stream.linear.gather [hbm4b:s1+s2], $0x80, $0x38;
	[tilespmem:$0x10700] =	vst v63  }
0x3e0: {  	s10 =	spop (v2sf)  }
0x3e1: {  	(v2sf) =	vpush v16, $0x3;
	s1 =	sand.u32 $0x1FFFFFF0, s10  }
0x3e2: {  	s10 =	sadd.s32 $0x8480, s0;
	s1 =	sadd.s32 s4, s1  }
0x3e3: {  	[tilespmem:s10], [sflag:$0x1] =	stream.linear.gather [hbm4b:s1+s2], $0x80, $0x38;
	[tilespmem:$0x10700] =	vst v63  }
0x3e4: {  	s10 =	spop (v2sf)  }
0x3e5: {  	(v2sf) =	vpush v17, $0x4;
	s1 =	sand.u32 $0x1FFFFFF0, s10  }
0x3e6: {  	s10 =	sor.u32 $0x500, s0;
	s1 =	sadd.s32 s3, s1  }
0x3e7: {  	[tilespmem:s10], [sflag:$0x1] =	stream.linear.gather [hbm4b:s1+s2], $0x80, $0x38;
	[tilespmem:$0x10700] =	vst v63  }
0x3e8: {  	s10 =	spop (v2sf)  }
0x3e9: {  	(v2sf) =	vpush v16, $0x4;
	s1 =	sand.u32 $0x1FFFFFF0, s10  }
0x3ea: {  	s10 =	sadd.s32 $0x8500, s0;
	s1 =	sadd.s32 s4, s1  }
0x3eb: {  	[tilespmem:s10], [sflag:$0x1] =	stream.linear.gather [hbm4b:s1+s2], $0x80, $0x38;
	[tilespmem:$0x10700] =	vst v63  }
0x3ec: {  	s10 =	spop (v2sf)  }
0x3ed: {  	(v2sf) =	vpush v17, $0x5;
	s1 =	sand.u32 $0x1FFFFFF0, s10  }
0x3ee: {  	s10 =	sor.u32 $0x580, s0;
	s1 =	sadd.s32 s3, s1  }
0x3ef: {  	[tilespmem:s10], [sflag:$0x1] =	stream.linear.gather [hbm4b:s1+s2], $0x80, $0x38;
	[tilespmem:$0x10700] =	vst v63  }
0x3f0: {  	s10 =	spop (v2sf)  }
0x3f1: {  	(v2sf) =	vpush v16, $0x5;
	s1 =	sand.u32 $0x1FFFFFF0, s10  }
0x3f2: {  	s10 =	sadd.s32 $0x8580, s0;
	s1 =	sadd.s32 s4, s1  }
0x3f3: {  	[tilespmem:s10], [sflag:$0x1] =	stream.linear.gather [hbm4b:s1+s2], $0x80, $0x38;
	[tilespmem:$0x10700] =	vst v63  }
0x3f4: {  	s10 =	spop (v2sf)  }
0x3f5: {  	(v2sf) =	vpush v17, $0x6;
	s1 =	sand.u32 $0x1FFFFFF0, s10  }
0x3f6: {  	s10 =	sor.u32 $0x600, s0;
	s1 =	sadd.s32 s3, s1  }
0x3f7: {  	[tilespmem:s10], [sflag:$0x1] =	stream.linear.gather [hbm4b:s1+s2], $0x80, $0x38;
	[tilespmem:$0x10700] =	vst v63  }
0x3f8: {  	s10 =	spop (v2sf)  }
0x3f9: {  	(v2sf) =	vpush v16, $0x6;
	s1 =	sand.u32 $0x1FFFFFF0, s10  }
0x3fa: {  	s10 =	sadd.s32 $0x8600, s0;
	s1 =	sadd.s32 s4, s1  }
0x3fb: {  	[tilespmem:s10], [sflag:$0x1] =	stream.linear.gather [hbm4b:s1+s2], $0x80, $0x38;
	[tilespmem:$0x10700] =	vst v63  }
0x3fc: {  	s10 =	spop (v2sf)  }
0x3fd: {  	(v2sf) =	vpush v17, $0x7;
	s1 =	sand.u32 $0x1FFFFFF0, s10  }
0x3fe: {  	s10 =	sor.u32 $0x680, s0;
	s1 =	sadd.s32 s3, s1  }
0x3ff: {  	[tilespmem:s10], [sflag:$0x1] =	stream.linear.gather [hbm4b:s1+s2], $0x80, $0x38;
	[tilespmem:$0x10700] =	vst v63  }
0x400: {  	s10 =	spop (v2sf)  }
0x401: {  	(v2sf) =	vpush v16, $0x7;
	s1 =	sand.u32 $0x1FFFFFF0, s10  }
0x402: {  	s10 =	sadd.s32 $0x8680, s0;
	s1 =	sadd.s32 s4, s1  }
0x403: {  	[tilespmem:s10], [sflag:$0x1] =	stream.linear.gather [hbm4b:s1+s2], $0x80, $0x38;
	[tilespmem:$0x10700] =	vst v63  }
0x404: {  	s10 =	spop (v2sf)  }
0x405: {  	(v2sf) =	vpush v17, $0x8;
	s1 =	sand.u32 $0x1FFFFFF0, s10  }
0x406: {  	s10 =	sor.u32 $0x700, s0;
	s1 =	sadd.s32 s3, s1  }
0x407: {  	[tilespmem:s10], [sflag:$0x1] =	stream.linear.gather [hbm4b:s1+s2], $0x80, $0x38;
	[tilespmem:$0x10700] =	vst v63  }
0x408: {  	s10 =	spop (v2sf)  }
0x409: {  	(v2sf) =	vpush v16, $0x8;
	s1 =	sand.u32 $0x1FFFFFF0, s10  }
0x40a: {  	s10 =	sadd.s32 $0x8700, s0;
	s1 =	sadd.s32 s4, s1  }
0x40b: {  	[tilespmem:s10], [sflag:$0x1] =	stream.linear.gather [hbm4b:s1+s2], $0x80, $0x38;
	[tilespmem:$0x10700] =	vst v63  }
0x40c: {  	s10 =	spop (v2sf)  }
0x40d: {  	(v2sf) =	vpush v17, $0x9;
	s1 =	sand.u32 $0x1FFFFFF0, s10  }
0x40e: {  	s10 =	sor.u32 $0x780, s0;
	s1 =	sadd.s32 s3, s1  }
0x40f: {  	[tilespmem:s10], [sflag:$0x1] =	stream.linear.gather [hbm4b:s1+s2], $0x80, $0x38;
	[tilespmem:$0x10700] =	vst v63  }
0x410: {  	s10 =	spop (v2sf)  }
0x411: {  	(v2sf) =	vpush v16, $0x9;
	s1 =	sand.u32 $0x1FFFFFF0, s10  }
0x412: {  	s10 =	sadd.s32 $0x8780, s0;
	s1 =	sadd.s32 s4, s1  }
0x413: {  	[tilespmem:s10], [sflag:$0x1] =	stream.linear.gather [hbm4b:s1+s2], $0x80, $0x38;
	[tilespmem:$0x10700] =	vst v63  }
0x414: {  	s10 =	spop (v2sf)  }
0x415: {  	(v2sf) =	vpush v17, $0xA;
	s1 =	sand.u32 $0x1FFFFFF0, s10  }
0x416: {  	s10 =	sor.u32 $0x800, s0;
	s1 =	sadd.s32 s3, s1  }
0x417: {  	[tilespmem:s10], [sflag:$0x1] =	stream.linear.gather [hbm4b:s1+s2], $0x80, $0x38;
	[tilespmem:$0x10700] =	vst v63  }
0x418: {  	s10 =	spop (v2sf)  }
0x419: {  	(v2sf) =	vpush v16, $0xA;
	s1 =	sand.u32 $0x1FFFFFF0, s10  }
0x41a: {  	s10 =	sadd.s32 $0x8800, s0;
	s1 =	sadd.s32 s4, s1  }
0x41b: {  	[tilespmem:s10], [sflag:$0x1] =	stream.linear.gather [hbm4b:s1+s2], $0x80, $0x38;
	[tilespmem:$0x10700] =	vst v63  }
0x41c: {  	s10 =	spop (v2sf)  }
0x41d: {  	(v2sf) =	vpush v17, $0xB;
	s1 =	sand.u32 $0x1FFFFFF0, s10  }
0x41e: {  	s10 =	sor.u32 $0x880, s0;
	s1 =	sadd.s32 s3, s1  }
0x41f: {  	[tilespmem:s10], [sflag:$0x1] =	stream.linear.gather [hbm4b:s1+s2], $0x80, $0x38;
	[tilespmem:$0x10700] =	vst v63  }
0x420: {  	s10 =	spop (v2sf)  }
0x421: {  	(v2sf) =	vpush v16, $0xB;
	s1 =	sand.u32 $0x1FFFFFF0, s10  }
0x422: {  	s10 =	sadd.s32 $0x8880, s0;
	s1 =	sadd.s32 s4, s1  }
0x423: {  	[tilespmem:s10], [sflag:$0x1] =	stream.linear.gather [hbm4b:s1+s2], $0x80, $0x38;
	[tilespmem:$0x10700] =	vst v63  }
0x424: {  	s10 =	spop (v2sf)  }
0x425: {  	(v2sf) =	vpush v17, $0xC;
	s1 =	sand.u32 $0x1FFFFFF0, s10  }
0x426: {  	s10 =	sor.u32 $0x900, s0;
	s1 =	sadd.s32 s3, s1  }
0x427: {  	[tilespmem:s10], [sflag:$0x1] =	stream.linear.gather [hbm4b:s1+s2], $0x80, $0x38;
	[tilespmem:$0x10700] =	vst v63  }
0x428: {  	s10 =	spop (v2sf)  }
0x429: {  	(v2sf) =	vpush v16, $0xC;
	s1 =	sand.u32 $0x1FFFFFF0, s10  }
0x42a: {  	s10 =	sadd.s32 $0x8900, s0;
	s1 =	sadd.s32 s4, s1  }
0x42b: {  	[tilespmem:s10], [sflag:$0x1] =	stream.linear.gather [hbm4b:s1+s2], $0x80, $0x38;
	[tilespmem:$0x10700] =	vst v63  }
0x42c: {  	s10 =	spop (v2sf)  }
0x42d: {  	(v2sf) =	vpush v17, $0xD;
	s1 =	sand.u32 $0x1FFFFFF0, s10  }
0x42e: {  	s10 =	sor.u32 $0x980, s0;
	s1 =	sadd.s32 s3, s1  }
0x42f: {  	[tilespmem:s10], [sflag:$0x1] =	stream.linear.gather [hbm4b:s1+s2], $0x80, $0x38;
	[tilespmem:$0x10700] =	vst v63  }
0x430: {  	s10 =	spop (v2sf)  }
0x431: {  	(v2sf) =	vpush v16, $0xD;
	s1 =	sand.u32 $0x1FFFFFF0, s10  }
0x432: {  	s10 =	sadd.s32 $0x8980, s0;
	s1 =	sadd.s32 s4, s1  }
0x433: {  	[tilespmem:s10], [sflag:$0x1] =	stream.linear.gather [hbm4b:s1+s2], $0x80, $0x38;
	[tilespmem:$0x10700] =	vst v63  }
0x434: {  	s10 =	spop (v2sf)  }
0x435: {  	(v2sf) =	vpush v17, $0xE;
	s1 =	sand.u32 $0x1FFFFFF0, s10  }
0x436: {  	s10 =	sor.u32 $0xA00, s0;
	s1 =	sadd.s32 s3, s1  }
0x437: {  	[tilespmem:s10], [sflag:$0x1] =	stream.linear.gather [hbm4b:s1+s2], $0x80, $0x38;
	[tilespmem:$0x10700] =	vst v63  }
0x438: {  	s10 =	spop (v2sf)  }
0x439: {  	(v2sf) =	vpush v16, $0xE;
	s1 =	sand.u32 $0x1FFFFFF0, s10  }
0x43a: {  	s10 =	sadd.s32 $0x8A00, s0;
	s1 =	sadd.s32 s4, s1  }
0x43b: {  	[tilespmem:s10], [sflag:$0x1] =	stream.linear.gather [hbm4b:s1+s2], $0x80, $0x38;
	[tilespmem:$0x10700] =	vst v63  }
0x43c: {  	s10 =	spop (v2sf)  }
0x43d: {  	(v2sf) =	vpush v17, $0xF;
	s1 =	sand.u32 $0x1FFFFFF0, s10  }
0x43e: {  	s10 =	sor.u32 $0xA80, s0;
	s1 =	sadd.s32 s3, s1  }
0x43f: {  	[tilespmem:s10], [sflag:$0x1] =	stream.linear.gather [hbm4b:s1+s2], $0x80, $0x38;
	[tilespmem:$0x10700] =	vst v63  }
0x440: {  	s10 =	spop (v2sf)  }
0x441: {  	s1 =	sand.u32 $0x1FFFFFF0, s10  }
0x442: {  	(v2sf) =	vpush v16, $0xF;
	s10 =	sadd.s32 $0x8A80, s0;
	s1 =	sadd.s32 s4, s1  }
0x443: {  	[tilespmem:s10], [sflag:$0x1] =	stream.linear.gather [hbm4b:s1+s2], $0x80, $0x38;
	[tilespmem:$0x10700] =	vst v63  }
0x444: {  	s10 =	spop (v2sf)  }
0x445: {  	s1 =	sand.u32 $0x1FFFFFF0, s10  }
0x446: {  	s10 =	sor.u32 $0xB00, s0;
	s1 =	sadd.s32 s3, s1  }
0x447: {  	[tilespmem:s10], [sflag:$0x1] =	stream.linear.gather [hbm4b:s1+s2], $0x80, $0x38;
	[tilespmem:$0x10700] =	vst v63  }
0x448: {  	s10 =	spop (v2sf)  }
0x449: {  	s1 =	sand.u32 $0x1FFFFFF0, s10  }
0x44a: {  	s10 =	sadd.s32 $0x8B00, s0;
	s1 =	sadd.s32 s4, s1  }
0x44b: {  	[tilespmem:s10], [sflag:$0x1] =	stream.linear.gather [hbm4b:s1+s2], $0x80, $0x38;
	[tilespmem:$0x10700] =	vst v63  }
0x44c: {  	s10 =	spop (v2sf)  }
0x44d: {  	s1 =	sand.u32 $0x1FFFFFF0, s10  }
0x44e: {  	s10 =	sor.u32 $0xB80, s0;
	s1 =	sadd.s32 s3, s1  }
0x44f: {  	[tilespmem:s10], [sflag:$0x1] =	stream.linear.gather [hbm4b:s1+s2], $0x80, $0x38;
	[tilespmem:$0x10700] =	vst v63  }
.Ltmp7:
0x450: {  	_ = 	snop;
	(pc) =	sbr.rel .LBB2_5-.Ltmp7, $4  }
0x451: {  	s10 =	spop (v2sf)  }
0x452: {  	s1 =	sand.u32 $0x1FFFFFF0, s10  }
0x453: {  	s0 =	sadd.s32 $0x8B80, s0;
	s1 =	sadd.s32 s4, s1  }
0x454: {  	[tilespmem:s0], [sflag:$0x1] =	stream.linear.gather [hbm4b:s1+s2], $0x80, $0x38;
	[tilespmem:$0x10700] =	vst v63  }
.LBB2_8:
0x455: {  	_ =	sfence.sel $0x180000  }
0x456: {  	[bflag:$0x0] =	sbarrier.arrive $0xFFFF  }
0x457: {  	_ =	strace $0x90000047  }
0x458: {  	s0 =	stileid.u32;
	[bflag:$0x2] =	sbarrier.arrive $0xFFFF  }
0x459: {  	p0 =	sne.s32 s0, $0x0;
	s0 =	rddreg [dreg:$0x4]  }
0x45a: {  	s0 =	sadd.s32 @!p0 $0x100000, s0  }
0x45b: {  	[sflag:s0] =	ssyncadd.tile.s32 @!p0 $0x1;
	_ =	shalt  }
.Lfunc_end2:
_tile_overlayer_lowered:
.L_overlay_start_2:
0x45c: {  	(tag) =	ssettag $0x2  }
0x45d: {  	s0 =	rddreg [dreg:$0x0];
	s2 =	stileid.u32  }
0x45e: {  	s1 =	rddreg [dreg:$0x1];
	p0 =	sne.s32 s2, $0x0  }
0x45f: {  	s3 =	rddreg [dreg:$0x2];
	[bflag:$0x3] =	sbarrier.arrive $0xFFFF;
	s2 =	simm.s32 @!p0 $0x1C03  }
0x460: {  	[timem:s3], [sflag:s2] =	dma.local @!p0 [hbm:s0], s1  }
0x461: {  	s0 =	simm.s32 @!p0 $0x3  }
0x462: {  	_ =	swait.ge @!p0 [sflag:s0], s1  }
0x463: {  	s1 =	ssub.s32 @!p0 $0x0, s1;
	[sflag:s0] =	ssyncset.done @!p0 $0x0  }
0x464: {  	[sflag:s0] =	ssyncadd.s32 @!p0 s1  }
0x465: {  	[bflag:$0x3] =	sbarrier.arrive $0xFFFF  }
0x466: {  	_ =	shalt  }

</sc_bundles>
